<compile_context>
chip_gen: v7x
topology: tpu7x:2x2x1
jax: 0.10.2.dev20260603
libtpu: 0.0.44.dev20260713+nightly
codegen_flags: <defaults>
</compile_context>

<pallas_src>
import functools

import jax
import jax.numpy as jnp
from jax import lax
from jax.experimental import pallas as pl
from jax.experimental.pallas import tpu as pltpu
from jax.experimental.pallas import tpu_sc as plsc

N_NODES = 10000
N_EDGES = 80000
IN_CH = 32
GROWTH = 16
HIDDEN = 32
BETA = 0.2

NC = 2
NS = 16
NW = NC * NS
CHUNK = 128
EPW = 2560
NCHUNK = EPW // CHUNK
E_PAD = NW * EPW
N_PAD = 10240
ZW = 48

SELU_L = 1.0507009873554805
SELU_A = 1.6732632423543772

_mesh = plsc.VectorSubcoreMesh(core_axis_name="c", subcore_axis_name="s")
_sc_params = pltpu.CompilerParams(use_tc_tiling_on_sc=False,
                                  needs_layout_passes=False)


def _selu(x):
    return SELU_L * jnp.where(x > 0, x, SELU_A * (jnp.exp(x) - 1.0))



@functools.partial(
    pl.kernel,
    out_type=jax.ShapeDtypeStruct((6, E_PAD), jnp.float32),
    mesh=_mesh,
    compiler_params=_sc_params,
    scratch_types=[
        pltpu.VMEM((NCHUNK, CHUNK), jnp.int32),
        pltpu.VMEM((NCHUNK, CHUNK), jnp.int32),
        pltpu.VMEM((EPW, 16), jnp.float32),
        pltpu.VMEM((EPW, 16), jnp.float32),
        pltpu.VMEM((6, EPW), jnp.float32),
        pltpu.SemaphoreType.DMA,
    ],
)
def _sc_gather_pos(pos16, idx_s_hbm, idx_d_hbm, out, idx_s, idx_d,
                   rows_s, rows_d, cols, sem):
    wid = lax.axis_index("s") * NC + lax.axis_index("c")
    pltpu.sync_copy(idx_s_hbm.at[wid], idx_s)
    pltpu.sync_copy(idx_d_hbm.at[wid], idx_d)

    @pl.loop(0, NCHUNK)
    def _fire(j):
        pltpu.async_copy(pos16.at[idx_s.at[j]],
                         rows_s.at[pl.ds(j * CHUNK, CHUNK)], sem)
        pltpu.async_copy(pos16.at[idx_d.at[j]],
                         rows_d.at[pl.ds(j * CHUNK, CHUNK)], sem)

    @pl.loop(0, 2 * NCHUNK)
    def _drain(j):
        pltpu.make_async_copy(pos16.at[idx_s.at[0]],
                              rows_s.at[pl.ds(0, CHUNK)], sem).wait()

    lanes = lax.iota(jnp.int32, 16)

    @pl.loop(0, EPW // 16)
    def _tr(p):
        e_idx = lanes + p * 16
        for t in range(6):
            buf = rows_s if t < 3 else rows_d
            cidx = jnp.full((16,), t % 3, jnp.int32)
            cols[t, pl.ds(p * 16, 16)] = plsc.load_gather(buf, [e_idx, cidx])

    @pl.loop(0, 6)
    def _out(t):
        pltpu.sync_copy(cols.at[t], out.at[t].at[pl.ds(wid * EPW, EPW)])


@functools.partial(
    pl.kernel,
    out_type=jax.ShapeDtypeStruct((E_PAD, 128), jnp.float32),
    mesh=_mesh,
    compiler_params=_sc_params,
    scratch_types=[
        pltpu.VMEM((NCHUNK, CHUNK), jnp.int32),
        pltpu.VMEM((EPW, ZW), jnp.float32),
        pltpu.SemaphoreType.DMA,
    ],
)
def _sc_gather_z(table, idx_hbm, out, idx_v, rows, sem):
    wid = lax.axis_index("s") * NC + lax.axis_index("c")
    pltpu.sync_copy(idx_hbm.at[wid], idx_v)

    @pl.loop(0, NCHUNK)
    def _fire(j):
        pltpu.async_copy(table.at[idx_v.at[j]],
                         rows.at[pl.ds(j * CHUNK, CHUNK)], sem)

    @pl.loop(0, NCHUNK)
    def _drain(j):
        pltpu.make_async_copy(table.at[idx_v.at[0]],
                              rows.at[pl.ds(0, CHUNK)], sem).wait()

    pltpu.sync_copy(rows, out.at[pl.ds(wid * EPW, EPW), pl.ds(0, ZW)])


def _make_sc_scatter(oc):
    rpt = N_PAD // NS

    @functools.partial(
        pl.kernel,
        out_type=jax.ShapeDtypeStruct((NC, N_PAD, oc), jnp.float32),
        mesh=_mesh,
        compiler_params=_sc_params,
        scratch_types=[
            pltpu.VMEM((NCHUNK, CHUNK), jnp.int32),
            pltpu.VMEM((EPW, oc), jnp.float32),
            pltpu.VMEM_SHARED((N_PAD, oc), jnp.float32),
            pltpu.SemaphoreType.DMA,
        ],
    )
    def _sc_scatter(msg_hbm, idx_hbm, zeros_hbm, out, idx_v, msg_v, acc, sem):
        cid = lax.axis_index("c")
        sid = lax.axis_index("s")
        wid = sid * NC + cid
        pltpu.sync_copy(zeros_hbm.at[pl.ds(sid * rpt, rpt)],
                        acc.at[pl.ds(sid * rpt, rpt)])
        pltpu.sync_copy(idx_hbm.at[wid], idx_v)
        pltpu.sync_copy(msg_hbm.at[pl.ds(wid * EPW, EPW), pl.ds(0, oc)], msg_v)
        plsc.subcore_barrier()

        @pl.loop(0, NCHUNK)
        def _scat(j):
            pltpu.sync_copy(msg_v.at[pl.ds(j * CHUNK, CHUNK)],
                            acc.at[idx_v.at[j]], add=True)

        plsc.subcore_barrier()
        pltpu.sync_copy(acc.at[pl.ds(sid * rpt, rpt)],
                        out.at[cid].at[pl.ds(sid * rpt, rpt)])

    return _sc_scatter


_sc_scatter_16 = _make_sc_scatter(GROWTH)
_sc_scatter_32 = _make_sc_scatter(IN_CH)



_HI = lax.Precision.HIGHEST
_tc_params = pltpu.CompilerParams(vmem_limit_bytes=60000 * 1024)


def _mm_body(x_r, w_r, o_r):
    o_r[...] = jnp.dot(x_r[...], w_r[...], precision=_HI,
                       preferred_element_type=jnp.float32)


def _tc_matmul(x, w):
    m, k = x.shape
    _, n = w.shape
    return pl.pallas_call(
        _mm_body,
        out_shape=jax.ShapeDtypeStruct((m, n), jnp.float32),
        compiler_params=_tc_params,
    )(x, w)


_PI = 3.141592653589793


def _atan(t):
    s = jnp.sign(t)
    a = jnp.abs(t)
    inv = a > 1.0
    a1 = jnp.where(inv, 1.0 / jnp.maximum(a, 1e-30), a)
    big = a1 > 0.4142135623730951
    a2 = jnp.where(big, (a1 - 1.0) / (a1 + 1.0), a1)
    z = a2 * a2
    y = ((8.05374449538e-2 * z - 1.38776856032e-1) * z
         + 1.99777106478e-1) * z - 3.33329491539e-1
    y = y * z * a2 + a2
    y = jnp.where(big, y + 0.7853981633974483, y)
    y = jnp.where(inv, 1.5707963267948966 - y, y)
    return s * y


def _atan2(y, x):
    ax = jnp.abs(x)
    ay = jnp.abs(y)
    t = ay / jnp.where(ax > 0, ax, 1.0)
    r = _atan(t)
    r = jnp.where(x < 0, _PI - r, r)
    r = jnp.where(jnp.maximum(ax, ay) == 0.0, 0.0, r)
    return jnp.where(y < 0, -r, r)


def _feat_body(p_r, orho, oth, oph):
    rx = p_r[3] - p_r[0]
    ry = p_r[4] - p_r[1]
    rz = p_r[5] - p_r[2]
    rho = jnp.sqrt(rx * rx + ry * ry + rz * rz)
    theta = _atan2(ry, rx)
    safe = jnp.where(rho > 0, rho, 1.0)
    u = jnp.clip(rz / safe, -1.0, 1.0)
    phi = _atan2(u, jnp.sqrt(jnp.maximum(1.0 - u * u, 0.0)))
    m = rho > 0
    def bf(v):
        return v.astype(jnp.bfloat16).astype(jnp.float32)
    orho[...] = bf(rho)
    oth[...] = bf(jnp.where(m, theta, 0.0) * (1.0 / _PI))
    oph[...] = bf(jnp.where(m, phi, 0.0) * (1.0 / _PI))


def _tc_feat(pos_g):
    rows = E_PAD // 128
    shp = jax.ShapeDtypeStruct((rows, 128), jnp.float32)
    return pl.pallas_call(
        _feat_body,
        out_shape=(shp, shp, shp),
        compiler_params=_tc_params,
    )(pos_g)


def _make_msg_body(oc, nblk):
    def body(rho_r, th_r, ph_r, z_r, w0_r, cw_r, seg_r, o_r):
        def bf(v):
            return v.astype(jnp.bfloat16).astype(jnp.float32)
        g0 = (rho_r[...] * w0_r[0:1, :] + th_r[...] * w0_r[1:2, :]
              + ph_r[...] * w0_r[2:3, :])
        gfull = jnp.concatenate([g0] * oc, axis=1) + cw_r[...]
        s_elu = bf(_selu(gfull))
        z = z_r[...]
        zt = jnp.concatenate([z[:, :HIDDEN]] * oc, axis=1)
        a = s_elu * zt
        a_hi = a.astype(jnp.bfloat16)
        a_lo = (a - a_hi.astype(jnp.float32)).astype(jnp.bfloat16)
        msg = (jnp.dot(a_hi, seg_r[...], preferred_element_type=jnp.float32)
               + jnp.dot(a_lo, seg_r[...], preferred_element_type=jnp.float32))
        o_r[:, pl.ds(0, oc)] = msg + z[:, HIDDEN:HIDDEN + 1]
    return body


def _tc_msg(rho, th, ph, zsrc, w0r, cw, seg, oc, blk=2048):
    nblk = E_PAD // blk
    k = oc * HIDDEN
    return pl.pallas_call(
        _make_msg_body(oc, nblk),
        grid=(nblk,),
        in_specs=[
            pl.BlockSpec((blk, 1), lambda i: (i, 0)),
            pl.BlockSpec((blk, 1), lambda i: (i, 0)),
            pl.BlockSpec((blk, 1), lambda i: (i, 0)),
            pl.BlockSpec((blk, 128), lambda i: (i, 0)),
            pl.BlockSpec((3, HIDDEN), lambda i: (0, 0)),
            pl.BlockSpec((1, k), lambda i: (0, 0)),
            pl.BlockSpec((k, oc), lambda i: (0, 0)),
        ],
        out_specs=pl.BlockSpec((blk, 128), lambda i: (i, 0)),
        out_shape=jax.ShapeDtypeStruct((E_PAD, 128), jnp.float32),
        compiler_params=_tc_params,
    )(rho, th, ph, zsrc, w0r, cw, seg)


def _make_post_body(final):
    def body(*refs):
        if final:
            a_r, z_r, h_r, b_r, x_r, o_r = refs
        else:
            a_r, z_r, h_r, b_r, o_r = refs
        acc = (a_r[0] + a_r[1]
               + jnp.dot(z_r[...], h_r[...], precision=_HI,
                         preferred_element_type=jnp.float32)
               + b_r[...])
        xn = _selu(acc)
        if final:
            o_r[...] = x_r[...] + BETA * xn
        else:
            o_r[...] = xn
    return body


def _tc_post(agg2, z, h0t, bias, x_in=None):
    oc = agg2.shape[-1]
    args = (agg2, z, h0t, bias) + (() if x_in is None else (x_in,))
    return pl.pallas_call(
        _make_post_body(x_in is not None),
        out_shape=jax.ShapeDtypeStruct((N_PAD, oc), jnp.float32),
        compiler_params=_tc_params,
    )(*args)



def kernel(x, edge_index, pos, W0_1, b0_1, W2_1, b2_1, bias_1,
           W0_2, b0_2, W2_2, b2_2, bias_2, W0_3, b0_3, W2_3, b2_3, bias_3):
    f32 = jnp.float32
    src = edge_index[0].astype(jnp.int32)
    dst = edge_index[1].astype(jnp.int32)
    pad = E_PAD - N_EDGES
    src_p = jnp.concatenate([src, jnp.zeros((pad,), jnp.int32)])
    dst_p = jnp.concatenate([dst, jnp.full((pad,), N_NODES, jnp.int32)])
    idx_src = src_p.reshape(NW, NCHUNK, CHUNK)
    idx_dst = dst_p.reshape(NW, NCHUNK, CHUNK)

    pos16 = jnp.concatenate([pos, jnp.zeros((N_NODES, 13), f32)], axis=1)

    def bfr(v):
        return v.astype(jnp.bfloat16).astype(f32)

    def wz(W2, b2):
        ic = W2.shape[1]
        m = jnp.concatenate([bfr(W2).T, b2[:, None]], axis=1)
        return jnp.concatenate([m, jnp.zeros((ic, ZW - HIDDEN - 1), f32)], 1)

    def consts(W0, b0, oc):
        w = bfr(W0[3])
        c = jnp.arange(oc, dtype=f32)
        cw = (c[:, None] * w[None, :] + b0[None, :]).reshape(1, oc * HIDDEN)
        seg = jnp.repeat(jnp.eye(oc, dtype=jnp.bfloat16), HIDDEN, axis=0)
        h0 = bfr(_selu(b0[None, :] + c[:, None] * w[None, :]))
        h0 = jnp.concatenate(
            [h0, jnp.ones((oc, 1), f32), jnp.zeros((oc, ZW - HIDDEN - 1), f32)],
            axis=1)
        return bfr(W0[:3]), cw, seg, h0.T

    zeros16 = jnp.zeros((N_PAD, GROWTH), f32)
    zeros32 = jnp.zeros((N_PAD, IN_CH), f32)
    x_pad = jnp.concatenate([x, jnp.zeros((N_PAD - N_NODES, IN_CH), f32)])

    pos_g = _sc_gather_pos(pos16, idx_src, idx_dst)
    rho, th, ph = _tc_feat(pos_g.reshape(6, E_PAD // 128, 128))
    rho = rho.reshape(E_PAD, 1)
    th = th.reshape(E_PAD, 1)
    ph = ph.reshape(E_PAD, 1)

    def layer(xcat, W0, b0, W2, b2, bias, oc, zeros, x_in=None):
        w0r, cw, seg, h0t = consts(W0, b0, oc)
        z = _tc_matmul(xcat, wz(W2, b2))
        zsrc = _sc_gather_z(z, idx_src)
        msg = _tc_msg(rho, th, ph, zsrc, w0r, cw, seg, oc)
        agg2 = (_sc_scatter_16 if oc == GROWTH else _sc_scatter_32)(
            msg, idx_dst, zeros)
        return _tc_post(agg2, z, h0t, bias, x_in)

    x1 = layer(x_pad, W0_1, b0_1, W2_1, b2_1, bias_1, GROWTH, zeros16)
    x2 = layer(jnp.concatenate([x_pad, x1], axis=1),
               W0_2, b0_2, W2_2, b2_2, bias_2, GROWTH, zeros16)
    out = layer(jnp.concatenate([x_pad, x1, x2], axis=1),
                W0_3, b0_3, W2_3, b2_3, bias_3, IN_CH, zeros32, x_in=x_pad)
    return out[:N_NODES]

# --- scband reference (transcript-rebuilt; emitter-appended) ---
"""Pipeline reference for scband-rdb-2001454760241 (READ-ONLY COPY).

The authoritative reference and input builder live on the scoring server;
editing this copy changes nothing except your own understanding.
"""

import jax, jax.numpy as jnp
import numpy as np

N_NODES = 10000
N_EDGES = 80000
IN_CH = 32
GROWTH = 16
HIDDEN = 32
BETA = 0.2


def _spherical(rel_pos):
    rho = jnp.linalg.norm(rel_pos, axis=1)
    theta = jnp.arctan2(rel_pos[:, 1], rel_pos[:, 0])
    safe_rho = jnp.where(rho > 0, rho, 1.0)
    phi = jnp.arcsin(jnp.clip(rel_pos[:, 2] / safe_rho, -1.0, 1.0))
    mask = rho > 0
    theta = jnp.where(mask, theta, 0.0)
    phi = jnp.where(mask, phi, 0.0)
    return jnp.stack([rho, theta / jnp.pi, phi / jnp.pi], axis=1)


def _kernel_mlp(feat, channel, W0, b0, W2, b2):
    inp = jnp.concatenate([feat, jnp.full((feat.shape[0], 1), channel, dtype=feat.dtype)], axis=1)
    h = jax.nn.selu(inp @ W0 + b0)
    return h @ W2 + b2


def _graph_kernel_conv(x, src, dst, feat, W0, b0, W2, b2, bias, out_channels):
    n = x.shape[0]
    x_j = x[src]
    msgs = []
    for c in range(out_channels):
        k = _kernel_mlp(feat, float(c), W0, b0, W2, b2)
        msgs.append(jnp.sum(k * x_j, axis=1))
    msg = jnp.stack(msgs, axis=1)
    agg = jnp.zeros((n, out_channels), dtype=msg.dtype).at[dst].add(msg)
    return agg + bias


def _rdb(x, edge_index, pos, params):
    n = x.shape[0]
    loops = jnp.arange(n, dtype=edge_index.dtype)
    ei = jnp.concatenate([edge_index, jnp.stack([loops, loops])], axis=1)
    src, dst = ei[0], ei[1]
    feat = _spherical(pos[dst] - pos[src])
    (W0_1, b0_1, W2_1, b2_1, bias_1,
     W0_2, b0_2, W2_2, b2_2, bias_2,
     W0_3, b0_3, W2_3, b2_3, bias_3) = params
    x1 = jax.nn.selu(_graph_kernel_conv(x, src, dst, feat, W0_1, b0_1, W2_1, b2_1, bias_1, GROWTH))
    x2 = jax.nn.selu(_graph_kernel_conv(jnp.concatenate([x, x1], axis=1), src, dst, feat, W0_2, b0_2, W2_2, b2_2, bias_2, GROWTH))
    x3 = jax.nn.selu(_graph_kernel_conv(jnp.concatenate([x, x1, x2], axis=1), src, dst, feat, W0_3, b0_3, W2_3, b2_3, bias_3, IN_CH))
    return x + BETA * x3


def _glorot(k, shape):
    limit = (6.0 / (shape[0] + shape[1])) ** 0.5
    return jax.random.uniform(k, shape, jnp.float32, -limit, limit)


def setup_inputs(seed: int = 0):
    key = jax.random.key(seed)
    ks = jax.random.split(key, 12)
    x = jax.random.normal(ks[0], (N_NODES, IN_CH), dtype=jnp.float32)
    pos = jax.random.normal(ks[1], (N_NODES, 3), dtype=jnp.float32)
    edge_index = jax.random.randint(ks[2], (2, N_EDGES), 0, N_NODES, dtype=jnp.int32)
    in1, in2, in3 = IN_CH, IN_CH + GROWTH, IN_CH + 2 * GROWTH
    out1, out2, out3 = GROWTH, GROWTH, IN_CH
    return {
        'x': x, 'edge_index': edge_index, 'pos': pos,
        'W0_1': _glorot(ks[3], (4, HIDDEN)), 'b0_1': jnp.zeros((HIDDEN,), jnp.float32),
        'W2_1': _glorot(ks[4], (HIDDEN, in1)), 'b2_1': jnp.zeros((in1,), jnp.float32),
        'bias_1': jnp.zeros((1, out1), jnp.float32),
        'W0_2': _glorot(ks[5], (4, HIDDEN)), 'b0_2': jnp.zeros((HIDDEN,), jnp.float32),
        'W2_2': _glorot(ks[6], (HIDDEN, in2)), 'b2_2': jnp.zeros((in2,), jnp.float32),
        'bias_2': jnp.zeros((1, out2), jnp.float32),
        'W0_3': _glorot(ks[7], (4, HIDDEN)), 'b0_3': jnp.zeros((HIDDEN,), jnp.float32),
        'W2_3': _glorot(ks[8], (HIDDEN, in3)), 'b2_3': jnp.zeros((in3,), jnp.float32),
        'bias_3': jnp.zeros((1, out3), jnp.float32),
    }


def reference(x, edge_index, pos, W0_1, b0_1, W2_1, b2_1, bias_1, W0_2, b0_2, W2_2, b2_2, bias_2, W0_3, b0_3, W2_3, b2_3, bias_3):
    params = (W0_1, b0_1, W2_1, b2_1, bias_1,
              W0_2, b0_2, W2_2, b2_2, bias_2,
              W0_3, b0_3, W2_3, b2_3, bias_3)
    return _rdb(x, edge_index, pos, params)

if __name__ == "__main__":
    import jax
    _d = setup_inputs()
    print(jax.jit(kernel)(*tuple(_d.values())))

</pallas_src>

<mosaic_0001>
#map = affine_map<(d0, d1) -> (0, 0)>
#map1 = affine_map<(d0, d1) -> (0, 0, 0)>
module attributes {stable_mosaic.version = 14 : i64} {
  func.func @_sc_scatter(%arg0: i32, %arg1: i32, %arg2: memref<81920x128xf32, #tpu.memory_space<hbm>>, %arg3: memref<32x20x128xi32, #tpu.memory_space<hbm>>, %arg4: memref<10240x16xf32, #tpu.memory_space<hbm>>, %arg5: memref<2x10240x16xf32, #tpu.memory_space<hbm>>, %arg6: memref<20x128xi32, #tpu.memory_space<vmem>>, %arg7: memref<2560x16xf32, #tpu.memory_space<vmem>>, %arg8: memref<10240x16xf32, #tpu.memory_space<vmem_shared>>, %arg9: memref<!tpu.dma_semaphore, #tpu.memory_space<semaphore_mem>>) attributes {dimension_semantics = [#tpu.dimension_semantics<core_parallel>, #tpu.dimension_semantics<subcore_parallel>], iteration_bounds = array<i64: 2, 16>, scalar_prefetch = 0 : i64, scratch_operands = 4 : i64, tpu.core_type = #tpu.core_type<sc_vector_subcore>, window_params = [{transform_indices = #map}, {transform_indices = #map1}, {transform_indices = #map}, {transform_indices = #map1}]} {
    %mul3A = arith.constant 2 : i32
    %mul3A_0 = arith.muli %arg1, %mul3A : i32
    %add3A = arith.addi %mul3A_0, %arg0 : i32
    %mul3A_1 = arith.constant 640 : i32
    %mul3A_2 = arith.muli %arg1, %mul3A_1 : i32
    %mul3A_3 = arith.constant 640 : i32
    %mul3A_4 = arith.muli %arg1, %mul3A_3 : i32
    "tpu.region"() ({
      %run_scoped3A = tpu.sem_alloc : memref<!tpu.dma_semaphore, #tpu.memory_space<semaphore_mem>>
      %dma_start3A = arith.constant 0 : i32
      %dma_start3A_16 = tpu.memref_slice %arg8[%mul3A_4, %dma_start3A] : memref<10240x16xf32, #tpu.memory_space<vmem_shared>> -> memref<640x16xf32, #tpu.memory_space<vmem_shared>>
      %dma_start3A_17 = arith.constant 0 : i32
      %dma_start3A_18 = tpu.memref_slice %arg4[%mul3A_2, %dma_start3A_17] : memref<10240x16xf32, #tpu.memory_space<hbm>> -> memref<640x16xf32, #tpu.memory_space<hbm>>
      tpu.enqueue_dma source(%dma_start3A_18 : memref<640x16xf32, #tpu.memory_space<hbm>>) target(%dma_start3A_16 : memref<640x16xf32, #tpu.memory_space<vmem_shared>>) target_semaphore(%run_scoped3A : memref<!tpu.dma_semaphore, #tpu.memory_space<semaphore_mem>>)
      %dma_wait3A = arith.constant 0 : i32
      %dma_wait3A_19 = tpu.memref_slice %arg8[%mul3A_4, %dma_wait3A] : memref<10240x16xf32, #tpu.memory_space<vmem_shared>> -> memref<640x16xf32, #tpu.memory_space<vmem_shared>>
      %dma_wait3A_20 = arith.constant 0 : i32
      %dma_wait3A_21 = tpu.memref_slice %arg4[%mul3A_2, %dma_wait3A_20] : memref<10240x16xf32, #tpu.memory_space<hbm>> -> memref<640x16xf32, #tpu.memory_space<hbm>>
      tpu.wait_dma2 semaphore(%run_scoped3A : memref<!tpu.dma_semaphore, #tpu.memory_space<semaphore_mem>>) src(%dma_wait3A_21 : memref<640x16xf32, #tpu.memory_space<hbm>>) dst(%dma_wait3A_19 : memref<640x16xf32, #tpu.memory_space<vmem_shared>>)
      tpu.yield
    }) : () -> ()
    "tpu.region"() ({
      %run_scoped3A = tpu.sem_alloc : memref<!tpu.dma_semaphore, #tpu.memory_space<semaphore_mem>>
      %dma_start3A = arith.constant 0 : i32
      %dma_start3A_16 = arith.constant 0 : i32
      %dma_start3A_17 = tpu.memref_slice %arg3[%add3A, %dma_start3A, %dma_start3A_16] : memref<32x20x128xi32, #tpu.memory_space<hbm>> -> memref<1x20x128xi32, #tpu.memory_space<hbm>>
      %dma_start3A_18 = tpu.memref_squeeze %dma_start3A_17 : memref<1x20x128xi32, #tpu.memory_space<hbm>> -> memref<20x128xi32, #tpu.memory_space<hbm>>
      %dma_start3A_19 = arith.constant 0 : i32
      %dma_start3A_20 = arith.constant 0 : i32
      %dma_start3A_21 = tpu.memref_slice %arg3[%add3A, %dma_start3A_19, %dma_start3A_20] : memref<32x20x128xi32, #tpu.memory_space<hbm>> -> memref<1x20x128xi32, #tpu.memory_space<hbm>>
      %dma_start3A_22 = tpu.memref_squeeze %dma_start3A_21 : memref<1x20x128xi32, #tpu.memory_space<hbm>> -> memref<20x128xi32, #tpu.memory_space<hbm>>
      tpu.enqueue_dma source(%dma_start3A_22 : memref<20x128xi32, #tpu.memory_space<hbm>>) target(%arg6 : memref<20x128xi32, #tpu.memory_space<vmem>>) target_semaphore(%run_scoped3A : memref<!tpu.dma_semaphore, #tpu.memory_space<semaphore_mem>>)
      %dma_wait3A = arith.constant 0 : i32
      %dma_wait3A_23 = arith.constant 0 : i32
      %dma_wait3A_24 = tpu.memref_slice %arg3[%add3A, %dma_wait3A, %dma_wait3A_23] : memref<32x20x128xi32, #tpu.memory_space<hbm>> -> memref<1x20x128xi32, #tpu.memory_space<hbm>>
      %dma_wait3A_25 = tpu.memref_squeeze %dma_wait3A_24 : memref<1x20x128xi32, #tpu.memory_space<hbm>> -> memref<20x128xi32, #tpu.memory_space<hbm>>
      %dma_wait3A_26 = arith.constant 0 : i32
      %dma_wait3A_27 = arith.constant 0 : i32
      %dma_wait3A_28 = tpu.memref_slice %arg3[%add3A, %dma_wait3A_26, %dma_wait3A_27] : memref<32x20x128xi32, #tpu.memory_space<hbm>> -> memref<1x20x128xi32, #tpu.memory_space<hbm>>
      %dma_wait3A_29 = tpu.memref_squeeze %dma_wait3A_28 : memref<1x20x128xi32, #tpu.memory_space<hbm>> -> memref<20x128xi32, #tpu.memory_space<hbm>>
      tpu.wait_dma2 semaphore(%run_scoped3A : memref<!tpu.dma_semaphore, #tpu.memory_space<semaphore_mem>>) src(%dma_wait3A_29 : memref<20x128xi32, #tpu.memory_space<hbm>>) dst(%arg6 : memref<20x128xi32, #tpu.memory_space<vmem>>)
      tpu.yield
    }) : () -> ()
    %mul3A_5 = arith.constant 2560 : i32
    %mul3A_6 = arith.muli %add3A, %mul3A_5 : i32
    "tpu.region"() ({
      %run_scoped3A = tpu.sem_alloc : memref<!tpu.dma_semaphore, #tpu.memory_space<semaphore_mem>>
      %dma_start3A = arith.constant 0 : i32
      %dma_start3A_16 = tpu.memref_slice %arg2[%mul3A_6, %dma_start3A] : memref<81920x128xf32, #tpu.memory_space<hbm>> -> memref<2560x16xf32, #tpu.memory_space<hbm>>
      %dma_start3A_17 = arith.constant 0 : i32
      %dma_start3A_18 = tpu.memref_slice %arg2[%mul3A_6, %dma_start3A_17] : memref<81920x128xf32, #tpu.memory_space<hbm>> -> memref<2560x16xf32, #tpu.memory_space<hbm>>
      tpu.enqueue_dma source(%dma_start3A_18 : memref<2560x16xf32, #tpu.memory_space<hbm>>) target(%arg7 : memref<2560x16xf32, #tpu.memory_space<vmem>>) target_semaphore(%run_scoped3A : memref<!tpu.dma_semaphore, #tpu.memory_space<semaphore_mem>>)
      %dma_wait3A = arith.constant 0 : i32
      %dma_wait3A_19 = tpu.memref_slice %arg2[%mul3A_6, %dma_wait3A] : memref<81920x128xf32, #tpu.memory_space<hbm>> -> memref<2560x16xf32, #tpu.memory_space<hbm>>
      %dma_wait3A_20 = arith.constant 0 : i32
      %dma_wait3A_21 = tpu.memref_slice %arg2[%mul3A_6, %dma_wait3A_20] : memref<81920x128xf32, #tpu.memory_space<hbm>> -> memref<2560x16xf32, #tpu.memory_space<hbm>>
      tpu.wait_dma2 semaphore(%run_scoped3A : memref<!tpu.dma_semaphore, #tpu.memory_space<semaphore_mem>>) src(%dma_wait3A_21 : memref<2560x16xf32, #tpu.memory_space<hbm>>) dst(%arg7 : memref<2560x16xf32, #tpu.memory_space<vmem>>)
      tpu.yield
    }) : () -> ()
    %barrier3A = arith.constant 0 : index
    tpu.barrier barrier_id(%barrier3A)
    %scan3A = arith.constant 0 : i32
    %scan3A_7 = arith.constant 20 : i32
    %scan3A_8 = arith.addi %scan3A, %scan3A_7 : i32
    %scan3A_9 = arith.constant 1 : i32
    scf.for %scan3A_16 = %scan3A to %scan3A_8 step %scan3A_9  : i32 {
      %mul3A_17 = arith.constant 1 : i32
      %mul3A_18 = arith.muli %scan3A_16, %mul3A_17 : i32
      %add3A_19 = arith.constant 0 : i32
      %add3A_20 = arith.addi %add3A_19, %mul3A_18 : i32
      %mul3A_21 = arith.constant 128 : i32
      %mul3A_22 = arith.muli %add3A_20, %mul3A_21 : i32
      "tpu.region"() ({
        %run_scoped3A = tpu.sem_alloc : memref<!tpu.dma_semaphore, #tpu.memory_space<semaphore_mem>>
        %dma_start3A = arith.constant 0 : i32
        %dma_start3A_23 = tpu.memref_slice %arg7[%mul3A_22, %dma_start3A] : memref<2560x16xf32, #tpu.memory_space<vmem>> -> memref<128x16xf32, #tpu.memory_space<vmem>>
        %dma_start3A_24 = arith.constant 0 : i32
        %dma_start3A_25 = tpu.memref_slice %arg6[%add3A_20, %dma_start3A_24] : memref<20x128xi32, #tpu.memory_space<vmem>> -> memref<1x128xi32, #tpu.memory_space<vmem>>
        %dma_start3A_26 = tpu.memref_squeeze %dma_start3A_25 : memref<1x128xi32, #tpu.memory_space<vmem>> -> memref<128xi32, #tpu.memory_space<vmem>>
        %dma_start3A_27 = arith.constant 0 : i32
        %dma_start3A_28 = arith.constant 0 : i32
        %dma_start3A_29 = tpu.memref_slice %arg8[%dma_start3A_27, %dma_start3A_28] : memref<10240x16xf32, #tpu.memory_space<vmem_shared>> -> memref<10240x16xf32, #tpu.memory_space<vmem_shared>>
        tpu.enqueue_indirect_dma source(%dma_start3A_23 : memref<128x16xf32, #tpu.memory_space<vmem>>) target(%dma_start3A_29 : memref<10240x16xf32, #tpu.memory_space<vmem_shared>>) offsets(%dma_start3A_26 : memref<128xi32, #tpu.memory_space<vmem>>) semaphore(%run_scoped3A : memref<!tpu.dma_semaphore, #tpu.memory_space<semaphore_mem>>) {add = true}
        %dma_wait3A = arith.constant 0 : i32
        %dma_wait3A_30 = tpu.memref_slice %arg7[%mul3A_22, %dma_wait3A] : memref<2560x16xf32, #tpu.memory_space<vmem>> -> memref<128x16xf32, #tpu.memory_space<vmem>>
        %dma_wait3A_31 = arith.constant 0 : i32
        %dma_wait3A_32 = tpu.memref_slice %arg6[%add3A_20, %dma_wait3A_31] : memref<20x128xi32, #tpu.memory_space<vmem>> -> memref<1x128xi32, #tpu.memory_space<vmem>>
        %dma_wait3A_33 = tpu.memref_squeeze %dma_wait3A_32 : memref<1x128xi32, #tpu.memory_space<vmem>> -> memref<128xi32, #tpu.memory_space<vmem>>
        %dma_wait3A_34 = arith.constant 0 : i32
        %dma_wait3A_35 = arith.constant 0 : i32
        %dma_wait3A_36 = tpu.memref_slice %arg8[%dma_wait3A_34, %dma_wait3A_35] : memref<10240x16xf32, #tpu.memory_space<vmem_shared>> -> memref<10240x16xf32, #tpu.memory_space<vmem_shared>>
        tpu.wait_indirect_dma semaphore(%run_scoped3A : memref<!tpu.dma_semaphore, #tpu.memory_space<semaphore_mem>>) src(%dma_wait3A_30 : memref<128x16xf32, #tpu.memory_space<vmem>>) dst(%dma_wait3A_36 : memref<10240x16xf32, #tpu.memory_space<vmem_shared>>)
        tpu.yield
      }) : () -> ()
    }
    %scan3A_10 = arith.constant 20 : i32
    %barrier3A_11 = arith.constant 0 : index
    tpu.barrier barrier_id(%barrier3A_11)
    %mul3A_12 = arith.constant 640 : i32
    %mul3A_13 = arith.muli %arg1, %mul3A_12 : i32
    %mul3A_14 = arith.constant 640 : i32
    %mul3A_15 = arith.muli %arg1, %mul3A_14 : i32
    "tpu.region"() ({
      %run_scoped3A = tpu.sem_alloc : memref<!tpu.dma_semaphore, #tpu.memory_space<semaphore_mem>>
      %dma_start3A = arith.constant 0 : i32
      %dma_start3A_16 = arith.constant 0 : i32
      %dma_start3A_17 = tpu.memref_slice %arg5[%arg0, %dma_start3A, %dma_start3A_16] : memref<2x10240x16xf32, #tpu.memory_space<hbm>> -> memref<1x10240x16xf32, #tpu.memory_space<hbm>>
      %dma_start3A_18 = tpu.memref_squeeze %dma_start3A_17 : memref<1x10240x16xf32, #tpu.memory_space<hbm>> -> memref<10240x16xf32, #tpu.memory_space<hbm>>
      %dma_start3A_19 = arith.constant 0 : i32
      %dma_start3A_20 = tpu.memref_slice %dma_start3A_18[%mul3A_15, %dma_start3A_19] : memref<10240x16xf32, #tpu.memory_space<hbm>> -> memref<640x16xf32, #tpu.memory_space<hbm>>
      %dma_start3A_21 = arith.constant 0 : i32
      %dma_start3A_22 = tpu.memref_slice %arg8[%mul3A_13, %dma_start3A_21] : memref<10240x16xf32, #tpu.memory_space<vmem_shared>> -> memref<640x16xf32, #tpu.memory_space<vmem_shared>>
      tpu.enqueue_dma source(%dma_start3A_22 : memref<640x16xf32, #tpu.memory_space<vmem_shared>>) target(%dma_start3A_20 : memref<640x16xf32, #tpu.memory_space<hbm>>) target_semaphore(%run_scoped3A : memref<!tpu.dma_semaphore, #tpu.memory_space<semaphore_mem>>)
      %dma_wait3A = arith.constant 0 : i32
      %dma_wait3A_23 = arith.constant 0 : i32
      %dma_wait3A_24 = tpu.memref_slice %arg5[%arg0, %dma_wait3A, %dma_wait3A_23] : memref<2x10240x16xf32, #tpu.memory_space<hbm>> -> memref<1x10240x16xf32, #tpu.memory_space<hbm>>
      %dma_wait3A_25 = tpu.memref_squeeze %dma_wait3A_24 : memref<1x10240x16xf32, #tpu.memory_space<hbm>> -> memref<10240x16xf32, #tpu.memory_space<hbm>>
      %dma_wait3A_26 = arith.constant 0 : i32
      %dma_wait3A_27 = tpu.memref_slice %dma_wait3A_25[%mul3A_15, %dma_wait3A_26] : memref<10240x16xf32, #tpu.memory_space<hbm>> -> memref<640x16xf32, #tpu.memory_space<hbm>>
      %dma_wait3A_28 = arith.constant 0 : i32
      %dma_wait3A_29 = tpu.memref_slice %arg8[%mul3A_13, %dma_wait3A_28] : memref<10240x16xf32, #tpu.memory_space<vmem_shared>> -> memref<640x16xf32, #tpu.memory_space<vmem_shared>>
      tpu.wait_dma2 semaphore(%run_scoped3A : memref<!tpu.dma_semaphore, #tpu.memory_space<semaphore_mem>>) src(%dma_wait3A_29 : memref<640x16xf32, #tpu.memory_space<vmem_shared>>) dst(%dma_wait3A_27 : memref<640x16xf32, #tpu.memory_space<hbm>>)
      tpu.yield
    }) : () -> ()
    return
  }
}

#map = affine_map<(d0, d1) -> (0, 0)>
#map1 = affine_map<(d0, d1) -> (0, 0, 0)>
module attributes {stable_mosaic.version = 14 : i64} {
  func.func @_sc_gather_pos(%arg0: i32, %arg1: i32, %arg2: memref<10000x16xf32, #tpu.memory_space<hbm>>, %arg3: memref<32x20x128xi32, #tpu.memory_space<hbm>>, %arg4: memref<32x20x128xi32, #tpu.memory_space<hbm>>, %arg5: memref<6x81920xf32, #tpu.memory_space<hbm>>, %arg6: memref<20x128xi32, #tpu.memory_space<vmem>>, %arg7: memref<20x128xi32, #tpu.memory_space<vmem>>, %arg8: memref<2560x16xf32, #tpu.memory_space<vmem>>, %arg9: memref<2560x16xf32, #tpu.memory_space<vmem>>, %arg10: memref<6x2560xf32, #tpu.memory_space<vmem>>, %arg11: memref<!tpu.dma_semaphore, #tpu.memory_space<semaphore_mem>>) attributes {dimension_semantics = [#tpu.dimension_semantics<core_parallel>, #tpu.dimension_semantics<subcore_parallel>], iteration_bounds = array<i64: 2, 16>, scalar_prefetch = 0 : i64, scratch_operands = 6 : i64, tpu.core_type = #tpu.core_type<sc_vector_subcore>, window_params = [{transform_indices = #map}, {transform_indices = #map1}, {transform_indices = #map1}, {transform_indices = #map}]} {
    %mul3A = arith.constant 2 : i32
    %mul3A_0 = arith.muli %arg1, %mul3A : i32
    %add3A = arith.addi %mul3A_0, %arg0 : i32
    "tpu.region"() ({
      %run_scoped3A = tpu.sem_alloc : memref<!tpu.dma_semaphore, #tpu.memory_space<semaphore_mem>>
      %dma_start3A = arith.constant 0 : i32
      %dma_start3A_20 = arith.constant 0 : i32
      %dma_start3A_21 = tpu.memref_slice %arg3[%add3A, %dma_start3A, %dma_start3A_20] : memref<32x20x128xi32, #tpu.memory_space<hbm>> -> memref<1x20x128xi32, #tpu.memory_space<hbm>>
      %dma_start3A_22 = tpu.memref_squeeze %dma_start3A_21 : memref<1x20x128xi32, #tpu.memory_space<hbm>> -> memref<20x128xi32, #tpu.memory_space<hbm>>
      %dma_start3A_23 = arith.constant 0 : i32
      %dma_start3A_24 = arith.constant 0 : i32
      %dma_start3A_25 = tpu.memref_slice %arg3[%add3A, %dma_start3A_23, %dma_start3A_24] : memref<32x20x128xi32, #tpu.memory_space<hbm>> -> memref<1x20x128xi32, #tpu.memory_space<hbm>>
      %dma_start3A_26 = tpu.memref_squeeze %dma_start3A_25 : memref<1x20x128xi32, #tpu.memory_space<hbm>> -> memref<20x128xi32, #tpu.memory_space<hbm>>
      tpu.enqueue_dma source(%dma_start3A_26 : memref<20x128xi32, #tpu.memory_space<hbm>>) target(%arg6 : memref<20x128xi32, #tpu.memory_space<vmem>>) target_semaphore(%run_scoped3A : memref<!tpu.dma_semaphore, #tpu.memory_space<semaphore_mem>>)
      %dma_wait3A = arith.constant 0 : i32
      %dma_wait3A_27 = arith.constant 0 : i32
      %dma_wait3A_28 = tpu.memref_slice %arg3[%add3A, %dma_wait3A, %dma_wait3A_27] : memref<32x20x128xi32, #tpu.memory_space<hbm>> -> memref<1x20x128xi32, #tpu.memory_space<hbm>>
      %dma_wait3A_29 = tpu.memref_squeeze %dma_wait3A_28 : memref<1x20x128xi32, #tpu.memory_space<hbm>> -> memref<20x128xi32, #tpu.memory_space<hbm>>
      %dma_wait3A_30 = arith.constant 0 : i32
      %dma_wait3A_31 = arith.constant 0 : i32
      %dma_wait3A_32 = tpu.memref_slice %arg3[%add3A, %dma_wait3A_30, %dma_wait3A_31] : memref<32x20x128xi32, #tpu.memory_space<hbm>> -> memref<1x20x128xi32, #tpu.memory_space<hbm>>
      %dma_wait3A_33 = tpu.memref_squeeze %dma_wait3A_32 : memref<1x20x128xi32, #tpu.memory_space<hbm>> -> memref<20x128xi32, #tpu.memory_space<hbm>>
      tpu.wait_dma2 semaphore(%run_scoped3A : memref<!tpu.dma_semaphore, #tpu.memory_space<semaphore_mem>>) src(%dma_wait3A_33 : memref<20x128xi32, #tpu.memory_space<hbm>>) dst(%arg6 : memref<20x128xi32, #tpu.memory_space<vmem>>)
      tpu.yield
    }) : () -> ()
    "tpu.region"() ({
      %run_scoped3A = tpu.sem_alloc : memref<!tpu.dma_semaphore, #tpu.memory_space<semaphore_mem>>
      %dma_start3A = arith.constant 0 : i32
      %dma_start3A_20 = arith.constant 0 : i32
      %dma_start3A_21 = tpu.memref_slice %arg4[%add3A, %dma_start3A, %dma_start3A_20] : memref<32x20x128xi32, #tpu.memory_space<hbm>> -> memref<1x20x128xi32, #tpu.memory_space<hbm>>
      %dma_start3A_22 = tpu.memref_squeeze %dma_start3A_21 : memref<1x20x128xi32, #tpu.memory_space<hbm>> -> memref<20x128xi32, #tpu.memory_space<hbm>>
      %dma_start3A_23 = arith.constant 0 : i32
      %dma_start3A_24 = arith.constant 0 : i32
      %dma_start3A_25 = tpu.memref_slice %arg4[%add3A, %dma_start3A_23, %dma_start3A_24] : memref<32x20x128xi32, #tpu.memory_space<hbm>> -> memref<1x20x128xi32, #tpu.memory_space<hbm>>
      %dma_start3A_26 = tpu.memref_squeeze %dma_start3A_25 : memref<1x20x128xi32, #tpu.memory_space<hbm>> -> memref<20x128xi32, #tpu.memory_space<hbm>>
      tpu.enqueue_dma source(%dma_start3A_26 : memref<20x128xi32, #tpu.memory_space<hbm>>) target(%arg7 : memref<20x128xi32, #tpu.memory_space<vmem>>) target_semaphore(%run_scoped3A : memref<!tpu.dma_semaphore, #tpu.memory_space<semaphore_mem>>)
      %dma_wait3A = arith.constant 0 : i32
      %dma_wait3A_27 = arith.constant 0 : i32
      %dma_wait3A_28 = tpu.memref_slice %arg4[%add3A, %dma_wait3A, %dma_wait3A_27] : memref<32x20x128xi32, #tpu.memory_space<hbm>> -> memref<1x20x128xi32, #tpu.memory_space<hbm>>
      %dma_wait3A_29 = tpu.memref_squeeze %dma_wait3A_28 : memref<1x20x128xi32, #tpu.memory_space<hbm>> -> memref<20x128xi32, #tpu.memory_space<hbm>>
      %dma_wait3A_30 = arith.constant 0 : i32
      %dma_wait3A_31 = arith.constant 0 : i32
      %dma_wait3A_32 = tpu.memref_slice %arg4[%add3A, %dma_wait3A_30, %dma_wait3A_31] : memref<32x20x128xi32, #tpu.memory_space<hbm>> -> memref<1x20x128xi32, #tpu.memory_space<hbm>>
      %dma_wait3A_33 = tpu.memref_squeeze %dma_wait3A_32 : memref<1x20x128xi32, #tpu.memory_space<hbm>> -> memref<20x128xi32, #tpu.memory_space<hbm>>
      tpu.wait_dma2 semaphore(%run_scoped3A : memref<!tpu.dma_semaphore, #tpu.memory_space<semaphore_mem>>) src(%dma_wait3A_33 : memref<20x128xi32, #tpu.memory_space<hbm>>) dst(%arg7 : memref<20x128xi32, #tpu.memory_space<vmem>>)
      tpu.yield
    }) : () -> ()
    %scan3A = arith.constant 0 : i32
    %scan3A_1 = arith.constant 20 : i32
    %scan3A_2 = arith.addi %scan3A, %scan3A_1 : i32
    %scan3A_3 = arith.constant 1 : i32
    scf.for %scan3A_20 = %scan3A to %scan3A_2 step %scan3A_3  : i32 {
      %mul3A_21 = arith.constant 1 : i32
      %mul3A_22 = arith.muli %scan3A_20, %mul3A_21 : i32
      %add3A_23 = arith.constant 0 : i32
      %add3A_24 = arith.addi %add3A_23, %mul3A_22 : i32
      %mul3A_25 = arith.constant 128 : i32
      %mul3A_26 = arith.muli %add3A_24, %mul3A_25 : i32
      %dma_start3A = arith.constant 0 : i32
      %dma_start3A_27 = tpu.memref_slice %arg8[%mul3A_26, %dma_start3A] : memref<2560x16xf32, #tpu.memory_space<vmem>> -> memref<128x16xf32, #tpu.memory_space<vmem>>
      %dma_start3A_28 = arith.constant 0 : i32
      %dma_start3A_29 = tpu.memref_slice %arg6[%add3A_24, %dma_start3A_28] : memref<20x128xi32, #tpu.memory_space<vmem>> -> memref<1x128xi32, #tpu.memory_space<vmem>>
      %dma_start3A_30 = tpu.memref_squeeze %dma_start3A_29 : memref<1x128xi32, #tpu.memory_space<vmem>> -> memref<128xi32, #tpu.memory_space<vmem>>
      %dma_start3A_31 = arith.constant 0 : i32
      %dma_start3A_32 = arith.constant 0 : i32
      %dma_start3A_33 = tpu.memref_slice %arg2[%dma_start3A_31, %dma_start3A_32] : memref<10000x16xf32, #tpu.memory_space<hbm>> -> memref<10000x16xf32, #tpu.memory_space<hbm>>
      tpu.enqueue_indirect_dma source(%dma_start3A_33 : memref<10000x16xf32, #tpu.memory_space<hbm>>) target(%dma_start3A_27 : memref<128x16xf32, #tpu.memory_space<vmem>>) offsets(%dma_start3A_30 : memref<128xi32, #tpu.memory_space<vmem>>) semaphore(%arg11 : memref<!tpu.dma_semaphore, #tpu.memory_space<semaphore_mem>>)
      %mul3A_34 = arith.constant 128 : i32
      %mul3A_35 = arith.muli %add3A_24, %mul3A_34 : i32
      %dma_start3A_36 = arith.constant 0 : i32
      %dma_start3A_37 = tpu.memref_slice %arg9[%mul3A_35, %dma_start3A_36] : memref<2560x16xf32, #tpu.memory_space<vmem>> -> memref<128x16xf32, #tpu.memory_space<vmem>>
      %dma_start3A_38 = arith.constant 0 : i32
      %dma_start3A_39 = tpu.memref_slice %arg7[%add3A_24, %dma_start3A_38] : memref<20x128xi32, #tpu.memory_space<vmem>> -> memref<1x128xi32, #tpu.memory_space<vmem>>
      %dma_start3A_40 = tpu.memref_squeeze %dma_start3A_39 : memref<1x128xi32, #tpu.memory_space<vmem>> -> memref<128xi32, #tpu.memory_space<vmem>>
      %dma_start3A_41 = arith.constant 0 : i32
      %dma_start3A_42 = arith.constant 0 : i32
      %dma_start3A_43 = tpu.memref_slice %arg2[%dma_start3A_41, %dma_start3A_42] : memref<10000x16xf32, #tpu.memory_space<hbm>> -> memref<10000x16xf32, #tpu.memory_space<hbm>>
      tpu.enqueue_indirect_dma source(%dma_start3A_43 : memref<10000x16xf32, #tpu.memory_space<hbm>>) target(%dma_start3A_37 : memref<128x16xf32, #tpu.memory_space<vmem>>) offsets(%dma_start3A_40 : memref<128xi32, #tpu.memory_space<vmem>>) semaphore(%arg11 : memref<!tpu.dma_semaphore, #tpu.memory_space<semaphore_mem>>)
    }
    %scan3A_4 = arith.constant 20 : i32
    %scan3A_5 = arith.constant 0 : i32
    %scan3A_6 = arith.constant 40 : i32
    %scan3A_7 = arith.addi %scan3A_5, %scan3A_6 : i32
    %scan3A_8 = arith.constant 1 : i32
    scf.for %scan3A_20 = %scan3A_5 to %scan3A_7 step %scan3A_8  : i32 {
      %mul3A_21 = arith.constant 1 : i32
      %mul3A_22 = arith.muli %scan3A_20, %mul3A_21 : i32
      %add3A_23 = arith.constant 0 : i32
      %add3A_24 = arith.addi %add3A_23, %mul3A_22 : i32
      %dma_wait3A = arith.constant 0 : i32
      %dma_wait3A_25 = arith.constant 0 : i32
      %dma_wait3A_26 = arith.constant 0 : i32
      %dma_wait3A_27 = tpu.memref_slice %arg8[%dma_wait3A_25, %dma_wait3A_26] : memref<2560x16xf32, #tpu.memory_space<vmem>> -> memref<128x16xf32, #tpu.memory_space<vmem>>
      %dma_wait3A_28 = arith.constant 0 : i32
      %dma_wait3A_29 = tpu.memref_slice %arg6[%dma_wait3A, %dma_wait3A_28] : memref<20x128xi32, #tpu.memory_space<vmem>> -> memref<1x128xi32, #tpu.memory_space<vmem>>
      %dma_wait3A_30 = tpu.memref_squeeze %dma_wait3A_29 : memref<1x128xi32, #tpu.memory_space<vmem>> -> memref<128xi32, #tpu.memory_space<vmem>>
      %dma_wait3A_31 = arith.constant 0 : i32
      %dma_wait3A_32 = arith.constant 0 : i32
      %dma_wait3A_33 = tpu.memref_slice %arg2[%dma_wait3A_31, %dma_wait3A_32] : memref<10000x16xf32, #tpu.memory_space<hbm>> -> memref<10000x16xf32, #tpu.memory_space<hbm>>
      tpu.wait_indirect_dma semaphore(%arg11 : memref<!tpu.dma_semaphore, #tpu.memory_space<semaphore_mem>>) src(%dma_wait3A_33 : memref<10000x16xf32, #tpu.memory_space<hbm>>) dst(%dma_wait3A_27 : memref<128x16xf32, #tpu.memory_space<vmem>>)
    }
    %scan3A_9 = arith.constant 40 : i32
    %iota3A = tpu.iota {dimensions = array<i32: 0>} : vector<16xi32>
    %scan3A_10 = arith.constant 0 : i32
    %scan3A_11 = arith.constant 160 : i32
    %scan3A_12 = arith.addi %scan3A_10, %scan3A_11 : i32
    %scan3A_13 = arith.constant 1 : i32
    scf.for %scan3A_20 = %scan3A_10 to %scan3A_12 step %scan3A_13  : i32 {
      %mul3A_21 = arith.constant 1 : i32
      %mul3A_22 = arith.muli %scan3A_20, %mul3A_21 : i32
      %add3A_23 = arith.constant 0 : i32
      %add3A_24 = arith.addi %add3A_23, %mul3A_22 : i32
      %mul3A_25 = arith.constant 16 : i32
      %mul3A_26 = arith.muli %add3A_24, %mul3A_25 : i32
      %add3A_27 = vector.broadcast %mul3A_26 : i32 to vector<16xi32>
      %add3A_28 = arith.addi %iota3A, %add3A_27 : vector<16xi32>
      %broadcast_in_dim3A = arith.constant 0 : i32
      %broadcast_in_dim3A_29 = vector.broadcast %broadcast_in_dim3A : i32 to vector<16xi32>
      %gather3A = tpu.vector_load_idx %arg8[%add3A_28, %broadcast_in_dim3A_29] : memref<2560x16xf32, #tpu.memory_space<vmem>>[vector<16xi32>, vector<16xi32>], vector<16xf32>,
      %mul3A_30 = arith.constant 16 : i32
      %mul3A_31 = arith.muli %add3A_24, %mul3A_30 : i32
      %swap3A = arith.constant 0 : i32
      %swap3A_32 = arith.index_cast %swap3A : i32 to index
      %swap3A_33 = arith.index_cast %mul3A_31 : i32 to index
      %swap3A_34 = tpu.vector_load %arg10[%swap3A_32, %swap3A_33] {strides = array<i32>} : memref<6x2560xf32, #tpu.memory_space<vmem>>, vector<16xf32>,
      tpu.vector_store %arg10[%swap3A_32, %swap3A_33], %gather3A {strides = array<i32>} : memref<6x2560xf32, #tpu.memory_space<vmem>>, vector<16xf32>,
      %broadcast_in_dim3A_35 = arith.constant 1 : i32
      %broadcast_in_dim3A_36 = vector.broadcast %broadcast_in_dim3A_35 : i32 to vector<16xi32>
      %gather3A_37 = tpu.vector_load_idx %arg8[%add3A_28, %broadcast_in_dim3A_36] : memref<2560x16xf32, #tpu.memory_space<vmem>>[vector<16xi32>, vector<16xi32>], vector<16xf32>,
      %mul3A_38 = arith.constant 16 : i32
      %mul3A_39 = arith.muli %add3A_24, %mul3A_38 : i32
      %swap3A_40 = arith.constant 1 : i32
      %swap3A_41 = arith.index_cast %swap3A_40 : i32 to index
      %swap3A_42 = arith.index_cast %mul3A_39 : i32 to index
      %swap3A_43 = tpu.vector_load %arg10[%swap3A_41, %swap3A_42] {strides = array<i32>} : memref<6x2560xf32, #tpu.memory_space<vmem>>, vector<16xf32>,
      tpu.vector_store %arg10[%swap3A_41, %swap3A_42], %gather3A_37 {strides = array<i32>} : memref<6x2560xf32, #tpu.memory_space<vmem>>, vector<16xf32>,
      %broadcast_in_dim3A_44 = arith.constant 2 : i32
      %broadcast_in_dim3A_45 = vector.broadcast %broadcast_in_dim3A_44 : i32 to vector<16xi32>
      %gather3A_46 = tpu.vector_load_idx %arg8[%add3A_28, %broadcast_in_dim3A_45] : memref<2560x16xf32, #tpu.memory_space<vmem>>[vector<16xi32>, vector<16xi32>], vector<16xf32>,
      %mul3A_47 = arith.constant 16 : i32
      %mul3A_48 = arith.muli %add3A_24, %mul3A_47 : i32
      %swap3A_49 = arith.constant 2 : i32
      %swap3A_50 = arith.index_cast %swap3A_49 : i32 to index
      %swap3A_51 = arith.index_cast %mul3A_48 : i32 to index
      %swap3A_52 = tpu.vector_load %arg10[%swap3A_50, %swap3A_51] {strides = array<i32>} : memref<6x2560xf32, #tpu.memory_space<vmem>>, vector<16xf32>,
      tpu.vector_store %arg10[%swap3A_50, %swap3A_51], %gather3A_46 {strides = array<i32>} : memref<6x2560xf32, #tpu.memory_space<vmem>>, vector<16xf32>,
      %broadcast_in_dim3A_53 = arith.constant 0 : i32
      %broadcast_in_dim3A_54 = vector.broadcast %broadcast_in_dim3A_53 : i32 to vector<16xi32>
      %gather3A_55 = tpu.vector_load_idx %arg9[%add3A_28, %broadcast_in_dim3A_54] : memref<2560x16xf32, #tpu.memory_space<vmem>>[vector<16xi32>, vector<16xi32>], vector<16xf32>,
      %mul3A_56 = arith.constant 16 : i32
      %mul3A_57 = arith.muli %add3A_24, %mul3A_56 : i32
      %swap3A_58 = arith.constant 3 : i32
      %swap3A_59 = arith.index_cast %swap3A_58 : i32 to index
      %swap3A_60 = arith.index_cast %mul3A_57 : i32 to index
      %swap3A_61 = tpu.vector_load %arg10[%swap3A_59, %swap3A_60] {strides = array<i32>} : memref<6x2560xf32, #tpu.memory_space<vmem>>, vector<16xf32>,
      tpu.vector_store %arg10[%swap3A_59, %swap3A_60], %gather3A_55 {strides = array<i32>} : memref<6x2560xf32, #tpu.memory_space<vmem>>, vector<16xf32>,
      %broadcast_in_dim3A_62 = arith.constant 1 : i32
      %broadcast_in_dim3A_63 = vector.broadcast %broadcast_in_dim3A_62 : i32 to vector<16xi32>
      %gather3A_64 = tpu.vector_load_idx %arg9[%add3A_28, %broadcast_in_dim3A_63] : memref<2560x16xf32, #tpu.memory_space<vmem>>[vector<16xi32>, vector<16xi32>], vector<16xf32>,
      %mul3A_65 = arith.constant 16 : i32
      %mul3A_66 = arith.muli %add3A_24, %mul3A_65 : i32
      %swap3A_67 = arith.constant 4 : i32
      %swap3A_68 = arith.index_cast %swap3A_67 : i32 to index
      %swap3A_69 = arith.index_cast %mul3A_66 : i32 to index
      %swap3A_70 = tpu.vector_load %arg10[%swap3A_68, %swap3A_69] {strides = array<i32>} : memref<6x2560xf32, #tpu.memory_space<vmem>>, vector<16xf32>,
      tpu.vector_store %arg10[%swap3A_68, %swap3A_69], %gather3A_64 {strides = array<i32>} : memref<6x2560xf32, #tpu.memory_space<vmem>>, vector<16xf32>,
      %broadcast_in_dim3A_71 = arith.constant 2 : i32
      %broadcast_in_dim3A_72 = vector.broadcast %broadcast_in_dim3A_71 : i32 to vector<16xi32>
      %gather3A_73 = tpu.vector_load_idx %arg9[%add3A_28, %broadcast_in_dim3A_72] : memref<2560x16xf32, #tpu.memory_space<vmem>>[vector<16xi32>, vector<16xi32>], vector<16xf32>,
      %mul3A_74 = arith.constant 16 : i32
      %mul3A_75 = arith.muli %add3A_24, %mul3A_74 : i32
      %swap3A_76 = arith.constant 5 : i32
      %swap3A_77 = arith.index_cast %swap3A_76 : i32 to index
      %swap3A_78 = arith.index_cast %mul3A_75 : i32 to index
      %swap3A_79 = tpu.vector_load %arg10[%swap3A_77, %swap3A_78] {strides = array<i32>} : memref<6x2560xf32, #tpu.memory_space<vmem>>, vector<16xf32>,
      tpu.vector_store %arg10[%swap3A_77, %swap3A_78], %gather3A_73 {strides = array<i32>} : memref<6x2560xf32, #tpu.memory_space<vmem>>, vector<16xf32>,
    }
    %scan3A_14 = arith.constant 160 : i32
    %scan3A_15 = arith.constant 0 : i32
    %scan3A_16 = arith.constant 6 : i32
    %scan3A_17 = arith.addi %scan3A_15, %scan3A_16 : i32
    %scan3A_18 = arith.constant 1 : i32
    scf.for %scan3A_20 = %scan3A_15 to %scan3A_17 step %scan3A_18  : i32 {
      %mul3A_21 = arith.constant 1 : i32
      %mul3A_22 = arith.muli %scan3A_20, %mul3A_21 : i32
      %add3A_23 = arith.constant 0 : i32
      %add3A_24 = arith.addi %add3A_23, %mul3A_22 : i32
      %mul3A_25 = arith.constant 2560 : i32
      %mul3A_26 = arith.muli %add3A, %mul3A_25 : i32
      "tpu.region"() ({
        %run_scoped3A = tpu.sem_alloc : memref<!tpu.dma_semaphore, #tpu.memory_space<semaphore_mem>>
        %dma_start3A = arith.constant 0 : i32
        %dma_start3A_27 = tpu.memref_slice %arg10[%add3A_24, %dma_start3A] : memref<6x2560xf32, #tpu.memory_space<vmem>> -> memref<1x2560xf32, #tpu.memory_space<vmem>>
        %dma_start3A_28 = tpu.memref_squeeze %dma_start3A_27 : memref<1x2560xf32, #tpu.memory_space<vmem>> -> memref<2560xf32, #tpu.memory_space<vmem>>
        %dma_start3A_29 = arith.constant 0 : i32
        %dma_start3A_30 = tpu.memref_slice %arg5[%add3A_24, %dma_start3A_29] : memref<6x81920xf32, #tpu.memory_space<hbm>> -> memref<1x81920xf32, #tpu.memory_space<hbm>>
        %dma_start3A_31 = tpu.memref_squeeze %dma_start3A_30 : memref<1x81920xf32, #tpu.memory_space<hbm>> -> memref<81920xf32, #tpu.memory_space<hbm>>
        %dma_start3A_32 = tpu.memref_slice %dma_start3A_31[%mul3A_26] : memref<81920xf32, #tpu.memory_space<hbm>> -> memref<2560xf32, #tpu.memory_space<hbm>>
        %dma_start3A_33 = arith.constant 0 : i32
        %dma_start3A_34 = tpu.memref_slice %arg5[%add3A_24, %dma_start3A_33] : memref<6x81920xf32, #tpu.memory_space<hbm>> -> memref<1x81920xf32, #tpu.memory_space<hbm>>
        %dma_start3A_35 = tpu.memref_squeeze %dma_start3A_34 : memref<1x81920xf32, #tpu.memory_space<hbm>> -> memref<81920xf32, #tpu.memory_space<hbm>>
        %dma_start3A_36 = tpu.memref_slice %dma_start3A_35[%mul3A_26] : memref<81920xf32, #tpu.memory_space<hbm>> -> memref<2560xf32, #tpu.memory_space<hbm>>
        %dma_start3A_37 = arith.constant 0 : i32
        %dma_start3A_38 = tpu.memref_slice %arg10[%add3A_24, %dma_start3A_37] : memref<6x2560xf32, #tpu.memory_space<vmem>> -> memref<1x2560xf32, #tpu.memory_space<vmem>>
        %dma_start3A_39 = tpu.memref_squeeze %dma_start3A_38 : memref<1x2560xf32, #tpu.memory_space<vmem>> -> memref<2560xf32, #tpu.memory_space<vmem>>
        tpu.enqueue_dma source(%dma_start3A_39 : memref<2560xf32, #tpu.memory_space<vmem>>) target(%dma_start3A_36 : memref<2560xf32, #tpu.memory_space<hbm>>) target_semaphore(%run_scoped3A : memref<!tpu.dma_semaphore, #tpu.memory_space<semaphore_mem>>)
        %dma_wait3A = arith.constant 0 : i32
        %dma_wait3A_40 = tpu.memref_slice %arg10[%add3A_24, %dma_wait3A] : memref<6x2560xf32, #tpu.memory_space<vmem>> -> memref<1x2560xf32, #tpu.memory_space<vmem>>
        %dma_wait3A_41 = tpu.memref_squeeze %dma_wait3A_40 : memref<1x2560xf32, #tpu.memory_space<vmem>> -> memref<2560xf32, #tpu.memory_space<vmem>>
        %dma_wait3A_42 = arith.constant 0 : i32
        %dma_wait3A_43 = tpu.memref_slice %arg5[%add3A_24, %dma_wait3A_42] : memref<6x81920xf32, #tpu.memory_space<hbm>> -> memref<1x81920xf32, #tpu.memory_space<hbm>>
        %dma_wait3A_44 = tpu.memref_squeeze %dma_wait3A_43 : memref<1x81920xf32, #tpu.memory_space<hbm>> -> memref<81920xf32, #tpu.memory_space<hbm>>
        %dma_wait3A_45 = tpu.memref_slice %dma_wait3A_44[%mul3A_26] : memref<81920xf32, #tpu.memory_space<hbm>> -> memref<2560xf32, #tpu.memory_space<hbm>>
        %dma_wait3A_46 = arith.constant 0 : i32
        %dma_wait3A_47 = tpu.memref_slice %arg5[%add3A_24, %dma_wait3A_46] : memref<6x81920xf32, #tpu.memory_space<hbm>> -> memref<1x81920xf32, #tpu.memory_space<hbm>>
        %dma_wait3A_48 = tpu.memref_squeeze %dma_wait3A_47 : memref<1x81920xf32, #tpu.memory_space<hbm>> -> memref<81920xf32, #tpu.memory_space<hbm>>
        %dma_wait3A_49 = tpu.memref_slice %dma_wait3A_48[%mul3A_26] : memref<81920xf32, #tpu.memory_space<hbm>> -> memref<2560xf32, #tpu.memory_space<hbm>>
        %dma_wait3A_50 = arith.constant 0 : i32
        %dma_wait3A_51 = tpu.memref_slice %arg10[%add3A_24, %dma_wait3A_50] : memref<6x2560xf32, #tpu.memory_space<vmem>> -> memref<1x2560xf32, #tpu.memory_space<vmem>>
        %dma_wait3A_52 = tpu.memref_squeeze %dma_wait3A_51 : memref<1x2560xf32, #tpu.memory_space<vmem>> -> memref<2560xf32, #tpu.memory_space<vmem>>
        tpu.wait_dma2 semaphore(%run_scoped3A : memref<!tpu.dma_semaphore, #tpu.memory_space<semaphore_mem>>) src(%dma_wait3A_52 : memref<2560xf32, #tpu.memory_space<vmem>>) dst(%dma_wait3A_49 : memref<2560xf32, #tpu.memory_space<hbm>>)
        tpu.yield
      }) : () -> ()
    }
    %scan3A_19 = arith.constant 6 : i32
    return
  }
}

#map = affine_map<(d0, d1) -> (0, 0)>
#map1 = affine_map<(d0, d1) -> (0, 0, 0)>
module attributes {stable_mosaic.version = 14 : i64} {
  func.func @_sc_gather_z(%arg0: i32, %arg1: i32, %arg2: memref<10240x48xf32, #tpu.memory_space<hbm>>, %arg3: memref<32x20x128xi32, #tpu.memory_space<hbm>>, %arg4: memref<81920x128xf32, #tpu.memory_space<hbm>>, %arg5: memref<20x128xi32, #tpu.memory_space<vmem>>, %arg6: memref<2560x48xf32, #tpu.memory_space<vmem>>, %arg7: memref<!tpu.dma_semaphore, #tpu.memory_space<semaphore_mem>>) attributes {dimension_semantics = [#tpu.dimension_semantics<core_parallel>, #tpu.dimension_semantics<subcore_parallel>], iteration_bounds = array<i64: 2, 16>, scalar_prefetch = 0 : i64, scratch_operands = 3 : i64, tpu.core_type = #tpu.core_type<sc_vector_subcore>, window_params = [{transform_indices = #map}, {transform_indices = #map1}, {transform_indices = #map}]} {
    %mul3A = arith.constant 2 : i32
    %mul3A_0 = arith.muli %arg1, %mul3A : i32
    %add3A = arith.addi %mul3A_0, %arg0 : i32
    "tpu.region"() ({
      %run_scoped3A = tpu.sem_alloc : memref<!tpu.dma_semaphore, #tpu.memory_space<semaphore_mem>>
      %dma_start3A = arith.constant 0 : i32
      %dma_start3A_12 = arith.constant 0 : i32
      %dma_start3A_13 = tpu.memref_slice %arg3[%add3A, %dma_start3A, %dma_start3A_12] : memref<32x20x128xi32, #tpu.memory_space<hbm>> -> memref<1x20x128xi32, #tpu.memory_space<hbm>>
      %dma_start3A_14 = tpu.memref_squeeze %dma_start3A_13 : memref<1x20x128xi32, #tpu.memory_space<hbm>> -> memref<20x128xi32, #tpu.memory_space<hbm>>
      %dma_start3A_15 = arith.constant 0 : i32
      %dma_start3A_16 = arith.constant 0 : i32
      %dma_start3A_17 = tpu.memref_slice %arg3[%add3A, %dma_start3A_15, %dma_start3A_16] : memref<32x20x128xi32, #tpu.memory_space<hbm>> -> memref<1x20x128xi32, #tpu.memory_space<hbm>>
      %dma_start3A_18 = tpu.memref_squeeze %dma_start3A_17 : memref<1x20x128xi32, #tpu.memory_space<hbm>> -> memref<20x128xi32, #tpu.memory_space<hbm>>
      tpu.enqueue_dma source(%dma_start3A_18 : memref<20x128xi32, #tpu.memory_space<hbm>>) target(%arg5 : memref<20x128xi32, #tpu.memory_space<vmem>>) target_semaphore(%run_scoped3A : memref<!tpu.dma_semaphore, #tpu.memory_space<semaphore_mem>>)
      %dma_wait3A = arith.constant 0 : i32
      %dma_wait3A_19 = arith.constant 0 : i32
      %dma_wait3A_20 = tpu.memref_slice %arg3[%add3A, %dma_wait3A, %dma_wait3A_19] : memref<32x20x128xi32, #tpu.memory_space<hbm>> -> memref<1x20x128xi32, #tpu.memory_space<hbm>>
      %dma_wait3A_21 = tpu.memref_squeeze %dma_wait3A_20 : memref<1x20x128xi32, #tpu.memory_space<hbm>> -> memref<20x128xi32, #tpu.memory_space<hbm>>
      %dma_wait3A_22 = arith.constant 0 : i32
      %dma_wait3A_23 = arith.constant 0 : i32
      %dma_wait3A_24 = tpu.memref_slice %arg3[%add3A, %dma_wait3A_22, %dma_wait3A_23] : memref<32x20x128xi32, #tpu.memory_space<hbm>> -> memref<1x20x128xi32, #tpu.memory_space<hbm>>
      %dma_wait3A_25 = tpu.memref_squeeze %dma_wait3A_24 : memref<1x20x128xi32, #tpu.memory_space<hbm>> -> memref<20x128xi32, #tpu.memory_space<hbm>>
      tpu.wait_dma2 semaphore(%run_scoped3A : memref<!tpu.dma_semaphore, #tpu.memory_space<semaphore_mem>>) src(%dma_wait3A_25 : memref<20x128xi32, #tpu.memory_space<hbm>>) dst(%arg5 : memref<20x128xi32, #tpu.memory_space<vmem>>)
      tpu.yield
    }) : () -> ()
    %scan3A = arith.constant 0 : i32
    %scan3A_1 = arith.constant 20 : i32
    %scan3A_2 = arith.addi %scan3A, %scan3A_1 : i32
    %scan3A_3 = arith.constant 1 : i32
    scf.for %scan3A_12 = %scan3A to %scan3A_2 step %scan3A_3  : i32 {
      %mul3A_13 = arith.constant 1 : i32
      %mul3A_14 = arith.muli %scan3A_12, %mul3A_13 : i32
      %add3A_15 = arith.constant 0 : i32
      %add3A_16 = arith.addi %add3A_15, %mul3A_14 : i32
      %mul3A_17 = arith.constant 128 : i32
      %mul3A_18 = arith.muli %add3A_16, %mul3A_17 : i32
      %dma_start3A = arith.constant 0 : i32
      %dma_start3A_19 = tpu.memref_slice %arg6[%mul3A_18, %dma_start3A] : memref<2560x48xf32, #tpu.memory_space<vmem>> -> memref<128x48xf32, #tpu.memory_space<vmem>>
      %dma_start3A_20 = arith.constant 0 : i32
      %dma_start3A_21 = tpu.memref_slice %arg5[%add3A_16, %dma_start3A_20] : memref<20x128xi32, #tpu.memory_space<vmem>> -> memref<1x128xi32, #tpu.memory_space<vmem>>
      %dma_start3A_22 = tpu.memref_squeeze %dma_start3A_21 : memref<1x128xi32, #tpu.memory_space<vmem>> -> memref<128xi32, #tpu.memory_space<vmem>>
      %dma_start3A_23 = arith.constant 0 : i32
      %dma_start3A_24 = arith.constant 0 : i32
      %dma_start3A_25 = tpu.memref_slice %arg2[%dma_start3A_23, %dma_start3A_24] : memref<10240x48xf32, #tpu.memory_space<hbm>> -> memref<10240x48xf32, #tpu.memory_space<hbm>>
      tpu.enqueue_indirect_dma source(%dma_start3A_25 : memref<10240x48xf32, #tpu.memory_space<hbm>>) target(%dma_start3A_19 : memref<128x48xf32, #tpu.memory_space<vmem>>) offsets(%dma_start3A_22 : memref<128xi32, #tpu.memory_space<vmem>>) semaphore(%arg7 : memref<!tpu.dma_semaphore, #tpu.memory_space<semaphore_mem>>)
    }
    %scan3A_4 = arith.constant 20 : i32
    %scan3A_5 = arith.constant 0 : i32
    %scan3A_6 = arith.constant 20 : i32
    %scan3A_7 = arith.addi %scan3A_5, %scan3A_6 : i32
    %scan3A_8 = arith.constant 1 : i32
    scf.for %scan3A_12 = %scan3A_5 to %scan3A_7 step %scan3A_8  : i32 {
      %mul3A_13 = arith.constant 1 : i32
      %mul3A_14 = arith.muli %scan3A_12, %mul3A_13 : i32
      %add3A_15 = arith.constant 0 : i32
      %add3A_16 = arith.addi %add3A_15, %mul3A_14 : i32
      %dma_wait3A = arith.constant 0 : i32
      %dma_wait3A_17 = arith.constant 0 : i32
      %dma_wait3A_18 = arith.constant 0 : i32
      %dma_wait3A_19 = tpu.memref_slice %arg6[%dma_wait3A_17, %dma_wait3A_18] : memref<2560x48xf32, #tpu.memory_space<vmem>> -> memref<128x48xf32, #tpu.memory_space<vmem>>
      %dma_wait3A_20 = arith.constant 0 : i32
      %dma_wait3A_21 = tpu.memref_slice %arg5[%dma_wait3A, %dma_wait3A_20] : memref<20x128xi32, #tpu.memory_space<vmem>> -> memref<1x128xi32, #tpu.memory_space<vmem>>
      %dma_wait3A_22 = tpu.memref_squeeze %dma_wait3A_21 : memref<1x128xi32, #tpu.memory_space<vmem>> -> memref<128xi32, #tpu.memory_space<vmem>>
      %dma_wait3A_23 = arith.constant 0 : i32
      %dma_wait3A_24 = arith.constant 0 : i32
      %dma_wait3A_25 = tpu.memref_slice %arg2[%dma_wait3A_23, %dma_wait3A_24] : memref<10240x48xf32, #tpu.memory_space<hbm>> -> memref<10240x48xf32, #tpu.memory_space<hbm>>
      tpu.wait_indirect_dma semaphore(%arg7 : memref<!tpu.dma_semaphore, #tpu.memory_space<semaphore_mem>>) src(%dma_wait3A_25 : memref<10240x48xf32, #tpu.memory_space<hbm>>) dst(%dma_wait3A_19 : memref<128x48xf32, #tpu.memory_space<vmem>>)
    }
    %scan3A_9 = arith.constant 20 : i32
    %mul3A_10 = arith.constant 2560 : i32
    %mul3A_11 = arith.muli %add3A, %mul3A_10 : i32
    "tpu.region"() ({
      %run_scoped3A = tpu.sem_alloc : memref<!tpu.dma_semaphore, #tpu.memory_space<semaphore_mem>>
      %dma_start3A = arith.constant 0 : i32
      %dma_start3A_12 = tpu.memref_slice %arg4[%mul3A_11, %dma_start3A] : memref<81920x128xf32, #tpu.memory_space<hbm>> -> memref<2560x48xf32, #tpu.memory_space<hbm>>
      %dma_start3A_13 = arith.constant 0 : i32
      %dma_start3A_14 = tpu.memref_slice %arg4[%mul3A_11, %dma_start3A_13] : memref<81920x128xf32, #tpu.memory_space<hbm>> -> memref<2560x48xf32, #tpu.memory_space<hbm>>
      tpu.enqueue_dma source(%arg6 : memref<2560x48xf32, #tpu.memory_space<vmem>>) target(%dma_start3A_14 : memref<2560x48xf32, #tpu.memory_space<hbm>>) target_semaphore(%run_scoped3A : memref<!tpu.dma_semaphore, #tpu.memory_space<semaphore_mem>>)
      %dma_wait3A = arith.constant 0 : i32
      %dma_wait3A_15 = tpu.memref_slice %arg4[%mul3A_11, %dma_wait3A] : memref<81920x128xf32, #tpu.memory_space<hbm>> -> memref<2560x48xf32, #tpu.memory_space<hbm>>
      %dma_wait3A_16 = arith.constant 0 : i32
      %dma_wait3A_17 = tpu.memref_slice %arg4[%mul3A_11, %dma_wait3A_16] : memref<81920x128xf32, #tpu.memory_space<hbm>> -> memref<2560x48xf32, #tpu.memory_space<hbm>>
      tpu.wait_dma2 semaphore(%run_scoped3A : memref<!tpu.dma_semaphore, #tpu.memory_space<semaphore_mem>>) src(%arg6 : memref<2560x48xf32, #tpu.memory_space<vmem>>) dst(%dma_wait3A_17 : memref<2560x48xf32, #tpu.memory_space<hbm>>)
      tpu.yield
    }) : () -> ()
    return
  }
}

#map = affine_map<(d0, d1) -> (0, 0)>
#map1 = affine_map<(d0, d1) -> (0, 0, 0)>
module attributes {stable_mosaic.version = 14 : i64} {
  func.func @_sc_gather_z(%arg0: i32, %arg1: i32, %arg2: memref<10240x48xf32, #tpu.memory_space<hbm>>, %arg3: memref<32x20x128xi32, #tpu.memory_space<hbm>>, %arg4: memref<81920x128xf32, #tpu.memory_space<hbm>>, %arg5: memref<20x128xi32, #tpu.memory_space<vmem>>, %arg6: memref<2560x48xf32, #tpu.memory_space<vmem>>, %arg7: memref<!tpu.dma_semaphore, #tpu.memory_space<semaphore_mem>>) attributes {dimension_semantics = [#tpu.dimension_semantics<core_parallel>, #tpu.dimension_semantics<subcore_parallel>], iteration_bounds = array<i64: 2, 16>, scalar_prefetch = 0 : i64, scratch_operands = 3 : i64, tpu.core_type = #tpu.core_type<sc_vector_subcore>, window_params = [{transform_indices = #map}, {transform_indices = #map1}, {transform_indices = #map}]} {
    %mul3A = arith.constant 2 : i32
    %mul3A_0 = arith.muli %arg1, %mul3A : i32
    %add3A = arith.addi %mul3A_0, %arg0 : i32
    "tpu.region"() ({
      %run_scoped3A = tpu.sem_alloc : memref<!tpu.dma_semaphore, #tpu.memory_space<semaphore_mem>>
      %dma_start3A = arith.constant 0 : i32
      %dma_start3A_12 = arith.constant 0 : i32
      %dma_start3A_13 = tpu.memref_slice %arg3[%add3A, %dma_start3A, %dma_start3A_12] : memref<32x20x128xi32, #tpu.memory_space<hbm>> -> memref<1x20x128xi32, #tpu.memory_space<hbm>>
      %dma_start3A_14 = tpu.memref_squeeze %dma_start3A_13 : memref<1x20x128xi32, #tpu.memory_space<hbm>> -> memref<20x128xi32, #tpu.memory_space<hbm>>
      %dma_start3A_15 = arith.constant 0 : i32
      %dma_start3A_16 = arith.constant 0 : i32
      %dma_start3A_17 = tpu.memref_slice %arg3[%add3A, %dma_start3A_15, %dma_start3A_16] : memref<32x20x128xi32, #tpu.memory_space<hbm>> -> memref<1x20x128xi32, #tpu.memory_space<hbm>>
      %dma_start3A_18 = tpu.memref_squeeze %dma_start3A_17 : memref<1x20x128xi32, #tpu.memory_space<hbm>> -> memref<20x128xi32, #tpu.memory_space<hbm>>
      tpu.enqueue_dma source(%dma_start3A_18 : memref<20x128xi32, #tpu.memory_space<hbm>>) target(%arg5 : memref<20x128xi32, #tpu.memory_space<vmem>>) target_semaphore(%run_scoped3A : memref<!tpu.dma_semaphore, #tpu.memory_space<semaphore_mem>>)
      %dma_wait3A = arith.constant 0 : i32
      %dma_wait3A_19 = arith.constant 0 : i32
      %dma_wait3A_20 = tpu.memref_slice %arg3[%add3A, %dma_wait3A, %dma_wait3A_19] : memref<32x20x128xi32, #tpu.memory_space<hbm>> -> memref<1x20x128xi32, #tpu.memory_space<hbm>>
      %dma_wait3A_21 = tpu.memref_squeeze %dma_wait3A_20 : memref<1x20x128xi32, #tpu.memory_space<hbm>> -> memref<20x128xi32, #tpu.memory_space<hbm>>
      %dma_wait3A_22 = arith.constant 0 : i32
      %dma_wait3A_23 = arith.constant 0 : i32
      %dma_wait3A_24 = tpu.memref_slice %arg3[%add3A, %dma_wait3A_22, %dma_wait3A_23] : memref<32x20x128xi32, #tpu.memory_space<hbm>> -> memref<1x20x128xi32, #tpu.memory_space<hbm>>
      %dma_wait3A_25 = tpu.memref_squeeze %dma_wait3A_24 : memref<1x20x128xi32, #tpu.memory_space<hbm>> -> memref<20x128xi32, #tpu.memory_space<hbm>>
      tpu.wait_dma2 semaphore(%run_scoped3A : memref<!tpu.dma_semaphore, #tpu.memory_space<semaphore_mem>>) src(%dma_wait3A_25 : memref<20x128xi32, #tpu.memory_space<hbm>>) dst(%arg5 : memref<20x128xi32, #tpu.memory_space<vmem>>)
      tpu.yield
    }) : () -> ()
    %scan3A = arith.constant 0 : i32
    %scan3A_1 = arith.constant 20 : i32
    %scan3A_2 = arith.addi %scan3A, %scan3A_1 : i32
    %scan3A_3 = arith.constant 1 : i32
    scf.for %scan3A_12 = %scan3A to %scan3A_2 step %scan3A_3  : i32 {
      %mul3A_13 = arith.constant 1 : i32
      %mul3A_14 = arith.muli %scan3A_12, %mul3A_13 : i32
      %add3A_15 = arith.constant 0 : i32
      %add3A_16 = arith.addi %add3A_15, %mul3A_14 : i32
      %mul3A_17 = arith.constant 128 : i32
      %mul3A_18 = arith.muli %add3A_16, %mul3A_17 : i32
      %dma_start3A = arith.constant 0 : i32
      %dma_start3A_19 = tpu.memref_slice %arg6[%mul3A_18, %dma_start3A] : memref<2560x48xf32, #tpu.memory_space<vmem>> -> memref<128x48xf32, #tpu.memory_space<vmem>>
      %dma_start3A_20 = arith.constant 0 : i32
      %dma_start3A_21 = tpu.memref_slice %arg5[%add3A_16, %dma_start3A_20] : memref<20x128xi32, #tpu.memory_space<vmem>> -> memref<1x128xi32, #tpu.memory_space<vmem>>
      %dma_start3A_22 = tpu.memref_squeeze %dma_start3A_21 : memref<1x128xi32, #tpu.memory_space<vmem>> -> memref<128xi32, #tpu.memory_space<vmem>>
      %dma_start3A_23 = arith.constant 0 : i32
      %dma_start3A_24 = arith.constant 0 : i32
      %dma_start3A_25 = tpu.memref_slice %arg2[%dma_start3A_23, %dma_start3A_24] : memref<10240x48xf32, #tpu.memory_space<hbm>> -> memref<10240x48xf32, #tpu.memory_space<hbm>>
      tpu.enqueue_indirect_dma source(%dma_start3A_25 : memref<10240x48xf32, #tpu.memory_space<hbm>>) target(%dma_start3A_19 : memref<128x48xf32, #tpu.memory_space<vmem>>) offsets(%dma_start3A_22 : memref<128xi32, #tpu.memory_space<vmem>>) semaphore(%arg7 : memref<!tpu.dma_semaphore, #tpu.memory_space<semaphore_mem>>)
    }
    %scan3A_4 = arith.constant 20 : i32
    %scan3A_5 = arith.constant 0 : i32
    %scan3A_6 = arith.constant 20 : i32
    %scan3A_7 = arith.addi %scan3A_5, %scan3A_6 : i32
    %scan3A_8 = arith.constant 1 : i32
    scf.for %scan3A_12 = %scan3A_5 to %scan3A_7 step %scan3A_8  : i32 {
      %mul3A_13 = arith.constant 1 : i32
      %mul3A_14 = arith.muli %scan3A_12, %mul3A_13 : i32
      %add3A_15 = arith.constant 0 : i32
      %add3A_16 = arith.addi %add3A_15, %mul3A_14 : i32
      %dma_wait3A = arith.constant 0 : i32
      %dma_wait3A_17 = arith.constant 0 : i32
      %dma_wait3A_18 = arith.constant 0 : i32
      %dma_wait3A_19 = tpu.memref_slice %arg6[%dma_wait3A_17, %dma_wait3A_18] : memref<2560x48xf32, #tpu.memory_space<vmem>> -> memref<128x48xf32, #tpu.memory_space<vmem>>
      %dma_wait3A_20 = arith.constant 0 : i32
      %dma_wait3A_21 = tpu.memref_slice %arg5[%dma_wait3A, %dma_wait3A_20] : memref<20x128xi32, #tpu.memory_space<vmem>> -> memref<1x128xi32, #tpu.memory_space<vmem>>
      %dma_wait3A_22 = tpu.memref_squeeze %dma_wait3A_21 : memref<1x128xi32, #tpu.memory_space<vmem>> -> memref<128xi32, #tpu.memory_space<vmem>>
      %dma_wait3A_23 = arith.constant 0 : i32
      %dma_wait3A_24 = arith.constant 0 : i32
      %dma_wait3A_25 = tpu.memref_slice %arg2[%dma_wait3A_23, %dma_wait3A_24] : memref<10240x48xf32, #tpu.memory_space<hbm>> -> memref<10240x48xf32, #tpu.memory_space<hbm>>
      tpu.wait_indirect_dma semaphore(%arg7 : memref<!tpu.dma_semaphore, #tpu.memory_space<semaphore_mem>>) src(%dma_wait3A_25 : memref<10240x48xf32, #tpu.memory_space<hbm>>) dst(%dma_wait3A_19 : memref<128x48xf32, #tpu.memory_space<vmem>>)
    }
    %scan3A_9 = arith.constant 20 : i32
    %mul3A_10 = arith.constant 2560 : i32
    %mul3A_11 = arith.muli %add3A, %mul3A_10 : i32
    "tpu.region"() ({
      %run_scoped3A = tpu.sem_alloc : memref<!tpu.dma_semaphore, #tpu.memory_space<semaphore_mem>>
      %dma_start3A = arith.constant 0 : i32
      %dma_start3A_12 = tpu.memref_slice %arg4[%mul3A_11, %dma_start3A] : memref<81920x128xf32, #tpu.memory_space<hbm>> -> memref<2560x48xf32, #tpu.memory_space<hbm>>
      %dma_start3A_13 = arith.constant 0 : i32
      %dma_start3A_14 = tpu.memref_slice %arg4[%mul3A_11, %dma_start3A_13] : memref<81920x128xf32, #tpu.memory_space<hbm>> -> memref<2560x48xf32, #tpu.memory_space<hbm>>
      tpu.enqueue_dma source(%arg6 : memref<2560x48xf32, #tpu.memory_space<vmem>>) target(%dma_start3A_14 : memref<2560x48xf32, #tpu.memory_space<hbm>>) target_semaphore(%run_scoped3A : memref<!tpu.dma_semaphore, #tpu.memory_space<semaphore_mem>>)
      %dma_wait3A = arith.constant 0 : i32
      %dma_wait3A_15 = tpu.memref_slice %arg4[%mul3A_11, %dma_wait3A] : memref<81920x128xf32, #tpu.memory_space<hbm>> -> memref<2560x48xf32, #tpu.memory_space<hbm>>
      %dma_wait3A_16 = arith.constant 0 : i32
      %dma_wait3A_17 = tpu.memref_slice %arg4[%mul3A_11, %dma_wait3A_16] : memref<81920x128xf32, #tpu.memory_space<hbm>> -> memref<2560x48xf32, #tpu.memory_space<hbm>>
      tpu.wait_dma2 semaphore(%run_scoped3A : memref<!tpu.dma_semaphore, #tpu.memory_space<semaphore_mem>>) src(%arg6 : memref<2560x48xf32, #tpu.memory_space<vmem>>) dst(%dma_wait3A_17 : memref<2560x48xf32, #tpu.memory_space<hbm>>)
      tpu.yield
    }) : () -> ()
    return
  }
}

#map = affine_map<(d0, d1) -> (0, 0)>
#map1 = affine_map<(d0, d1) -> (0, 0, 0)>
module attributes {stable_mosaic.version = 14 : i64} {
  func.func @_sc_scatter(%arg0: i32, %arg1: i32, %arg2: memref<81920x128xf32, #tpu.memory_space<hbm>>, %arg3: memref<32x20x128xi32, #tpu.memory_space<hbm>>, %arg4: memref<10240x16xf32, #tpu.memory_space<hbm>>, %arg5: memref<2x10240x16xf32, #tpu.memory_space<hbm>>, %arg6: memref<20x128xi32, #tpu.memory_space<vmem>>, %arg7: memref<2560x16xf32, #tpu.memory_space<vmem>>, %arg8: memref<10240x16xf32, #tpu.memory_space<vmem_shared>>, %arg9: memref<!tpu.dma_semaphore, #tpu.memory_space<semaphore_mem>>) attributes {dimension_semantics = [#tpu.dimension_semantics<core_parallel>, #tpu.dimension_semantics<subcore_parallel>], iteration_bounds = array<i64: 2, 16>, scalar_prefetch = 0 : i64, scratch_operands = 4 : i64, tpu.core_type = #tpu.core_type<sc_vector_subcore>, window_params = [{transform_indices = #map}, {transform_indices = #map1}, {transform_indices = #map}, {transform_indices = #map1}]} {
    %mul3A = arith.constant 2 : i32
    %mul3A_0 = arith.muli %arg1, %mul3A : i32
    %add3A = arith.addi %mul3A_0, %arg0 : i32
    %mul3A_1 = arith.constant 640 : i32
    %mul3A_2 = arith.muli %arg1, %mul3A_1 : i32
    %mul3A_3 = arith.constant 640 : i32
    %mul3A_4 = arith.muli %arg1, %mul3A_3 : i32
    "tpu.region"() ({
      %run_scoped3A = tpu.sem_alloc : memref<!tpu.dma_semaphore, #tpu.memory_space<semaphore_mem>>
      %dma_start3A = arith.constant 0 : i32
      %dma_start3A_16 = tpu.memref_slice %arg8[%mul3A_4, %dma_start3A] : memref<10240x16xf32, #tpu.memory_space<vmem_shared>> -> memref<640x16xf32, #tpu.memory_space<vmem_shared>>
      %dma_start3A_17 = arith.constant 0 : i32
      %dma_start3A_18 = tpu.memref_slice %arg4[%mul3A_2, %dma_start3A_17] : memref<10240x16xf32, #tpu.memory_space<hbm>> -> memref<640x16xf32, #tpu.memory_space<hbm>>
      tpu.enqueue_dma source(%dma_start3A_18 : memref<640x16xf32, #tpu.memory_space<hbm>>) target(%dma_start3A_16 : memref<640x16xf32, #tpu.memory_space<vmem_shared>>) target_semaphore(%run_scoped3A : memref<!tpu.dma_semaphore, #tpu.memory_space<semaphore_mem>>)
      %dma_wait3A = arith.constant 0 : i32
      %dma_wait3A_19 = tpu.memref_slice %arg8[%mul3A_4, %dma_wait3A] : memref<10240x16xf32, #tpu.memory_space<vmem_shared>> -> memref<640x16xf32, #tpu.memory_space<vmem_shared>>
      %dma_wait3A_20 = arith.constant 0 : i32
      %dma_wait3A_21 = tpu.memref_slice %arg4[%mul3A_2, %dma_wait3A_20] : memref<10240x16xf32, #tpu.memory_space<hbm>> -> memref<640x16xf32, #tpu.memory_space<hbm>>
      tpu.wait_dma2 semaphore(%run_scoped3A : memref<!tpu.dma_semaphore, #tpu.memory_space<semaphore_mem>>) src(%dma_wait3A_21 : memref<640x16xf32, #tpu.memory_space<hbm>>) dst(%dma_wait3A_19 : memref<640x16xf32, #tpu.memory_space<vmem_shared>>)
      tpu.yield
    }) : () -> ()
    "tpu.region"() ({
      %run_scoped3A = tpu.sem_alloc : memref<!tpu.dma_semaphore, #tpu.memory_space<semaphore_mem>>
      %dma_start3A = arith.constant 0 : i32
      %dma_start3A_16 = arith.constant 0 : i32
      %dma_start3A_17 = tpu.memref_slice %arg3[%add3A, %dma_start3A, %dma_start3A_16] : memref<32x20x128xi32, #tpu.memory_space<hbm>> -> memref<1x20x128xi32, #tpu.memory_space<hbm>>
      %dma_start3A_18 = tpu.memref_squeeze %dma_start3A_17 : memref<1x20x128xi32, #tpu.memory_space<hbm>> -> memref<20x128xi32, #tpu.memory_space<hbm>>
      %dma_start3A_19 = arith.constant 0 : i32
      %dma_start3A_20 = arith.constant 0 : i32
      %dma_start3A_21 = tpu.memref_slice %arg3[%add3A, %dma_start3A_19, %dma_start3A_20] : memref<32x20x128xi32, #tpu.memory_space<hbm>> -> memref<1x20x128xi32, #tpu.memory_space<hbm>>
      %dma_start3A_22 = tpu.memref_squeeze %dma_start3A_21 : memref<1x20x128xi32, #tpu.memory_space<hbm>> -> memref<20x128xi32, #tpu.memory_space<hbm>>
      tpu.enqueue_dma source(%dma_start3A_22 : memref<20x128xi32, #tpu.memory_space<hbm>>) target(%arg6 : memref<20x128xi32, #tpu.memory_space<vmem>>) target_semaphore(%run_scoped3A : memref<!tpu.dma_semaphore, #tpu.memory_space<semaphore_mem>>)
      %dma_wait3A = arith.constant 0 : i32
      %dma_wait3A_23 = arith.constant 0 : i32
      %dma_wait3A_24 = tpu.memref_slice %arg3[%add3A, %dma_wait3A, %dma_wait3A_23] : memref<32x20x128xi32, #tpu.memory_space<hbm>> -> memref<1x20x128xi32, #tpu.memory_space<hbm>>
      %dma_wait3A_25 = tpu.memref_squeeze %dma_wait3A_24 : memref<1x20x128xi32, #tpu.memory_space<hbm>> -> memref<20x128xi32, #tpu.memory_space<hbm>>
      %dma_wait3A_26 = arith.constant 0 : i32
      %dma_wait3A_27 = arith.constant 0 : i32
      %dma_wait3A_28 = tpu.memref_slice %arg3[%add3A, %dma_wait3A_26, %dma_wait3A_27] : memref<32x20x128xi32, #tpu.memory_space<hbm>> -> memref<1x20x128xi32, #tpu.memory_space<hbm>>
      %dma_wait3A_29 = tpu.memref_squeeze %dma_wait3A_28 : memref<1x20x128xi32, #tpu.memory_space<hbm>> -> memref<20x128xi32, #tpu.memory_space<hbm>>
      tpu.wait_dma2 semaphore(%run_scoped3A : memref<!tpu.dma_semaphore, #tpu.memory_space<semaphore_mem>>) src(%dma_wait3A_29 : memref<20x128xi32, #tpu.memory_space<hbm>>) dst(%arg6 : memref<20x128xi32, #tpu.memory_space<vmem>>)
      tpu.yield
    }) : () -> ()
    %mul3A_5 = arith.constant 2560 : i32
    %mul3A_6 = arith.muli %add3A, %mul3A_5 : i32
    "tpu.region"() ({
      %run_scoped3A = tpu.sem_alloc : memref<!tpu.dma_semaphore, #tpu.memory_space<semaphore_mem>>
      %dma_start3A = arith.constant 0 : i32
      %dma_start3A_16 = tpu.memref_slice %arg2[%mul3A_6, %dma_start3A] : memref<81920x128xf32, #tpu.memory_space<hbm>> -> memref<2560x16xf32, #tpu.memory_space<hbm>>
      %dma_start3A_17 = arith.constant 0 : i32
      %dma_start3A_18 = tpu.memref_slice %arg2[%mul3A_6, %dma_start3A_17] : memref<81920x128xf32, #tpu.memory_space<hbm>> -> memref<2560x16xf32, #tpu.memory_space<hbm>>
      tpu.enqueue_dma source(%dma_start3A_18 : memref<2560x16xf32, #tpu.memory_space<hbm>>) target(%arg7 : memref<2560x16xf32, #tpu.memory_space<vmem>>) target_semaphore(%run_scoped3A : memref<!tpu.dma_semaphore, #tpu.memory_space<semaphore_mem>>)
      %dma_wait3A = arith.constant 0 : i32
      %dma_wait3A_19 = tpu.memref_slice %arg2[%mul3A_6, %dma_wait3A] : memref<81920x128xf32, #tpu.memory_space<hbm>> -> memref<2560x16xf32, #tpu.memory_space<hbm>>
      %dma_wait3A_20 = arith.constant 0 : i32
      %dma_wait3A_21 = tpu.memref_slice %arg2[%mul3A_6, %dma_wait3A_20] : memref<81920x128xf32, #tpu.memory_space<hbm>> -> memref<2560x16xf32, #tpu.memory_space<hbm>>
      tpu.wait_dma2 semaphore(%run_scoped3A : memref<!tpu.dma_semaphore, #tpu.memory_space<semaphore_mem>>) src(%dma_wait3A_21 : memref<2560x16xf32, #tpu.memory_space<hbm>>) dst(%arg7 : memref<2560x16xf32, #tpu.memory_space<vmem>>)
      tpu.yield
    }) : () -> ()
    %barrier3A = arith.constant 0 : index
    tpu.barrier barrier_id(%barrier3A)
    %scan3A = arith.constant 0 : i32
    %scan3A_7 = arith.constant 20 : i32
    %scan3A_8 = arith.addi %scan3A, %scan3A_7 : i32
    %scan3A_9 = arith.constant 1 : i32
    scf.for %scan3A_16 = %scan3A to %scan3A_8 step %scan3A_9  : i32 {
      %mul3A_17 = arith.constant 1 : i32
      %mul3A_18 = arith.muli %scan3A_16, %mul3A_17 : i32
      %add3A_19 = arith.constant 0 : i32
      %add3A_20 = arith.addi %add3A_19, %mul3A_18 : i32
      %mul3A_21 = arith.constant 128 : i32
      %mul3A_22 = arith.muli %add3A_20, %mul3A_21 : i32
      "tpu.region"() ({
        %run_scoped3A = tpu.sem_alloc : memref<!tpu.dma_semaphore, #tpu.memory_space<semaphore_mem>>
        %dma_start3A = arith.constant 0 : i32
        %dma_start3A_23 = tpu.memref_slice %arg7[%mul3A_22, %dma_start3A] : memref<2560x16xf32, #tpu.memory_space<vmem>> -> memref<128x16xf32, #tpu.memory_space<vmem>>
        %dma_start3A_24 = arith.constant 0 : i32
        %dma_start3A_25 = tpu.memref_slice %arg6[%add3A_20, %dma_start3A_24] : memref<20x128xi32, #tpu.memory_space<vmem>> -> memref<1x128xi32, #tpu.memory_space<vmem>>
        %dma_start3A_26 = tpu.memref_squeeze %dma_start3A_25 : memref<1x128xi32, #tpu.memory_space<vmem>> -> memref<128xi32, #tpu.memory_space<vmem>>
        %dma_start3A_27 = arith.constant 0 : i32
        %dma_start3A_28 = arith.constant 0 : i32
        %dma_start3A_29 = tpu.memref_slice %arg8[%dma_start3A_27, %dma_start3A_28] : memref<10240x16xf32, #tpu.memory_space<vmem_shared>> -> memref<10240x16xf32, #tpu.memory_space<vmem_shared>>
        tpu.enqueue_indirect_dma source(%dma_start3A_23 : memref<128x16xf32, #tpu.memory_space<vmem>>) target(%dma_start3A_29 : memref<10240x16xf32, #tpu.memory_space<vmem_shared>>) offsets(%dma_start3A_26 : memref<128xi32, #tpu.memory_space<vmem>>) semaphore(%run_scoped3A : memref<!tpu.dma_semaphore, #tpu.memory_space<semaphore_mem>>) {add = true}
        %dma_wait3A = arith.constant 0 : i32
        %dma_wait3A_30 = tpu.memref_slice %arg7[%mul3A_22, %dma_wait3A] : memref<2560x16xf32, #tpu.memory_space<vmem>> -> memref<128x16xf32, #tpu.memory_space<vmem>>
        %dma_wait3A_31 = arith.constant 0 : i32
        %dma_wait3A_32 = tpu.memref_slice %arg6[%add3A_20, %dma_wait3A_31] : memref<20x128xi32, #tpu.memory_space<vmem>> -> memref<1x128xi32, #tpu.memory_space<vmem>>
        %dma_wait3A_33 = tpu.memref_squeeze %dma_wait3A_32 : memref<1x128xi32, #tpu.memory_space<vmem>> -> memref<128xi32, #tpu.memory_space<vmem>>
        %dma_wait3A_34 = arith.constant 0 : i32
        %dma_wait3A_35 = arith.constant 0 : i32
        %dma_wait3A_36 = tpu.memref_slice %arg8[%dma_wait3A_34, %dma_wait3A_35] : memref<10240x16xf32, #tpu.memory_space<vmem_shared>> -> memref<10240x16xf32, #tpu.memory_space<vmem_shared>>
        tpu.wait_indirect_dma semaphore(%run_scoped3A : memref<!tpu.dma_semaphore, #tpu.memory_space<semaphore_mem>>) src(%dma_wait3A_30 : memref<128x16xf32, #tpu.memory_space<vmem>>) dst(%dma_wait3A_36 : memref<10240x16xf32, #tpu.memory_space<vmem_shared>>)
        tpu.yield
      }) : () -> ()
    }
    %scan3A_10 = arith.constant 20 : i32
    %barrier3A_11 = arith.constant 0 : index
    tpu.barrier barrier_id(%barrier3A_11)
    %mul3A_12 = arith.constant 640 : i32
    %mul3A_13 = arith.muli %arg1, %mul3A_12 : i32
    %mul3A_14 = arith.constant 640 : i32
    %mul3A_15 = arith.muli %arg1, %mul3A_14 : i32
    "tpu.region"() ({
      %run_scoped3A = tpu.sem_alloc : memref<!tpu.dma_semaphore, #tpu.memory_space<semaphore_mem>>
      %dma_start3A = arith.constant 0 : i32
      %dma_start3A_16 = arith.constant 0 : i32
      %dma_start3A_17 = tpu.memref_slice %arg5[%arg0, %dma_start3A, %dma_start3A_16] : memref<2x10240x16xf32, #tpu.memory_space<hbm>> -> memref<1x10240x16xf32, #tpu.memory_space<hbm>>
      %dma_start3A_18 = tpu.memref_squeeze %dma_start3A_17 : memref<1x10240x16xf32, #tpu.memory_space<hbm>> -> memref<10240x16xf32, #tpu.memory_space<hbm>>
      %dma_start3A_19 = arith.constant 0 : i32
      %dma_start3A_20 = tpu.memref_slice %dma_start3A_18[%mul3A_15, %dma_start3A_19] : memref<10240x16xf32, #tpu.memory_space<hbm>> -> memref<640x16xf32, #tpu.memory_space<hbm>>
      %dma_start3A_21 = arith.constant 0 : i32
      %dma_start3A_22 = tpu.memref_slice %arg8[%mul3A_13, %dma_start3A_21] : memref<10240x16xf32, #tpu.memory_space<vmem_shared>> -> memref<640x16xf32, #tpu.memory_space<vmem_shared>>
      tpu.enqueue_dma source(%dma_start3A_22 : memref<640x16xf32, #tpu.memory_space<vmem_shared>>) target(%dma_start3A_20 : memref<640x16xf32, #tpu.memory_space<hbm>>) target_semaphore(%run_scoped3A : memref<!tpu.dma_semaphore, #tpu.memory_space<semaphore_mem>>)
      %dma_wait3A = arith.constant 0 : i32
      %dma_wait3A_23 = arith.constant 0 : i32
      %dma_wait3A_24 = tpu.memref_slice %arg5[%arg0, %dma_wait3A, %dma_wait3A_23] : memref<2x10240x16xf32, #tpu.memory_space<hbm>> -> memref<1x10240x16xf32, #tpu.memory_space<hbm>>
      %dma_wait3A_25 = tpu.memref_squeeze %dma_wait3A_24 : memref<1x10240x16xf32, #tpu.memory_space<hbm>> -> memref<10240x16xf32, #tpu.memory_space<hbm>>
      %dma_wait3A_26 = arith.constant 0 : i32
      %dma_wait3A_27 = tpu.memref_slice %dma_wait3A_25[%mul3A_15, %dma_wait3A_26] : memref<10240x16xf32, #tpu.memory_space<hbm>> -> memref<640x16xf32, #tpu.memory_space<hbm>>
      %dma_wait3A_28 = arith.constant 0 : i32
      %dma_wait3A_29 = tpu.memref_slice %arg8[%mul3A_13, %dma_wait3A_28] : memref<10240x16xf32, #tpu.memory_space<vmem_shared>> -> memref<640x16xf32, #tpu.memory_space<vmem_shared>>
      tpu.wait_dma2 semaphore(%run_scoped3A : memref<!tpu.dma_semaphore, #tpu.memory_space<semaphore_mem>>) src(%dma_wait3A_29 : memref<640x16xf32, #tpu.memory_space<vmem_shared>>) dst(%dma_wait3A_27 : memref<640x16xf32, #tpu.memory_space<hbm>>)
      tpu.yield
    }) : () -> ()
    return
  }
}

#map = affine_map<(d0, d1) -> (0, 0)>
#map1 = affine_map<(d0, d1) -> (0, 0, 0)>
module attributes {stable_mosaic.version = 14 : i64} {
  func.func @_sc_gather_z(%arg0: i32, %arg1: i32, %arg2: memref<10240x48xf32, #tpu.memory_space<hbm>>, %arg3: memref<32x20x128xi32, #tpu.memory_space<hbm>>, %arg4: memref<81920x128xf32, #tpu.memory_space<hbm>>, %arg5: memref<20x128xi32, #tpu.memory_space<vmem>>, %arg6: memref<2560x48xf32, #tpu.memory_space<vmem>>, %arg7: memref<!tpu.dma_semaphore, #tpu.memory_space<semaphore_mem>>) attributes {dimension_semantics = [#tpu.dimension_semantics<core_parallel>, #tpu.dimension_semantics<subcore_parallel>], iteration_bounds = array<i64: 2, 16>, scalar_prefetch = 0 : i64, scratch_operands = 3 : i64, tpu.core_type = #tpu.core_type<sc_vector_subcore>, window_params = [{transform_indices = #map}, {transform_indices = #map1}, {transform_indices = #map}]} {
    %mul3A = arith.constant 2 : i32
    %mul3A_0 = arith.muli %arg1, %mul3A : i32
    %add3A = arith.addi %mul3A_0, %arg0 : i32
    "tpu.region"() ({
      %run_scoped3A = tpu.sem_alloc : memref<!tpu.dma_semaphore, #tpu.memory_space<semaphore_mem>>
      %dma_start3A = arith.constant 0 : i32
      %dma_start3A_12 = arith.constant 0 : i32
      %dma_start3A_13 = tpu.memref_slice %arg3[%add3A, %dma_start3A, %dma_start3A_12] : memref<32x20x128xi32, #tpu.memory_space<hbm>> -> memref<1x20x128xi32, #tpu.memory_space<hbm>>
      %dma_start3A_14 = tpu.memref_squeeze %dma_start3A_13 : memref<1x20x128xi32, #tpu.memory_space<hbm>> -> memref<20x128xi32, #tpu.memory_space<hbm>>
      %dma_start3A_15 = arith.constant 0 : i32
      %dma_start3A_16 = arith.constant 0 : i32
      %dma_start3A_17 = tpu.memref_slice %arg3[%add3A, %dma_start3A_15, %dma_start3A_16] : memref<32x20x128xi32, #tpu.memory_space<hbm>> -> memref<1x20x128xi32, #tpu.memory_space<hbm>>
      %dma_start3A_18 = tpu.memref_squeeze %dma_start3A_17 : memref<1x20x128xi32, #tpu.memory_space<hbm>> -> memref<20x128xi32, #tpu.memory_space<hbm>>
      tpu.enqueue_dma source(%dma_start3A_18 : memref<20x128xi32, #tpu.memory_space<hbm>>) target(%arg5 : memref<20x128xi32, #tpu.memory_space<vmem>>) target_semaphore(%run_scoped3A : memref<!tpu.dma_semaphore, #tpu.memory_space<semaphore_mem>>)
      %dma_wait3A = arith.constant 0 : i32
      %dma_wait3A_19 = arith.constant 0 : i32
      %dma_wait3A_20 = tpu.memref_slice %arg3[%add3A, %dma_wait3A, %dma_wait3A_19] : memref<32x20x128xi32, #tpu.memory_space<hbm>> -> memref<1x20x128xi32, #tpu.memory_space<hbm>>
      %dma_wait3A_21 = tpu.memref_squeeze %dma_wait3A_20 : memref<1x20x128xi32, #tpu.memory_space<hbm>> -> memref<20x128xi32, #tpu.memory_space<hbm>>
      %dma_wait3A_22 = arith.constant 0 : i32
      %dma_wait3A_23 = arith.constant 0 : i32
      %dma_wait3A_24 = tpu.memref_slice %arg3[%add3A, %dma_wait3A_22, %dma_wait3A_23] : memref<32x20x128xi32, #tpu.memory_space<hbm>> -> memref<1x20x128xi32, #tpu.memory_space<hbm>>
      %dma_wait3A_25 = tpu.memref_squeeze %dma_wait3A_24 : memref<1x20x128xi32, #tpu.memory_space<hbm>> -> memref<20x128xi32, #tpu.memory_space<hbm>>
      tpu.wait_dma2 semaphore(%run_scoped3A : memref<!tpu.dma_semaphore, #tpu.memory_space<semaphore_mem>>) src(%dma_wait3A_25 : memref<20x128xi32, #tpu.memory_space<hbm>>) dst(%arg5 : memref<20x128xi32, #tpu.memory_space<vmem>>)
      tpu.yield
    }) : () -> ()
    %scan3A = arith.constant 0 : i32
    %scan3A_1 = arith.constant 20 : i32
    %scan3A_2 = arith.addi %scan3A, %scan3A_1 : i32
    %scan3A_3 = arith.constant 1 : i32
    scf.for %scan3A_12 = %scan3A to %scan3A_2 step %scan3A_3  : i32 {
      %mul3A_13 = arith.constant 1 : i32
      %mul3A_14 = arith.muli %scan3A_12, %mul3A_13 : i32
      %add3A_15 = arith.constant 0 : i32
      %add3A_16 = arith.addi %add3A_15, %mul3A_14 : i32
      %mul3A_17 = arith.constant 128 : i32
      %mul3A_18 = arith.muli %add3A_16, %mul3A_17 : i32
      %dma_start3A = arith.constant 0 : i32
      %dma_start3A_19 = tpu.memref_slice %arg6[%mul3A_18, %dma_start3A] : memref<2560x48xf32, #tpu.memory_space<vmem>> -> memref<128x48xf32, #tpu.memory_space<vmem>>
      %dma_start3A_20 = arith.constant 0 : i32
      %dma_start3A_21 = tpu.memref_slice %arg5[%add3A_16, %dma_start3A_20] : memref<20x128xi32, #tpu.memory_space<vmem>> -> memref<1x128xi32, #tpu.memory_space<vmem>>
      %dma_start3A_22 = tpu.memref_squeeze %dma_start3A_21 : memref<1x128xi32, #tpu.memory_space<vmem>> -> memref<128xi32, #tpu.memory_space<vmem>>
      %dma_start3A_23 = arith.constant 0 : i32
      %dma_start3A_24 = arith.constant 0 : i32
      %dma_start3A_25 = tpu.memref_slice %arg2[%dma_start3A_23, %dma_start3A_24] : memref<10240x48xf32, #tpu.memory_space<hbm>> -> memref<10240x48xf32, #tpu.memory_space<hbm>>
      tpu.enqueue_indirect_dma source(%dma_start3A_25 : memref<10240x48xf32, #tpu.memory_space<hbm>>) target(%dma_start3A_19 : memref<128x48xf32, #tpu.memory_space<vmem>>) offsets(%dma_start3A_22 : memref<128xi32, #tpu.memory_space<vmem>>) semaphore(%arg7 : memref<!tpu.dma_semaphore, #tpu.memory_space<semaphore_mem>>)
    }
    %scan3A_4 = arith.constant 20 : i32
    %scan3A_5 = arith.constant 0 : i32
    %scan3A_6 = arith.constant 20 : i32
    %scan3A_7 = arith.addi %scan3A_5, %scan3A_6 : i32
    %scan3A_8 = arith.constant 1 : i32
    scf.for %scan3A_12 = %scan3A_5 to %scan3A_7 step %scan3A_8  : i32 {
      %mul3A_13 = arith.constant 1 : i32
      %mul3A_14 = arith.muli %scan3A_12, %mul3A_13 : i32
      %add3A_15 = arith.constant 0 : i32
      %add3A_16 = arith.addi %add3A_15, %mul3A_14 : i32
      %dma_wait3A = arith.constant 0 : i32
      %dma_wait3A_17 = arith.constant 0 : i32
      %dma_wait3A_18 = arith.constant 0 : i32
      %dma_wait3A_19 = tpu.memref_slice %arg6[%dma_wait3A_17, %dma_wait3A_18] : memref<2560x48xf32, #tpu.memory_space<vmem>> -> memref<128x48xf32, #tpu.memory_space<vmem>>
      %dma_wait3A_20 = arith.constant 0 : i32
      %dma_wait3A_21 = tpu.memref_slice %arg5[%dma_wait3A, %dma_wait3A_20] : memref<20x128xi32, #tpu.memory_space<vmem>> -> memref<1x128xi32, #tpu.memory_space<vmem>>
      %dma_wait3A_22 = tpu.memref_squeeze %dma_wait3A_21 : memref<1x128xi32, #tpu.memory_space<vmem>> -> memref<128xi32, #tpu.memory_space<vmem>>
      %dma_wait3A_23 = arith.constant 0 : i32
      %dma_wait3A_24 = arith.constant 0 : i32
      %dma_wait3A_25 = tpu.memref_slice %arg2[%dma_wait3A_23, %dma_wait3A_24] : memref<10240x48xf32, #tpu.memory_space<hbm>> -> memref<10240x48xf32, #tpu.memory_space<hbm>>
      tpu.wait_indirect_dma semaphore(%arg7 : memref<!tpu.dma_semaphore, #tpu.memory_space<semaphore_mem>>) src(%dma_wait3A_25 : memref<10240x48xf32, #tpu.memory_space<hbm>>) dst(%dma_wait3A_19 : memref<128x48xf32, #tpu.memory_space<vmem>>)
    }
    %scan3A_9 = arith.constant 20 : i32
    %mul3A_10 = arith.constant 2560 : i32
    %mul3A_11 = arith.muli %add3A, %mul3A_10 : i32
    "tpu.region"() ({
      %run_scoped3A = tpu.sem_alloc : memref<!tpu.dma_semaphore, #tpu.memory_space<semaphore_mem>>
      %dma_start3A = arith.constant 0 : i32
      %dma_start3A_12 = tpu.memref_slice %arg4[%mul3A_11, %dma_start3A] : memref<81920x128xf32, #tpu.memory_space<hbm>> -> memref<2560x48xf32, #tpu.memory_space<hbm>>
      %dma_start3A_13 = arith.constant 0 : i32
      %dma_start3A_14 = tpu.memref_slice %arg4[%mul3A_11, %dma_start3A_13] : memref<81920x128xf32, #tpu.memory_space<hbm>> -> memref<2560x48xf32, #tpu.memory_space<hbm>>
      tpu.enqueue_dma source(%arg6 : memref<2560x48xf32, #tpu.memory_space<vmem>>) target(%dma_start3A_14 : memref<2560x48xf32, #tpu.memory_space<hbm>>) target_semaphore(%run_scoped3A : memref<!tpu.dma_semaphore, #tpu.memory_space<semaphore_mem>>)
      %dma_wait3A = arith.constant 0 : i32
      %dma_wait3A_15 = tpu.memref_slice %arg4[%mul3A_11, %dma_wait3A] : memref<81920x128xf32, #tpu.memory_space<hbm>> -> memref<2560x48xf32, #tpu.memory_space<hbm>>
      %dma_wait3A_16 = arith.constant 0 : i32
      %dma_wait3A_17 = tpu.memref_slice %arg4[%mul3A_11, %dma_wait3A_16] : memref<81920x128xf32, #tpu.memory_space<hbm>> -> memref<2560x48xf32, #tpu.memory_space<hbm>>
      tpu.wait_dma2 semaphore(%run_scoped3A : memref<!tpu.dma_semaphore, #tpu.memory_space<semaphore_mem>>) src(%arg6 : memref<2560x48xf32, #tpu.memory_space<vmem>>) dst(%dma_wait3A_17 : memref<2560x48xf32, #tpu.memory_space<hbm>>)
      tpu.yield
    }) : () -> ()
    return
  }
}

#map = affine_map<(d0, d1) -> (0, 0)>
#map1 = affine_map<(d0, d1) -> (0, 0, 0)>
module attributes {stable_mosaic.version = 14 : i64} {
  func.func @_sc_scatter(%arg0: i32, %arg1: i32, %arg2: memref<81920x128xf32, #tpu.memory_space<hbm>>, %arg3: memref<32x20x128xi32, #tpu.memory_space<hbm>>, %arg4: memref<10240x32xf32, #tpu.memory_space<hbm>>, %arg5: memref<2x10240x32xf32, #tpu.memory_space<hbm>>, %arg6: memref<20x128xi32, #tpu.memory_space<vmem>>, %arg7: memref<2560x32xf32, #tpu.memory_space<vmem>>, %arg8: memref<10240x32xf32, #tpu.memory_space<vmem_shared>>, %arg9: memref<!tpu.dma_semaphore, #tpu.memory_space<semaphore_mem>>) attributes {dimension_semantics = [#tpu.dimension_semantics<core_parallel>, #tpu.dimension_semantics<subcore_parallel>], iteration_bounds = array<i64: 2, 16>, scalar_prefetch = 0 : i64, scratch_operands = 4 : i64, tpu.core_type = #tpu.core_type<sc_vector_subcore>, window_params = [{transform_indices = #map}, {transform_indices = #map1}, {transform_indices = #map}, {transform_indices = #map1}]} {
    %mul3A = arith.constant 2 : i32
    %mul3A_0 = arith.muli %arg1, %mul3A : i32
    %add3A = arith.addi %mul3A_0, %arg0 : i32
    %mul3A_1 = arith.constant 640 : i32
    %mul3A_2 = arith.muli %arg1, %mul3A_1 : i32
    %mul3A_3 = arith.constant 640 : i32
    %mul3A_4 = arith.muli %arg1, %mul3A_3 : i32
    "tpu.region"() ({
      %run_scoped3A = tpu.sem_alloc : memref<!tpu.dma_semaphore, #tpu.memory_space<semaphore_mem>>
      %dma_start3A = arith.constant 0 : i32
      %dma_start3A_16 = tpu.memref_slice %arg8[%mul3A_4, %dma_start3A] : memref<10240x32xf32, #tpu.memory_space<vmem_shared>> -> memref<640x32xf32, #tpu.memory_space<vmem_shared>>
      %dma_start3A_17 = arith.constant 0 : i32
      %dma_start3A_18 = tpu.memref_slice %arg4[%mul3A_2, %dma_start3A_17] : memref<10240x32xf32, #tpu.memory_space<hbm>> -> memref<640x32xf32, #tpu.memory_space<hbm>>
      tpu.enqueue_dma source(%dma_start3A_18 : memref<640x32xf32, #tpu.memory_space<hbm>>) target(%dma_start3A_16 : memref<640x32xf32, #tpu.memory_space<vmem_shared>>) target_semaphore(%run_scoped3A : memref<!tpu.dma_semaphore, #tpu.memory_space<semaphore_mem>>)
      %dma_wait3A = arith.constant 0 : i32
      %dma_wait3A_19 = tpu.memref_slice %arg8[%mul3A_4, %dma_wait3A] : memref<10240x32xf32, #tpu.memory_space<vmem_shared>> -> memref<640x32xf32, #tpu.memory_space<vmem_shared>>
      %dma_wait3A_20 = arith.constant 0 : i32
      %dma_wait3A_21 = tpu.memref_slice %arg4[%mul3A_2, %dma_wait3A_20] : memref<10240x32xf32, #tpu.memory_space<hbm>> -> memref<640x32xf32, #tpu.memory_space<hbm>>
      tpu.wait_dma2 semaphore(%run_scoped3A : memref<!tpu.dma_semaphore, #tpu.memory_space<semaphore_mem>>) src(%dma_wait3A_21 : memref<640x32xf32, #tpu.memory_space<hbm>>) dst(%dma_wait3A_19 : memref<640x32xf32, #tpu.memory_space<vmem_shared>>)
      tpu.yield
    }) : () -> ()
    "tpu.region"() ({
      %run_scoped3A = tpu.sem_alloc : memref<!tpu.dma_semaphore, #tpu.memory_space<semaphore_mem>>
      %dma_start3A = arith.constant 0 : i32
      %dma_start3A_16 = arith.constant 0 : i32
      %dma_start3A_17 = tpu.memref_slice %arg3[%add3A, %dma_start3A, %dma_start3A_16] : memref<32x20x128xi32, #tpu.memory_space<hbm>> -> memref<1x20x128xi32, #tpu.memory_space<hbm>>
      %dma_start3A_18 = tpu.memref_squeeze %dma_start3A_17 : memref<1x20x128xi32, #tpu.memory_space<hbm>> -> memref<20x128xi32, #tpu.memory_space<hbm>>
      %dma_start3A_19 = arith.constant 0 : i32
      %dma_start3A_20 = arith.constant 0 : i32
      %dma_start3A_21 = tpu.memref_slice %arg3[%add3A, %dma_start3A_19, %dma_start3A_20] : memref<32x20x128xi32, #tpu.memory_space<hbm>> -> memref<1x20x128xi32, #tpu.memory_space<hbm>>
      %dma_start3A_22 = tpu.memref_squeeze %dma_start3A_21 : memref<1x20x128xi32, #tpu.memory_space<hbm>> -> memref<20x128xi32, #tpu.memory_space<hbm>>
      tpu.enqueue_dma source(%dma_start3A_22 : memref<20x128xi32, #tpu.memory_space<hbm>>) target(%arg6 : memref<20x128xi32, #tpu.memory_space<vmem>>) target_semaphore(%run_scoped3A : memref<!tpu.dma_semaphore, #tpu.memory_space<semaphore_mem>>)
      %dma_wait3A = arith.constant 0 : i32
      %dma_wait3A_23 = arith.constant 0 : i32
      %dma_wait3A_24 = tpu.memref_slice %arg3[%add3A, %dma_wait3A, %dma_wait3A_23] : memref<32x20x128xi32, #tpu.memory_space<hbm>> -> memref<1x20x128xi32, #tpu.memory_space<hbm>>
      %dma_wait3A_25 = tpu.memref_squeeze %dma_wait3A_24 : memref<1x20x128xi32, #tpu.memory_space<hbm>> -> memref<20x128xi32, #tpu.memory_space<hbm>>
      %dma_wait3A_26 = arith.constant 0 : i32
      %dma_wait3A_27 = arith.constant 0 : i32
      %dma_wait3A_28 = tpu.memref_slice %arg3[%add3A, %dma_wait3A_26, %dma_wait3A_27] : memref<32x20x128xi32, #tpu.memory_space<hbm>> -> memref<1x20x128xi32, #tpu.memory_space<hbm>>
      %dma_wait3A_29 = tpu.memref_squeeze %dma_wait3A_28 : memref<1x20x128xi32, #tpu.memory_space<hbm>> -> memref<20x128xi32, #tpu.memory_space<hbm>>
      tpu.wait_dma2 semaphore(%run_scoped3A : memref<!tpu.dma_semaphore, #tpu.memory_space<semaphore_mem>>) src(%dma_wait3A_29 : memref<20x128xi32, #tpu.memory_space<hbm>>) dst(%arg6 : memref<20x128xi32, #tpu.memory_space<vmem>>)
      tpu.yield
    }) : () -> ()
    %mul3A_5 = arith.constant 2560 : i32
    %mul3A_6 = arith.muli %add3A, %mul3A_5 : i32
    "tpu.region"() ({
      %run_scoped3A = tpu.sem_alloc : memref<!tpu.dma_semaphore, #tpu.memory_space<semaphore_mem>>
      %dma_start3A = arith.constant 0 : i32
      %dma_start3A_16 = tpu.memref_slice %arg2[%mul3A_6, %dma_start3A] : memref<81920x128xf32, #tpu.memory_space<hbm>> -> memref<2560x32xf32, #tpu.memory_space<hbm>>
      %dma_start3A_17 = arith.constant 0 : i32
      %dma_start3A_18 = tpu.memref_slice %arg2[%mul3A_6, %dma_start3A_17] : memref<81920x128xf32, #tpu.memory_space<hbm>> -> memref<2560x32xf32, #tpu.memory_space<hbm>>
      tpu.enqueue_dma source(%dma_start3A_18 : memref<2560x32xf32, #tpu.memory_space<hbm>>) target(%arg7 : memref<2560x32xf32, #tpu.memory_space<vmem>>) target_semaphore(%run_scoped3A : memref<!tpu.dma_semaphore, #tpu.memory_space<semaphore_mem>>)
      %dma_wait3A = arith.constant 0 : i32
      %dma_wait3A_19 = tpu.memref_slice %arg2[%mul3A_6, %dma_wait3A] : memref<81920x128xf32, #tpu.memory_space<hbm>> -> memref<2560x32xf32, #tpu.memory_space<hbm>>
      %dma_wait3A_20 = arith.constant 0 : i32
      %dma_wait3A_21 = tpu.memref_slice %arg2[%mul3A_6, %dma_wait3A_20] : memref<81920x128xf32, #tpu.memory_space<hbm>> -> memref<2560x32xf32, #tpu.memory_space<hbm>>
      tpu.wait_dma2 semaphore(%run_scoped3A : memref<!tpu.dma_semaphore, #tpu.memory_space<semaphore_mem>>) src(%dma_wait3A_21 : memref<2560x32xf32, #tpu.memory_space<hbm>>) dst(%arg7 : memref<2560x32xf32, #tpu.memory_space<vmem>>)
      tpu.yield
    }) : () -> ()
    %barrier3A = arith.constant 0 : index
    tpu.barrier barrier_id(%barrier3A)
    %scan3A = arith.constant 0 : i32
    %scan3A_7 = arith.constant 20 : i32
    %scan3A_8 = arith.addi %scan3A, %scan3A_7 : i32
    %scan3A_9 = arith.constant 1 : i32
    scf.for %scan3A_16 = %scan3A to %scan3A_8 step %scan3A_9  : i32 {
      %mul3A_17 = arith.constant 1 : i32
      %mul3A_18 = arith.muli %scan3A_16, %mul3A_17 : i32
      %add3A_19 = arith.constant 0 : i32
      %add3A_20 = arith.addi %add3A_19, %mul3A_18 : i32
      %mul3A_21 = arith.constant 128 : i32
      %mul3A_22 = arith.muli %add3A_20, %mul3A_21 : i32
      "tpu.region"() ({
        %run_scoped3A = tpu.sem_alloc : memref<!tpu.dma_semaphore, #tpu.memory_space<semaphore_mem>>
        %dma_start3A = arith.constant 0 : i32
        %dma_start3A_23 = tpu.memref_slice %arg7[%mul3A_22, %dma_start3A] : memref<2560x32xf32, #tpu.memory_space<vmem>> -> memref<128x32xf32, #tpu.memory_space<vmem>>
        %dma_start3A_24 = arith.constant 0 : i32
        %dma_start3A_25 = tpu.memref_slice %arg6[%add3A_20, %dma_start3A_24] : memref<20x128xi32, #tpu.memory_space<vmem>> -> memref<1x128xi32, #tpu.memory_space<vmem>>
        %dma_start3A_26 = tpu.memref_squeeze %dma_start3A_25 : memref<1x128xi32, #tpu.memory_space<vmem>> -> memref<128xi32, #tpu.memory_space<vmem>>
        %dma_start3A_27 = arith.constant 0 : i32
        %dma_start3A_28 = arith.constant 0 : i32
        %dma_start3A_29 = tpu.memref_slice %arg8[%dma_start3A_27, %dma_start3A_28] : memref<10240x32xf32, #tpu.memory_space<vmem_shared>> -> memref<10240x32xf32, #tpu.memory_space<vmem_shared>>
        tpu.enqueue_indirect_dma source(%dma_start3A_23 : memref<128x32xf32, #tpu.memory_space<vmem>>) target(%dma_start3A_29 : memref<10240x32xf32, #tpu.memory_space<vmem_shared>>) offsets(%dma_start3A_26 : memref<128xi32, #tpu.memory_space<vmem>>) semaphore(%run_scoped3A : memref<!tpu.dma_semaphore, #tpu.memory_space<semaphore_mem>>) {add = true}
        %dma_wait3A = arith.constant 0 : i32
        %dma_wait3A_30 = tpu.memref_slice %arg7[%mul3A_22, %dma_wait3A] : memref<2560x32xf32, #tpu.memory_space<vmem>> -> memref<128x32xf32, #tpu.memory_space<vmem>>
        %dma_wait3A_31 = arith.constant 0 : i32
        %dma_wait3A_32 = tpu.memref_slice %arg6[%add3A_20, %dma_wait3A_31] : memref<20x128xi32, #tpu.memory_space<vmem>> -> memref<1x128xi32, #tpu.memory_space<vmem>>
        %dma_wait3A_33 = tpu.memref_squeeze %dma_wait3A_32 : memref<1x128xi32, #tpu.memory_space<vmem>> -> memref<128xi32, #tpu.memory_space<vmem>>
        %dma_wait3A_34 = arith.constant 0 : i32
        %dma_wait3A_35 = arith.constant 0 : i32
        %dma_wait3A_36 = tpu.memref_slice %arg8[%dma_wait3A_34, %dma_wait3A_35] : memref<10240x32xf32, #tpu.memory_space<vmem_shared>> -> memref<10240x32xf32, #tpu.memory_space<vmem_shared>>
        tpu.wait_indirect_dma semaphore(%run_scoped3A : memref<!tpu.dma_semaphore, #tpu.memory_space<semaphore_mem>>) src(%dma_wait3A_30 : memref<128x32xf32, #tpu.memory_space<vmem>>) dst(%dma_wait3A_36 : memref<10240x32xf32, #tpu.memory_space<vmem_shared>>)
        tpu.yield
      }) : () -> ()
    }
    %scan3A_10 = arith.constant 20 : i32
    %barrier3A_11 = arith.constant 0 : index
    tpu.barrier barrier_id(%barrier3A_11)
    %mul3A_12 = arith.constant 640 : i32
    %mul3A_13 = arith.muli %arg1, %mul3A_12 : i32
    %mul3A_14 = arith.constant 640 : i32
    %mul3A_15 = arith.muli %arg1, %mul3A_14 : i32
    "tpu.region"() ({
      %run_scoped3A = tpu.sem_alloc : memref<!tpu.dma_semaphore, #tpu.memory_space<semaphore_mem>>
      %dma_start3A = arith.constant 0 : i32
      %dma_start3A_16 = arith.constant 0 : i32
      %dma_start3A_17 = tpu.memref_slice %arg5[%arg0, %dma_start3A, %dma_start3A_16] : memref<2x10240x32xf32, #tpu.memory_space<hbm>> -> memref<1x10240x32xf32, #tpu.memory_space<hbm>>
      %dma_start3A_18 = tpu.memref_squeeze %dma_start3A_17 : memref<1x10240x32xf32, #tpu.memory_space<hbm>> -> memref<10240x32xf32, #tpu.memory_space<hbm>>
      %dma_start3A_19 = arith.constant 0 : i32
      %dma_start3A_20 = tpu.memref_slice %dma_start3A_18[%mul3A_15, %dma_start3A_19] : memref<10240x32xf32, #tpu.memory_space<hbm>> -> memref<640x32xf32, #tpu.memory_space<hbm>>
      %dma_start3A_21 = arith.constant 0 : i32
      %dma_start3A_22 = tpu.memref_slice %arg8[%mul3A_13, %dma_start3A_21] : memref<10240x32xf32, #tpu.memory_space<vmem_shared>> -> memref<640x32xf32, #tpu.memory_space<vmem_shared>>
      tpu.enqueue_dma source(%dma_start3A_22 : memref<640x32xf32, #tpu.memory_space<vmem_shared>>) target(%dma_start3A_20 : memref<640x32xf32, #tpu.memory_space<hbm>>) target_semaphore(%run_scoped3A : memref<!tpu.dma_semaphore, #tpu.memory_space<semaphore_mem>>)
      %dma_wait3A = arith.constant 0 : i32
      %dma_wait3A_23 = arith.constant 0 : i32
      %dma_wait3A_24 = tpu.memref_slice %arg5[%arg0, %dma_wait3A, %dma_wait3A_23] : memref<2x10240x32xf32, #tpu.memory_space<hbm>> -> memref<1x10240x32xf32, #tpu.memory_space<hbm>>
      %dma_wait3A_25 = tpu.memref_squeeze %dma_wait3A_24 : memref<1x10240x32xf32, #tpu.memory_space<hbm>> -> memref<10240x32xf32, #tpu.memory_space<hbm>>
      %dma_wait3A_26 = arith.constant 0 : i32
      %dma_wait3A_27 = tpu.memref_slice %dma_wait3A_25[%mul3A_15, %dma_wait3A_26] : memref<10240x32xf32, #tpu.memory_space<hbm>> -> memref<640x32xf32, #tpu.memory_space<hbm>>
      %dma_wait3A_28 = arith.constant 0 : i32
      %dma_wait3A_29 = tpu.memref_slice %arg8[%mul3A_13, %dma_wait3A_28] : memref<10240x32xf32, #tpu.memory_space<vmem_shared>> -> memref<640x32xf32, #tpu.memory_space<vmem_shared>>
      tpu.wait_dma2 semaphore(%run_scoped3A : memref<!tpu.dma_semaphore, #tpu.memory_space<semaphore_mem>>) src(%dma_wait3A_29 : memref<640x32xf32, #tpu.memory_space<vmem_shared>>) dst(%dma_wait3A_27 : memref<640x32xf32, #tpu.memory_space<hbm>>)
      tpu.yield
    }) : () -> ()
    return
  }
}

module attributes {stable_mosaic.version = 14 : i64} {
  func.func @_mm_body(%arg0: memref<10240x32xf32, #tpu.memory_space<vmem>>, %arg1: memref<32x48xf32, #tpu.memory_space<vmem>>, %arg2: memref<10240x48xf32, #tpu.memory_space<vmem>>) attributes {dimension_semantics = [], scalar_prefetch = 0 : i64, scratch_operands = 0 : i64, tpu.core_type = #tpu.core_type<tc>} {
    %get3A = arith.constant 0 : index
    %get3A_0 = arith.constant 0 : index
    %get3A_1 = vector.load %arg0[%get3A, %get3A_0] : memref<10240x32xf32, #tpu.memory_space<vmem>>, vector<10240x32xf32>
    %get3A_2 = arith.constant 0 : index
    %get3A_3 = arith.constant 0 : index
    %get3A_4 = vector.load %arg1[%get3A_2, %get3A_3] : memref<32x48xf32, #tpu.memory_space<vmem>>, vector<32x48xf32>
    %dot_general3A = arith.constant dense<0.000000e+00> : vector<10240x48xf32>
    %dot_general3A_5 = tpu.matmul %get3A_1, %get3A_4, %dot_general3A {dimension_numbers = #tpu.dot_dimension_numbers<[1], [0], [0], [1], [0, 0, 1, 1], [], []>, precision = #tpu.contract_precision<fp32>, transpose_lhs_hint = false} : vector<10240x32xf32>, vector<32x48xf32>, vector<10240x48xf32> -> vector<10240x48xf32>
    %swap3A = arith.constant 0 : index
    %swap3A_6 = arith.constant 0 : index
    %swap3A_7 = vector.load %arg2[%swap3A, %swap3A_6] : memref<10240x48xf32, #tpu.memory_space<vmem>>, vector<10240x48xf32>
    tpu.vector_store %arg2[%swap3A, %swap3A_6], %dot_general3A_5 {strides = array<i32>} : memref<10240x48xf32, #tpu.memory_space<vmem>>, vector<10240x48xf32>,
    return
  }
}

module attributes {stable_mosaic.version = 14 : i64} {
  func.func @_feat_body(%arg0: memref<6x640x128xf32, #tpu.memory_space<vmem>>, %arg1: memref<640x128xf32, #tpu.memory_space<vmem>>, %arg2: memref<640x128xf32, #tpu.memory_space<vmem>>, %arg3: memref<640x128xf32, #tpu.memory_space<vmem>>) attributes {dimension_semantics = [], scalar_prefetch = 0 : i64, scratch_operands = 0 : i64, tpu.core_type = #tpu.core_type<tc>} {
    %get3A = arith.constant 3 : index
    %get3A_0 = arith.constant 0 : index
    %get3A_1 = arith.constant 0 : index
    %get3A_2 = vector.load %arg0[%get3A, %get3A_0, %get3A_1] : memref<6x640x128xf32, #tpu.memory_space<vmem>>, vector<1x640x128xf32>
    %get3A_3 = vector.shape_cast %get3A_2 : vector<1x640x128xf32> to vector<640x128xf32>
    %get3A_4 = arith.constant 0 : index
    %get3A_5 = arith.constant 0 : index
    %get3A_6 = arith.constant 0 : index
    %get3A_7 = vector.load %arg0[%get3A_4, %get3A_5, %get3A_6] : memref<6x640x128xf32, #tpu.memory_space<vmem>>, vector<1x640x128xf32>
    %get3A_8 = vector.shape_cast %get3A_7 : vector<1x640x128xf32> to vector<640x128xf32>
    %sub3A = arith.subf %get3A_3, %get3A_8 : vector<640x128xf32>
    %get3A_9 = arith.constant 4 : index
    %get3A_10 = arith.constant 0 : index
    %get3A_11 = arith.constant 0 : index
    %get3A_12 = vector.load %arg0[%get3A_9, %get3A_10, %get3A_11] : memref<6x640x128xf32, #tpu.memory_space<vmem>>, vector<1x640x128xf32>
    %get3A_13 = vector.shape_cast %get3A_12 : vector<1x640x128xf32> to vector<640x128xf32>
    %get3A_14 = arith.constant 1 : index
    %get3A_15 = arith.constant 0 : index
    %get3A_16 = arith.constant 0 : index
    %get3A_17 = vector.load %arg0[%get3A_14, %get3A_15, %get3A_16] : memref<6x640x128xf32, #tpu.memory_space<vmem>>, vector<1x640x128xf32>
    %get3A_18 = vector.shape_cast %get3A_17 : vector<1x640x128xf32> to vector<640x128xf32>
    %sub3A_19 = arith.subf %get3A_13, %get3A_18 : vector<640x128xf32>
    %get3A_20 = arith.constant 5 : index
    %get3A_21 = arith.constant 0 : index
    %get3A_22 = arith.constant 0 : index
    %get3A_23 = vector.load %arg0[%get3A_20, %get3A_21, %get3A_22] : memref<6x640x128xf32, #tpu.memory_space<vmem>>, vector<1x640x128xf32>
    %get3A_24 = vector.shape_cast %get3A_23 : vector<1x640x128xf32> to vector<640x128xf32>
    %get3A_25 = arith.constant 2 : index
    %get3A_26 = arith.constant 0 : index
    %get3A_27 = arith.constant 0 : index
    %get3A_28 = vector.load %arg0[%get3A_25, %get3A_26, %get3A_27] : memref<6x640x128xf32, #tpu.memory_space<vmem>>, vector<1x640x128xf32>
    %get3A_29 = vector.shape_cast %get3A_28 : vector<1x640x128xf32> to vector<640x128xf32>
    %sub3A_30 = arith.subf %get3A_24, %get3A_29 : vector<640x128xf32>
    %mul3A = arith.mulf %sub3A, %sub3A : vector<640x128xf32>
    %mul3A_31 = arith.mulf %sub3A_19, %sub3A_19 : vector<640x128xf32>
    %add3A = arith.addf %mul3A, %mul3A_31 : vector<640x128xf32>
    %mul3A_32 = arith.mulf %sub3A_30, %sub3A_30 : vector<640x128xf32>
    %add3A_33 = arith.addf %add3A, %mul3A_32 : vector<640x128xf32>
    %sqrt3A = math.sqrt %add3A_33 : vector<640x128xf32>
    %abs3A = math.absf %sub3A : vector<640x128xf32>
    %abs3A_34 = math.absf %sub3A_19 : vector<640x128xf32>
    %gt3A = arith.constant 0.000000e+00 : f32
    %gt3A_35 = vector.broadcast %gt3A : f32 to vector<640x128xf32>
    %gt3A_36 = arith.cmpf ogt, %abs3A, %gt3A_35 : vector<640x128xf32>
    %jit3A = arith.constant 1.000000e+00 : f32
    %broadcast_in_dim3A = vector.broadcast %jit3A : f32 to vector<640x128xf32>
    %select_n3A = arith.select %gt3A_36, %abs3A, %broadcast_in_dim3A : vector<640x128xi1>, vector<640x128xf32>
    %div3A = arith.divf %abs3A_34, %select_n3A : vector<640x128xf32>
    %sign3A = tpu.bitcast %div3A : vector<640x128xf32> -> vector<640x128xi32>
    %sign3A_37 = arith.constant -2147483648 : i32
    %sign3A_38 = vector.broadcast %sign3A_37 : i32 to vector<640x128xi32>
    %sign3A_39 = arith.andi %sign3A, %sign3A_38 : vector<640x128xi32>
    %sign3A_40 = arith.constant 1065353216 : i32
    %sign3A_41 = vector.broadcast %sign3A_40 : i32 to vector<640x128xi32>
    %sign3A_42 = arith.ori %sign3A_41, %sign3A_39 : vector<640x128xi32>
    %sign3A_43 = tpu.bitcast %sign3A_42 : vector<640x128xi32> -> vector<640x128xf32>
    %sign3A_44 = math.absf %div3A : vector<640x128xf32>
    %sign3A_45 = arith.constant 0.000000e+00 : f32
    %sign3A_46 = vector.broadcast %sign3A_45 : f32 to vector<640x128xf32>
    %sign3A_47 = arith.cmpf ogt, %sign3A_44, %sign3A_46 : vector<640x128xf32>
    %sign3A_48 = arith.select %sign3A_47, %sign3A_43, %div3A : vector<640x128xi1>, vector<640x128xf32>
    %abs3A_49 = math.absf %div3A : vector<640x128xf32>
    %gt3A_50 = arith.constant 1.000000e+00 : f32
    %gt3A_51 = vector.broadcast %gt3A_50 : f32 to vector<640x128xf32>
    %gt3A_52 = arith.cmpf ogt, %abs3A_49, %gt3A_51 : vector<640x128xf32>
    %max3A = arith.constant 1.000000e-30 : f32
    %max3A_53 = vector.broadcast %max3A : f32 to vector<640x128xf32>
    %max3A_54 = arith.maximumf %abs3A_49, %max3A_53 : vector<640x128xf32>
    %div3A_55 = arith.constant 1.000000e+00 : f32
    %div3A_56 = vector.broadcast %div3A_55 : f32 to vector<640x128xf32>
    %div3A_57 = arith.divf %div3A_56, %max3A_54 : vector<640x128xf32>
    %select_n3A_58 = arith.select %gt3A_52, %div3A_57, %abs3A_49 : vector<640x128xi1>, vector<640x128xf32>
    %gt3A_59 = arith.constant 0.414213568 : f32
    %gt3A_60 = vector.broadcast %gt3A_59 : f32 to vector<640x128xf32>
    %gt3A_61 = arith.cmpf ogt, %select_n3A_58, %gt3A_60 : vector<640x128xf32>
    %sub3A_62 = arith.constant 1.000000e+00 : f32
    %sub3A_63 = vector.broadcast %sub3A_62 : f32 to vector<640x128xf32>
    %sub3A_64 = arith.subf %select_n3A_58, %sub3A_63 : vector<640x128xf32>
    %add3A_65 = arith.constant 1.000000e+00 : f32
    %add3A_66 = vector.broadcast %add3A_65 : f32 to vector<640x128xf32>
    %add3A_67 = arith.addf %select_n3A_58, %add3A_66 : vector<640x128xf32>
    %div3A_68 = arith.divf %sub3A_64, %add3A_67 : vector<640x128xf32>
    %select_n3A_69 = arith.select %gt3A_61, %div3A_68, %select_n3A_58 : vector<640x128xi1>, vector<640x128xf32>
    %mul3A_70 = arith.mulf %select_n3A_69, %select_n3A_69 : vector<640x128xf32>
    %mul3A_71 = arith.constant 0.0805374458 : f32
    %mul3A_72 = vector.broadcast %mul3A_71 : f32 to vector<640x128xf32>
    %mul3A_73 = arith.mulf %mul3A_72, %mul3A_70 : vector<640x128xf32>
    %sub3A_74 = arith.constant 0.138776854 : f32
    %sub3A_75 = vector.broadcast %sub3A_74 : f32 to vector<640x128xf32>
    %sub3A_76 = arith.subf %mul3A_73, %sub3A_75 : vector<640x128xf32>
    %mul3A_77 = arith.mulf %sub3A_76, %mul3A_70 : vector<640x128xf32>
    %add3A_78 = arith.constant 0.199777111 : f32
    %add3A_79 = vector.broadcast %add3A_78 : f32 to vector<640x128xf32>
    %add3A_80 = arith.addf %mul3A_77, %add3A_79 : vector<640x128xf32>
    %mul3A_81 = arith.mulf %add3A_80, %mul3A_70 : vector<640x128xf32>
    %sub3A_82 = arith.constant 0.333329499 : f32
    %sub3A_83 = vector.broadcast %sub3A_82 : f32 to vector<640x128xf32>
    %sub3A_84 = arith.subf %mul3A_81, %sub3A_83 : vector<640x128xf32>
    %mul3A_85 = arith.mulf %sub3A_84, %mul3A_70 : vector<640x128xf32>
    %mul3A_86 = arith.mulf %mul3A_85, %select_n3A_69 : vector<640x128xf32>
    %add3A_87 = arith.addf %mul3A_86, %select_n3A_69 : vector<640x128xf32>
    %add3A_88 = arith.constant 0.785398185 : f32
    %add3A_89 = vector.broadcast %add3A_88 : f32 to vector<640x128xf32>
    %add3A_90 = arith.addf %add3A_87, %add3A_89 : vector<640x128xf32>
    %select_n3A_91 = arith.select %gt3A_61, %add3A_90, %add3A_87 : vector<640x128xi1>, vector<640x128xf32>
    %sub3A_92 = arith.constant 1.57079637 : f32
    %sub3A_93 = vector.broadcast %sub3A_92 : f32 to vector<640x128xf32>
    %sub3A_94 = arith.subf %sub3A_93, %select_n3A_91 : vector<640x128xf32>
    %select_n3A_95 = arith.select %gt3A_52, %sub3A_94, %select_n3A_91 : vector<640x128xi1>, vector<640x128xf32>
    %mul3A_96 = arith.mulf %sign3A_48, %select_n3A_95 : vector<640x128xf32>
    %lt3A = arith.constant 0.000000e+00 : f32
    %lt3A_97 = vector.broadcast %lt3A : f32 to vector<640x128xf32>
    %lt3A_98 = arith.cmpf olt, %sub3A, %lt3A_97 : vector<640x128xf32>
    %sub3A_99 = arith.constant 3.14159274 : f32
    %sub3A_100 = vector.broadcast %sub3A_99 : f32 to vector<640x128xf32>
    %sub3A_101 = arith.subf %sub3A_100, %mul3A_96 : vector<640x128xf32>
    %select_n3A_102 = arith.select %lt3A_98, %sub3A_101, %mul3A_96 : vector<640x128xi1>, vector<640x128xf32>
    %max3A_103 = arith.maximumf %abs3A, %abs3A_34 : vector<640x128xf32>
    %eq3A = arith.constant 0.000000e+00 : f32
    %eq3A_104 = vector.broadcast %eq3A : f32 to vector<640x128xf32>
    %eq3A_105 = arith.cmpf oeq, %max3A_103, %eq3A_104 : vector<640x128xf32>
    %jit3A_106 = arith.constant 0.000000e+00 : f32
    %broadcast_in_dim3A_107 = vector.broadcast %jit3A_106 : f32 to vector<640x128xf32>
    %select_n3A_108 = arith.select %eq3A_105, %broadcast_in_dim3A_107, %select_n3A_102 : vector<640x128xi1>, vector<640x128xf32>
    %lt3A_109 = arith.constant 0.000000e+00 : f32
    %lt3A_110 = vector.broadcast %lt3A_109 : f32 to vector<640x128xf32>
    %lt3A_111 = arith.cmpf olt, %sub3A_19, %lt3A_110 : vector<640x128xf32>
    %neg3A = arith.constant 0.000000e+00 : f32
    %neg3A_112 = vector.broadcast %neg3A : f32 to vector<640x128xf32>
    %neg3A_113 = arith.subf %neg3A_112, %select_n3A_108 : vector<640x128xf32>
    %select_n3A_114 = arith.select %lt3A_111, %neg3A_113, %select_n3A_108 : vector<640x128xi1>, vector<640x128xf32>
    %gt3A_115 = arith.constant 0.000000e+00 : f32
    %gt3A_116 = vector.broadcast %gt3A_115 : f32 to vector<640x128xf32>
    %gt3A_117 = arith.cmpf ogt, %sqrt3A, %gt3A_116 : vector<640x128xf32>
    %jit3A_118 = arith.constant 1.000000e+00 : f32
    %broadcast_in_dim3A_119 = vector.broadcast %jit3A_118 : f32 to vector<640x128xf32>
    %select_n3A_120 = arith.select %gt3A_117, %sqrt3A, %broadcast_in_dim3A_119 : vector<640x128xi1>, vector<640x128xf32>
    %div3A_121 = arith.divf %sub3A_30, %select_n3A_120 : vector<640x128xf32>
    %jit3A_122 = arith.constant -1.000000e+00 : f32
    %jit3A_123 = arith.constant 1.000000e+00 : f32
    %max3A_124 = vector.broadcast %jit3A_122 : f32 to vector<640x128xf32>
    %max3A_125 = arith.maximumf %max3A_124, %div3A_121 : vector<640x128xf32>
    %min3A = vector.broadcast %jit3A_123 : f32 to vector<640x128xf32>
    %min3A_126 = arith.minimumf %min3A, %max3A_125 : vector<640x128xf32>
    %mul3A_127 = arith.mulf %min3A_126, %min3A_126 : vector<640x128xf32>
    %sub3A_128 = arith.constant 1.000000e+00 : f32
    %sub3A_129 = vector.broadcast %sub3A_128 : f32 to vector<640x128xf32>
    %sub3A_130 = arith.subf %sub3A_129, %mul3A_127 : vector<640x128xf32>
    %max3A_131 = arith.constant 0.000000e+00 : f32
    %max3A_132 = vector.broadcast %max3A_131 : f32 to vector<640x128xf32>
    %max3A_133 = arith.maximumf %sub3A_130, %max3A_132 : vector<640x128xf32>
    %sqrt3A_134 = math.sqrt %max3A_133 : vector<640x128xf32>
    %abs3A_135 = math.absf %sqrt3A_134 : vector<640x128xf32>
    %abs3A_136 = math.absf %min3A_126 : vector<640x128xf32>
    %gt3A_137 = arith.constant 0.000000e+00 : f32
    %gt3A_138 = vector.broadcast %gt3A_137 : f32 to vector<640x128xf32>
    %gt3A_139 = arith.cmpf ogt, %abs3A_135, %gt3A_138 : vector<640x128xf32>
    %jit3A_140 = arith.constant 1.000000e+00 : f32
    %broadcast_in_dim3A_141 = vector.broadcast %jit3A_140 : f32 to vector<640x128xf32>
    %select_n3A_142 = arith.select %gt3A_139, %abs3A_135, %broadcast_in_dim3A_141 : vector<640x128xi1>, vector<640x128xf32>
    %div3A_143 = arith.divf %abs3A_136, %select_n3A_142 : vector<640x128xf32>
    %sign3A_144 = tpu.bitcast %div3A_143 : vector<640x128xf32> -> vector<640x128xi32>
    %sign3A_145 = arith.constant -2147483648 : i32
    %sign3A_146 = vector.broadcast %sign3A_145 : i32 to vector<640x128xi32>
    %sign3A_147 = arith.andi %sign3A_144, %sign3A_146 : vector<640x128xi32>
    %sign3A_148 = arith.constant 1065353216 : i32
    %sign3A_149 = vector.broadcast %sign3A_148 : i32 to vector<640x128xi32>
    %sign3A_150 = arith.ori %sign3A_149, %sign3A_147 : vector<640x128xi32>
    %sign3A_151 = tpu.bitcast %sign3A_150 : vector<640x128xi32> -> vector<640x128xf32>
    %sign3A_152 = math.absf %div3A_143 : vector<640x128xf32>
    %sign3A_153 = arith.constant 0.000000e+00 : f32
    %sign3A_154 = vector.broadcast %sign3A_153 : f32 to vector<640x128xf32>
    %sign3A_155 = arith.cmpf ogt, %sign3A_152, %sign3A_154 : vector<640x128xf32>
    %sign3A_156 = arith.select %sign3A_155, %sign3A_151, %div3A_143 : vector<640x128xi1>, vector<640x128xf32>
    %abs3A_157 = math.absf %div3A_143 : vector<640x128xf32>
    %gt3A_158 = arith.constant 1.000000e+00 : f32
    %gt3A_159 = vector.broadcast %gt3A_158 : f32 to vector<640x128xf32>
    %gt3A_160 = arith.cmpf ogt, %abs3A_157, %gt3A_159 : vector<640x128xf32>
    %max3A_161 = arith.constant 1.000000e-30 : f32
    %max3A_162 = vector.broadcast %max3A_161 : f32 to vector<640x128xf32>
    %max3A_163 = arith.maximumf %abs3A_157, %max3A_162 : vector<640x128xf32>
    %div3A_164 = arith.constant 1.000000e+00 : f32
    %div3A_165 = vector.broadcast %div3A_164 : f32 to vector<640x128xf32>
    %div3A_166 = arith.divf %div3A_165, %max3A_163 : vector<640x128xf32>
    %select_n3A_167 = arith.select %gt3A_160, %div3A_166, %abs3A_157 : vector<640x128xi1>, vector<640x128xf32>
    %gt3A_168 = arith.constant 0.414213568 : f32
    %gt3A_169 = vector.broadcast %gt3A_168 : f32 to vector<640x128xf32>
    %gt3A_170 = arith.cmpf ogt, %select_n3A_167, %gt3A_169 : vector<640x128xf32>
    %sub3A_171 = arith.constant 1.000000e+00 : f32
    %sub3A_172 = vector.broadcast %sub3A_171 : f32 to vector<640x128xf32>
    %sub3A_173 = arith.subf %select_n3A_167, %sub3A_172 : vector<640x128xf32>
    %add3A_174 = arith.constant 1.000000e+00 : f32
    %add3A_175 = vector.broadcast %add3A_174 : f32 to vector<640x128xf32>
    %add3A_176 = arith.addf %select_n3A_167, %add3A_175 : vector<640x128xf32>
    %div3A_177 = arith.divf %sub3A_173, %add3A_176 : vector<640x128xf32>
    %select_n3A_178 = arith.select %gt3A_170, %div3A_177, %select_n3A_167 : vector<640x128xi1>, vector<640x128xf32>
    %mul3A_179 = arith.mulf %select_n3A_178, %select_n3A_178 : vector<640x128xf32>
    %mul3A_180 = arith.constant 0.0805374458 : f32
    %mul3A_181 = vector.broadcast %mul3A_180 : f32 to vector<640x128xf32>
    %mul3A_182 = arith.mulf %mul3A_181, %mul3A_179 : vector<640x128xf32>
    %sub3A_183 = arith.constant 0.138776854 : f32
    %sub3A_184 = vector.broadcast %sub3A_183 : f32 to vector<640x128xf32>
    %sub3A_185 = arith.subf %mul3A_182, %sub3A_184 : vector<640x128xf32>
    %mul3A_186 = arith.mulf %sub3A_185, %mul3A_179 : vector<640x128xf32>
    %add3A_187 = arith.constant 0.199777111 : f32
    %add3A_188 = vector.broadcast %add3A_187 : f32 to vector<640x128xf32>
    %add3A_189 = arith.addf %mul3A_186, %add3A_188 : vector<640x128xf32>
    %mul3A_190 = arith.mulf %add3A_189, %mul3A_179 : vector<640x128xf32>
    %sub3A_191 = arith.constant 0.333329499 : f32
    %sub3A_192 = vector.broadcast %sub3A_191 : f32 to vector<640x128xf32>
    %sub3A_193 = arith.subf %mul3A_190, %sub3A_192 : vector<640x128xf32>
    %mul3A_194 = arith.mulf %sub3A_193, %mul3A_179 : vector<640x128xf32>
    %mul3A_195 = arith.mulf %mul3A_194, %select_n3A_178 : vector<640x128xf32>
    %add3A_196 = arith.addf %mul3A_195, %select_n3A_178 : vector<640x128xf32>
    %add3A_197 = arith.constant 0.785398185 : f32
    %add3A_198 = vector.broadcast %add3A_197 : f32 to vector<640x128xf32>
    %add3A_199 = arith.addf %add3A_196, %add3A_198 : vector<640x128xf32>
    %select_n3A_200 = arith.select %gt3A_170, %add3A_199, %add3A_196 : vector<640x128xi1>, vector<640x128xf32>
    %sub3A_201 = arith.constant 1.57079637 : f32
    %sub3A_202 = vector.broadcast %sub3A_201 : f32 to vector<640x128xf32>
    %sub3A_203 = arith.subf %sub3A_202, %select_n3A_200 : vector<640x128xf32>
    %select_n3A_204 = arith.select %gt3A_160, %sub3A_203, %select_n3A_200 : vector<640x128xi1>, vector<640x128xf32>
    %mul3A_205 = arith.mulf %sign3A_156, %select_n3A_204 : vector<640x128xf32>
    %lt3A_206 = arith.constant 0.000000e+00 : f32
    %lt3A_207 = vector.broadcast %lt3A_206 : f32 to vector<640x128xf32>
    %lt3A_208 = arith.cmpf olt, %sqrt3A_134, %lt3A_207 : vector<640x128xf32>
    %sub3A_209 = arith.constant 3.14159274 : f32
    %sub3A_210 = vector.broadcast %sub3A_209 : f32 to vector<640x128xf32>
    %sub3A_211 = arith.subf %sub3A_210, %mul3A_205 : vector<640x128xf32>
    %select_n3A_212 = arith.select %lt3A_208, %sub3A_211, %mul3A_205 : vector<640x128xi1>, vector<640x128xf32>
    %max3A_213 = arith.maximumf %abs3A_135, %abs3A_136 : vector<640x128xf32>
    %eq3A_214 = arith.constant 0.000000e+00 : f32
    %eq3A_215 = vector.broadcast %eq3A_214 : f32 to vector<640x128xf32>
    %eq3A_216 = arith.cmpf oeq, %max3A_213, %eq3A_215 : vector<640x128xf32>
    %jit3A_217 = arith.constant 0.000000e+00 : f32
    %broadcast_in_dim3A_218 = vector.broadcast %jit3A_217 : f32 to vector<640x128xf32>
    %select_n3A_219 = arith.select %eq3A_216, %broadcast_in_dim3A_218, %select_n3A_212 : vector<640x128xi1>, vector<640x128xf32>
    %lt3A_220 = arith.constant 0.000000e+00 : f32
    %lt3A_221 = vector.broadcast %lt3A_220 : f32 to vector<640x128xf32>
    %lt3A_222 = arith.cmpf olt, %min3A_126, %lt3A_221 : vector<640x128xf32>
    %neg3A_223 = arith.constant 0.000000e+00 : f32
    %neg3A_224 = vector.broadcast %neg3A_223 : f32 to vector<640x128xf32>
    %neg3A_225 = arith.subf %neg3A_224, %select_n3A_219 : vector<640x128xf32>
    %select_n3A_226 = arith.select %lt3A_222, %neg3A_225, %select_n3A_219 : vector<640x128xi1>, vector<640x128xf32>
    %gt3A_227 = arith.constant 0.000000e+00 : f32
    %gt3A_228 = vector.broadcast %gt3A_227 : f32 to vector<640x128xf32>
    %gt3A_229 = arith.cmpf ogt, %sqrt3A, %gt3A_228 : vector<640x128xf32>
    %convert_element_type3A = arith.truncf %sqrt3A : vector<640x128xf32> to vector<640x128xbf16>
    %convert_element_type3A_230 = arith.extf %convert_element_type3A : vector<640x128xbf16> to vector<640x128xf32>
    %swap3A = arith.constant 0 : index
    %swap3A_231 = arith.constant 0 : index
    %swap3A_232 = vector.load %arg1[%swap3A, %swap3A_231] : memref<640x128xf32, #tpu.memory_space<vmem>>, vector<640x128xf32>
    tpu.vector_store %arg1[%swap3A, %swap3A_231], %convert_element_type3A_230 {strides = array<i32>} : memref<640x128xf32, #tpu.memory_space<vmem>>, vector<640x128xf32>,
    %jit3A_233 = arith.constant 0.000000e+00 : f32
    %broadcast_in_dim3A_234 = vector.broadcast %jit3A_233 : f32 to vector<640x128xf32>
    %select_n3A_235 = arith.select %gt3A_229, %select_n3A_114, %broadcast_in_dim3A_234 : vector<640x128xi1>, vector<640x128xf32>
    %mul3A_236 = arith.constant 0.318309873 : f32
    %mul3A_237 = vector.broadcast %mul3A_236 : f32 to vector<640x128xf32>
    %mul3A_238 = arith.mulf %select_n3A_235, %mul3A_237 : vector<640x128xf32>
    %convert_element_type3A_239 = arith.truncf %mul3A_238 : vector<640x128xf32> to vector<640x128xbf16>
    %convert_element_type3A_240 = arith.extf %convert_element_type3A_239 : vector<640x128xbf16> to vector<640x128xf32>
    %swap3A_241 = arith.constant 0 : index
    %swap3A_242 = arith.constant 0 : index
    %swap3A_243 = vector.load %arg2[%swap3A_241, %swap3A_242] : memref<640x128xf32, #tpu.memory_space<vmem>>, vector<640x128xf32>
    tpu.vector_store %arg2[%swap3A_241, %swap3A_242], %convert_element_type3A_240 {strides = array<i32>} : memref<640x128xf32, #tpu.memory_space<vmem>>, vector<640x128xf32>,
    %jit3A_244 = arith.constant 0.000000e+00 : f32
    %broadcast_in_dim3A_245 = vector.broadcast %jit3A_244 : f32 to vector<640x128xf32>
    %select_n3A_246 = arith.select %gt3A_229, %select_n3A_226, %broadcast_in_dim3A_245 : vector<640x128xi1>, vector<640x128xf32>
    %mul3A_247 = arith.constant 0.318309873 : f32
    %mul3A_248 = vector.broadcast %mul3A_247 : f32 to vector<640x128xf32>
    %mul3A_249 = arith.mulf %select_n3A_246, %mul3A_248 : vector<640x128xf32>
    %convert_element_type3A_250 = arith.truncf %mul3A_249 : vector<640x128xf32> to vector<640x128xbf16>
    %convert_element_type3A_251 = arith.extf %convert_element_type3A_250 : vector<640x128xbf16> to vector<640x128xf32>
    %swap3A_252 = arith.constant 0 : index
    %swap3A_253 = arith.constant 0 : index
    %swap3A_254 = vector.load %arg3[%swap3A_252, %swap3A_253] : memref<640x128xf32, #tpu.memory_space<vmem>>, vector<640x128xf32>
    tpu.vector_store %arg3[%swap3A_252, %swap3A_253], %convert_element_type3A_251 {strides = array<i32>} : memref<640x128xf32, #tpu.memory_space<vmem>>, vector<640x128xf32>,
    return
  }
}

module attributes {stable_mosaic.version = 14 : i64} {
  func.func @body(%arg0: i32, %arg1: memref<2048x1xf32, #tpu.memory_space<vmem>>, %arg2: memref<2048x1xf32, #tpu.memory_space<vmem>>, %arg3: memref<2048x1xf32, #tpu.memory_space<vmem>>, %arg4: memref<2048x128xf32, #tpu.memory_space<vmem>>, %arg5: memref<3x32xf32, #tpu.memory_space<vmem>>, %arg6: memref<1x512xf32, #tpu.memory_space<vmem>>, %arg7: memref<512x16xbf16, #tpu.memory_space<vmem>>, %arg8: memref<2048x128xf32, #tpu.memory_space<vmem>>) attributes {dimension_semantics = [#tpu.dimension_semantics<arbitrary>], iteration_bounds = array<i64: 40>, scalar_prefetch = 0 : i64, scratch_operands = 0 : i64, tpu.core_type = #tpu.core_type<tc>, window_params = [{transform_indices = @transform_0, window_bounds = array<i64: 2048, 1>}, {transform_indices = @transform_1, window_bounds = array<i64: 2048, 1>}, {transform_indices = @transform_2, window_bounds = array<i64: 2048, 1>}, {transform_indices = @transform_3, window_bounds = array<i64: 2048, 128>}, {pipeline_mode = #tpu.pipeline_mode<synchronous>, transform_indices = @transform_4, window_bounds = array<i64: 3, 32>}, {pipeline_mode = #tpu.pipeline_mode<synchronous>, transform_indices = @transform_5, window_bounds = array<i64: 1, 512>}, {pipeline_mode = #tpu.pipeline_mode<synchronous>, transform_indices = @transform_6, window_bounds = array<i64: 512, 16>}, {transform_indices = @transform_7, window_bounds = array<i64: 2048, 128>}]} {
    %get3A = arith.constant 0 : index
    %get3A_0 = arith.constant 0 : index
    %get3A_1 = vector.load %arg1[%get3A, %get3A_0] : memref<2048x1xf32, #tpu.memory_space<vmem>>, vector<2048x1xf32>
    %get3A_2 = arith.constant 0 : index
    %get3A_3 = arith.constant 0 : index
    %get3A_4 = vector.load %arg5[%get3A_2, %get3A_3] : memref<3x32xf32, #tpu.memory_space<vmem>>, vector<1x32xf32>
    %mul3A = vector.broadcast %get3A_1 : vector<2048x1xf32> to vector<2048x32xf32>
    %mul3A_5 = vector.broadcast %get3A_4 : vector<1x32xf32> to vector<2048x32xf32>
    %mul3A_6 = arith.mulf %mul3A, %mul3A_5 : vector<2048x32xf32>
    %get3A_7 = arith.constant 0 : index
    %get3A_8 = arith.constant 0 : index
    %get3A_9 = vector.load %arg2[%get3A_7, %get3A_8] : memref<2048x1xf32, #tpu.memory_space<vmem>>, vector<2048x1xf32>
    %get3A_10 = arith.constant 1 : index
    %get3A_11 = arith.constant 0 : index
    %get3A_12 = vector.load %arg5[%get3A_10, %get3A_11] : memref<3x32xf32, #tpu.memory_space<vmem>>, vector<1x32xf32>
    %mul3A_13 = vector.broadcast %get3A_9 : vector<2048x1xf32> to vector<2048x32xf32>
    %mul3A_14 = vector.broadcast %get3A_12 : vector<1x32xf32> to vector<2048x32xf32>
    %mul3A_15 = arith.mulf %mul3A_13, %mul3A_14 : vector<2048x32xf32>
    %add3A = arith.addf %mul3A_6, %mul3A_15 : vector<2048x32xf32>
    %get3A_16 = arith.constant 0 : index
    %get3A_17 = arith.constant 0 : index
    %get3A_18 = vector.load %arg3[%get3A_16, %get3A_17] : memref<2048x1xf32, #tpu.memory_space<vmem>>, vector<2048x1xf32>
    %get3A_19 = arith.constant 2 : index
    %get3A_20 = arith.constant 0 : index
    %get3A_21 = vector.load %arg5[%get3A_19, %get3A_20] : memref<3x32xf32, #tpu.memory_space<vmem>>, vector<1x32xf32>
    %mul3A_22 = vector.broadcast %get3A_18 : vector<2048x1xf32> to vector<2048x32xf32>
    %mul3A_23 = vector.broadcast %get3A_21 : vector<1x32xf32> to vector<2048x32xf32>
    %mul3A_24 = arith.mulf %mul3A_22, %mul3A_23 : vector<2048x32xf32>
    %add3A_25 = arith.addf %add3A, %mul3A_24 : vector<2048x32xf32>
    %concatenate3A = tpu.concatenate %add3A_25, %add3A_25, %add3A_25, %add3A_25, %add3A_25, %add3A_25, %add3A_25, %add3A_25, %add3A_25, %add3A_25, %add3A_25, %add3A_25, %add3A_25, %add3A_25, %add3A_25, %add3A_25 in 1 : vector<2048x32xf32>, vector<2048x32xf32>, vector<2048x32xf32>, vector<2048x32xf32>, vector<2048x32xf32>, vector<2048x32xf32>, vector<2048x32xf32>, vector<2048x32xf32>, vector<2048x32xf32>, vector<2048x32xf32>, vector<2048x32xf32>, vector<2048x32xf32>, vector<2048x32xf32>, vector<2048x32xf32>, vector<2048x32xf32>, vector<2048x32xf32> -> vector<2048x512xf32>
    %get3A_26 = arith.constant 0 : index
    %get3A_27 = arith.constant 0 : index
    %get3A_28 = vector.load %arg6[%get3A_26, %get3A_27] : memref<1x512xf32, #tpu.memory_space<vmem>>, vector<1x512xf32>
    %add3A_29 = vector.broadcast %get3A_28 : vector<1x512xf32> to vector<2048x512xf32>
    %add3A_30 = arith.addf %concatenate3A, %add3A_29 : vector<2048x512xf32>
    %gt3A = arith.constant 0.000000e+00 : f32
    %gt3A_31 = vector.broadcast %gt3A : f32 to vector<2048x512xf32>
    %gt3A_32 = arith.cmpf ogt, %add3A_30, %gt3A_31 : vector<2048x512xf32>
    %exp3A = math.exp %add3A_30 : vector<2048x512xf32>
    %sub3A = arith.constant 1.000000e+00 : f32
    %sub3A_33 = vector.broadcast %sub3A : f32 to vector<2048x512xf32>
    %sub3A_34 = arith.subf %exp3A, %sub3A_33 : vector<2048x512xf32>
    %mul3A_35 = arith.constant 1.67326319 : f32
    %mul3A_36 = vector.broadcast %mul3A_35 : f32 to vector<2048x512xf32>
    %mul3A_37 = arith.mulf %mul3A_36, %sub3A_34 : vector<2048x512xf32>
    %select_n3A = arith.select %gt3A_32, %add3A_30, %mul3A_37 : vector<2048x512xi1>, vector<2048x512xf32>
    %mul3A_38 = arith.constant 1.05070102 : f32
    %mul3A_39 = vector.broadcast %mul3A_38 : f32 to vector<2048x512xf32>
    %mul3A_40 = arith.mulf %mul3A_39, %select_n3A : vector<2048x512xf32>
    %convert_element_type3A = arith.truncf %mul3A_40 : vector<2048x512xf32> to vector<2048x512xbf16>
    %convert_element_type3A_41 = arith.extf %convert_element_type3A : vector<2048x512xbf16> to vector<2048x512xf32>
    %get3A_42 = arith.constant 0 : index
    %get3A_43 = arith.constant 0 : index
    %get3A_44 = vector.load %arg4[%get3A_42, %get3A_43] : memref<2048x128xf32, #tpu.memory_space<vmem>>, vector<2048x128xf32>
    %slice3A = vector.extract_strided_slice %get3A_44 {offsets = [0, 0], sizes = [2048, 32], strides = [1, 1]} : vector<2048x128xf32> to vector<2048x32xf32>
    %concatenate3A_45 = tpu.concatenate %slice3A, %slice3A, %slice3A, %slice3A, %slice3A, %slice3A, %slice3A, %slice3A, %slice3A, %slice3A, %slice3A, %slice3A, %slice3A, %slice3A, %slice3A, %slice3A in 1 : vector<2048x32xf32>, vector<2048x32xf32>, vector<2048x32xf32>, vector<2048x32xf32>, vector<2048x32xf32>, vector<2048x32xf32>, vector<2048x32xf32>, vector<2048x32xf32>, vector<2048x32xf32>, vector<2048x32xf32>, vector<2048x32xf32>, vector<2048x32xf32>, vector<2048x32xf32>, vector<2048x32xf32>, vector<2048x32xf32>, vector<2048x32xf32> -> vector<2048x512xf32>
    %mul3A_46 = arith.mulf %convert_element_type3A_41, %concatenate3A_45 : vector<2048x512xf32>
    %convert_element_type3A_47 = arith.truncf %mul3A_46 : vector<2048x512xf32> to vector<2048x512xbf16>
    %convert_element_type3A_48 = arith.extf %convert_element_type3A_47 : vector<2048x512xbf16> to vector<2048x512xf32>
    %sub3A_49 = arith.subf %mul3A_46, %convert_element_type3A_48 : vector<2048x512xf32>
    %convert_element_type3A_50 = arith.truncf %sub3A_49 : vector<2048x512xf32> to vector<2048x512xbf16>
    %get3A_51 = arith.constant 0 : index
    %get3A_52 = arith.constant 0 : index
    %get3A_53 = vector.load %arg7[%get3A_51, %get3A_52] : memref<512x16xbf16, #tpu.memory_space<vmem>>, vector<512x16xbf16>
    %dot_general3A = arith.constant dense<0.000000e+00> : vector<2048x16xf32>
    %dot_general3A_54 = tpu.matmul %convert_element_type3A_47, %get3A_53, %dot_general3A {dimension_numbers = #tpu.dot_dimension_numbers<[1], [0], [0], [1], [0, 0, 1, 1], [], []>, transpose_lhs_hint = false} : vector<2048x512xbf16>, vector<512x16xbf16>, vector<2048x16xf32> -> vector<2048x16xf32>
    %get3A_55 = arith.constant 0 : index
    %get3A_56 = arith.constant 0 : index
    %get3A_57 = vector.load %arg7[%get3A_55, %get3A_56] : memref<512x16xbf16, #tpu.memory_space<vmem>>, vector<512x16xbf16>
    %dot_general3A_58 = arith.constant dense<0.000000e+00> : vector<2048x16xf32>
    %dot_general3A_59 = tpu.matmul %convert_element_type3A_50, %get3A_57, %dot_general3A_58 {dimension_numbers = #tpu.dot_dimension_numbers<[1], [0], [0], [1], [0, 0, 1, 1], [], []>, transpose_lhs_hint = false} : vector<2048x512xbf16>, vector<512x16xbf16>, vector<2048x16xf32> -> vector<2048x16xf32>
    %add3A_60 = arith.addf %dot_general3A_54, %dot_general3A_59 : vector<2048x16xf32>
    %slice3A_61 = vector.extract_strided_slice %get3A_44 {offsets = [0, 32], sizes = [2048, 1], strides = [1, 1]} : vector<2048x128xf32> to vector<2048x1xf32>
    %add3A_62 = vector.broadcast %slice3A_61 : vector<2048x1xf32> to vector<2048x16xf32>
    %add3A_63 = arith.addf %add3A_60, %add3A_62 : vector<2048x16xf32>
    %swap3A = arith.constant 0 : index
    %swap3A_64 = arith.constant 0 : index
    %swap3A_65 = vector.load %arg8[%swap3A, %swap3A_64] : memref<2048x128xf32, #tpu.memory_space<vmem>>, vector<2048x16xf32>
    tpu.vector_store %arg8[%swap3A, %swap3A_64], %add3A_63 {strides = array<i32>} : memref<2048x128xf32, #tpu.memory_space<vmem>>, vector<2048x16xf32>,
    return
  }
  func.func @transform_0(%arg0: i32) -> (i32, i32) {
    %c0_i32 = arith.constant 0 : i32
    %c0_i32_0 = arith.constant 0 : i32
    return %arg0, %c0_i32 : i32, i32
  }
  func.func @transform_1(%arg0: i32) -> (i32, i32) {
    %c0_i32 = arith.constant 0 : i32
    %c0_i32_0 = arith.constant 0 : i32
    return %arg0, %c0_i32 : i32, i32
  }
  func.func @transform_2(%arg0: i32) -> (i32, i32) {
    %c0_i32 = arith.constant 0 : i32
    %c0_i32_0 = arith.constant 0 : i32
    return %arg0, %c0_i32 : i32, i32
  }
  func.func @transform_3(%arg0: i32) -> (i32, i32) {
    %c0_i32 = arith.constant 0 : i32
    %c0_i32_0 = arith.constant 0 : i32
    return %arg0, %c0_i32 : i32, i32
  }
  func.func @transform_4(%arg0: i32) -> (i32, i32) {
    %c0_i32 = arith.constant 0 : i32
    %c0_i32_0 = arith.constant 0 : i32
    %c0_i32_1 = arith.constant 0 : i32
    return %c0_i32, %c0_i32_0 : i32, i32
  }
  func.func @transform_5(%arg0: i32) -> (i32, i32) {
    %c0_i32 = arith.constant 0 : i32
    %c0_i32_0 = arith.constant 0 : i32
    %c0_i32_1 = arith.constant 0 : i32
    return %c0_i32, %c0_i32_0 : i32, i32
  }
  func.func @transform_6(%arg0: i32) -> (i32, i32) {
    %c0_i32 = arith.constant 0 : i32
    %c0_i32_0 = arith.constant 0 : i32
    %c0_i32_1 = arith.constant 0 : i32
    return %c0_i32, %c0_i32_0 : i32, i32
  }
  func.func @transform_7(%arg0: i32) -> (i32, i32) {
    %c0_i32 = arith.constant 0 : i32
    %c0_i32_0 = arith.constant 0 : i32
    return %arg0, %c0_i32 : i32, i32
  }
}

module attributes {stable_mosaic.version = 14 : i64} {
  func.func @body(%arg0: memref<2x10240x16xf32, #tpu.memory_space<vmem>>, %arg1: memref<10240x48xf32, #tpu.memory_space<vmem>>, %arg2: memref<48x16xf32, #tpu.memory_space<vmem>>, %arg3: memref<1x16xf32, #tpu.memory_space<vmem>>, %arg4: memref<10240x16xf32, #tpu.memory_space<vmem>>) attributes {dimension_semantics = [], scalar_prefetch = 0 : i64, scratch_operands = 0 : i64, tpu.core_type = #tpu.core_type<tc>} {
    %get3A = arith.constant 0 : index
    %get3A_0 = arith.constant 0 : index
    %get3A_1 = arith.constant 0 : index
    %get3A_2 = vector.load %arg0[%get3A, %get3A_0, %get3A_1] : memref<2x10240x16xf32, #tpu.memory_space<vmem>>, vector<1x10240x16xf32>
    %get3A_3 = vector.shape_cast %get3A_2 : vector<1x10240x16xf32> to vector<10240x16xf32>
    %get3A_4 = arith.constant 1 : index
    %get3A_5 = arith.constant 0 : index
    %get3A_6 = arith.constant 0 : index
    %get3A_7 = vector.load %arg0[%get3A_4, %get3A_5, %get3A_6] : memref<2x10240x16xf32, #tpu.memory_space<vmem>>, vector<1x10240x16xf32>
    %get3A_8 = vector.shape_cast %get3A_7 : vector<1x10240x16xf32> to vector<10240x16xf32>
    %add3A = arith.addf %get3A_3, %get3A_8 : vector<10240x16xf32>
    %get3A_9 = arith.constant 0 : index
    %get3A_10 = arith.constant 0 : index
    %get3A_11 = vector.load %arg1[%get3A_9, %get3A_10] : memref<10240x48xf32, #tpu.memory_space<vmem>>, vector<10240x48xf32>
    %get3A_12 = arith.constant 0 : index
    %get3A_13 = arith.constant 0 : index
    %get3A_14 = vector.load %arg2[%get3A_12, %get3A_13] : memref<48x16xf32, #tpu.memory_space<vmem>>, vector<48x16xf32>
    %dot_general3A = arith.constant dense<0.000000e+00> : vector<10240x16xf32>
    %dot_general3A_15 = tpu.matmul %get3A_11, %get3A_14, %dot_general3A {dimension_numbers = #tpu.dot_dimension_numbers<[1], [0], [0], [1], [0, 0, 1, 1], [], []>, precision = #tpu.contract_precision<fp32>, transpose_lhs_hint = false} : vector<10240x48xf32>, vector<48x16xf32>, vector<10240x16xf32> -> vector<10240x16xf32>
    %add3A_16 = arith.addf %add3A, %dot_general3A_15 : vector<10240x16xf32>
    %get3A_17 = arith.constant 0 : index
    %get3A_18 = arith.constant 0 : index
    %get3A_19 = vector.load %arg3[%get3A_17, %get3A_18] : memref<1x16xf32, #tpu.memory_space<vmem>>, vector<1x16xf32>
    %add3A_20 = vector.broadcast %get3A_19 : vector<1x16xf32> to vector<10240x16xf32>
    %add3A_21 = arith.addf %add3A_16, %add3A_20 : vector<10240x16xf32>
    %gt3A = arith.constant 0.000000e+00 : f32
    %gt3A_22 = vector.broadcast %gt3A : f32 to vector<10240x16xf32>
    %gt3A_23 = arith.cmpf ogt, %add3A_21, %gt3A_22 : vector<10240x16xf32>
    %exp3A = math.exp %add3A_21 : vector<10240x16xf32>
    %sub3A = arith.constant 1.000000e+00 : f32
    %sub3A_24 = vector.broadcast %sub3A : f32 to vector<10240x16xf32>
    %sub3A_25 = arith.subf %exp3A, %sub3A_24 : vector<10240x16xf32>
    %mul3A = arith.constant 1.67326319 : f32
    %mul3A_26 = vector.broadcast %mul3A : f32 to vector<10240x16xf32>
    %mul3A_27 = arith.mulf %mul3A_26, %sub3A_25 : vector<10240x16xf32>
    %select_n3A = arith.select %gt3A_23, %add3A_21, %mul3A_27 : vector<10240x16xi1>, vector<10240x16xf32>
    %mul3A_28 = arith.constant 1.05070102 : f32
    %mul3A_29 = vector.broadcast %mul3A_28 : f32 to vector<10240x16xf32>
    %mul3A_30 = arith.mulf %mul3A_29, %select_n3A : vector<10240x16xf32>
    %swap3A = arith.constant 0 : index
    %swap3A_31 = arith.constant 0 : index
    %swap3A_32 = vector.load %arg4[%swap3A, %swap3A_31] : memref<10240x16xf32, #tpu.memory_space<vmem>>, vector<10240x16xf32>
    tpu.vector_store %arg4[%swap3A, %swap3A_31], %mul3A_30 {strides = array<i32>} : memref<10240x16xf32, #tpu.memory_space<vmem>>, vector<10240x16xf32>,
    return
  }
}

module attributes {stable_mosaic.version = 14 : i64} {
  func.func @_mm_body(%arg0: memref<10240x48xf32, #tpu.memory_space<vmem>>, %arg1: memref<48x48xf32, #tpu.memory_space<vmem>>, %arg2: memref<10240x48xf32, #tpu.memory_space<vmem>>) attributes {dimension_semantics = [], scalar_prefetch = 0 : i64, scratch_operands = 0 : i64, tpu.core_type = #tpu.core_type<tc>} {
    %get3A = arith.constant 0 : index
    %get3A_0 = arith.constant 0 : index
    %get3A_1 = vector.load %arg0[%get3A, %get3A_0] : memref<10240x48xf32, #tpu.memory_space<vmem>>, vector<10240x48xf32>
    %get3A_2 = arith.constant 0 : index
    %get3A_3 = arith.constant 0 : index
    %get3A_4 = vector.load %arg1[%get3A_2, %get3A_3] : memref<48x48xf32, #tpu.memory_space<vmem>>, vector<48x48xf32>
    %dot_general3A = arith.constant dense<0.000000e+00> : vector<10240x48xf32>
    %dot_general3A_5 = tpu.matmul %get3A_1, %get3A_4, %dot_general3A {dimension_numbers = #tpu.dot_dimension_numbers<[1], [0], [0], [1], [0, 0, 1, 1], [], []>, precision = #tpu.contract_precision<fp32>, transpose_lhs_hint = false} : vector<10240x48xf32>, vector<48x48xf32>, vector<10240x48xf32> -> vector<10240x48xf32>
    %swap3A = arith.constant 0 : index
    %swap3A_6 = arith.constant 0 : index
    %swap3A_7 = vector.load %arg2[%swap3A, %swap3A_6] : memref<10240x48xf32, #tpu.memory_space<vmem>>, vector<10240x48xf32>
    tpu.vector_store %arg2[%swap3A, %swap3A_6], %dot_general3A_5 {strides = array<i32>} : memref<10240x48xf32, #tpu.memory_space<vmem>>, vector<10240x48xf32>,
    return
  }
}

module attributes {stable_mosaic.version = 14 : i64} {
  func.func @_mm_body(%arg0: memref<10240x64xf32, #tpu.memory_space<vmem>>, %arg1: memref<64x48xf32, #tpu.memory_space<vmem>>, %arg2: memref<10240x48xf32, #tpu.memory_space<vmem>>) attributes {dimension_semantics = [], scalar_prefetch = 0 : i64, scratch_operands = 0 : i64, tpu.core_type = #tpu.core_type<tc>} {
    %get3A = arith.constant 0 : index
    %get3A_0 = arith.constant 0 : index
    %get3A_1 = vector.load %arg0[%get3A, %get3A_0] : memref<10240x64xf32, #tpu.memory_space<vmem>>, vector<10240x64xf32>
    %get3A_2 = arith.constant 0 : index
    %get3A_3 = arith.constant 0 : index
    %get3A_4 = vector.load %arg1[%get3A_2, %get3A_3] : memref<64x48xf32, #tpu.memory_space<vmem>>, vector<64x48xf32>
    %dot_general3A = arith.constant dense<0.000000e+00> : vector<10240x48xf32>
    %dot_general3A_5 = tpu.matmul %get3A_1, %get3A_4, %dot_general3A {dimension_numbers = #tpu.dot_dimension_numbers<[1], [0], [0], [1], [0, 0, 1, 1], [], []>, precision = #tpu.contract_precision<fp32>, transpose_lhs_hint = false} : vector<10240x64xf32>, vector<64x48xf32>, vector<10240x48xf32> -> vector<10240x48xf32>
    %swap3A = arith.constant 0 : index
    %swap3A_6 = arith.constant 0 : index
    %swap3A_7 = vector.load %arg2[%swap3A, %swap3A_6] : memref<10240x48xf32, #tpu.memory_space<vmem>>, vector<10240x48xf32>
    tpu.vector_store %arg2[%swap3A, %swap3A_6], %dot_general3A_5 {strides = array<i32>} : memref<10240x48xf32, #tpu.memory_space<vmem>>, vector<10240x48xf32>,
    return
  }
}

module attributes {stable_mosaic.version = 14 : i64} {
  func.func @body(%arg0: i32, %arg1: memref<2048x1xf32, #tpu.memory_space<vmem>>, %arg2: memref<2048x1xf32, #tpu.memory_space<vmem>>, %arg3: memref<2048x1xf32, #tpu.memory_space<vmem>>, %arg4: memref<2048x128xf32, #tpu.memory_space<vmem>>, %arg5: memref<3x32xf32, #tpu.memory_space<vmem>>, %arg6: memref<1x1024xf32, #tpu.memory_space<vmem>>, %arg7: memref<1024x32xbf16, #tpu.memory_space<vmem>>, %arg8: memref<2048x128xf32, #tpu.memory_space<vmem>>) attributes {dimension_semantics = [#tpu.dimension_semantics<arbitrary>], iteration_bounds = array<i64: 40>, scalar_prefetch = 0 : i64, scratch_operands = 0 : i64, tpu.core_type = #tpu.core_type<tc>, window_params = [{transform_indices = @transform_0, window_bounds = array<i64: 2048, 1>}, {transform_indices = @transform_1, window_bounds = array<i64: 2048, 1>}, {transform_indices = @transform_2, window_bounds = array<i64: 2048, 1>}, {transform_indices = @transform_3, window_bounds = array<i64: 2048, 128>}, {pipeline_mode = #tpu.pipeline_mode<synchronous>, transform_indices = @transform_4, window_bounds = array<i64: 3, 32>}, {pipeline_mode = #tpu.pipeline_mode<synchronous>, transform_indices = @transform_5, window_bounds = array<i64: 1, 1024>}, {pipeline_mode = #tpu.pipeline_mode<synchronous>, transform_indices = @transform_6, window_bounds = array<i64: 1024, 32>}, {transform_indices = @transform_7, window_bounds = array<i64: 2048, 128>}]} {
    %get3A = arith.constant 0 : index
    %get3A_0 = arith.constant 0 : index
    %get3A_1 = vector.load %arg1[%get3A, %get3A_0] : memref<2048x1xf32, #tpu.memory_space<vmem>>, vector<2048x1xf32>
    %get3A_2 = arith.constant 0 : index
    %get3A_3 = arith.constant 0 : index
    %get3A_4 = vector.load %arg5[%get3A_2, %get3A_3] : memref<3x32xf32, #tpu.memory_space<vmem>>, vector<1x32xf32>
    %mul3A = vector.broadcast %get3A_1 : vector<2048x1xf32> to vector<2048x32xf32>
    %mul3A_5 = vector.broadcast %get3A_4 : vector<1x32xf32> to vector<2048x32xf32>
    %mul3A_6 = arith.mulf %mul3A, %mul3A_5 : vector<2048x32xf32>
    %get3A_7 = arith.constant 0 : index
    %get3A_8 = arith.constant 0 : index
    %get3A_9 = vector.load %arg2[%get3A_7, %get3A_8] : memref<2048x1xf32, #tpu.memory_space<vmem>>, vector<2048x1xf32>
    %get3A_10 = arith.constant 1 : index
    %get3A_11 = arith.constant 0 : index
    %get3A_12 = vector.load %arg5[%get3A_10, %get3A_11] : memref<3x32xf32, #tpu.memory_space<vmem>>, vector<1x32xf32>
    %mul3A_13 = vector.broadcast %get3A_9 : vector<2048x1xf32> to vector<2048x32xf32>
    %mul3A_14 = vector.broadcast %get3A_12 : vector<1x32xf32> to vector<2048x32xf32>
    %mul3A_15 = arith.mulf %mul3A_13, %mul3A_14 : vector<2048x32xf32>
    %add3A = arith.addf %mul3A_6, %mul3A_15 : vector<2048x32xf32>
    %get3A_16 = arith.constant 0 : index
    %get3A_17 = arith.constant 0 : index
    %get3A_18 = vector.load %arg3[%get3A_16, %get3A_17] : memref<2048x1xf32, #tpu.memory_space<vmem>>, vector<2048x1xf32>
    %get3A_19 = arith.constant 2 : index
    %get3A_20 = arith.constant 0 : index
    %get3A_21 = vector.load %arg5[%get3A_19, %get3A_20] : memref<3x32xf32, #tpu.memory_space<vmem>>, vector<1x32xf32>
    %mul3A_22 = vector.broadcast %get3A_18 : vector<2048x1xf32> to vector<2048x32xf32>
    %mul3A_23 = vector.broadcast %get3A_21 : vector<1x32xf32> to vector<2048x32xf32>
    %mul3A_24 = arith.mulf %mul3A_22, %mul3A_23 : vector<2048x32xf32>
    %add3A_25 = arith.addf %add3A, %mul3A_24 : vector<2048x32xf32>
    %concatenate3A = tpu.concatenate %add3A_25, %add3A_25, %add3A_25, %add3A_25, %add3A_25, %add3A_25, %add3A_25, %add3A_25, %add3A_25, %add3A_25, %add3A_25, %add3A_25, %add3A_25, %add3A_25, %add3A_25, %add3A_25, %add3A_25, %add3A_25, %add3A_25, %add3A_25, %add3A_25, %add3A_25, %add3A_25, %add3A_25, %add3A_25, %add3A_25, %add3A_25, %add3A_25, %add3A_25, %add3A_25, %add3A_25, %add3A_25 in 1 : vector<2048x32xf32>, vector<2048x32xf32>, vector<2048x32xf32>, vector<2048x32xf32>, vector<2048x32xf32>, vector<2048x32xf32>, vector<2048x32xf32>, vector<2048x32xf32>, vector<2048x32xf32>, vector<2048x32xf32>, vector<2048x32xf32>, vector<2048x32xf32>, vector<2048x32xf32>, vector<2048x32xf32>, vector<2048x32xf32>, vector<2048x32xf32>, vector<2048x32xf32>, vector<2048x32xf32>, vector<2048x32xf32>, vector<2048x32xf32>, vector<2048x32xf32>, vector<2048x32xf32>, vector<2048x32xf32>, vector<2048x32xf32>, vector<2048x32xf32>, vector<2048x32xf32>, vector<2048x32xf32>, vector<2048x32xf32>, vector<2048x32xf32>, vector<2048x32xf32>, vector<2048x32xf32>, vector<2048x32xf32> -> vector<2048x1024xf32>
    %get3A_26 = arith.constant 0 : index
    %get3A_27 = arith.constant 0 : index
    %get3A_28 = vector.load %arg6[%get3A_26, %get3A_27] : memref<1x1024xf32, #tpu.memory_space<vmem>>, vector<1x1024xf32>
    %add3A_29 = vector.broadcast %get3A_28 : vector<1x1024xf32> to vector<2048x1024xf32>
    %add3A_30 = arith.addf %concatenate3A, %add3A_29 : vector<2048x1024xf32>
    %gt3A = arith.constant 0.000000e+00 : f32
    %gt3A_31 = vector.broadcast %gt3A : f32 to vector<2048x1024xf32>
    %gt3A_32 = arith.cmpf ogt, %add3A_30, %gt3A_31 : vector<2048x1024xf32>
    %exp3A = math.exp %add3A_30 : vector<2048x1024xf32>
    %sub3A = arith.constant 1.000000e+00 : f32
    %sub3A_33 = vector.broadcast %sub3A : f32 to vector<2048x1024xf32>
    %sub3A_34 = arith.subf %exp3A, %sub3A_33 : vector<2048x1024xf32>
    %mul3A_35 = arith.constant 1.67326319 : f32
    %mul3A_36 = vector.broadcast %mul3A_35 : f32 to vector<2048x1024xf32>
    %mul3A_37 = arith.mulf %mul3A_36, %sub3A_34 : vector<2048x1024xf32>
    %select_n3A = arith.select %gt3A_32, %add3A_30, %mul3A_37 : vector<2048x1024xi1>, vector<2048x1024xf32>
    %mul3A_38 = arith.constant 1.05070102 : f32
    %mul3A_39 = vector.broadcast %mul3A_38 : f32 to vector<2048x1024xf32>
    %mul3A_40 = arith.mulf %mul3A_39, %select_n3A : vector<2048x1024xf32>
    %convert_element_type3A = arith.truncf %mul3A_40 : vector<2048x1024xf32> to vector<2048x1024xbf16>
    %convert_element_type3A_41 = arith.extf %convert_element_type3A : vector<2048x1024xbf16> to vector<2048x1024xf32>
    %get3A_42 = arith.constant 0 : index
    %get3A_43 = arith.constant 0 : index
    %get3A_44 = vector.load %arg4[%get3A_42, %get3A_43] : memref<2048x128xf32, #tpu.memory_space<vmem>>, vector<2048x128xf32>
    %slice3A = vector.extract_strided_slice %get3A_44 {offsets = [0, 0], sizes = [2048, 32], strides = [1, 1]} : vector<2048x128xf32> to vector<2048x32xf32>
    %concatenate3A_45 = tpu.concatenate %slice3A, %slice3A, %slice3A, %slice3A, %slice3A, %slice3A, %slice3A, %slice3A, %slice3A, %slice3A, %slice3A, %slice3A, %slice3A, %slice3A, %slice3A, %slice3A, %slice3A, %slice3A, %slice3A, %slice3A, %slice3A, %slice3A, %slice3A, %slice3A, %slice3A, %slice3A, %slice3A, %slice3A, %slice3A, %slice3A, %slice3A, %slice3A in 1 : vector<2048x32xf32>, vector<2048x32xf32>, vector<2048x32xf32>, vector<2048x32xf32>, vector<2048x32xf32>, vector<2048x32xf32>, vector<2048x32xf32>, vector<2048x32xf32>, vector<2048x32xf32>, vector<2048x32xf32>, vector<2048x32xf32>, vector<2048x32xf32>, vector<2048x32xf32>, vector<2048x32xf32>, vector<2048x32xf32>, vector<2048x32xf32>, vector<2048x32xf32>, vector<2048x32xf32>, vector<2048x32xf32>, vector<2048x32xf32>, vector<2048x32xf32>, vector<2048x32xf32>, vector<2048x32xf32>, vector<2048x32xf32>, vector<2048x32xf32>, vector<2048x32xf32>, vector<2048x32xf32>, vector<2048x32xf32>, vector<2048x32xf32>, vector<2048x32xf32>, vector<2048x32xf32>, vector<2048x32xf32> -> vector<2048x1024xf32>
    %mul3A_46 = arith.mulf %convert_element_type3A_41, %concatenate3A_45 : vector<2048x1024xf32>
    %convert_element_type3A_47 = arith.truncf %mul3A_46 : vector<2048x1024xf32> to vector<2048x1024xbf16>
    %convert_element_type3A_48 = arith.extf %convert_element_type3A_47 : vector<2048x1024xbf16> to vector<2048x1024xf32>
    %sub3A_49 = arith.subf %mul3A_46, %convert_element_type3A_48 : vector<2048x1024xf32>
    %convert_element_type3A_50 = arith.truncf %sub3A_49 : vector<2048x1024xf32> to vector<2048x1024xbf16>
    %get3A_51 = arith.constant 0 : index
    %get3A_52 = arith.constant 0 : index
    %get3A_53 = vector.load %arg7[%get3A_51, %get3A_52] : memref<1024x32xbf16, #tpu.memory_space<vmem>>, vector<1024x32xbf16>
    %dot_general3A = arith.constant dense<0.000000e+00> : vector<2048x32xf32>
    %dot_general3A_54 = tpu.matmul %convert_element_type3A_47, %get3A_53, %dot_general3A {dimension_numbers = #tpu.dot_dimension_numbers<[1], [0], [0], [1], [0, 0, 1, 1], [], []>, transpose_lhs_hint = false} : vector<2048x1024xbf16>, vector<1024x32xbf16>, vector<2048x32xf32> -> vector<2048x32xf32>
    %get3A_55 = arith.constant 0 : index
    %get3A_56 = arith.constant 0 : index
    %get3A_57 = vector.load %arg7[%get3A_55, %get3A_56] : memref<1024x32xbf16, #tpu.memory_space<vmem>>, vector<1024x32xbf16>
    %dot_general3A_58 = arith.constant dense<0.000000e+00> : vector<2048x32xf32>
    %dot_general3A_59 = tpu.matmul %convert_element_type3A_50, %get3A_57, %dot_general3A_58 {dimension_numbers = #tpu.dot_dimension_numbers<[1], [0], [0], [1], [0, 0, 1, 1], [], []>, transpose_lhs_hint = false} : vector<2048x1024xbf16>, vector<1024x32xbf16>, vector<2048x32xf32> -> vector<2048x32xf32>
    %add3A_60 = arith.addf %dot_general3A_54, %dot_general3A_59 : vector<2048x32xf32>
    %slice3A_61 = vector.extract_strided_slice %get3A_44 {offsets = [0, 32], sizes = [2048, 1], strides = [1, 1]} : vector<2048x128xf32> to vector<2048x1xf32>
    %add3A_62 = vector.broadcast %slice3A_61 : vector<2048x1xf32> to vector<2048x32xf32>
    %add3A_63 = arith.addf %add3A_60, %add3A_62 : vector<2048x32xf32>
    %swap3A = arith.constant 0 : index
    %swap3A_64 = arith.constant 0 : index
    %swap3A_65 = vector.load %arg8[%swap3A, %swap3A_64] : memref<2048x128xf32, #tpu.memory_space<vmem>>, vector<2048x32xf32>
    tpu.vector_store %arg8[%swap3A, %swap3A_64], %add3A_63 {strides = array<i32>} : memref<2048x128xf32, #tpu.memory_space<vmem>>, vector<2048x32xf32>,
    return
  }
  func.func @transform_0(%arg0: i32) -> (i32, i32) {
    %c0_i32 = arith.constant 0 : i32
    %c0_i32_0 = arith.constant 0 : i32
    return %arg0, %c0_i32 : i32, i32
  }
  func.func @transform_1(%arg0: i32) -> (i32, i32) {
    %c0_i32 = arith.constant 0 : i32
    %c0_i32_0 = arith.constant 0 : i32
    return %arg0, %c0_i32 : i32, i32
  }
  func.func @transform_2(%arg0: i32) -> (i32, i32) {
    %c0_i32 = arith.constant 0 : i32
    %c0_i32_0 = arith.constant 0 : i32
    return %arg0, %c0_i32 : i32, i32
  }
  func.func @transform_3(%arg0: i32) -> (i32, i32) {
    %c0_i32 = arith.constant 0 : i32
    %c0_i32_0 = arith.constant 0 : i32
    return %arg0, %c0_i32 : i32, i32
  }
  func.func @transform_4(%arg0: i32) -> (i32, i32) {
    %c0_i32 = arith.constant 0 : i32
    %c0_i32_0 = arith.constant 0 : i32
    %c0_i32_1 = arith.constant 0 : i32
    return %c0_i32, %c0_i32_0 : i32, i32
  }
  func.func @transform_5(%arg0: i32) -> (i32, i32) {
    %c0_i32 = arith.constant 0 : i32
    %c0_i32_0 = arith.constant 0 : i32
    %c0_i32_1 = arith.constant 0 : i32
    return %c0_i32, %c0_i32_0 : i32, i32
  }
  func.func @transform_6(%arg0: i32) -> (i32, i32) {
    %c0_i32 = arith.constant 0 : i32
    %c0_i32_0 = arith.constant 0 : i32
    %c0_i32_1 = arith.constant 0 : i32
    return %c0_i32, %c0_i32_0 : i32, i32
  }
  func.func @transform_7(%arg0: i32) -> (i32, i32) {
    %c0_i32 = arith.constant 0 : i32
    %c0_i32_0 = arith.constant 0 : i32
    return %arg0, %c0_i32 : i32, i32
  }
}

module attributes {stable_mosaic.version = 14 : i64} {
  func.func @body(%arg0: memref<2x10240x32xf32, #tpu.memory_space<vmem>>, %arg1: memref<10240x48xf32, #tpu.memory_space<vmem>>, %arg2: memref<48x32xf32, #tpu.memory_space<vmem>>, %arg3: memref<1x32xf32, #tpu.memory_space<vmem>>, %arg4: memref<10240x32xf32, #tpu.memory_space<vmem>>, %arg5: memref<10240x32xf32, #tpu.memory_space<vmem>>) attributes {dimension_semantics = [], scalar_prefetch = 0 : i64, scratch_operands = 0 : i64, tpu.core_type = #tpu.core_type<tc>} {
    %get3A = arith.constant 0 : index
    %get3A_0 = arith.constant 0 : index
    %get3A_1 = arith.constant 0 : index
    %get3A_2 = vector.load %arg0[%get3A, %get3A_0, %get3A_1] : memref<2x10240x32xf32, #tpu.memory_space<vmem>>, vector<1x10240x32xf32>
    %get3A_3 = vector.shape_cast %get3A_2 : vector<1x10240x32xf32> to vector<10240x32xf32>
    %get3A_4 = arith.constant 1 : index
    %get3A_5 = arith.constant 0 : index
    %get3A_6 = arith.constant 0 : index
    %get3A_7 = vector.load %arg0[%get3A_4, %get3A_5, %get3A_6] : memref<2x10240x32xf32, #tpu.memory_space<vmem>>, vector<1x10240x32xf32>
    %get3A_8 = vector.shape_cast %get3A_7 : vector<1x10240x32xf32> to vector<10240x32xf32>
    %add3A = arith.addf %get3A_3, %get3A_8 : vector<10240x32xf32>
    %get3A_9 = arith.constant 0 : index
    %get3A_10 = arith.constant 0 : index
    %get3A_11 = vector.load %arg1[%get3A_9, %get3A_10] : memref<10240x48xf32, #tpu.memory_space<vmem>>, vector<10240x48xf32>
    %get3A_12 = arith.constant 0 : index
    %get3A_13 = arith.constant 0 : index
    %get3A_14 = vector.load %arg2[%get3A_12, %get3A_13] : memref<48x32xf32, #tpu.memory_space<vmem>>, vector<48x32xf32>
    %dot_general3A = arith.constant dense<0.000000e+00> : vector<10240x32xf32>
    %dot_general3A_15 = tpu.matmul %get3A_11, %get3A_14, %dot_general3A {dimension_numbers = #tpu.dot_dimension_numbers<[1], [0], [0], [1], [0, 0, 1, 1], [], []>, precision = #tpu.contract_precision<fp32>, transpose_lhs_hint = false} : vector<10240x48xf32>, vector<48x32xf32>, vector<10240x32xf32> -> vector<10240x32xf32>
    %add3A_16 = arith.addf %add3A, %dot_general3A_15 : vector<10240x32xf32>
    %get3A_17 = arith.constant 0 : index
    %get3A_18 = arith.constant 0 : index
    %get3A_19 = vector.load %arg3[%get3A_17, %get3A_18] : memref<1x32xf32, #tpu.memory_space<vmem>>, vector<1x32xf32>
    %add3A_20 = vector.broadcast %get3A_19 : vector<1x32xf32> to vector<10240x32xf32>
    %add3A_21 = arith.addf %add3A_16, %add3A_20 : vector<10240x32xf32>
    %gt3A = arith.constant 0.000000e+00 : f32
    %gt3A_22 = vector.broadcast %gt3A : f32 to vector<10240x32xf32>
    %gt3A_23 = arith.cmpf ogt, %add3A_21, %gt3A_22 : vector<10240x32xf32>
    %exp3A = math.exp %add3A_21 : vector<10240x32xf32>
    %sub3A = arith.constant 1.000000e+00 : f32
    %sub3A_24 = vector.broadcast %sub3A : f32 to vector<10240x32xf32>
    %sub3A_25 = arith.subf %exp3A, %sub3A_24 : vector<10240x32xf32>
    %mul3A = arith.constant 1.67326319 : f32
    %mul3A_26 = vector.broadcast %mul3A : f32 to vector<10240x32xf32>
    %mul3A_27 = arith.mulf %mul3A_26, %sub3A_25 : vector<10240x32xf32>
    %select_n3A = arith.select %gt3A_23, %add3A_21, %mul3A_27 : vector<10240x32xi1>, vector<10240x32xf32>
    %mul3A_28 = arith.constant 1.05070102 : f32
    %mul3A_29 = vector.broadcast %mul3A_28 : f32 to vector<10240x32xf32>
    %mul3A_30 = arith.mulf %mul3A_29, %select_n3A : vector<10240x32xf32>
    %get3A_31 = arith.constant 0 : index
    %get3A_32 = arith.constant 0 : index
    %get3A_33 = vector.load %arg4[%get3A_31, %get3A_32] : memref<10240x32xf32, #tpu.memory_space<vmem>>, vector<10240x32xf32>
    %mul3A_34 = arith.constant 2.000000e-01 : f32
    %mul3A_35 = vector.broadcast %mul3A_34 : f32 to vector<10240x32xf32>
    %mul3A_36 = arith.mulf %mul3A_35, %mul3A_30 : vector<10240x32xf32>
    %add3A_37 = arith.addf %get3A_33, %mul3A_36 : vector<10240x32xf32>
    %swap3A = arith.constant 0 : index
    %swap3A_38 = arith.constant 0 : index
    %swap3A_39 = vector.load %arg5[%swap3A, %swap3A_38] : memref<10240x32xf32, #tpu.memory_space<vmem>>, vector<10240x32xf32>
    tpu.vector_store %arg5[%swap3A, %swap3A_38], %add3A_37 {strides = array<i32>} : memref<10240x32xf32, #tpu.memory_space<vmem>>, vector<10240x32xf32>,
    return
  }
}

</mosaic_0001>

<sc_bundles>
// kernel: kernel.19.cloned.1.call-start
scs
__scs_entry_jumppad:
0x0: {  	(pc) =	sbr.rel $0x88, $3  }
0x1: {  	(tag) =	ssettag $0x0;
	lr =	simm.s32 $0x1  }
0x2: {  	[smem:$0x3F8F] =	sst lr;
	_ =	strace $0xD0000000  }
0x3: {  	_ = 	snop  }
0x4: {  	_ = 	snop  }
0x5: {  	_ = 	snop  }
0x6: {  	_ = 	snop  }
0x7: {  	_ = 	snop  }
__scs_overlays_trampoline_lowered:
0x8: {  	[smem:$0x3F9E] =	sst s0  }
0x9: {  	[smem:$0x3F9F] =	sst s1  }
0xa: {  	[smem:$0x3FA0] =	sst s2  }
0xb: {  	[smem:$0x3FA1] =	sst s3  }
0xc: {  	[smem:$0x3FA2] =	sst s4  }
0xd: {  	[smem:$0x3FA3] =	sst s5  }
0xe: {  	[smem:$0x3FA4] =	sst s6  }
0xf: {  	[smem:$0x3FA5] =	sst s7  }
0x10: {  	[smem:$0x3FA6] =	sst s8  }
0x11: {  	[smem:$0x3FA7] =	sst s9;
	s0 =	simm.s32 @!p0 $0x0  }
0x12: {  	s1 =	sld [smem:$0x3F8D];
	s0 =	simm.s32 @p0 $0x1  }
0x13: {  	[smem:$0x3FA8] =	sst s0;
	s0 =	simm.s32 @!p1 $0x0  }
0x14: {  	s2 =	sld [smem:$0x3F8C];
	s0 =	simm.s32 @p1 $0x1  }
0x15: {  	[smem:$0x3FA9] =	sst s0;
	s0 =	simm.s32 @!p2 $0x0  }
0x16: {  	s3 =	sld [smem:$0x3FDB];
	s0 =	simm.s32 @p2 $0x1  }
0x17: {  	s4 =	simm.s32 $0x1BF5;
	[smem:$0x3FAB] =	sst s0  }
0x18: {  	s0 =	sld [smem:$0x3F8E];
	_ =	swait.ge [sflag:s4], $0x0  }
0x19: {  	s7 =	sld [smem:$0x3F8F]  }
0x1a: {  	s8 =	sadd.s32 $0xFFFFE003, lr  }
0x1b: {  	s9 =	sadd.s32 $0xFFFFFEF7, lr;
	s5 =	simm.s32 $0xFFFFFFFF;
	p2 =	slt.u32 s8, $0xFFFFF086  }
0x1c: {  	p1 =	slt.u32 s9, $0xF7A;
	s5 =	simm.s32 @!p2 $0x0  }
0x1d: {  	s5 =	simm.s32 @p1 $0x1;
	p0 =	seq.s32 s7, s2  }
0x1e: {  	s7 =	smul.u32 @!p0 $0xF7A, s2;
	p2 =	seq.s32 @!p0 s5, $0x0  }
0x1f: {  	s9 =	smul.u32 $0xF7A, s1;
	s8 =	simm.s32 @!p0 $0x1BF5;
	p2 =	por !p2, p0  }
0x20: {  	[sflag:s8] =	ssyncset.s32 @!p0 $0xFFFFF086;
	s6 =	sadd.s32 @!p0 s3, s7;
	s7 =	simm.s32 @!p0 $0x108  }
0x21: {  	s3 =	sadd.s32 s3, s9;
	s6 =	sadd.s32 @!p0 $0x88, s6;
	s7 =	simm.s32 @p2 $0x1082  }
0x22: {  	[simem:s7], [sflag:s8] =	dma.local @!p0 [hbm:s6], $0xF7A  }
0x23: {  	s9 =	sor.u32 $0xD0000000, s2;
	s6 =	simm.s32 $0x108;
	_ =	swait.ge @!p0 [sflag:s8], $0x0  }
0x24: {  	s3 =	sadd.s32 $0x88, s3;
	s6 =	simm.s32 @!p1 $0x1082;
	[sflag:s4] =	ssyncset.s32 $0xFFFFF086  }
0x25: {  	[simem:s6], [sflag:s4] =	dma.local [hbm:s3], $0xF7A  }
0x26: {  	[smem:$0x3F8F] =	sst s1;
	(tag) =	ssettag s2;
	_ =	strace s9  }
0x27: {  	s1 =	sld [smem:$0x3F9F]  }
0x28: {  	s2 =	sld [smem:$0x3FA0]  }
0x29: {  	s4 =	sld [smem:$0x3FA2]  }
0x2a: {  	p0 =	seq.s32 s5, $0x0;
	s5 =	sld [smem:$0x3FA3]  }
0x2b: {  	s6 =	sld [smem:$0x3FA4]  }
0x2c: {  	s7 =	sld [smem:$0x3FA5]  }
0x2d: {  	s3 =	simm.s32 $0x108;
	s8 =	sld [smem:$0x3FA6]  }
0x2e: {  	s3 =	simm.s32 @!p0 $0x1082;
	s9 =	sld [smem:$0x3FA7]  }
0x2f: {  	lr =	sadd.s32 s0, s3;
	s0 =	sld [smem:$0x3F9E]  }
0x30: {  	s3 =	sld [smem:$0x3FA1]  }
0x31: {  	[smem:$0x3FAA] =	sst s10  }
0x32: {  	s10 =	sld [smem:$0x3FA8];
	_ =	sdelay $0x3  }
0x33: {  	p0 =	seq.s32 s10, $0x1;
	s10 =	sld [smem:$0x3FAA];
	_ =	sdelay $0x3  }
0x34: {  	[smem:$0x3FAA] =	sst s10  }
0x35: {  	s10 =	sld [smem:$0x3FA9];
	_ =	sdelay $0x3  }
0x36: {  	p1 =	seq.s32 s10, $0x1;
	s10 =	sld [smem:$0x3FAA];
	_ =	sdelay $0x3  }
0x37: {  	[smem:$0x3FAA] =	sst s10  }
0x38: {  	s10 =	sld [smem:$0x3FAB]  }
0x39: {  	_ = 	snop;
	(pc) =	sbr.ind lr, $3  }
0x3a: {  	_ = 	snop  }
0x3b: {  	_ = 	snop  }
0x3c: {  	p2 =	seq.s32 s10, $0x1;
	s10 =	sld [smem:$0x3FAA]  }
0x3d: {  	_ =	shalt  }
0x3e: {  	_ =	shalt  }
0x3f: {  	_ =	shalt  }
0x40: {  	_ =	shalt  }
0x41: {  	_ =	shalt  }
0x42: {  	_ =	shalt  }
0x43: {  	_ =	shalt  }
0x44: {  	_ =	shalt  }
0x45: {  	_ =	shalt  }
0x46: {  	_ =	shalt  }
0x47: {  	_ =	shalt  }
0x48: {  	_ =	shalt  }
0x49: {  	_ =	shalt  }
0x4a: {  	_ =	shalt  }
0x4b: {  	_ =	shalt  }
0x4c: {  	_ =	shalt  }
0x4d: {  	_ =	shalt  }
0x4e: {  	_ =	shalt  }
0x4f: {  	_ =	shalt  }
0x50: {  	_ =	shalt  }
0x51: {  	_ =	shalt  }
0x52: {  	_ =	shalt  }
0x53: {  	_ =	shalt  }
0x54: {  	_ =	shalt  }
0x55: {  	_ =	shalt  }
0x56: {  	_ =	shalt  }
0x57: {  	_ =	shalt  }
0x58: {  	_ =	shalt  }
0x59: {  	_ =	shalt  }
0x5a: {  	_ =	shalt  }
0x5b: {  	_ =	shalt  }
0x5c: {  	_ =	shalt  }
0x5d: {  	_ =	shalt  }
0x5e: {  	_ =	shalt  }
0x5f: {  	_ =	shalt  }
0x60: {  	_ =	shalt  }
0x61: {  	_ =	shalt  }
0x62: {  	_ =	shalt  }
0x63: {  	_ =	shalt  }
0x64: {  	_ =	shalt  }
0x65: {  	_ =	shalt  }
0x66: {  	_ =	shalt  }
0x67: {  	_ =	shalt  }
0x68: {  	_ =	shalt  }
0x69: {  	_ =	shalt  }
0x6a: {  	_ =	shalt  }
0x6b: {  	_ =	shalt  }
0x6c: {  	_ =	shalt  }
0x6d: {  	_ =	shalt  }
0x6e: {  	_ =	shalt  }
0x6f: {  	_ =	shalt  }
0x70: {  	_ =	shalt  }
0x71: {  	_ =	shalt  }
0x72: {  	_ =	shalt  }
0x73: {  	_ =	shalt  }
0x74: {  	_ =	shalt  }
0x75: {  	_ =	shalt  }
0x76: {  	_ =	shalt  }
0x77: {  	_ =	shalt  }
0x78: {  	_ =	shalt  }
0x79: {  	_ =	shalt  }
0x7a: {  	_ =	shalt  }
0x7b: {  	_ =	shalt  }
0x7c: {  	_ =	shalt  }
0x7d: {  	_ =	shalt  }
0x7e: {  	_ =	shalt  }
0x7f: {  	_ =	shalt  }
0x80: {  	_ =	shalt  }
0x81: {  	_ =	shalt  }
0x82: {  	_ =	shalt  }
0x83: {  	_ =	shalt  }
0x84: {  	_ =	shalt  }
0x85: {  	_ =	shalt  }
0x86: {  	_ =	shalt  }
0x87: {  	_ =	shalt  }
.Lfunc_end0:
.L_simem_size_0:
called_computation_lowered:
.L_overlay_start_0:
0x88: {  	s2 =	sld [smem:$0x3FD9]  }
0x89: {  	s3 =	sld [smem:$0x3FFE];
	_ =	sdelay $0x1  }
0x8a: {  	s1 =	srdreg.scid  }
0x8b: {  	s0 =	sand.u32 $0x1, s1  }
0x8c: {  	s17 =	sshll.u32 s0, $0xA;
	s2 =	sadd.s32 s3, s2  }
0x8d: {  	s2 =	sadd.s32 s2, s17  }
0x8e: {  	[smem:$0x3FB6] =	sst s2  }
0x8f: {  	_ = 	snop  }
0x90: {  	s2 =	sld [smem:$0x3FD0];
	(tm) =	ssettm $0x1  }
0x91: {  	s18 =	sld [smem:$0x3FFB];
	_ =	sdelay $0x3  }
0x92: {  	_ =	strace s18  }
0x93: {  	s3 =	sld [smem:$0x3FFC];
	_ =	sdelay $0x3  }
0x94: {  	_ =	strace s3  }
0x95: {  	s3 =	sld [smem:$0x3FFD];
	_ =	sdelay $0x3  }
0x96: {  	_ =	strace s3  }
0x97: {  	_ =	strace $0x8FFFFFFF  }
0x98: {  	s19 =	sld [smem:$0x3FDB];
	_ =	sdelay $0x1  }
0x99: {  	s4 =	simm.s32 $_scs_section_size  }
0x9a: {  	s5 =	simm.s32 $_size__tile_overlayer_lowered;
	s6 =	simm.s32 $_tile_overlayer_lowered  }
0x9b: {  	s22 =	simm.s32 $0x1BFF;
	s21 =	sshll.u32 s6, $0x1;
	s3 =	sadd.s32 s4, s19  }
0x9c: {  	s7 =	simm.s32 $0x0;
	s20 =	sshll.u32 s5, $0x1;
	s5 =	sadd.s32 s21, s3  }
0x9d: {  	[timem:s7], [sflag:s22] =	dma.local [hbm:s5], s20  }
0x9e: {  	_ =	swait.ge [sflag:s22], s20  }
0x9f: {  	s4 =	ssub.s32 $0x0, s20;
	[sflag:s22] =	ssyncset.done $0x0  }
0xa0: {  	[sflag:s22] =	ssyncadd.s32 s4;
	_ =	sdelay $0x1  }
0xa1: {  	s23 =	simm.s32 $0x1B8B  }
0xa2: {  	_ =	swait.ge [sflag:s23], $0x1  }
0xa3: {  	[sflag:s23] =	ssyncset.done $0x0  }
0xa4: {  	s25 =	simm.s32 $0x1B8E;
	s24 =	sld [smem:$0x3FFE];
	[sflag:s23] =	ssyncadd.s32 $0xFFFFFFFF  }
0xa5: {  	s26 =	simm.s32 $execute0_lowered;
	[smem:$0x3FD2] =	sst s25  }
0xa6: {  	s5 =	sshll.u32 s26, $0x1;
	_ =	strace $0x80000046;
	[dreg:$0x1] =	wrdreg $0xFFFFFFFF  }
0xa7: {  	s28 =	simm.s32 $_size_execute0_lowered;
	s3 =	sadd.s32 s3, s5;
	[dreg:$0x0] =	wrdreg $0x0  }
0xa8: {  	s5 =	sshll.u32 s28, $0x1;
	[dreg:$0x2] =	wrdreg s3  }
0xa9: {  	[dreg:$0x3] =	wrdreg s5  }
0xaa: {  	[dreg:$0x4] =	wrdreg $0xC0  }
0xab: {  	_ =	task [dreg:s7], $0x5FFFF  }
0xac: {  	[dreg:$0x1] =	wrdreg $0xFFFFFFFF  }
0xad: {  	[dreg:$0x0] =	wrdreg $0x60  }
0xae: {  	[dreg:$0x2] =	wrdreg s2  }
0xaf: {  	[dreg:$0x3] =	wrdreg s24  }
0xb0: {  	[dreg:$0x4] =	wrdreg $0x9  }
0xb1: {  	_ =	task.clear_ibuf [dreg:s7], $0x5FFFF;
	_ =	strace $0x90000046  }
0xb2: {  	s29 =	simm.s32 $0x9;
	_ =	strace $0x80000048  }
0xb3: {  	_ =	swait.ge [sflag:s29], $0x1  }
0xb4: {  	[sflag:s29] =	ssyncadd.s32 $0xFFFFFFFF  }
0xb5: {  	_ =	strace $0x90000048  }
0xb6: {  	_ =	sfence  }
0xb7: {  	s30 =	sld [smem:$0x0];
	_ =	sdelay $0x2  }
0xb8: {  	s31 =	sshll.u32 s1, $0xD;
	s1 =	sshrl.u32 s1, $0x2  }
0xb9: {  	s3 =	sand.u32 $0x4000, s31;
	s1 =	sadd.s32 s1, s30  }
0xba: {  	s0 =	sor.u32 s3, s0;
	s1 =	sshll.u32 s1, $0x11  }
0xbb: {  	s0 =	sor.u32 s1, s0  }
0xbc: {  	s0 =	sadd.s32 $0x8F2B, s0  }
0xbd: {  	[sflag:s0] =	ssyncadd.remote.s32 $0x1  }
0xbe: {  	_ =	sfence.sel $0xFFFF  }
0xbf: {  	[dreg:$0x0] =	wrdreg $0xFFFFFFFF;
	(pc) =	sbr.abs _section_cstart, $3  }
0xc0: {  	[dreg:$0x1] =	wrdreg $0xFFFFFFFF  }
0xc1: {  	_ =	task.clear_ibuf [dreg:s7], $0x2FFFF;
	_ =	strace $0x9FFFFFFF  }
0xc2: {  	(tm) =	ssettm $0x7FFFFFFF  }
0xc3: {  	_ =	shalt  }
tec
execute0_lowered:
.L_overlay_start_1:
0x0: {  	(tag) =	ssettag $0x1  }
0x1: {  	s2 =	rddreg [dreg:$0x0];
	s1 =	srdreg.scid  }
0x2: {  	s0 =	stileid.u32;
	s7 =	rddreg [dreg:$0x1];
	s3 =	simm.s32 $0x0  }
0x3: {  	s9 =	simm.s32 $0x80;
	s10 =	simm.s32 $0x1;
	s11 =	simm.s32 $0x1400  }
0x4: {  	s12 =	simm.s32 $0xB400;
	s14 =	simm.s32 $0x15400;
	s16 =	simm.s32 $0x15E00  }
0x5: {  	s18 =	simm.s32 $0x16800;
	s20 =	simm.s32 $0x17200;
	s22 =	simm.s32 $0x17C00  }
0x6: {  	s25 =	simm.s32 $0x0;
	s4 =	sand.u32 $0x1, s1;
	s1 =	rddreg [dreg:$0x2]  }
0x7: {  	s5 =	sshll.u32 s0, $0x1;
	[smem:$0x7FF] =	sst s3;
	s13 =	sadd.s32 $0xB200, s7  }
0x8: {  	s15 =	sadd.s32 $0xDA00, s7;
	s17 =	sadd.s32 $0x10200, s7;
	s5 =	sor.u32 s4, s5  }
0x9: {  	s19 =	sadd.s32 $0x12A00, s7;
	s4 =	ssub.s32 $0x2, s4;
	s23 =	smul.u32 $0x140, s5  }
0xa: {  	s21 =	sadd.s32 $0x15200, s7;
	s24 =	sadd.s32 $0x17A00, s7;
	s31 =	sshrl.u32 s4, $0x1  }
0xb: {  	_ =	strace $0x80000047;
	s8 =	ssub.s32 s4, s31;
	s6 =	sadd.s32 s23, s7  }
0xc: {  	s7 =	simm.s32 $0x2;
	s13 =	sadd.s32 s23, s13;
	s15 =	sadd.s32 s23, s15  }
0xd: {  	s17 =	sadd.s32 s23, s17;
	s19 =	sadd.s32 s23, s19;
	s21 =	sadd.s32 s23, s21  }
0xe: {  	v0 =	vlaneseq.u32;
	s23 =	sadd.s32 s23, s24;
	s24 =	simm.s32 $0x18600;
	s4 =	sadd.s32 $0x8A00, s6  }
0xf: {  	v0 =	vmul.u32 $0x10, v0;
	s5 =	sadd.s32 $0x6200, s6;
	s6 =	smax.u32 s8, $0x1;
	s8 =	simm.s32 $0xA00  }
.LBB2_1:
0x10: {  	[tilespmem:s3], [sflag:$0x2] =	stream.linear.gather [hbm4b:s4+s3], $0xA00, $0x38;
	[tilespmem:$0x19000] =	vst v63  }
0x11: {  	_ =	swait.ge [sflag:s7], $0xA00  }
0x12: {  	[sflag:s7] =	ssyncset.done $0x0  }
0x13: {  	[sflag:s7] =	ssyncadd.s32 $0xFFFFF600  }
0x14: {  	[tilespmem:s8], [sflag:$0x2] =	stream.linear.gather [hbm4b:s5+s3], $0xA00, $0x38;
	[tilespmem:$0x19000] =	vst v63  }
0x15: {  	_ =	swait.ge [sflag:s7], $0xA00  }
0x16: {  	[sflag:s7] =	ssyncset.done $0x0  }
0x17: {  	s26 =	simm.s32 $0x0;
	s31 =	simm.s32 $0xA00;
	[sflag:s7] =	ssyncadd.s32 $0xFFFFF600  }
0x18: {  	[tilespmem:s11], [sflag:$0x1] =	stream.indirect.gather [hbm4b:s2+s9], $0x10, s26, s9, $0xb8;
	[tilespmem:$0x19000] =	vst v63  }
0x19: {  	s28 =	simm.s32 $0x1C00;
	s29 =	simm.s32 $0xB400;
	s26 =	simm.s32 $0x200  }
0x1a: {  	[tilespmem:s12], [sflag:$0x1] =	stream.indirect.gather [hbm4b:s2+s9], $0x10, s31, s9, $0xb8;
	[tilespmem:$0x19000] =	vst v63  }
.LBB2_2:
0x1b: {  	s30 =	sshra.s32 s26, $0x2;
	p0 =	sne.s32 s26, $0x2600;
	s26 =	sadd.s32 $0x200, s26  }
0x1c: {  	[tilespmem:s28], [sflag:$0x1] =	stream.indirect.gather [hbm4b:s2+s9], $0x10, s30, s9, $0xb8;
	[tilespmem:$0x19000] =	vst v63  }
.Ltmp0:
0x1d: {  	_ = 	snop;
	(pc) =	sbr.rel @p0 .LBB2_2-.Ltmp0, $4  }
0x1e: {  	s29 =	sadd.s32 $0x800, s29;
	s30 =	sadd.s32 $0xA00, s30  }
0x1f: {  	[tilespmem:s29], [sflag:$0x1] =	stream.indirect.gather [hbm4b:s2+s9], $0x10, s30, s9, $0xb8;
	[tilespmem:$0x19000] =	vst v63  }
0x20: {  	_ = 	snop  }
0x21: {  	s28 =	sadd.s32 $0x800, s28  }
0x22: {  	s26 =	simm.s32 $0x28  }
.LBB2_4:
0x23: {  	p0 =	sne.s32 s26, $0x1  }
.Ltmp1:
0x24: {  	_ = 	snop;
	(pc) =	sbr.rel @p0 .LBB2_4-.Ltmp1, $4  }
0x25: {  	_ = 	snop  }
0x26: {  	_ =	swait.ge [sflag:s10], $0x800  }
0x27: {  	[sflag:s10] =	ssyncset.done $0x0  }
0x28: {  	s26 =	sadd.s32 $0xFFFFFFFF, s26;
	[sflag:s10] =	ssyncadd.s32 $0xFFFFF800  }
0x29: {  	s26 =	simm.s32 $0x0  }
0x2a: {  	v1 =	vmov s26  }
0x2b: {  	v1 =	vshll.u32 v1, $0x4  }
0x2c: {  	v1 =	vor.u32 v0, v1;
	_ =	sdelay $0x4  }
0x2d: {  	v2 =	vld.idx.msk [tilespmem:v1+s11+$0x0], $0xffff  }
0x2e: {  	v3 =	vor.u32 $0x1, v1;
	_ =	sdelay $0x2  }
0x2f: {  	s26 =	simm.s32 $0x17200  }
0x30: {  	[tilespmem:s26+$0xFFFFE200] =	vst v2  }
0x31: {  	v2 =	vld.idx.msk [tilespmem:v3+s11+$0x0], $0xffff  }
0x32: {  	v4 =	vor.u32 $0x2, v1;
	_ =	sdelay $0x3  }
0x33: {  	[tilespmem:s26+$0xFFFFEC00] =	vst v2  }
0x34: {  	v2 =	vld.idx.msk [tilespmem:v4+s11+$0x0], $0xffff;
	_ =	sdelay $0x4  }
0x35: {  	[tilespmem:s26+$0xFFFFF600] =	vst v2  }
0x36: {  	v1 =	vld.idx.msk [tilespmem:v1+s12+$0x0], $0xffff;
	_ =	sdelay $0x4  }
0x37: {  	[tilespmem:s26+$0x0] =	vst v1  }
0x38: {  	v1 =	vld.idx.msk [tilespmem:v3+s12+$0x0], $0xffff;
	_ =	sdelay $0x4  }
0x39: {  	s28 =	simm.s32 $0x10;
	[tilespmem:s26+$0xA00] =	vst v1  }
0x3a: {  	v2 =	vmov s28;
	s28 =	simm.s32 $0x20;
	v1 =	vld.idx.msk [tilespmem:v4+s12+$0x0], $0xffff  }
.LBB2_6:
0x3b: {  	p0 =	sne.s32 s28, $0x9F0;
	v2 =	vshll.u32 v2, $0x4  }
0x3c: {  	v2 =	vor.u32 v0, v2;
	_ =	sdelay $0x3  }
0x3d: {  	[tilespmem:s26+$0x1400] =	vst v1  }
0x3e: {  	v1 =	vld.idx.msk [tilespmem:v2+s11+$0x0], $0xffff;
	_ =	sdelay $0x1  }
0x3f: {  	v3 =	vor.u32 $0x1, v2;
	_ =	sdelay $0x2  }
0x40: {  	s26 =	sadd.s32 $0x10, s26  }
0x41: {  	[tilespmem:s26+$0xFFFFE200] =	vst v1  }
0x42: {  	v1 =	vld.idx.msk [tilespmem:v3+s11+$0x0], $0xffff;
	_ =	sdelay $0x1  }
0x43: {  	v4 =	vor.u32 $0x2, v2;
	_ =	sdelay $0x3  }
0x44: {  	[tilespmem:s26+$0xFFFFEC00] =	vst v1  }
0x45: {  	v1 =	vld.idx.msk [tilespmem:v4+s11+$0x0], $0xffff;
	_ =	sdelay $0x5  }
0x46: {  	[tilespmem:s26+$0xFFFFF600] =	vst v1  }
0x47: {  	v1 =	vld.idx.msk [tilespmem:v2+s12+$0x0], $0xffff;
	_ =	sdelay $0x5  }
0x48: {  	[tilespmem:s26+$0x0] =	vst v1  }
0x49: {  	v1 =	vld.idx.msk [tilespmem:v3+s12+$0x0], $0xffff;
	_ =	sdelay $0x2  }
.Ltmp2:
0x4a: {  	(pc) =	sbr.rel @p0 .LBB2_6-.Ltmp2, $3  }
0x4b: {  	_ =	sdelay $0x1  }
0x4c: {  	[tilespmem:s26+$0xA00] =	vst v1  }
0x4d: {  	v2 =	vmov s28;
	s28 =	sadd.s32 $0x10, s28;
	v1 =	vld.idx.msk [tilespmem:v4+s12+$0x0], $0xffff  }
0x4e: {  	v2 =	vshll.u32 v2, $0x4  }
0x4f: {  	v2 =	vor.u32 v0, v2;
	_ =	sdelay $0x3  }
0x50: {  	[tilespmem:s26+$0x1400] =	vst v1  }
0x51: {  	v1 =	vld.idx.msk [tilespmem:v2+s11+$0x0], $0xffff  }
0x52: {  	v3 =	vor.u32 $0x1, v2;
	_ =	sdelay $0x2  }
0x53: {  	s31 =	sadd.s32 $0x10, s26  }
0x54: {  	[tilespmem:s31+$0xFFFFE200] =	vst v1  }
0x55: {  	v1 =	vld.idx.msk [tilespmem:v3+s11+$0x0], $0xffff  }
0x56: {  	v4 =	vor.u32 $0x2, v2;
	_ =	sdelay $0x3  }
0x57: {  	[tilespmem:s31+$0xFFFFEC00] =	vst v1  }
0x58: {  	v1 =	vld.idx.msk [tilespmem:v4+s11+$0x0], $0xffff;
	_ =	sdelay $0x4  }
0x59: {  	[tilespmem:s31+$0xFFFFF600] =	vst v1  }
0x5a: {  	v1 =	vld.idx.msk [tilespmem:v2+s12+$0x0], $0xffff;
	_ =	sdelay $0x4  }
0x5b: {  	[tilespmem:s31+$0x0] =	vst v1  }
0x5c: {  	v1 =	vld.idx.msk [tilespmem:v3+s12+$0x0], $0xffff;
	_ =	sdelay $0x4  }
0x5d: {  	[tilespmem:s31+$0xA00] =	vst v1  }
0x5e: {  	v1 =	vld.idx.msk [tilespmem:v4+s12+$0x0], $0xffff;
	_ =	sdelay $0x4  }
0x5f: {  	[tilespmem:s31+$0x1400] =	vst v1  }
0x60: {  	[hbm4b:s13+s3] =	stream.linear.scatter [tilespmem:s14], [sflag:$0x2], $0xA00, $0x38;
	[tilespmem:$0x19000] =	vst v63  }
0x61: {  	_ =	swait.ge [sflag:s7], $0xA00  }
0x62: {  	[sflag:s7] =	ssyncset.done $0x0  }
0x63: {  	[sflag:s7] =	ssyncadd.s32 $0xFFFFF600  }
0x64: {  	[hbm4b:s15+s3] =	stream.linear.scatter [tilespmem:s16], [sflag:$0x2], $0xA00, $0x38;
	[tilespmem:$0x19000] =	vst v63  }
0x65: {  	_ =	swait.ge [sflag:s7], $0xA00  }
0x66: {  	[sflag:s7] =	ssyncset.done $0x0  }
0x67: {  	[sflag:s7] =	ssyncadd.s32 $0xFFFFF600  }
0x68: {  	[hbm4b:s17+s3] =	stream.linear.scatter [tilespmem:s18], [sflag:$0x2], $0xA00, $0x38;
	[tilespmem:$0x19000] =	vst v63  }
0x69: {  	_ =	swait.ge [sflag:s7], $0xA00  }
0x6a: {  	[sflag:s7] =	ssyncset.done $0x0  }
0x6b: {  	[sflag:s7] =	ssyncadd.s32 $0xFFFFF600  }
0x6c: {  	[hbm4b:s19+s3] =	stream.linear.scatter [tilespmem:s20], [sflag:$0x2], $0xA00, $0x38;
	[tilespmem:$0x19000] =	vst v63  }
0x6d: {  	_ =	swait.ge [sflag:s7], $0xA00  }
0x6e: {  	[sflag:s7] =	ssyncset.done $0x0  }
0x6f: {  	[sflag:s7] =	ssyncadd.s32 $0xFFFFF600  }
0x70: {  	[hbm4b:s21+s3] =	stream.linear.scatter [tilespmem:s22], [sflag:$0x2], $0xA00, $0x38;
	[tilespmem:$0x19000] =	vst v63  }
0x71: {  	s25 =	sadd.s32 $0x1, s25;
	_ =	swait.ge [sflag:s7], $0xA00  }
0x72: {  	p0 =	sne.s32 s25, s6;
	[sflag:s7] =	ssyncset.done $0x0  }
.Ltmp3:
0x73: {  	[sflag:s7] =	ssyncadd.s32 $0xFFFFF600;
	(pc) =	sbr.rel @p0 .LBB2_1-.Ltmp3, $4  }
0x74: {  	[hbm4b:s23+s3] =	stream.linear.scatter [tilespmem:s24], [sflag:$0x2], $0xA00, $0x38;
	[tilespmem:$0x19000] =	vst v63  }
0x75: {  	_ =	swait.ge [sflag:s7], $0xA00  }
0x76: {  	[sflag:s7] =	ssyncset.done $0x0  }
0x77: {  	[sflag:s7] =	ssyncadd.s32 $0xFFFFF600  }
0x78: {  	_ =	sfence.sel $0x180000  }
0x79: {  	[bflag:$0x0] =	sbarrier.arrive $0xFFFF  }
0x7a: {  	p0 =	sne.s32 s0, $0x0;
	_ =	strace $0x90000047  }
0x7b: {  	s0 =	sadd.s32 @!p0 $0x100000, s1;
	[bflag:$0x2] =	sbarrier.arrive $0xFFFF  }
0x7c: {  	[sflag:s0] =	ssyncadd.tile.s32 @!p0 $0x1;
	_ =	shalt  }
.Lfunc_end2:
_tile_overlayer_lowered:
.L_overlay_start_2:
0x7d: {  	(tag) =	ssettag $0x2  }
0x7e: {  	s0 =	rddreg [dreg:$0x0];
	s2 =	stileid.u32  }
0x7f: {  	s1 =	rddreg [dreg:$0x1];
	p0 =	sne.s32 s2, $0x0  }
0x80: {  	s3 =	rddreg [dreg:$0x2];
	[bflag:$0x3] =	sbarrier.arrive $0xFFFF;
	s2 =	simm.s32 @!p0 $0x1C02  }
0x81: {  	[timem:s3], [sflag:s2] =	dma.local @!p0 [hbm:s0], s1  }
0x82: {  	s0 =	simm.s32 @!p0 $0x2  }
0x83: {  	_ =	swait.ge @!p0 [sflag:s0], s1  }
0x84: {  	s1 =	ssub.s32 @!p0 $0x0, s1;
	[sflag:s0] =	ssyncset.done @!p0 $0x0  }
0x85: {  	[sflag:s0] =	ssyncadd.s32 @!p0 s1  }
0x86: {  	[bflag:$0x3] =	sbarrier.arrive $0xFFFF  }
0x87: {  	_ =	shalt  }

// kernel: kernel.22.cloned.1.call-start
scs
__scs_entry_jumppad:
0x0: {  	(pc) =	sbr.rel $0x88, $3  }
0x1: {  	(tag) =	ssettag $0x0;
	lr =	simm.s32 $0x1  }
0x2: {  	[smem:$0x3F8F] =	sst lr;
	_ =	strace $0xD0000000  }
0x3: {  	_ = 	snop  }
0x4: {  	_ = 	snop  }
0x5: {  	_ = 	snop  }
0x6: {  	_ = 	snop  }
0x7: {  	_ = 	snop  }
__scs_overlays_trampoline_lowered:
0x8: {  	[smem:$0x3F9E] =	sst s0  }
0x9: {  	[smem:$0x3F9F] =	sst s1  }
0xa: {  	[smem:$0x3FA0] =	sst s2  }
0xb: {  	[smem:$0x3FA1] =	sst s3  }
0xc: {  	[smem:$0x3FA2] =	sst s4  }
0xd: {  	[smem:$0x3FA3] =	sst s5  }
0xe: {  	[smem:$0x3FA4] =	sst s6  }
0xf: {  	[smem:$0x3FA5] =	sst s7  }
0x10: {  	[smem:$0x3FA6] =	sst s8  }
0x11: {  	[smem:$0x3FA7] =	sst s9;
	s0 =	simm.s32 @!p0 $0x0  }
0x12: {  	s1 =	sld [smem:$0x3F8D];
	s0 =	simm.s32 @p0 $0x1  }
0x13: {  	[smem:$0x3FA8] =	sst s0;
	s0 =	simm.s32 @!p1 $0x0  }
0x14: {  	s2 =	sld [smem:$0x3F8C];
	s0 =	simm.s32 @p1 $0x1  }
0x15: {  	[smem:$0x3FA9] =	sst s0;
	s0 =	simm.s32 @!p2 $0x0  }
0x16: {  	s3 =	sld [smem:$0x3FDB];
	s0 =	simm.s32 @p2 $0x1  }
0x17: {  	s4 =	simm.s32 $0x1BF5;
	[smem:$0x3FAB] =	sst s0  }
0x18: {  	s0 =	sld [smem:$0x3F8E];
	_ =	swait.ge [sflag:s4], $0x0  }
0x19: {  	s7 =	sld [smem:$0x3F8F]  }
0x1a: {  	s8 =	sadd.s32 $0xFFFFE003, lr  }
0x1b: {  	s9 =	sadd.s32 $0xFFFFFEF7, lr;
	s5 =	simm.s32 $0xFFFFFFFF;
	p2 =	slt.u32 s8, $0xFFFFF086  }
0x1c: {  	p1 =	slt.u32 s9, $0xF7A;
	s5 =	simm.s32 @!p2 $0x0  }
0x1d: {  	s5 =	simm.s32 @p1 $0x1;
	p0 =	seq.s32 s7, s2  }
0x1e: {  	s7 =	smul.u32 @!p0 $0xF7A, s2;
	p2 =	seq.s32 @!p0 s5, $0x0  }
0x1f: {  	s9 =	smul.u32 $0xF7A, s1;
	s8 =	simm.s32 @!p0 $0x1BF5;
	p2 =	por !p2, p0  }
0x20: {  	[sflag:s8] =	ssyncset.s32 @!p0 $0xFFFFF086;
	s6 =	sadd.s32 @!p0 s3, s7;
	s7 =	simm.s32 @!p0 $0x108  }
0x21: {  	s3 =	sadd.s32 s3, s9;
	s6 =	sadd.s32 @!p0 $0x88, s6;
	s7 =	simm.s32 @p2 $0x1082  }
0x22: {  	[simem:s7], [sflag:s8] =	dma.local @!p0 [hbm:s6], $0xF7A  }
0x23: {  	s9 =	sor.u32 $0xD0000000, s2;
	s6 =	simm.s32 $0x108;
	_ =	swait.ge @!p0 [sflag:s8], $0x0  }
0x24: {  	s3 =	sadd.s32 $0x88, s3;
	s6 =	simm.s32 @!p1 $0x1082;
	[sflag:s4] =	ssyncset.s32 $0xFFFFF086  }
0x25: {  	[simem:s6], [sflag:s4] =	dma.local [hbm:s3], $0xF7A  }
0x26: {  	[smem:$0x3F8F] =	sst s1;
	(tag) =	ssettag s2;
	_ =	strace s9  }
0x27: {  	s1 =	sld [smem:$0x3F9F]  }
0x28: {  	s2 =	sld [smem:$0x3FA0]  }
0x29: {  	s4 =	sld [smem:$0x3FA2]  }
0x2a: {  	p0 =	seq.s32 s5, $0x0;
	s5 =	sld [smem:$0x3FA3]  }
0x2b: {  	s6 =	sld [smem:$0x3FA4]  }
0x2c: {  	s7 =	sld [smem:$0x3FA5]  }
0x2d: {  	s3 =	simm.s32 $0x108;
	s8 =	sld [smem:$0x3FA6]  }
0x2e: {  	s3 =	simm.s32 @!p0 $0x1082;
	s9 =	sld [smem:$0x3FA7]  }
0x2f: {  	lr =	sadd.s32 s0, s3;
	s0 =	sld [smem:$0x3F9E]  }
0x30: {  	s3 =	sld [smem:$0x3FA1]  }
0x31: {  	[smem:$0x3FAA] =	sst s10  }
0x32: {  	s10 =	sld [smem:$0x3FA8];
	_ =	sdelay $0x3  }
0x33: {  	p0 =	seq.s32 s10, $0x1;
	s10 =	sld [smem:$0x3FAA];
	_ =	sdelay $0x3  }
0x34: {  	[smem:$0x3FAA] =	sst s10  }
0x35: {  	s10 =	sld [smem:$0x3FA9];
	_ =	sdelay $0x3  }
0x36: {  	p1 =	seq.s32 s10, $0x1;
	s10 =	sld [smem:$0x3FAA];
	_ =	sdelay $0x3  }
0x37: {  	[smem:$0x3FAA] =	sst s10  }
0x38: {  	s10 =	sld [smem:$0x3FAB]  }
0x39: {  	_ = 	snop;
	(pc) =	sbr.ind lr, $3  }
0x3a: {  	_ = 	snop  }
0x3b: {  	_ = 	snop  }
0x3c: {  	p2 =	seq.s32 s10, $0x1;
	s10 =	sld [smem:$0x3FAA]  }
0x3d: {  	_ =	shalt  }
0x3e: {  	_ =	shalt  }
0x3f: {  	_ =	shalt  }
0x40: {  	_ =	shalt  }
0x41: {  	_ =	shalt  }
0x42: {  	_ =	shalt  }
0x43: {  	_ =	shalt  }
0x44: {  	_ =	shalt  }
0x45: {  	_ =	shalt  }
0x46: {  	_ =	shalt  }
0x47: {  	_ =	shalt  }
0x48: {  	_ =	shalt  }
0x49: {  	_ =	shalt  }
0x4a: {  	_ =	shalt  }
0x4b: {  	_ =	shalt  }
0x4c: {  	_ =	shalt  }
0x4d: {  	_ =	shalt  }
0x4e: {  	_ =	shalt  }
0x4f: {  	_ =	shalt  }
0x50: {  	_ =	shalt  }
0x51: {  	_ =	shalt  }
0x52: {  	_ =	shalt  }
0x53: {  	_ =	shalt  }
0x54: {  	_ =	shalt  }
0x55: {  	_ =	shalt  }
0x56: {  	_ =	shalt  }
0x57: {  	_ =	shalt  }
0x58: {  	_ =	shalt  }
0x59: {  	_ =	shalt  }
0x5a: {  	_ =	shalt  }
0x5b: {  	_ =	shalt  }
0x5c: {  	_ =	shalt  }
0x5d: {  	_ =	shalt  }
0x5e: {  	_ =	shalt  }
0x5f: {  	_ =	shalt  }
0x60: {  	_ =	shalt  }
0x61: {  	_ =	shalt  }
0x62: {  	_ =	shalt  }
0x63: {  	_ =	shalt  }
0x64: {  	_ =	shalt  }
0x65: {  	_ =	shalt  }
0x66: {  	_ =	shalt  }
0x67: {  	_ =	shalt  }
0x68: {  	_ =	shalt  }
0x69: {  	_ =	shalt  }
0x6a: {  	_ =	shalt  }
0x6b: {  	_ =	shalt  }
0x6c: {  	_ =	shalt  }
0x6d: {  	_ =	shalt  }
0x6e: {  	_ =	shalt  }
0x6f: {  	_ =	shalt  }
0x70: {  	_ =	shalt  }
0x71: {  	_ =	shalt  }
0x72: {  	_ =	shalt  }
0x73: {  	_ =	shalt  }
0x74: {  	_ =	shalt  }
0x75: {  	_ =	shalt  }
0x76: {  	_ =	shalt  }
0x77: {  	_ =	shalt  }
0x78: {  	_ =	shalt  }
0x79: {  	_ =	shalt  }
0x7a: {  	_ =	shalt  }
0x7b: {  	_ =	shalt  }
0x7c: {  	_ =	shalt  }
0x7d: {  	_ =	shalt  }
0x7e: {  	_ =	shalt  }
0x7f: {  	_ =	shalt  }
0x80: {  	_ =	shalt  }
0x81: {  	_ =	shalt  }
0x82: {  	_ =	shalt  }
0x83: {  	_ =	shalt  }
0x84: {  	_ =	shalt  }
0x85: {  	_ =	shalt  }
0x86: {  	_ =	shalt  }
0x87: {  	_ =	shalt  }
.Lfunc_end0:
.L_simem_size_0:
called_computation.1_lowered:
.L_overlay_start_0:
0x88: {  	s2 =	sld [smem:$0x3FD9]  }
0x89: {  	s3 =	sld [smem:$0x3FFE];
	_ =	sdelay $0x1  }
0x8a: {  	s1 =	srdreg.scid  }
0x8b: {  	s0 =	sand.u32 $0x1, s1  }
0x8c: {  	s17 =	sshll.u32 s0, $0xA;
	s2 =	sadd.s32 s3, s2  }
0x8d: {  	s2 =	sadd.s32 s2, s17  }
0x8e: {  	[smem:$0x3FB6] =	sst s2  }
0x8f: {  	_ = 	snop  }
0x90: {  	(tm) =	ssettm $0x1  }
0x91: {  	s18 =	sld [smem:$0x3FFB];
	_ =	sdelay $0x3  }
0x92: {  	_ =	strace s18  }
0x93: {  	s2 =	sld [smem:$0x3FFC];
	_ =	sdelay $0x3  }
0x94: {  	_ =	strace s2  }
0x95: {  	s2 =	sld [smem:$0x3FFD];
	_ =	sdelay $0x3  }
0x96: {  	_ =	strace s2  }
0x97: {  	_ =	strace $0x8FFFFFFF  }
0x98: {  	s19 =	sld [smem:$0x3FDB];
	_ =	sdelay $0x1  }
0x99: {  	s20 =	simm.s32 $_scs_section_size  }
0x9a: {  	s4 =	simm.s32 $_size__tile_overlayer_lowered;
	s5 =	simm.s32 $_tile_overlayer_lowered  }
0x9b: {  	s6 =	simm.s32 $0x1BFF;
	s21 =	sshll.u32 s5, $0x1;
	s3 =	sadd.s32 s20, s19  }
0x9c: {  	s22 =	simm.s32 $0x0;
	s4 =	sshll.u32 s4, $0x1;
	s5 =	sadd.s32 s21, s3  }
0x9d: {  	[timem:s22], [sflag:s6] =	dma.local [hbm:s5], s4  }
0x9e: {  	_ =	swait.ge [sflag:s6], s4  }
0x9f: {  	s4 =	ssub.s32 $0x0, s4;
	[sflag:s6] =	ssyncset.done $0x0  }
0xa0: {  	[sflag:s6] =	ssyncadd.s32 s4;
	_ =	sdelay $0x1  }
0xa1: {  	s23 =	simm.s32 $0x1B8B  }
0xa2: {  	_ =	swait.ge [sflag:s23], $0x1  }
0xa3: {  	[sflag:s23] =	ssyncset.done $0x0  }
0xa4: {  	[sflag:s23] =	ssyncadd.s32 $0xFFFFFFFF  }
0xa5: {  	s4 =	sld [smem:$0x0]  }
0xa6: {  	s5 =	sand.u32 $0xFFFFFFFE, s1  }
0xa7: {  	p0 =	sne.s32 s1, s5  }
0xa8: {  	s5 =	sshll.u32 @p0 s5, $0xE  }
0xa9: {  	s5 =	sadd.s32 @p0 $0x11B8D, s5;
	s6 =	sshll.u32 @p0 s4, $0x11  }
0xaa: {  	s5 =	sor.u32 @p0 s6, s5  }
0xab: {  	[sflag:s5] =	ssyncadd.remote.s32 @p0 $0x1;
	_ =	sdelay $0x1  }
0xac: {  	s5 =	simm.s32 @p0 $0x1B8D  }
0xad: {  	_ =	swait.eq @p0 [sflag:s5], $0x1  }
0xae: {  	[sflag:s5] =	ssyncadd.s32 @p0 $0xFFFFFFFF  }
0xaf: {  	s6 =	sshll.u32 @!p0 s1, $0xE  }
0xb0: {  	s6 =	sor.u32 @!p0 $0x4000, s6;
	s5 =	simm.s32 @!p0 $0x1B8D  }
0xb1: {  	s4 =	sshll.u32 @!p0 s4, $0x11;
	s6 =	sadd.s32 @!p0 $0x11B8D, s6;
	_ =	swait.eq @!p0 [sflag:s5], $0x1  }
0xb2: {  	s4 =	sor.u32 @!p0 s4, s6;
	[sflag:s5] =	ssyncadd.s32 @!p0 $0xFFFFFFFF  }
0xb3: {  	s25 =	simm.s32 $0x1B8E;
	s24 =	sld [smem:$0x3FFE];
	[sflag:s4] =	ssyncadd.remote.s32 @!p0 $0x1  }
0xb4: {  	s26 =	simm.s32 $execute0_lowered;
	[smem:$0x3FD2] =	sst s25  }
0xb5: {  	s5 =	sshll.u32 s26, $0x1;
	_ =	strace $0x80000049;
	[dreg:$0x1] =	wrdreg $0xFFFFFFFF  }
0xb6: {  	s28 =	simm.s32 $_size_execute0_lowered;
	s3 =	sadd.s32 s3, s5;
	[dreg:$0x0] =	wrdreg $0x0  }
0xb7: {  	s5 =	sshll.u32 s28, $0x1;
	[dreg:$0x2] =	wrdreg s3  }
0xb8: {  	[dreg:$0x3] =	wrdreg s5  }
0xb9: {  	[dreg:$0x4] =	wrdreg $0xC0  }
0xba: {  	_ =	task [dreg:s22], $0x5FFFF  }
0xbb: {  	[dreg:$0x1] =	wrdreg $0xFFFFFFFF  }
0xbc: {  	[dreg:$0x0] =	wrdreg $0x60  }
0xbd: {  	[dreg:$0x2] =	wrdreg s24  }
0xbe: {  	[dreg:$0x3] =	wrdreg $0xA  }
0xbf: {  	_ =	task.clear_ibuf [dreg:s22], $0x4FFFF;
	_ =	strace $0x90000049  }
0xc0: {  	s29 =	simm.s32 $0xA;
	_ =	strace $0x8000004B  }
0xc1: {  	_ =	swait.ge [sflag:s29], $0x1  }
0xc2: {  	[sflag:s29] =	ssyncadd.s32 $0xFFFFFFFF  }
0xc3: {  	_ =	strace $0x9000004B  }
0xc4: {  	_ =	sfence  }
0xc5: {  	s30 =	sld [smem:$0x0];
	_ =	sdelay $0x2  }
0xc6: {  	s31 =	sshll.u32 s1, $0xD;
	s1 =	sshrl.u32 s1, $0x2  }
0xc7: {  	s4 =	sand.u32 $0x4000, s31;
	s1 =	sadd.s32 s1, s30  }
0xc8: {  	s0 =	sor.u32 s4, s0;
	s1 =	sshll.u32 s1, $0x11  }
0xc9: {  	s0 =	sor.u32 s1, s0  }
0xca: {  	s0 =	sadd.s32 $0x8F2B, s0  }
0xcb: {  	[sflag:s0] =	ssyncadd.remote.s32 $0x1  }
0xcc: {  	_ =	sfence.sel $0xFFFF  }
0xcd: {  	[dreg:$0x0] =	wrdreg $0xFFFFFFFF;
	(pc) =	sbr.abs _section_cstart, $3  }
0xce: {  	[dreg:$0x1] =	wrdreg $0xFFFFFFFF  }
0xcf: {  	_ =	task.clear_ibuf [dreg:s22], $0x2FFFF;
	_ =	strace $0x9FFFFFFF  }
0xd0: {  	(tm) =	ssettm $0x7FFFFFFF  }
0xd1: {  	_ =	shalt  }
tec
execute0_lowered:
.L_overlay_start_1:
0x0: {  	(tag) =	ssettag $0x1  }
0x1: {  	s1 =	srdreg.scid;
	s0 =	stileid.u32  }
0x2: {  	s1 =	sand.u32 $0x1, s1;
	s2 =	sshll.u32 s0, $0x1  }
0x3: {  	s4 =	rddreg [dreg:$0x0];
	s3 =	sor.u32 s1, s2;
	s2 =	simm.s32 $0x0  }
0x4: {  	s13 =	simm.s32 $0x2200;
	[smem:$0x7FF] =	sst s2  }
0x5: {  	s14 =	simm.s32 $0x100;
	_ =	strace $0x8000004A;
	[dreg:$0x4] =	wrdreg s13  }
0x6: {  	s15 =	simm.s32 $0x3A00;
	[dreg:$0x5] =	wrdreg s14  }
0x7: {  	s16 =	simm.s32 $0x180;
	[dreg:$0x6] =	wrdreg s15  }
0x8: {  	s17 =	simm.s32 $0x5200;
	[dreg:$0x7] =	wrdreg s16  }
0x9: {  	s18 =	simm.s32 $0x200;
	[dreg:$0x8] =	wrdreg s17  }
0xa: {  	s19 =	simm.s32 $0x6A00;
	[dreg:$0x9] =	wrdreg s18  }
0xb: {  	s20 =	simm.s32 $0x280;
	[dreg:$0xa] =	wrdreg s19  }
0xc: {  	s21 =	simm.s32 $0x8200;
	[dreg:$0xb] =	wrdreg s20  }
0xd: {  	s22 =	simm.s32 $0x300;
	[dreg:$0xc] =	wrdreg s21  }
0xe: {  	s23 =	simm.s32 $0x9A00;
	[dreg:$0xd] =	wrdreg s22  }
0xf: {  	s24 =	simm.s32 $0x380;
	[dreg:$0xe] =	wrdreg s23  }
0x10: {  	s25 =	simm.s32 $0xB200;
	s5 =	smul.u32 $0x140, s3;
	[dreg:$0xf] =	wrdreg s24  }
0x11: {  	s26 =	simm.s32 $0x400;
	s3 =	smul.u32 $0xA000, s3;
	[dreg:$0x10] =	wrdreg s25  }
0x12: {  	s6 =	simm.s32 $0xCA00;
	[dreg:$0x11] =	wrdreg s26;
	s5 =	sadd.s32 s5, s4  }
0x13: {  	[dreg:$0x12] =	wrdreg s6;
	s3 =	sadd.s32 s3, s4;
	s5 =	sadd.s32 $0x8A00, s5  }
0x14: {  	s3 =	sadd.s32 $0x79600, s3;
	[dreg:$0x2] =	wrdreg s5  }
0x15: {  	[dreg:$0x3] =	wrdreg s3  }
0x16: {  	s3 =	simm.s32 $0x2;
	s5 =	rddreg [dreg:$0x2]  }
0x17: {  	[tilespmem:s2], [sflag:$0x2] =	stream.linear.gather [hbm4b:s5+s2], $0xA00, $0x38;
	[tilespmem:$0x1EA00] =	vst v63  }
0x18: {  	_ =	swait.ge [sflag:s3], $0xA00  }
0x19: {  	s7 =	rddreg [dreg:$0x12]  }
0x1a: {  	s8 =	rddreg [dreg:$0x10]  }
0x1b: {  	s9 =	rddreg [dreg:$0xe]  }
0x1c: {  	s10 =	rddreg [dreg:$0xc]  }
0x1d: {  	s6 =	simm.s32 $0xA00;
	s11 =	rddreg [dreg:$0xa]  }
0x1e: {  	s5 =	sadd.s32 $0x6A600, s4;
	s12 =	rddreg [dreg:$0x5];
	[sflag:s3] =	ssyncset.done $0x0  }
0x1f: {  	s4 =	simm.s32 $0x80;
	s13 =	rddreg [dreg:$0x4];
	[sflag:s3] =	ssyncadd.s32 $0xFFFFF600  }
0x20: {  	[tilespmem:s6], [sflag:$0x1] =	stream.indirect.gather [hbm4b:s5+s4], $0x30, s2, s4, $0xb8;
	[tilespmem:$0x1EA00] =	vst v63  }
0x21: {  	s14 =	rddreg [dreg:$0x6]  }
0x22: {  	[tilespmem:s13], [sflag:$0x1] =	stream.indirect.gather [hbm4b:s5+s4], $0x30, s4, s4, $0xb8;
	[tilespmem:$0x1EA00] =	vst v63  }
0x23: {  	s15 =	rddreg [dreg:$0x8]  }
0x24: {  	[tilespmem:s14], [sflag:$0x1] =	stream.indirect.gather [hbm4b:s5+s4], $0x30, s12, s4, $0xb8;
	[tilespmem:$0x1EA00] =	vst v63  }
0x25: {  	s0 =	rddreg [dreg:$0x7]  }
0x26: {  	[tilespmem:s15], [sflag:$0x1] =	stream.indirect.gather [hbm4b:s5+s4], $0x30, s0, s4, $0xb8;
	[tilespmem:$0x1EA00] =	vst v63  }
0x27: {  	s14 =	rddreg [dreg:$0x9]  }
0x28: {  	[tilespmem:s11], [sflag:$0x1] =	stream.indirect.gather [hbm4b:s5+s4], $0x30, s14, s4, $0xb8;
	[tilespmem:$0x1EA00] =	vst v63  }
0x29: {  	s15 =	rddreg [dreg:$0xb]  }
0x2a: {  	[tilespmem:s10], [sflag:$0x1] =	stream.indirect.gather [hbm4b:s5+s4], $0x30, s15, s4, $0xb8;
	[tilespmem:$0x1EA00] =	vst v63  }
0x2b: {  	s16 =	rddreg [dreg:$0xd]  }
0x2c: {  	[tilespmem:s9], [sflag:$0x1] =	stream.indirect.gather [hbm4b:s5+s4], $0x30, s16, s4, $0xb8;
	[tilespmem:$0x1EA00] =	vst v63  }
0x2d: {  	s17 =	rddreg [dreg:$0xf]  }
0x2e: {  	[tilespmem:s8], [sflag:$0x1] =	stream.indirect.gather [hbm4b:s5+s4], $0x30, s17, s4, $0xb8;
	[tilespmem:$0x1EA00] =	vst v63  }
0x2f: {  	s18 =	rddreg [dreg:$0x11]  }
0x30: {  	[tilespmem:s7], [sflag:$0x1] =	stream.indirect.gather [hbm4b:s5+s4], $0x30, s18, s4, $0xb8;
	[tilespmem:$0x1EA00] =	vst v63  }
0x31: {  	s19 =	simm.s32 $0x480;
	s20 =	simm.s32 $0xE200  }
0x32: {  	[tilespmem:s20], [sflag:$0x1] =	stream.indirect.gather [hbm4b:s5+s4], $0x30, s19, s4, $0xb8;
	[tilespmem:$0x1EA00] =	vst v63  }
0x33: {  	s21 =	simm.s32 $0x500;
	s22 =	simm.s32 $0xFA00  }
0x34: {  	[tilespmem:s22], [sflag:$0x1] =	stream.indirect.gather [hbm4b:s5+s4], $0x30, s21, s4, $0xb8;
	[tilespmem:$0x1EA00] =	vst v63  }
0x35: {  	s23 =	simm.s32 $0x580;
	s24 =	simm.s32 $0x11200  }
0x36: {  	[tilespmem:s24], [sflag:$0x1] =	stream.indirect.gather [hbm4b:s5+s4], $0x30, s23, s4, $0xb8;
	[tilespmem:$0x1EA00] =	vst v63  }
0x37: {  	s25 =	simm.s32 $0x600;
	s26 =	simm.s32 $0x12A00  }
0x38: {  	[tilespmem:s26], [sflag:$0x1] =	stream.indirect.gather [hbm4b:s5+s4], $0x30, s25, s4, $0xb8;
	[tilespmem:$0x1EA00] =	vst v63  }
0x39: {  	s15 =	simm.s32 $0x680;
	s16 =	simm.s32 $0x14200  }
0x3a: {  	[tilespmem:s16], [sflag:$0x1] =	stream.indirect.gather [hbm4b:s5+s4], $0x30, s15, s4, $0xb8;
	[tilespmem:$0x1EA00] =	vst v63  }
0x3b: {  	s17 =	simm.s32 $0x700;
	s18 =	simm.s32 $0x15A00  }
0x3c: {  	[tilespmem:s18], [sflag:$0x1] =	stream.indirect.gather [hbm4b:s5+s4], $0x30, s17, s4, $0xb8;
	[tilespmem:$0x1EA00] =	vst v63  }
0x3d: {  	s19 =	simm.s32 $0x780;
	s20 =	simm.s32 $0x17200  }
0x3e: {  	[tilespmem:s20], [sflag:$0x1] =	stream.indirect.gather [hbm4b:s5+s4], $0x30, s19, s4, $0xb8;
	[tilespmem:$0x1EA00] =	vst v63  }
0x3f: {  	s21 =	simm.s32 $0x800;
	s22 =	simm.s32 $0x18A00  }
0x40: {  	[tilespmem:s22], [sflag:$0x1] =	stream.indirect.gather [hbm4b:s5+s4], $0x30, s21, s4, $0xb8;
	[tilespmem:$0x1EA00] =	vst v63  }
0x41: {  	s23 =	simm.s32 $0x880;
	s24 =	simm.s32 $0x1A200  }
0x42: {  	[tilespmem:s24], [sflag:$0x1] =	stream.indirect.gather [hbm4b:s5+s4], $0x30, s23, s4, $0xb8;
	[tilespmem:$0x1EA00] =	vst v63  }
0x43: {  	s25 =	simm.s32 $0x900;
	s26 =	simm.s32 $0x1BA00  }
0x44: {  	[tilespmem:s26], [sflag:$0x1] =	stream.indirect.gather [hbm4b:s5+s4], $0x30, s25, s4, $0xb8;
	[tilespmem:$0x1EA00] =	vst v63  }
0x45: {  	s29 =	simm.s32 $0x980;
	s30 =	simm.s32 $0x1D200;
	s28 =	simm.s32 $0x1  }
0x46: {  	[tilespmem:s30], [sflag:$0x1] =	stream.indirect.gather [hbm4b:s5+s4], $0x30, s29, s4, $0xb8;
	[tilespmem:$0x1EA00] =	vst v63  }
0x47: {  	_ =	swait.ge [sflag:s28], $0x1800  }
0x48: {  	[sflag:s28] =	ssyncset.done $0x0  }
0x49: {  	[sflag:s28] =	ssyncadd.s32 $0xFFFFE800  }
0x4a: {  	_ =	swait.ge [sflag:s28], $0x1800  }
0x4b: {  	[sflag:s28] =	ssyncset.done $0x0  }
0x4c: {  	[sflag:s28] =	ssyncadd.s32 $0xFFFFE800  }
0x4d: {  	_ =	swait.ge [sflag:s28], $0x1800  }
0x4e: {  	[sflag:s28] =	ssyncset.done $0x0  }
0x4f: {  	[sflag:s28] =	ssyncadd.s32 $0xFFFFE800  }
0x50: {  	_ =	swait.ge [sflag:s28], $0x1800  }
0x51: {  	[sflag:s28] =	ssyncset.done $0x0  }
0x52: {  	[sflag:s28] =	ssyncadd.s32 $0xFFFFE800  }
0x53: {  	_ =	swait.ge [sflag:s28], $0x1800  }
0x54: {  	[sflag:s28] =	ssyncset.done $0x0  }
0x55: {  	[sflag:s28] =	ssyncadd.s32 $0xFFFFE800  }
0x56: {  	_ =	swait.ge [sflag:s28], $0x1800  }
0x57: {  	[sflag:s28] =	ssyncset.done $0x0  }
0x58: {  	[sflag:s28] =	ssyncadd.s32 $0xFFFFE800  }
0x59: {  	_ =	swait.ge [sflag:s28], $0x1800  }
0x5a: {  	[sflag:s28] =	ssyncset.done $0x0  }
0x5b: {  	[sflag:s28] =	ssyncadd.s32 $0xFFFFE800  }
0x5c: {  	_ =	swait.ge [sflag:s28], $0x1800  }
0x5d: {  	[sflag:s28] =	ssyncset.done $0x0  }
0x5e: {  	[sflag:s28] =	ssyncadd.s32 $0xFFFFE800  }
0x5f: {  	_ =	swait.ge [sflag:s28], $0x1800  }
0x60: {  	[sflag:s28] =	ssyncset.done $0x0  }
0x61: {  	[sflag:s28] =	ssyncadd.s32 $0xFFFFE800  }
0x62: {  	_ =	swait.ge [sflag:s28], $0x1800  }
0x63: {  	[sflag:s28] =	ssyncset.done $0x0  }
0x64: {  	[sflag:s28] =	ssyncadd.s32 $0xFFFFE800  }
0x65: {  	_ =	swait.ge [sflag:s28], $0x1800  }
0x66: {  	[sflag:s28] =	ssyncset.done $0x0  }
0x67: {  	[sflag:s28] =	ssyncadd.s32 $0xFFFFE800  }
0x68: {  	_ =	swait.ge [sflag:s28], $0x1800  }
0x69: {  	[sflag:s28] =	ssyncset.done $0x0  }
0x6a: {  	[sflag:s28] =	ssyncadd.s32 $0xFFFFE800  }
0x6b: {  	_ =	swait.ge [sflag:s28], $0x1800  }
0x6c: {  	[sflag:s28] =	ssyncset.done $0x0  }
0x6d: {  	[sflag:s28] =	ssyncadd.s32 $0xFFFFE800  }
0x6e: {  	_ =	swait.ge [sflag:s28], $0x1800  }
0x6f: {  	[sflag:s28] =	ssyncset.done $0x0  }
0x70: {  	[sflag:s28] =	ssyncadd.s32 $0xFFFFE800  }
0x71: {  	_ =	swait.ge [sflag:s28], $0x1800  }
0x72: {  	[sflag:s28] =	ssyncset.done $0x0  }
0x73: {  	[sflag:s28] =	ssyncadd.s32 $0xFFFFE800  }
0x74: {  	_ =	swait.ge [sflag:s28], $0x1800  }
0x75: {  	[sflag:s28] =	ssyncset.done $0x0  }
0x76: {  	[sflag:s28] =	ssyncadd.s32 $0xFFFFE800  }
0x77: {  	s1 =	ssub.s32 $0x2, s1;
	_ =	swait.ge [sflag:s28], $0x1800  }
0x78: {  	s31 =	sshrl.u32 s1, $0x1;
	[sflag:s28] =	ssyncset.done $0x0  }
0x79: {  	s1 =	ssub.s32 s1, s31;
	[sflag:s28] =	ssyncadd.s32 $0xFFFFE800  }
0x7a: {  	s1 =	smax.u32 s1, $0x1;
	_ =	swait.ge [sflag:s28], $0x1800  }
0x7b: {  	p0 =	sne.s32 s1, $0x1;
	[sflag:s28] =	ssyncset.done $0x0  }
.Ltmp0:
0x7c: {  	[sflag:s28] =	ssyncadd.s32 $0xFFFFE800;
	(pc) =	sbr.rel @!p0 .LBB2_2-.Ltmp0, $4  }
0x7d: {  	_ =	swait.ge [sflag:s28], $0x1800  }
0x7e: {  	[sflag:s28] =	ssyncset.done $0x0  }
0x7f: {  	[sflag:s28] =	ssyncadd.s32 $0xFFFFE800  }
0x80: {  	s31 =	simm.s32 $0x30;
	s1 =	sadd.s32 $0xFFFFFFFF, s1;
	_ =	swait.ge [sflag:s28], $0x1800  }
.LBB2_1:
0x81: {  	[sflag:s28] =	ssyncset.done $0x0  }
0x82: {  	s0 =	rddreg [dreg:$0x3];
	[sflag:s28] =	ssyncadd.s32 $0xFFFFE800  }
0x83: {  	[hbm4b:s0+s31] =	stream.strided.scatter [tilespmem:s6], [sflag:$0x2], $0x1E000, s4, s31, $0x38;
	[tilespmem:$0x1EA00] =	vst v63  }
0x84: {  	_ =	swait.ge [sflag:s3], $0x1E000  }
0x85: {  	[sflag:s3] =	ssyncset.done $0x0  }
0x86: {  	s12 =	rddreg [dreg:$0x2];
	[sflag:s3] =	ssyncadd.s32 $0xFFFE2000  }
0x87: {  	[tilespmem:s2], [sflag:$0x2] =	stream.linear.gather [hbm4b:s12+s2], $0xA00, $0x38;
	[tilespmem:$0x1EA00] =	vst v63  }
0x88: {  	_ =	swait.ge [sflag:s3], $0xA00  }
0x89: {  	s0 =	rddreg [dreg:$0x12]  }
0x8a: {  	s7 =	rddreg [dreg:$0x10]  }
0x8b: {  	s8 =	rddreg [dreg:$0xe]  }
0x8c: {  	s9 =	rddreg [dreg:$0xc]  }
0x8d: {  	s10 =	rddreg [dreg:$0xa]  }
0x8e: {  	[sflag:s3] =	ssyncset.done $0x0;
	s11 =	rddreg [dreg:$0x5]  }
0x8f: {  	s12 =	rddreg [dreg:$0x4];
	[sflag:s3] =	ssyncadd.s32 $0xFFFFF600  }
0x90: {  	[tilespmem:s6], [sflag:$0x1] =	stream.indirect.gather [hbm4b:s5+s4], $0x30, s2, s4, $0xb8;
	[tilespmem:$0x1EA00] =	vst v63  }
0x91: {  	s13 =	rddreg [dreg:$0x6]  }
0x92: {  	[tilespmem:s12], [sflag:$0x1] =	stream.indirect.gather [hbm4b:s5+s4], $0x30, s4, s4, $0xb8;
	[tilespmem:$0x1EA00] =	vst v63  }
0x93: {  	s14 =	rddreg [dreg:$0x8]  }
0x94: {  	[tilespmem:s13], [sflag:$0x1] =	stream.indirect.gather [hbm4b:s5+s4], $0x30, s11, s4, $0xb8;
	[tilespmem:$0x1EA00] =	vst v63  }
0x95: {  	s12 =	rddreg [dreg:$0x7]  }
0x96: {  	[tilespmem:s14], [sflag:$0x1] =	stream.indirect.gather [hbm4b:s5+s4], $0x30, s12, s4, $0xb8;
	[tilespmem:$0x1EA00] =	vst v63  }
0x97: {  	s13 =	rddreg [dreg:$0x9]  }
0x98: {  	[tilespmem:s10], [sflag:$0x1] =	stream.indirect.gather [hbm4b:s5+s4], $0x30, s13, s4, $0xb8;
	[tilespmem:$0x1EA00] =	vst v63  }
0x99: {  	s14 =	rddreg [dreg:$0xb]  }
0x9a: {  	[tilespmem:s9], [sflag:$0x1] =	stream.indirect.gather [hbm4b:s5+s4], $0x30, s14, s4, $0xb8;
	[tilespmem:$0x1EA00] =	vst v63  }
0x9b: {  	s11 =	rddreg [dreg:$0xd]  }
0x9c: {  	[tilespmem:s8], [sflag:$0x1] =	stream.indirect.gather [hbm4b:s5+s4], $0x30, s11, s4, $0xb8;
	[tilespmem:$0x1EA00] =	vst v63  }
0x9d: {  	s13 =	rddreg [dreg:$0xf]  }
0x9e: {  	[tilespmem:s7], [sflag:$0x1] =	stream.indirect.gather [hbm4b:s5+s4], $0x30, s13, s4, $0xb8;
	[tilespmem:$0x1EA00] =	vst v63  }
0x9f: {  	s14 =	rddreg [dreg:$0x11]  }
0xa0: {  	[tilespmem:s0], [sflag:$0x1] =	stream.indirect.gather [hbm4b:s5+s4], $0x30, s14, s4, $0xb8;
	[tilespmem:$0x1EA00] =	vst v63  }
0xa1: {  	s8 =	simm.s32 $0xE200;
	s7 =	simm.s32 $0x480  }
0xa2: {  	[tilespmem:s8], [sflag:$0x1] =	stream.indirect.gather [hbm4b:s5+s4], $0x30, s7, s4, $0xb8;
	[tilespmem:$0x1EA00] =	vst v63  }
0xa3: {  	s10 =	simm.s32 $0xFA00;
	s9 =	simm.s32 $0x500  }
0xa4: {  	[tilespmem:s10], [sflag:$0x1] =	stream.indirect.gather [hbm4b:s5+s4], $0x30, s9, s4, $0xb8;
	[tilespmem:$0x1EA00] =	vst v63  }
0xa5: {  	s12 =	simm.s32 $0x11200;
	s11 =	simm.s32 $0x580  }
0xa6: {  	[tilespmem:s12], [sflag:$0x1] =	stream.indirect.gather [hbm4b:s5+s4], $0x30, s11, s4, $0xb8;
	[tilespmem:$0x1EA00] =	vst v63  }
0xa7: {  	s13 =	simm.s32 $0x600;
	s14 =	simm.s32 $0x12A00  }
0xa8: {  	[tilespmem:s14], [sflag:$0x1] =	stream.indirect.gather [hbm4b:s5+s4], $0x30, s13, s4, $0xb8;
	[tilespmem:$0x1EA00] =	vst v63  }
0xa9: {  	_ = 	snop  }
0xaa: {  	[tilespmem:s16], [sflag:$0x1] =	stream.indirect.gather [hbm4b:s5+s4], $0x30, s15, s4, $0xb8;
	[tilespmem:$0x1EA00] =	vst v63  }
0xab: {  	_ = 	snop  }
0xac: {  	[tilespmem:s18], [sflag:$0x1] =	stream.indirect.gather [hbm4b:s5+s4], $0x30, s17, s4, $0xb8;
	[tilespmem:$0x1EA00] =	vst v63  }
0xad: {  	_ = 	snop  }
0xae: {  	[tilespmem:s20], [sflag:$0x1] =	stream.indirect.gather [hbm4b:s5+s4], $0x30, s19, s4, $0xb8;
	[tilespmem:$0x1EA00] =	vst v63  }
0xaf: {  	_ = 	snop  }
0xb0: {  	[tilespmem:s22], [sflag:$0x1] =	stream.indirect.gather [hbm4b:s5+s4], $0x30, s21, s4, $0xb8;
	[tilespmem:$0x1EA00] =	vst v63  }
0xb1: {  	_ = 	snop  }
0xb2: {  	[tilespmem:s24], [sflag:$0x1] =	stream.indirect.gather [hbm4b:s5+s4], $0x30, s23, s4, $0xb8;
	[tilespmem:$0x1EA00] =	vst v63  }
0xb3: {  	_ = 	snop  }
0xb4: {  	[tilespmem:s26], [sflag:$0x1] =	stream.indirect.gather [hbm4b:s5+s4], $0x30, s25, s4, $0xb8;
	[tilespmem:$0x1EA00] =	vst v63  }
0xb5: {  	_ = 	snop  }
0xb6: {  	[tilespmem:s30], [sflag:$0x1] =	stream.indirect.gather [hbm4b:s5+s4], $0x30, s29, s4, $0xb8;
	[tilespmem:$0x1EA00] =	vst v63  }
0xb7: {  	_ =	swait.ge [sflag:s28], $0x1800  }
0xb8: {  	[sflag:s28] =	ssyncset.done $0x0  }
0xb9: {  	[sflag:s28] =	ssyncadd.s32 $0xFFFFE800  }
0xba: {  	_ =	swait.ge [sflag:s28], $0x1800  }
0xbb: {  	[sflag:s28] =	ssyncset.done $0x0  }
0xbc: {  	[sflag:s28] =	ssyncadd.s32 $0xFFFFE800  }
0xbd: {  	_ =	swait.ge [sflag:s28], $0x1800  }
0xbe: {  	[sflag:s28] =	ssyncset.done $0x0  }
0xbf: {  	[sflag:s28] =	ssyncadd.s32 $0xFFFFE800  }
0xc0: {  	_ =	swait.ge [sflag:s28], $0x1800  }
0xc1: {  	[sflag:s28] =	ssyncset.done $0x0  }
0xc2: {  	[sflag:s28] =	ssyncadd.s32 $0xFFFFE800  }
0xc3: {  	_ =	swait.ge [sflag:s28], $0x1800  }
0xc4: {  	[sflag:s28] =	ssyncset.done $0x0  }
0xc5: {  	[sflag:s28] =	ssyncadd.s32 $0xFFFFE800  }
0xc6: {  	_ =	swait.ge [sflag:s28], $0x1800  }
0xc7: {  	[sflag:s28] =	ssyncset.done $0x0  }
0xc8: {  	[sflag:s28] =	ssyncadd.s32 $0xFFFFE800  }
0xc9: {  	_ =	swait.ge [sflag:s28], $0x1800  }
0xca: {  	[sflag:s28] =	ssyncset.done $0x0  }
0xcb: {  	[sflag:s28] =	ssyncadd.s32 $0xFFFFE800  }
0xcc: {  	_ =	swait.ge [sflag:s28], $0x1800  }
0xcd: {  	[sflag:s28] =	ssyncset.done $0x0  }
0xce: {  	[sflag:s28] =	ssyncadd.s32 $0xFFFFE800  }
0xcf: {  	_ =	swait.ge [sflag:s28], $0x1800  }
0xd0: {  	[sflag:s28] =	ssyncset.done $0x0  }
0xd1: {  	[sflag:s28] =	ssyncadd.s32 $0xFFFFE800  }
0xd2: {  	_ =	swait.ge [sflag:s28], $0x1800  }
0xd3: {  	[sflag:s28] =	ssyncset.done $0x0  }
0xd4: {  	[sflag:s28] =	ssyncadd.s32 $0xFFFFE800  }
0xd5: {  	_ =	swait.ge [sflag:s28], $0x1800  }
0xd6: {  	[sflag:s28] =	ssyncset.done $0x0  }
0xd7: {  	[sflag:s28] =	ssyncadd.s32 $0xFFFFE800  }
0xd8: {  	_ =	swait.ge [sflag:s28], $0x1800  }
0xd9: {  	[sflag:s28] =	ssyncset.done $0x0  }
0xda: {  	[sflag:s28] =	ssyncadd.s32 $0xFFFFE800  }
0xdb: {  	_ =	swait.ge [sflag:s28], $0x1800  }
0xdc: {  	[sflag:s28] =	ssyncset.done $0x0  }
0xdd: {  	[sflag:s28] =	ssyncadd.s32 $0xFFFFE800  }
0xde: {  	_ =	swait.ge [sflag:s28], $0x1800  }
0xdf: {  	[sflag:s28] =	ssyncset.done $0x0  }
0xe0: {  	[sflag:s28] =	ssyncadd.s32 $0xFFFFE800  }
0xe1: {  	_ =	swait.ge [sflag:s28], $0x1800  }
0xe2: {  	[sflag:s28] =	ssyncset.done $0x0  }
0xe3: {  	[sflag:s28] =	ssyncadd.s32 $0xFFFFE800  }
0xe4: {  	_ =	swait.ge [sflag:s28], $0x1800  }
0xe5: {  	[sflag:s28] =	ssyncset.done $0x0  }
0xe6: {  	[sflag:s28] =	ssyncadd.s32 $0xFFFFE800  }
0xe7: {  	_ =	swait.ge [sflag:s28], $0x1800  }
0xe8: {  	[sflag:s28] =	ssyncset.done $0x0  }
0xe9: {  	[sflag:s28] =	ssyncadd.s32 $0xFFFFE800  }
0xea: {  	_ =	swait.ge [sflag:s28], $0x1800  }
0xeb: {  	p0 =	sne.s32 s1, $0x1;
	[sflag:s28] =	ssyncset.done $0x0  }
.Ltmp1:
0xec: {  	[sflag:s28] =	ssyncadd.s32 $0xFFFFE800;
	(pc) =	sbr.rel @p0 .LBB2_1-.Ltmp1, $4  }
0xed: {  	_ =	swait.ge [sflag:s28], $0x1800  }
0xee: {  	[sflag:s28] =	ssyncset.done $0x0  }
0xef: {  	[sflag:s28] =	ssyncadd.s32 $0xFFFFE800  }
0xf0: {  	s1 =	sadd.s32 $0xFFFFFFFF, s1;
	_ =	swait.ge [sflag:s28], $0x1800  }
.LBB2_2:
0xf1: {  	[sflag:s28] =	ssyncset.done $0x0  }
0xf2: {  	s0 =	rddreg [dreg:$0x3];
	[sflag:s28] =	ssyncadd.s32 $0xFFFFE800  }
0xf3: {  	[hbm4b:s0+s31] =	stream.strided.scatter [tilespmem:s6], [sflag:$0x2], $0x1E000, s4, s31, $0x38;
	[tilespmem:$0x1EA00] =	vst v63  }
0xf4: {  	_ =	swait.ge [sflag:s3], $0x1E000  }
0xf5: {  	[sflag:s3] =	ssyncset.done $0x0  }
0xf6: {  	[sflag:s3] =	ssyncadd.s32 $0xFFFE2000  }
0xf7: {  	_ =	sfence.sel $0x180000  }
0xf8: {  	[bflag:$0x0] =	sbarrier.arrive $0xFFFF  }
0xf9: {  	_ =	strace $0x9000004A  }
0xfa: {  	s31 =	stileid.u32;
	[bflag:$0x2] =	sbarrier.arrive $0xFFFF  }
0xfb: {  	p0 =	sne.s32 s31, $0x0;
	s0 =	rddreg [dreg:$0x1]  }
0xfc: {  	s0 =	sadd.s32 @!p0 $0x100000, s0  }
0xfd: {  	[sflag:s0] =	ssyncadd.tile.s32 @!p0 $0x1;
	_ =	shalt  }
.Lfunc_end2:
_tile_overlayer_lowered:
.L_overlay_start_2:
0xfe: {  	(tag) =	ssettag $0x2  }
0xff: {  	s0 =	rddreg [dreg:$0x0];
	s2 =	stileid.u32  }
0x100: {  	s1 =	rddreg [dreg:$0x1];
	p0 =	sne.s32 s2, $0x0  }
0x101: {  	s3 =	rddreg [dreg:$0x2];
	[bflag:$0x3] =	sbarrier.arrive $0xFFFF;
	s2 =	simm.s32 @!p0 $0x1C02  }
0x102: {  	[timem:s3], [sflag:s2] =	dma.local @!p0 [hbm:s0], s1  }
0x103: {  	s0 =	simm.s32 @!p0 $0x2  }
0x104: {  	_ =	swait.ge @!p0 [sflag:s0], s1  }
0x105: {  	s1 =	ssub.s32 @!p0 $0x0, s1;
	[sflag:s0] =	ssyncset.done @!p0 $0x0  }
0x106: {  	[sflag:s0] =	ssyncadd.s32 @!p0 s1  }
0x107: {  	[bflag:$0x3] =	sbarrier.arrive $0xFFFF  }
0x108: {  	_ =	shalt  }

// kernel: kernel.25.cloned.1.call-start
scs
__scs_entry_jumppad:
0x0: {  	(pc) =	sbr.rel $0x88, $3  }
0x1: {  	(tag) =	ssettag $0x0;
	lr =	simm.s32 $0x1  }
0x2: {  	[smem:$0x3F8F] =	sst lr;
	_ =	strace $0xD0000000  }
0x3: {  	_ = 	snop  }
0x4: {  	_ = 	snop  }
0x5: {  	_ = 	snop  }
0x6: {  	_ = 	snop  }
0x7: {  	_ = 	snop  }
__scs_overlays_trampoline_lowered:
0x8: {  	[smem:$0x3F9E] =	sst s0  }
0x9: {  	[smem:$0x3F9F] =	sst s1  }
0xa: {  	[smem:$0x3FA0] =	sst s2  }
0xb: {  	[smem:$0x3FA1] =	sst s3  }
0xc: {  	[smem:$0x3FA2] =	sst s4  }
0xd: {  	[smem:$0x3FA3] =	sst s5  }
0xe: {  	[smem:$0x3FA4] =	sst s6  }
0xf: {  	[smem:$0x3FA5] =	sst s7  }
0x10: {  	[smem:$0x3FA6] =	sst s8  }
0x11: {  	[smem:$0x3FA7] =	sst s9;
	s0 =	simm.s32 @!p0 $0x0  }
0x12: {  	s1 =	sld [smem:$0x3F8D];
	s0 =	simm.s32 @p0 $0x1  }
0x13: {  	[smem:$0x3FA8] =	sst s0;
	s0 =	simm.s32 @!p1 $0x0  }
0x14: {  	s2 =	sld [smem:$0x3F8C];
	s0 =	simm.s32 @p1 $0x1  }
0x15: {  	[smem:$0x3FA9] =	sst s0;
	s0 =	simm.s32 @!p2 $0x0  }
0x16: {  	s3 =	sld [smem:$0x3FDB];
	s0 =	simm.s32 @p2 $0x1  }
0x17: {  	s4 =	simm.s32 $0x1BF5;
	[smem:$0x3FAB] =	sst s0  }
0x18: {  	s0 =	sld [smem:$0x3F8E];
	_ =	swait.ge [sflag:s4], $0x0  }
0x19: {  	s7 =	sld [smem:$0x3F8F]  }
0x1a: {  	s8 =	sadd.s32 $0xFFFFE003, lr  }
0x1b: {  	s9 =	sadd.s32 $0xFFFFFEF7, lr;
	s5 =	simm.s32 $0xFFFFFFFF;
	p2 =	slt.u32 s8, $0xFFFFF086  }
0x1c: {  	p1 =	slt.u32 s9, $0xF7A;
	s5 =	simm.s32 @!p2 $0x0  }
0x1d: {  	s5 =	simm.s32 @p1 $0x1;
	p0 =	seq.s32 s7, s2  }
0x1e: {  	s7 =	smul.u32 @!p0 $0xF7A, s2;
	p2 =	seq.s32 @!p0 s5, $0x0  }
0x1f: {  	s9 =	smul.u32 $0xF7A, s1;
	s8 =	simm.s32 @!p0 $0x1BF5;
	p2 =	por !p2, p0  }
0x20: {  	[sflag:s8] =	ssyncset.s32 @!p0 $0xFFFFF086;
	s6 =	sadd.s32 @!p0 s3, s7;
	s7 =	simm.s32 @!p0 $0x108  }
0x21: {  	s3 =	sadd.s32 s3, s9;
	s6 =	sadd.s32 @!p0 $0x88, s6;
	s7 =	simm.s32 @p2 $0x1082  }
0x22: {  	[simem:s7], [sflag:s8] =	dma.local @!p0 [hbm:s6], $0xF7A  }
0x23: {  	s9 =	sor.u32 $0xD0000000, s2;
	s6 =	simm.s32 $0x108;
	_ =	swait.ge @!p0 [sflag:s8], $0x0  }
0x24: {  	s3 =	sadd.s32 $0x88, s3;
	s6 =	simm.s32 @!p1 $0x1082;
	[sflag:s4] =	ssyncset.s32 $0xFFFFF086  }
0x25: {  	[simem:s6], [sflag:s4] =	dma.local [hbm:s3], $0xF7A  }
0x26: {  	[smem:$0x3F8F] =	sst s1;
	(tag) =	ssettag s2;
	_ =	strace s9  }
0x27: {  	s1 =	sld [smem:$0x3F9F]  }
0x28: {  	s2 =	sld [smem:$0x3FA0]  }
0x29: {  	s4 =	sld [smem:$0x3FA2]  }
0x2a: {  	p0 =	seq.s32 s5, $0x0;
	s5 =	sld [smem:$0x3FA3]  }
0x2b: {  	s6 =	sld [smem:$0x3FA4]  }
0x2c: {  	s7 =	sld [smem:$0x3FA5]  }
0x2d: {  	s3 =	simm.s32 $0x108;
	s8 =	sld [smem:$0x3FA6]  }
0x2e: {  	s3 =	simm.s32 @!p0 $0x1082;
	s9 =	sld [smem:$0x3FA7]  }
0x2f: {  	lr =	sadd.s32 s0, s3;
	s0 =	sld [smem:$0x3F9E]  }
0x30: {  	s3 =	sld [smem:$0x3FA1]  }
0x31: {  	[smem:$0x3FAA] =	sst s10  }
0x32: {  	s10 =	sld [smem:$0x3FA8];
	_ =	sdelay $0x3  }
0x33: {  	p0 =	seq.s32 s10, $0x1;
	s10 =	sld [smem:$0x3FAA];
	_ =	sdelay $0x3  }
0x34: {  	[smem:$0x3FAA] =	sst s10  }
0x35: {  	s10 =	sld [smem:$0x3FA9];
	_ =	sdelay $0x3  }
0x36: {  	p1 =	seq.s32 s10, $0x1;
	s10 =	sld [smem:$0x3FAA];
	_ =	sdelay $0x3  }
0x37: {  	[smem:$0x3FAA] =	sst s10  }
0x38: {  	s10 =	sld [smem:$0x3FAB]  }
0x39: {  	_ = 	snop;
	(pc) =	sbr.ind lr, $3  }
0x3a: {  	_ = 	snop  }
0x3b: {  	_ = 	snop  }
0x3c: {  	p2 =	seq.s32 s10, $0x1;
	s10 =	sld [smem:$0x3FAA]  }
0x3d: {  	_ =	shalt  }
0x3e: {  	_ =	shalt  }
0x3f: {  	_ =	shalt  }
0x40: {  	_ =	shalt  }
0x41: {  	_ =	shalt  }
0x42: {  	_ =	shalt  }
0x43: {  	_ =	shalt  }
0x44: {  	_ =	shalt  }
0x45: {  	_ =	shalt  }
0x46: {  	_ =	shalt  }
0x47: {  	_ =	shalt  }
0x48: {  	_ =	shalt  }
0x49: {  	_ =	shalt  }
0x4a: {  	_ =	shalt  }
0x4b: {  	_ =	shalt  }
0x4c: {  	_ =	shalt  }
0x4d: {  	_ =	shalt  }
0x4e: {  	_ =	shalt  }
0x4f: {  	_ =	shalt  }
0x50: {  	_ =	shalt  }
0x51: {  	_ =	shalt  }
0x52: {  	_ =	shalt  }
0x53: {  	_ =	shalt  }
0x54: {  	_ =	shalt  }
0x55: {  	_ =	shalt  }
0x56: {  	_ =	shalt  }
0x57: {  	_ =	shalt  }
0x58: {  	_ =	shalt  }
0x59: {  	_ =	shalt  }
0x5a: {  	_ =	shalt  }
0x5b: {  	_ =	shalt  }
0x5c: {  	_ =	shalt  }
0x5d: {  	_ =	shalt  }
0x5e: {  	_ =	shalt  }
0x5f: {  	_ =	shalt  }
0x60: {  	_ =	shalt  }
0x61: {  	_ =	shalt  }
0x62: {  	_ =	shalt  }
0x63: {  	_ =	shalt  }
0x64: {  	_ =	shalt  }
0x65: {  	_ =	shalt  }
0x66: {  	_ =	shalt  }
0x67: {  	_ =	shalt  }
0x68: {  	_ =	shalt  }
0x69: {  	_ =	shalt  }
0x6a: {  	_ =	shalt  }
0x6b: {  	_ =	shalt  }
0x6c: {  	_ =	shalt  }
0x6d: {  	_ =	shalt  }
0x6e: {  	_ =	shalt  }
0x6f: {  	_ =	shalt  }
0x70: {  	_ =	shalt  }
0x71: {  	_ =	shalt  }
0x72: {  	_ =	shalt  }
0x73: {  	_ =	shalt  }
0x74: {  	_ =	shalt  }
0x75: {  	_ =	shalt  }
0x76: {  	_ =	shalt  }
0x77: {  	_ =	shalt  }
0x78: {  	_ =	shalt  }
0x79: {  	_ =	shalt  }
0x7a: {  	_ =	shalt  }
0x7b: {  	_ =	shalt  }
0x7c: {  	_ =	shalt  }
0x7d: {  	_ =	shalt  }
0x7e: {  	_ =	shalt  }
0x7f: {  	_ =	shalt  }
0x80: {  	_ =	shalt  }
0x81: {  	_ =	shalt  }
0x82: {  	_ =	shalt  }
0x83: {  	_ =	shalt  }
0x84: {  	_ =	shalt  }
0x85: {  	_ =	shalt  }
0x86: {  	_ =	shalt  }
0x87: {  	_ =	shalt  }
.Lfunc_end0:
.L_simem_size_0:
called_computation.2_lowered:
.L_overlay_start_0:
0x88: {  	s2 =	sld [smem:$0x3FD9]  }
0x89: {  	s3 =	sld [smem:$0x3FFE];
	_ =	sdelay $0x1  }
0x8a: {  	s1 =	srdreg.scid  }
0x8b: {  	s0 =	sand.u32 $0x1, s1  }
0x8c: {  	s17 =	sshll.u32 s0, $0xA;
	s2 =	sadd.s32 s3, s2  }
0x8d: {  	s2 =	sadd.s32 s2, s17  }
0x8e: {  	[smem:$0x3FB6] =	sst s2  }
0x8f: {  	_ = 	snop  }
0x90: {  	s2 =	sld [smem:$0x3FD0];
	(tm) =	ssettm $0x1  }
0x91: {  	s18 =	sld [smem:$0x3FFB];
	_ =	sdelay $0x3  }
0x92: {  	_ =	strace s18  }
0x93: {  	s3 =	sld [smem:$0x3FFC];
	_ =	sdelay $0x3  }
0x94: {  	_ =	strace s3  }
0x95: {  	s3 =	sld [smem:$0x3FFD];
	_ =	sdelay $0x3  }
0x96: {  	_ =	strace s3  }
0x97: {  	_ =	strace $0x8FFFFFFF  }
0x98: {  	s19 =	sld [smem:$0x3FDB];
	_ =	sdelay $0x1  }
0x99: {  	s4 =	simm.s32 $_scs_section_size  }
0x9a: {  	s5 =	simm.s32 $_size__tile_overlayer_lowered;
	s6 =	simm.s32 $_tile_overlayer_lowered  }
0x9b: {  	s22 =	simm.s32 $0x1BFF;
	s21 =	sshll.u32 s6, $0x1;
	s3 =	sadd.s32 s4, s19  }
0x9c: {  	s7 =	simm.s32 $0x0;
	s20 =	sshll.u32 s5, $0x1;
	s5 =	sadd.s32 s21, s3  }
0x9d: {  	[timem:s7], [sflag:s22] =	dma.local [hbm:s5], s20  }
0x9e: {  	_ =	swait.ge [sflag:s22], s20  }
0x9f: {  	s4 =	ssub.s32 $0x0, s20;
	[sflag:s22] =	ssyncset.done $0x0  }
0xa0: {  	[sflag:s22] =	ssyncadd.s32 s4;
	_ =	sdelay $0x1  }
0xa1: {  	s23 =	simm.s32 $0x1B8B  }
0xa2: {  	_ =	swait.ge [sflag:s23], $0x1  }
0xa3: {  	[sflag:s23] =	ssyncset.done $0x0  }
0xa4: {  	s25 =	simm.s32 $0x1B8E;
	s24 =	sld [smem:$0x3FFE];
	[sflag:s23] =	ssyncadd.s32 $0xFFFFFFFF  }
0xa5: {  	s26 =	simm.s32 $execute0_lowered;
	[smem:$0x3FD2] =	sst s25  }
0xa6: {  	s5 =	sshll.u32 s26, $0x1;
	_ =	strace $0x8000004C;
	[dreg:$0x1] =	wrdreg $0xFFFFFFFF  }
0xa7: {  	s28 =	simm.s32 $_size_execute0_lowered;
	s3 =	sadd.s32 s3, s5;
	[dreg:$0x0] =	wrdreg $0x0  }
0xa8: {  	s5 =	sshll.u32 s28, $0x1;
	[dreg:$0x2] =	wrdreg s3  }
0xa9: {  	[dreg:$0x3] =	wrdreg s5  }
0xaa: {  	[dreg:$0x4] =	wrdreg $0xC0  }
0xab: {  	_ =	task [dreg:s7], $0x5FFFF  }
0xac: {  	[dreg:$0x1] =	wrdreg $0xFFFFFFFF  }
0xad: {  	[dreg:$0x0] =	wrdreg $0x60  }
0xae: {  	[dreg:$0x2] =	wrdreg s24  }
0xaf: {  	[dreg:$0x3] =	wrdreg s2  }
0xb0: {  	[dreg:$0x4] =	wrdreg $0xAA000  }
0xb1: {  	[dreg:$0x5] =	wrdreg $0x9  }
0xb2: {  	_ =	task.clear_ibuf [dreg:s7], $0x6FFFF;
	_ =	strace $0x9000004C  }
0xb3: {  	s29 =	simm.s32 $0x9;
	_ =	strace $0x8000004E  }
0xb4: {  	_ =	swait.ge [sflag:s29], $0x1  }
0xb5: {  	[sflag:s29] =	ssyncadd.s32 $0xFFFFFFFF  }
0xb6: {  	_ =	strace $0x9000004E  }
0xb7: {  	_ =	sfence  }
0xb8: {  	s30 =	sld [smem:$0x0];
	_ =	sdelay $0x2  }
0xb9: {  	s31 =	sshll.u32 s1, $0xD;
	s1 =	sshrl.u32 s1, $0x2  }
0xba: {  	s3 =	sand.u32 $0x4000, s31;
	s1 =	sadd.s32 s1, s30  }
0xbb: {  	s0 =	sor.u32 s3, s0;
	s1 =	sshll.u32 s1, $0x11  }
0xbc: {  	s0 =	sor.u32 s1, s0  }
0xbd: {  	s0 =	sadd.s32 $0x8F2B, s0  }
0xbe: {  	[sflag:s0] =	ssyncadd.remote.s32 $0x1  }
0xbf: {  	_ =	sfence.sel $0xFFFF  }
0xc0: {  	[dreg:$0x0] =	wrdreg $0xFFFFFFFF;
	(pc) =	sbr.abs _section_cstart, $3  }
0xc1: {  	[dreg:$0x1] =	wrdreg $0xFFFFFFFF  }
0xc2: {  	_ =	task.clear_ibuf [dreg:s7], $0x2FFFF;
	_ =	strace $0x9FFFFFFF  }
0xc3: {  	(tm) =	ssettm $0x7FFFFFFF  }
tec
execute0_lowered:
.L_overlay_start_1:
0x0: {  	(tag) =	ssettag $0x1  }
0x1: {  	s1 =	rddreg [dreg:$0x0]  }
0x2: {  	s2 =	srdreg.scid;
	s0 =	stileid.u32  }
0x3: {  	s4 =	rddreg [dreg:$0x1];
	s24 =	sand.u32 $0x1, s2;
	s3 =	sshll.u32 s0, $0x1  }
0x4: {  	s2 =	rddreg [dreg:$0x2];
	s5 =	sor.u32 s24, s3;
	s3 =	simm.s32 $0x0  }
0x5: {  	s22 =	simm.s32 $0x10;
	[smem:$0x7FF] =	sst s3  }
0x6: {  	s23 =	simm.s32 $0x1200;
	_ =	strace $0x8000004D;
	[dreg:$0x7] =	wrdreg s22  }
0x7: {  	s25 =	simm.s32 $0x100;
	[dreg:$0x8] =	wrdreg s23  }
0x8: {  	s8 =	simm.s32 $0x2200;
	[dreg:$0x9] =	wrdreg s25  }
0x9: {  	s9 =	simm.s32 $0x200;
	[dreg:$0xc] =	wrdreg s8  }
0xa: {  	s10 =	simm.s32 $0x2A00;
	[dreg:$0xd] =	wrdreg s9  }
0xb: {  	s11 =	simm.s32 $0x280;
	[dreg:$0xe] =	wrdreg s10  }
0xc: {  	s12 =	simm.s32 $0x3200;
	[dreg:$0xf] =	wrdreg s11  }
0xd: {  	s13 =	simm.s32 $0x300;
	[dreg:$0x10] =	wrdreg s12  }
0xe: {  	s14 =	simm.s32 $0x3A00;
	[dreg:$0x11] =	wrdreg s13  }
0xf: {  	s15 =	simm.s32 $0x380;
	s6 =	smul.u32 $0x2800, s0;
	[dreg:$0x12] =	wrdreg s14  }
0x10: {  	s16 =	simm.s32 $0x4200;
	s17 =	simm.s32 $0x400;
	[dreg:$0x13] =	wrdreg s15  }
0x11: {  	s7 =	smul.u32 $0x140, s5;
	s26 =	sshrl.u32 s6, $0x3;
	[dreg:$0x14] =	wrdreg s16  }
0x12: {  	s5 =	smul.u32 $0xA000, s5;
	s4 =	sadd.s32 s4, s26;
	[dreg:$0x15] =	wrdreg s17  }
0x13: {  	s8 =	simm.s32 $0x480;
	s7 =	sadd.s32 s7, s1;
	[dreg:$0x4] =	wrdreg s4  }
0x14: {  	s5 =	sadd.s32 s5, s1;
	[dreg:$0x17] =	wrdreg s8;
	s20 =	sadd.s32 $0x6200, s7  }
0x15: {  	s21 =	sadd.s32 $0x57EC00, s5;
	[dreg:$0x5] =	wrdreg s20  }
0x16: {  	s5 =	simm.s32 $0x1A00;
	[dreg:$0x6] =	wrdreg s21  }
0x17: {  	s7 =	simm.s32 $0x180;
	[dreg:$0xa] =	wrdreg s5  }
0x18: {  	s19 =	sshll.u32 s0, $0x6;
	s18 =	sadd.s32 s6, s2;
	[dreg:$0xb] =	wrdreg s7  }
0x19: {  	s6 =	sshrl.u32 s18, $0x3;
	s20 =	simm.s32 $0x4A00;
	s21 =	rddreg [dreg:$0x4]  }
0x1a: {  	s4 =	sor.u32 $0x1C01, s19;
	s5 =	simm.s32 $0x1;
	[dreg:$0x16] =	wrdreg s20  }
0x1b: {  	[spmem:s6], [sflag:s4] =	dma.local [hbm:s21], $0x500  }
0x1c: {  	_ =	swait.ge [sflag:s5], $0x500  }
0x1d: {  	[sflag:s5] =	ssyncset.done $0x0  }
0x1e: {  	s22 =	rddreg [dreg:$0x5];
	[sflag:s5] =	ssyncadd.s32 $0xFFFFFB00  }
0x1f: {  	[tilespmem:s3], [sflag:$0x1] =	stream.linear.gather [hbm4b:s22+s3], $0xA00, $0x38;
	[tilespmem:$0xD200] =	vst v63  }
0x20: {  	_ =	swait.ge [sflag:s5], $0xA00  }
0x21: {  	s8 =	simm.s32 $0xA00;
	s9 =	rddreg [dreg:$0x6];
	[sflag:s5] =	ssyncset.done $0x0  }
0x22: {  	s7 =	simm.s32 $0x80;
	s10 =	rddreg [dreg:$0x7];
	[sflag:s5] =	ssyncadd.s32 $0xFFFFF600  }
0x23: {  	[tilespmem:s8], [sflag:$0x1] =	stream.strided.gather [hbm4b:s9+s10], $0xA000, s7, s10, $0x38;
	[tilespmem:$0xD200] =	vst v63  }
0x24: {  	_ =	swait.ge [sflag:s5], $0xA000  }
0x25: {  	[sflag:s5] =	ssyncset.done $0x0  }
0x26: {  	[sflag:s5] =	ssyncadd.s32 $0xFFFF6000  }
0x27: {  	[bflag:$0x0] =	sbarrier.arrive $0xFFFF  }
0x28: {  	[spmem:s2] =	stream.indirect.scatter.add.f32 [tilespmem:s8], [sflag:$0x1], $0x10, s3, s7, $0xb8;
	[tilespmem:$0xD200] =	vst v63  }
0x29: {  	_ =	swait.ge [sflag:s5], $0x800  }
0x2a: {  	[sflag:s5] =	ssyncset.done $0x0  }
0x2b: {  	s23 =	rddreg [dreg:$0x8];
	[sflag:s5] =	ssyncadd.s32 $0xFFFFF800  }
0x2c: {  	[spmem:s2] =	stream.indirect.scatter.add.f32 [tilespmem:s23], [sflag:$0x1], $0x10, s7, s7, $0xb8;
	[tilespmem:$0xD200] =	vst v63  }
0x2d: {  	_ =	swait.ge [sflag:s5], $0x800  }
0x2e: {  	s25 =	rddreg [dreg:$0x9];
	[sflag:s5] =	ssyncset.done $0x0  }
0x2f: {  	s0 =	rddreg [dreg:$0xa];
	[sflag:s5] =	ssyncadd.s32 $0xFFFFF800  }
0x30: {  	[spmem:s2] =	stream.indirect.scatter.add.f32 [tilespmem:s0], [sflag:$0x1], $0x10, s25, s7, $0xb8;
	[tilespmem:$0xD200] =	vst v63  }
0x31: {  	_ =	swait.ge [sflag:s5], $0x800  }
0x32: {  	s11 =	rddreg [dreg:$0xb];
	[sflag:s5] =	ssyncset.done $0x0  }
0x33: {  	s12 =	rddreg [dreg:$0xc];
	[sflag:s5] =	ssyncadd.s32 $0xFFFFF800  }
0x34: {  	[spmem:s2] =	stream.indirect.scatter.add.f32 [tilespmem:s12], [sflag:$0x1], $0x10, s11, s7, $0xb8;
	[tilespmem:$0xD200] =	vst v63  }
0x35: {  	_ =	swait.ge [sflag:s5], $0x800  }
0x36: {  	s13 =	rddreg [dreg:$0xd];
	[sflag:s5] =	ssyncset.done $0x0  }
0x37: {  	s14 =	rddreg [dreg:$0xe];
	[sflag:s5] =	ssyncadd.s32 $0xFFFFF800  }
0x38: {  	[spmem:s2] =	stream.indirect.scatter.add.f32 [tilespmem:s14], [sflag:$0x1], $0x10, s13, s7, $0xb8;
	[tilespmem:$0xD200] =	vst v63  }
0x39: {  	_ =	swait.ge [sflag:s5], $0x800  }
0x3a: {  	s15 =	rddreg [dreg:$0xf];
	[sflag:s5] =	ssyncset.done $0x0  }
0x3b: {  	s16 =	rddreg [dreg:$0x10];
	[sflag:s5] =	ssyncadd.s32 $0xFFFFF800  }
0x3c: {  	[spmem:s2] =	stream.indirect.scatter.add.f32 [tilespmem:s16], [sflag:$0x1], $0x10, s15, s7, $0xb8;
	[tilespmem:$0xD200] =	vst v63  }
0x3d: {  	_ =	swait.ge [sflag:s5], $0x800  }
0x3e: {  	s17 =	rddreg [dreg:$0x11];
	[sflag:s5] =	ssyncset.done $0x0  }
0x3f: {  	s18 =	rddreg [dreg:$0x12];
	[sflag:s5] =	ssyncadd.s32 $0xFFFFF800  }
0x40: {  	[spmem:s2] =	stream.indirect.scatter.add.f32 [tilespmem:s18], [sflag:$0x1], $0x10, s17, s7, $0xb8;
	[tilespmem:$0xD200] =	vst v63  }
0x41: {  	_ =	swait.ge [sflag:s5], $0x800  }
0x42: {  	s19 =	rddreg [dreg:$0x13];
	[sflag:s5] =	ssyncset.done $0x0  }
0x43: {  	s20 =	rddreg [dreg:$0x14];
	[sflag:s5] =	ssyncadd.s32 $0xFFFFF800  }
0x44: {  	[spmem:s2] =	stream.indirect.scatter.add.f32 [tilespmem:s20], [sflag:$0x1], $0x10, s19, s7, $0xb8;
	[tilespmem:$0xD200] =	vst v63  }
0x45: {  	_ =	swait.ge [sflag:s5], $0x800  }
0x46: {  	s21 =	rddreg [dreg:$0x15];
	[sflag:s5] =	ssyncset.done $0x0  }
0x47: {  	s22 =	rddreg [dreg:$0x16];
	[sflag:s5] =	ssyncadd.s32 $0xFFFFF800  }
0x48: {  	[spmem:s2] =	stream.indirect.scatter.add.f32 [tilespmem:s22], [sflag:$0x1], $0x10, s21, s7, $0xb8;
	[tilespmem:$0xD200] =	vst v63  }
0x49: {  	_ =	swait.ge [sflag:s5], $0x800  }
0x4a: {  	[sflag:s5] =	ssyncset.done $0x0  }
0x4b: {  	s25 =	simm.s32 $0x5200;
	s23 =	rddreg [dreg:$0x17];
	[sflag:s5] =	ssyncadd.s32 $0xFFFFF800  }
0x4c: {  	[spmem:s2] =	stream.indirect.scatter.add.f32 [tilespmem:s25], [sflag:$0x1], $0x10, s23, s7, $0xb8;
	[tilespmem:$0xD200] =	vst v63  }
0x4d: {  	_ =	swait.ge [sflag:s5], $0x800  }
0x4e: {  	[sflag:s5] =	ssyncset.done $0x0  }
0x4f: {  	s10 =	simm.s32 $0x500;
	s11 =	simm.s32 $0x5A00;
	[sflag:s5] =	ssyncadd.s32 $0xFFFFF800  }
0x50: {  	[spmem:s2] =	stream.indirect.scatter.add.f32 [tilespmem:s11], [sflag:$0x1], $0x10, s10, s7, $0xb8;
	[tilespmem:$0xD200] =	vst v63  }
0x51: {  	_ =	swait.ge [sflag:s5], $0x800  }
0x52: {  	[sflag:s5] =	ssyncset.done $0x0  }
0x53: {  	s12 =	simm.s32 $0x580;
	s13 =	simm.s32 $0x6200;
	[sflag:s5] =	ssyncadd.s32 $0xFFFFF800  }
0x54: {  	[spmem:s2] =	stream.indirect.scatter.add.f32 [tilespmem:s13], [sflag:$0x1], $0x10, s12, s7, $0xb8;
	[tilespmem:$0xD200] =	vst v63  }
0x55: {  	_ =	swait.ge [sflag:s5], $0x800  }
0x56: {  	[sflag:s5] =	ssyncset.done $0x0  }
0x57: {  	s14 =	simm.s32 $0x600;
	s15 =	simm.s32 $0x6A00;
	[sflag:s5] =	ssyncadd.s32 $0xFFFFF800  }
0x58: {  	[spmem:s2] =	stream.indirect.scatter.add.f32 [tilespmem:s15], [sflag:$0x1], $0x10, s14, s7, $0xb8;
	[tilespmem:$0xD200] =	vst v63  }
0x59: {  	_ =	swait.ge [sflag:s5], $0x800  }
0x5a: {  	[sflag:s5] =	ssyncset.done $0x0  }
0x5b: {  	s16 =	simm.s32 $0x680;
	s17 =	simm.s32 $0x7200;
	[sflag:s5] =	ssyncadd.s32 $0xFFFFF800  }
0x5c: {  	[spmem:s2] =	stream.indirect.scatter.add.f32 [tilespmem:s17], [sflag:$0x1], $0x10, s16, s7, $0xb8;
	[tilespmem:$0xD200] =	vst v63  }
0x5d: {  	_ =	swait.ge [sflag:s5], $0x800  }
0x5e: {  	[sflag:s5] =	ssyncset.done $0x0  }
0x5f: {  	s18 =	simm.s32 $0x700;
	s19 =	simm.s32 $0x7A00;
	[sflag:s5] =	ssyncadd.s32 $0xFFFFF800  }
0x60: {  	[spmem:s2] =	stream.indirect.scatter.add.f32 [tilespmem:s19], [sflag:$0x1], $0x10, s18, s7, $0xb8;
	[tilespmem:$0xD200] =	vst v63  }
0x61: {  	_ =	swait.ge [sflag:s5], $0x800  }
0x62: {  	[sflag:s5] =	ssyncset.done $0x0  }
0x63: {  	s20 =	simm.s32 $0x780;
	s21 =	simm.s32 $0x8200;
	[sflag:s5] =	ssyncadd.s32 $0xFFFFF800  }
0x64: {  	[spmem:s2] =	stream.indirect.scatter.add.f32 [tilespmem:s21], [sflag:$0x1], $0x10, s20, s7, $0xb8;
	[tilespmem:$0xD200] =	vst v63  }
0x65: {  	_ =	swait.ge [sflag:s5], $0x800  }
0x66: {  	s28 =	smul.u32 $0x5000, s24;
	[sflag:s5] =	ssyncset.done $0x0  }
0x67: {  	s22 =	simm.s32 $0x800;
	s23 =	simm.s32 $0x8A00;
	[sflag:s5] =	ssyncadd.s32 $0xFFFFF800  }
0x68: {  	[spmem:s2] =	stream.indirect.scatter.add.f32 [tilespmem:s23], [sflag:$0x1], $0x10, s22, s7, $0xb8;
	[tilespmem:$0xD200] =	vst v63  }
0x69: {  	s29 =	ssub.s32 $0x2, s24;
	s24 =	simm.s32 $0x880;
	_ =	swait.ge [sflag:s5], $0x800  }
0x6a: {  	s1 =	sadd.s32 s28, s1;
	s28 =	sshrl.u32 s29, $0x1;
	[sflag:s5] =	ssyncset.done $0x0  }
0x6b: {  	s30 =	ssub.s32 s29, s28;
	s25 =	simm.s32 $0x9200;
	[sflag:s5] =	ssyncadd.s32 $0xFFFFF800  }
0x6c: {  	[spmem:s2] =	stream.indirect.scatter.add.f32 [tilespmem:s25], [sflag:$0x1], $0x10, s24, s7, $0xb8;
	[tilespmem:$0xD200] =	vst v63  }
0x6d: {  	s9 =	smax.u32 s30, $0x1;
	_ =	swait.ge [sflag:s5], $0x800  }
0x6e: {  	s28 =	simm.s32 $0x900;
	p0 =	sne.s32 s9, $0x1;
	[sflag:s5] =	ssyncset.done $0x0  }
.Ltmp0:
0x6f: {  	s29 =	simm.s32 $0x9A00;
	[sflag:s5] =	ssyncadd.s32 $0xFFFFF800;
	(pc) =	sbr.rel @!p0 .LBB2_2-.Ltmp0, $4  }
0x70: {  	[spmem:s2] =	stream.indirect.scatter.add.f32 [tilespmem:s29], [sflag:$0x1], $0x10, s28, s7, $0xb8;
	[tilespmem:$0xD200] =	vst v63  }
0x71: {  	s1 =	sadd.s32 $0xB200, s1;
	_ =	swait.ge [sflag:s5], $0x800  }
0x72: {  	s31 =	simm.s32 $0x980;
	s26 =	sadd.s32 s26, s1;
	[sflag:s5] =	ssyncset.done $0x0  }
0x73: {  	s1 =	simm.s32 $0xA200;
	s30 =	sadd.s32 $0xFFFFFFFF, s9;
	[sflag:s5] =	ssyncadd.s32 $0xFFFFF800  }
.LBB2_1:
0x74: {  	[spmem:s2] =	stream.indirect.scatter.add.f32 [tilespmem:s1], [sflag:$0x1], $0x10, s31, s7, $0xb8;
	[tilespmem:$0xD200] =	vst v63  }
0x75: {  	_ =	swait.ge [sflag:s5], $0x800  }
0x76: {  	[sflag:s5] =	ssyncset.done $0x0  }
0x77: {  	[sflag:s5] =	ssyncadd.s32 $0xFFFFF800  }
0x78: {  	[bflag:$0x0] =	sbarrier.arrive $0xFFFF  }
0x79: {  	[hbm:s26], [sflag:s4] =	dma.local [spmem:s6], $0x500  }
0x7a: {  	_ =	swait.ge [sflag:s5], $0x500  }
0x7b: {  	[sflag:s5] =	ssyncset.done $0x0  }
0x7c: {  	s0 =	rddreg [dreg:$0x4];
	[sflag:s5] =	ssyncadd.s32 $0xFFFFFB00  }
0x7d: {  	[spmem:s6], [sflag:s4] =	dma.local [hbm:s0], $0x500  }
0x7e: {  	_ =	swait.ge [sflag:s5], $0x500  }
0x7f: {  	[sflag:s5] =	ssyncset.done $0x0  }
0x80: {  	s9 =	rddreg [dreg:$0x5];
	[sflag:s5] =	ssyncadd.s32 $0xFFFFFB00  }
0x81: {  	[tilespmem:s3], [sflag:$0x1] =	stream.linear.gather [hbm4b:s9+s3], $0xA00, $0x38;
	[tilespmem:$0xD200] =	vst v63  }
0x82: {  	_ =	swait.ge [sflag:s5], $0xA00  }
0x83: {  	s0 =	rddreg [dreg:$0x6];
	[sflag:s5] =	ssyncset.done $0x0  }
0x84: {  	s9 =	rddreg [dreg:$0x7];
	[sflag:s5] =	ssyncadd.s32 $0xFFFFF600  }
0x85: {  	[tilespmem:s8], [sflag:$0x1] =	stream.strided.gather [hbm4b:s0+s9], $0xA000, s7, s9, $0x38;
	[tilespmem:$0xD200] =	vst v63  }
0x86: {  	_ =	swait.ge [sflag:s5], $0xA000  }
0x87: {  	[sflag:s5] =	ssyncset.done $0x0  }
0x88: {  	[sflag:s5] =	ssyncadd.s32 $0xFFFF6000  }
0x89: {  	[bflag:$0x0] =	sbarrier.arrive $0xFFFF  }
0x8a: {  	[spmem:s2] =	stream.indirect.scatter.add.f32 [tilespmem:s8], [sflag:$0x1], $0x10, s3, s7, $0xb8;
	[tilespmem:$0xD200] =	vst v63  }
0x8b: {  	_ =	swait.ge [sflag:s5], $0x800  }
0x8c: {  	[sflag:s5] =	ssyncset.done $0x0  }
0x8d: {  	s9 =	rddreg [dreg:$0x8];
	[sflag:s5] =	ssyncadd.s32 $0xFFFFF800  }
0x8e: {  	[spmem:s2] =	stream.indirect.scatter.add.f32 [tilespmem:s9], [sflag:$0x1], $0x10, s7, s7, $0xb8;
	[tilespmem:$0xD200] =	vst v63  }
0x8f: {  	_ =	swait.ge [sflag:s5], $0x800  }
0x90: {  	[sflag:s5] =	ssyncset.done $0x0;
	s0 =	rddreg [dreg:$0x9]  }
0x91: {  	s9 =	rddreg [dreg:$0xa];
	[sflag:s5] =	ssyncadd.s32 $0xFFFFF800  }
0x92: {  	[spmem:s2] =	stream.indirect.scatter.add.f32 [tilespmem:s9], [sflag:$0x1], $0x10, s0, s7, $0xb8;
	[tilespmem:$0xD200] =	vst v63  }
0x93: {  	_ =	swait.ge [sflag:s5], $0x800  }
0x94: {  	[sflag:s5] =	ssyncset.done $0x0;
	s0 =	rddreg [dreg:$0xb]  }
0x95: {  	s9 =	rddreg [dreg:$0xc];
	[sflag:s5] =	ssyncadd.s32 $0xFFFFF800  }
0x96: {  	[spmem:s2] =	stream.indirect.scatter.add.f32 [tilespmem:s9], [sflag:$0x1], $0x10, s0, s7, $0xb8;
	[tilespmem:$0xD200] =	vst v63  }
0x97: {  	_ =	swait.ge [sflag:s5], $0x800  }
0x98: {  	[sflag:s5] =	ssyncset.done $0x0;
	s0 =	rddreg [dreg:$0xd]  }
0x99: {  	s9 =	rddreg [dreg:$0xe];
	[sflag:s5] =	ssyncadd.s32 $0xFFFFF800  }
0x9a: {  	[spmem:s2] =	stream.indirect.scatter.add.f32 [tilespmem:s9], [sflag:$0x1], $0x10, s0, s7, $0xb8;
	[tilespmem:$0xD200] =	vst v63  }
0x9b: {  	_ =	swait.ge [sflag:s5], $0x800  }
0x9c: {  	[sflag:s5] =	ssyncset.done $0x0;
	s0 =	rddreg [dreg:$0xf]  }
0x9d: {  	s9 =	rddreg [dreg:$0x10];
	[sflag:s5] =	ssyncadd.s32 $0xFFFFF800  }
0x9e: {  	[spmem:s2] =	stream.indirect.scatter.add.f32 [tilespmem:s9], [sflag:$0x1], $0x10, s0, s7, $0xb8;
	[tilespmem:$0xD200] =	vst v63  }
0x9f: {  	_ =	swait.ge [sflag:s5], $0x800  }
0xa0: {  	[sflag:s5] =	ssyncset.done $0x0;
	s0 =	rddreg [dreg:$0x11]  }
0xa1: {  	s9 =	rddreg [dreg:$0x12];
	[sflag:s5] =	ssyncadd.s32 $0xFFFFF800  }
0xa2: {  	[spmem:s2] =	stream.indirect.scatter.add.f32 [tilespmem:s9], [sflag:$0x1], $0x10, s0, s7, $0xb8;
	[tilespmem:$0xD200] =	vst v63  }
0xa3: {  	_ =	swait.ge [sflag:s5], $0x800  }
0xa4: {  	[sflag:s5] =	ssyncset.done $0x0;
	s0 =	rddreg [dreg:$0x13]  }
0xa5: {  	s9 =	rddreg [dreg:$0x14];
	[sflag:s5] =	ssyncadd.s32 $0xFFFFF800  }
0xa6: {  	[spmem:s2] =	stream.indirect.scatter.add.f32 [tilespmem:s9], [sflag:$0x1], $0x10, s0, s7, $0xb8;
	[tilespmem:$0xD200] =	vst v63  }
0xa7: {  	_ =	swait.ge [sflag:s5], $0x800  }
0xa8: {  	[sflag:s5] =	ssyncset.done $0x0;
	s0 =	rddreg [dreg:$0x15]  }
0xa9: {  	s9 =	rddreg [dreg:$0x16];
	[sflag:s5] =	ssyncadd.s32 $0xFFFFF800  }
0xaa: {  	[spmem:s2] =	stream.indirect.scatter.add.f32 [tilespmem:s9], [sflag:$0x1], $0x10, s0, s7, $0xb8;
	[tilespmem:$0xD200] =	vst v63  }
0xab: {  	_ =	swait.ge [sflag:s5], $0x800  }
0xac: {  	[sflag:s5] =	ssyncset.done $0x0  }
0xad: {  	s9 =	simm.s32 $0x5200;
	s0 =	rddreg [dreg:$0x17];
	[sflag:s5] =	ssyncadd.s32 $0xFFFFF800  }
0xae: {  	[spmem:s2] =	stream.indirect.scatter.add.f32 [tilespmem:s9], [sflag:$0x1], $0x10, s0, s7, $0xb8;
	[tilespmem:$0xD200] =	vst v63  }
0xaf: {  	_ =	swait.ge [sflag:s5], $0x800  }
0xb0: {  	[sflag:s5] =	ssyncset.done $0x0  }
0xb1: {  	[sflag:s5] =	ssyncadd.s32 $0xFFFFF800  }
0xb2: {  	[spmem:s2] =	stream.indirect.scatter.add.f32 [tilespmem:s11], [sflag:$0x1], $0x10, s10, s7, $0xb8;
	[tilespmem:$0xD200] =	vst v63  }
0xb3: {  	_ =	swait.ge [sflag:s5], $0x800  }
0xb4: {  	[sflag:s5] =	ssyncset.done $0x0  }
0xb5: {  	[sflag:s5] =	ssyncadd.s32 $0xFFFFF800  }
0xb6: {  	[spmem:s2] =	stream.indirect.scatter.add.f32 [tilespmem:s13], [sflag:$0x1], $0x10, s12, s7, $0xb8;
	[tilespmem:$0xD200] =	vst v63  }
0xb7: {  	_ =	swait.ge [sflag:s5], $0x800  }
0xb8: {  	[sflag:s5] =	ssyncset.done $0x0  }
0xb9: {  	[sflag:s5] =	ssyncadd.s32 $0xFFFFF800  }
0xba: {  	[spmem:s2] =	stream.indirect.scatter.add.f32 [tilespmem:s15], [sflag:$0x1], $0x10, s14, s7, $0xb8;
	[tilespmem:$0xD200] =	vst v63  }
0xbb: {  	_ =	swait.ge [sflag:s5], $0x800  }
0xbc: {  	[sflag:s5] =	ssyncset.done $0x0  }
0xbd: {  	[sflag:s5] =	ssyncadd.s32 $0xFFFFF800  }
0xbe: {  	[spmem:s2] =	stream.indirect.scatter.add.f32 [tilespmem:s17], [sflag:$0x1], $0x10, s16, s7, $0xb8;
	[tilespmem:$0xD200] =	vst v63  }
0xbf: {  	_ =	swait.ge [sflag:s5], $0x800  }
0xc0: {  	[sflag:s5] =	ssyncset.done $0x0  }
0xc1: {  	[sflag:s5] =	ssyncadd.s32 $0xFFFFF800  }
0xc2: {  	[spmem:s2] =	stream.indirect.scatter.add.f32 [tilespmem:s19], [sflag:$0x1], $0x10, s18, s7, $0xb8;
	[tilespmem:$0xD200] =	vst v63  }
0xc3: {  	_ =	swait.ge [sflag:s5], $0x800  }
0xc4: {  	[sflag:s5] =	ssyncset.done $0x0  }
0xc5: {  	[sflag:s5] =	ssyncadd.s32 $0xFFFFF800  }
0xc6: {  	[spmem:s2] =	stream.indirect.scatter.add.f32 [tilespmem:s21], [sflag:$0x1], $0x10, s20, s7, $0xb8;
	[tilespmem:$0xD200] =	vst v63  }
0xc7: {  	_ =	swait.ge [sflag:s5], $0x800  }
0xc8: {  	[sflag:s5] =	ssyncset.done $0x0  }
0xc9: {  	[sflag:s5] =	ssyncadd.s32 $0xFFFFF800  }
0xca: {  	[spmem:s2] =	stream.indirect.scatter.add.f32 [tilespmem:s23], [sflag:$0x1], $0x10, s22, s7, $0xb8;
	[tilespmem:$0xD200] =	vst v63  }
0xcb: {  	_ =	swait.ge [sflag:s5], $0x800  }
0xcc: {  	[sflag:s5] =	ssyncset.done $0x0  }
0xcd: {  	[sflag:s5] =	ssyncadd.s32 $0xFFFFF800  }
0xce: {  	[spmem:s2] =	stream.indirect.scatter.add.f32 [tilespmem:s25], [sflag:$0x1], $0x10, s24, s7, $0xb8;
	[tilespmem:$0xD200] =	vst v63  }
0xcf: {  	_ =	swait.ge [sflag:s5], $0x800  }
0xd0: {  	p0 =	sne.s32 s30, $0x1;
	[sflag:s5] =	ssyncset.done $0x0  }
.Ltmp1:
0xd1: {  	[sflag:s5] =	ssyncadd.s32 $0xFFFFF800;
	(pc) =	sbr.rel @p0 .LBB2_1-.Ltmp1, $4  }
0xd2: {  	[spmem:s2] =	stream.indirect.scatter.add.f32 [tilespmem:s29], [sflag:$0x1], $0x10, s28, s7, $0xb8;
	[tilespmem:$0xD200] =	vst v63  }
0xd3: {  	_ =	swait.ge [sflag:s5], $0x800  }
0xd4: {  	[sflag:s5] =	ssyncset.done $0x0  }
0xd5: {  	s30 =	sadd.s32 $0xFFFFFFFF, s30;
	[sflag:s5] =	ssyncadd.s32 $0xFFFFF800  }
.LBB2_2:
0xd6: {  	[spmem:s2] =	stream.indirect.scatter.add.f32 [tilespmem:s1], [sflag:$0x1], $0x10, s31, s7, $0xb8;
	[tilespmem:$0xD200] =	vst v63  }
0xd7: {  	_ =	swait.ge [sflag:s5], $0x800  }
0xd8: {  	[sflag:s5] =	ssyncset.done $0x0  }
0xd9: {  	[sflag:s5] =	ssyncadd.s32 $0xFFFFF800  }
0xda: {  	[bflag:$0x0] =	sbarrier.arrive $0xFFFF  }
0xdb: {  	[hbm:s26], [sflag:s4] =	dma.local [spmem:s6], $0x500  }
0xdc: {  	_ =	swait.ge [sflag:s5], $0x500  }
0xdd: {  	[sflag:s5] =	ssyncset.done $0x0  }
0xde: {  	[sflag:s5] =	ssyncadd.s32 $0xFFFFFB00  }
0xdf: {  	_ =	sfence.sel $0x180000  }
0xe0: {  	[bflag:$0x0] =	sbarrier.arrive $0xFFFF  }
0xe1: {  	_ =	strace $0x9000004D  }
0xe2: {  	s0 =	stileid.u32;
	[bflag:$0x2] =	sbarrier.arrive $0xFFFF  }
0xe3: {  	p0 =	sne.s32 s0, $0x0;
	s0 =	rddreg [dreg:$0x3]  }
0xe4: {  	s0 =	sadd.s32 @!p0 $0x100000, s0  }
0xe5: {  	[sflag:s0] =	ssyncadd.tile.s32 @!p0 $0x1;
	_ =	shalt  }
.Lfunc_end2:
_tile_overlayer_lowered:
.L_overlay_start_2:
0xe6: {  	(tag) =	ssettag $0x2  }
0xe7: {  	s0 =	rddreg [dreg:$0x0];
	s2 =	stileid.u32  }
0xe8: {  	s1 =	rddreg [dreg:$0x1];
	p0 =	sne.s32 s2, $0x0  }
0xe9: {  	s3 =	rddreg [dreg:$0x2];
	[bflag:$0x3] =	sbarrier.arrive $0xFFFF;
	s2 =	simm.s32 @!p0 $0x1C01  }
0xea: {  	[timem:s3], [sflag:s2] =	dma.local @!p0 [hbm:s0], s1  }
0xeb: {  	s0 =	simm.s32 @!p0 $0x1  }
0xec: {  	_ =	swait.ge @!p0 [sflag:s0], s1  }
0xed: {  	s1 =	ssub.s32 @!p0 $0x0, s1;
	[sflag:s0] =	ssyncset.done @!p0 $0x0  }
0xee: {  	[sflag:s0] =	ssyncadd.s32 @!p0 s1  }
0xef: {  	[bflag:$0x3] =	sbarrier.arrive $0xFFFF  }
0xf0: {  	_ =	shalt  }

// kernel: kernel.28.cloned.1.call-start
scs
__scs_entry_jumppad:
0x0: {  	(pc) =	sbr.rel $0x88, $3  }
0x1: {  	(tag) =	ssettag $0x0;
	lr =	simm.s32 $0x1  }
0x2: {  	[smem:$0x3F8F] =	sst lr;
	_ =	strace $0xD0000000  }
0x3: {  	_ = 	snop  }
0x4: {  	_ = 	snop  }
0x5: {  	_ = 	snop  }
0x6: {  	_ = 	snop  }
0x7: {  	_ = 	snop  }
__scs_overlays_trampoline_lowered:
0x8: {  	[smem:$0x3F9E] =	sst s0  }
0x9: {  	[smem:$0x3F9F] =	sst s1  }
0xa: {  	[smem:$0x3FA0] =	sst s2  }
0xb: {  	[smem:$0x3FA1] =	sst s3  }
0xc: {  	[smem:$0x3FA2] =	sst s4  }
0xd: {  	[smem:$0x3FA3] =	sst s5  }
0xe: {  	[smem:$0x3FA4] =	sst s6  }
0xf: {  	[smem:$0x3FA5] =	sst s7  }
0x10: {  	[smem:$0x3FA6] =	sst s8  }
0x11: {  	[smem:$0x3FA7] =	sst s9;
	s0 =	simm.s32 @!p0 $0x0  }
0x12: {  	s1 =	sld [smem:$0x3F8D];
	s0 =	simm.s32 @p0 $0x1  }
0x13: {  	[smem:$0x3FA8] =	sst s0;
	s0 =	simm.s32 @!p1 $0x0  }
0x14: {  	s2 =	sld [smem:$0x3F8C];
	s0 =	simm.s32 @p1 $0x1  }
0x15: {  	[smem:$0x3FA9] =	sst s0;
	s0 =	simm.s32 @!p2 $0x0  }
0x16: {  	s3 =	sld [smem:$0x3FDB];
	s0 =	simm.s32 @p2 $0x1  }
0x17: {  	s4 =	simm.s32 $0x1BF5;
	[smem:$0x3FAB] =	sst s0  }
0x18: {  	s0 =	sld [smem:$0x3F8E];
	_ =	swait.ge [sflag:s4], $0x0  }
0x19: {  	s7 =	sld [smem:$0x3F8F]  }
0x1a: {  	s8 =	sadd.s32 $0xFFFFE003, lr  }
0x1b: {  	s9 =	sadd.s32 $0xFFFFFEF7, lr;
	s5 =	simm.s32 $0xFFFFFFFF;
	p2 =	slt.u32 s8, $0xFFFFF086  }
0x1c: {  	p1 =	slt.u32 s9, $0xF7A;
	s5 =	simm.s32 @!p2 $0x0  }
0x1d: {  	s5 =	simm.s32 @p1 $0x1;
	p0 =	seq.s32 s7, s2  }
0x1e: {  	s7 =	smul.u32 @!p0 $0xF7A, s2;
	p2 =	seq.s32 @!p0 s5, $0x0  }
0x1f: {  	s9 =	smul.u32 $0xF7A, s1;
	s8 =	simm.s32 @!p0 $0x1BF5;
	p2 =	por !p2, p0  }
0x20: {  	[sflag:s8] =	ssyncset.s32 @!p0 $0xFFFFF086;
	s6 =	sadd.s32 @!p0 s3, s7;
	s7 =	simm.s32 @!p0 $0x108  }
0x21: {  	s3 =	sadd.s32 s3, s9;
	s6 =	sadd.s32 @!p0 $0x88, s6;
	s7 =	simm.s32 @p2 $0x1082  }
0x22: {  	[simem:s7], [sflag:s8] =	dma.local @!p0 [hbm:s6], $0xF7A  }
0x23: {  	s9 =	sor.u32 $0xD0000000, s2;
	s6 =	simm.s32 $0x108;
	_ =	swait.ge @!p0 [sflag:s8], $0x0  }
0x24: {  	s3 =	sadd.s32 $0x88, s3;
	s6 =	simm.s32 @!p1 $0x1082;
	[sflag:s4] =	ssyncset.s32 $0xFFFFF086  }
0x25: {  	[simem:s6], [sflag:s4] =	dma.local [hbm:s3], $0xF7A  }
0x26: {  	[smem:$0x3F8F] =	sst s1;
	(tag) =	ssettag s2;
	_ =	strace s9  }
0x27: {  	s1 =	sld [smem:$0x3F9F]  }
0x28: {  	s2 =	sld [smem:$0x3FA0]  }
0x29: {  	s4 =	sld [smem:$0x3FA2]  }
0x2a: {  	p0 =	seq.s32 s5, $0x0;
	s5 =	sld [smem:$0x3FA3]  }
0x2b: {  	s6 =	sld [smem:$0x3FA4]  }
0x2c: {  	s7 =	sld [smem:$0x3FA5]  }
0x2d: {  	s3 =	simm.s32 $0x108;
	s8 =	sld [smem:$0x3FA6]  }
0x2e: {  	s3 =	simm.s32 @!p0 $0x1082;
	s9 =	sld [smem:$0x3FA7]  }
0x2f: {  	lr =	sadd.s32 s0, s3;
	s0 =	sld [smem:$0x3F9E]  }
0x30: {  	s3 =	sld [smem:$0x3FA1]  }
0x31: {  	[smem:$0x3FAA] =	sst s10  }
0x32: {  	s10 =	sld [smem:$0x3FA8];
	_ =	sdelay $0x3  }
0x33: {  	p0 =	seq.s32 s10, $0x1;
	s10 =	sld [smem:$0x3FAA];
	_ =	sdelay $0x3  }
0x34: {  	[smem:$0x3FAA] =	sst s10  }
0x35: {  	s10 =	sld [smem:$0x3FA9];
	_ =	sdelay $0x3  }
0x36: {  	p1 =	seq.s32 s10, $0x1;
	s10 =	sld [smem:$0x3FAA];
	_ =	sdelay $0x3  }
0x37: {  	[smem:$0x3FAA] =	sst s10  }
0x38: {  	s10 =	sld [smem:$0x3FAB]  }
0x39: {  	_ = 	snop;
	(pc) =	sbr.ind lr, $3  }
0x3a: {  	_ = 	snop  }
0x3b: {  	_ = 	snop  }
0x3c: {  	p2 =	seq.s32 s10, $0x1;
	s10 =	sld [smem:$0x3FAA]  }
0x3d: {  	_ =	shalt  }
0x3e: {  	_ =	shalt  }
0x3f: {  	_ =	shalt  }
0x40: {  	_ =	shalt  }
0x41: {  	_ =	shalt  }
0x42: {  	_ =	shalt  }
0x43: {  	_ =	shalt  }
0x44: {  	_ =	shalt  }
0x45: {  	_ =	shalt  }
0x46: {  	_ =	shalt  }
0x47: {  	_ =	shalt  }
0x48: {  	_ =	shalt  }
0x49: {  	_ =	shalt  }
0x4a: {  	_ =	shalt  }
0x4b: {  	_ =	shalt  }
0x4c: {  	_ =	shalt  }
0x4d: {  	_ =	shalt  }
0x4e: {  	_ =	shalt  }
0x4f: {  	_ =	shalt  }
0x50: {  	_ =	shalt  }
0x51: {  	_ =	shalt  }
0x52: {  	_ =	shalt  }
0x53: {  	_ =	shalt  }
0x54: {  	_ =	shalt  }
0x55: {  	_ =	shalt  }
0x56: {  	_ =	shalt  }
0x57: {  	_ =	shalt  }
0x58: {  	_ =	shalt  }
0x59: {  	_ =	shalt  }
0x5a: {  	_ =	shalt  }
0x5b: {  	_ =	shalt  }
0x5c: {  	_ =	shalt  }
0x5d: {  	_ =	shalt  }
0x5e: {  	_ =	shalt  }
0x5f: {  	_ =	shalt  }
0x60: {  	_ =	shalt  }
0x61: {  	_ =	shalt  }
0x62: {  	_ =	shalt  }
0x63: {  	_ =	shalt  }
0x64: {  	_ =	shalt  }
0x65: {  	_ =	shalt  }
0x66: {  	_ =	shalt  }
0x67: {  	_ =	shalt  }
0x68: {  	_ =	shalt  }
0x69: {  	_ =	shalt  }
0x6a: {  	_ =	shalt  }
0x6b: {  	_ =	shalt  }
0x6c: {  	_ =	shalt  }
0x6d: {  	_ =	shalt  }
0x6e: {  	_ =	shalt  }
0x6f: {  	_ =	shalt  }
0x70: {  	_ =	shalt  }
0x71: {  	_ =	shalt  }
0x72: {  	_ =	shalt  }
0x73: {  	_ =	shalt  }
0x74: {  	_ =	shalt  }
0x75: {  	_ =	shalt  }
0x76: {  	_ =	shalt  }
0x77: {  	_ =	shalt  }
0x78: {  	_ =	shalt  }
0x79: {  	_ =	shalt  }
0x7a: {  	_ =	shalt  }
0x7b: {  	_ =	shalt  }
0x7c: {  	_ =	shalt  }
0x7d: {  	_ =	shalt  }
0x7e: {  	_ =	shalt  }
0x7f: {  	_ =	shalt  }
0x80: {  	_ =	shalt  }
0x81: {  	_ =	shalt  }
0x82: {  	_ =	shalt  }
0x83: {  	_ =	shalt  }
0x84: {  	_ =	shalt  }
0x85: {  	_ =	shalt  }
0x86: {  	_ =	shalt  }
0x87: {  	_ =	shalt  }
.Lfunc_end0:
.L_simem_size_0:
called_computation.3_lowered:
.L_overlay_start_0:
0x88: {  	s2 =	sld [smem:$0x3FD9]  }
0x89: {  	s3 =	sld [smem:$0x3FFE];
	_ =	sdelay $0x1  }
0x8a: {  	s1 =	srdreg.scid  }
0x8b: {  	s0 =	sand.u32 $0x1, s1  }
0x8c: {  	s16 =	sshll.u32 s0, $0xA;
	s2 =	sadd.s32 s3, s2  }
0x8d: {  	s2 =	sadd.s32 s2, s16  }
0x8e: {  	[smem:$0x3FB6] =	sst s2  }
0x8f: {  	_ = 	snop  }
0x90: {  	(tm) =	ssettm $0x1  }
0x91: {  	s17 =	sld [smem:$0x3FFB];
	_ =	sdelay $0x3  }
0x92: {  	_ =	strace s17  }
0x93: {  	s2 =	sld [smem:$0x3FFC];
	_ =	sdelay $0x3  }
0x94: {  	_ =	strace s2  }
0x95: {  	s2 =	sld [smem:$0x3FFD];
	_ =	sdelay $0x3  }
0x96: {  	_ =	strace s2  }
0x97: {  	_ =	strace $0x8FFFFFFF  }
0x98: {  	s18 =	sld [smem:$0x3FDB];
	_ =	sdelay $0x1  }
0x99: {  	s19 =	simm.s32 $_scs_section_size  }
0x9a: {  	s4 =	simm.s32 $_size__tile_overlayer_lowered;
	s5 =	simm.s32 $_tile_overlayer_lowered  }
0x9b: {  	s22 =	simm.s32 $0x1BFF;
	s21 =	sshll.u32 s5, $0x1;
	s2 =	sadd.s32 s19, s18  }
0x9c: {  	s6 =	simm.s32 $0x0;
	s20 =	sshll.u32 s4, $0x1;
	s4 =	sadd.s32 s21, s2  }
0x9d: {  	[timem:s6], [sflag:s22] =	dma.local [hbm:s4], s20  }
0x9e: {  	_ =	swait.ge [sflag:s22], s20  }
0x9f: {  	s3 =	ssub.s32 $0x0, s20;
	[sflag:s22] =	ssyncset.done $0x0  }
0xa0: {  	[sflag:s22] =	ssyncadd.s32 s3;
	_ =	sdelay $0x1  }
0xa1: {  	s23 =	simm.s32 $0x1B8B  }
0xa2: {  	_ =	swait.ge [sflag:s23], $0x1  }
0xa3: {  	[sflag:s23] =	ssyncset.done $0x0  }
0xa4: {  	s25 =	simm.s32 $0x1B8E;
	s24 =	sld [smem:$0x3FFE];
	[sflag:s23] =	ssyncadd.s32 $0xFFFFFFFF  }
0xa5: {  	s26 =	simm.s32 $execute0_lowered;
	[smem:$0x3FD2] =	sst s25  }
0xa6: {  	s4 =	sshll.u32 s26, $0x1;
	_ =	strace $0x8000004F;
	[dreg:$0x1] =	wrdreg $0xFFFFFFFF  }
0xa7: {  	s28 =	simm.s32 $_size_execute0_lowered;
	s2 =	sadd.s32 s2, s4;
	[dreg:$0x0] =	wrdreg $0x0  }
0xa8: {  	s4 =	sshll.u32 s28, $0x1;
	[dreg:$0x2] =	wrdreg s2  }
0xa9: {  	[dreg:$0x3] =	wrdreg s4  }
0xaa: {  	[dreg:$0x4] =	wrdreg $0xC0  }
0xab: {  	_ =	task [dreg:s6], $0x5FFFF  }
0xac: {  	[dreg:$0x1] =	wrdreg $0xFFFFFFFF  }
0xad: {  	[dreg:$0x0] =	wrdreg $0x60  }
0xae: {  	[dreg:$0x2] =	wrdreg s24  }
0xaf: {  	[dreg:$0x3] =	wrdreg $0x9  }
0xb0: {  	_ =	task.clear_ibuf [dreg:s6], $0x4FFFF;
	_ =	strace $0x9000004F  }
0xb1: {  	s29 =	simm.s32 $0x9;
	_ =	strace $0x80000051  }
0xb2: {  	_ =	swait.ge [sflag:s29], $0x1  }
0xb3: {  	[sflag:s29] =	ssyncadd.s32 $0xFFFFFFFF  }
0xb4: {  	_ =	strace $0x90000051  }
0xb5: {  	_ =	sfence  }
0xb6: {  	s30 =	sld [smem:$0x0];
	_ =	sdelay $0x2  }
0xb7: {  	s31 =	sshll.u32 s1, $0xD;
	s1 =	sshrl.u32 s1, $0x2  }
0xb8: {  	s3 =	sand.u32 $0x4000, s31;
	s1 =	sadd.s32 s1, s30  }
0xb9: {  	s0 =	sor.u32 s3, s0;
	s1 =	sshll.u32 s1, $0x11  }
0xba: {  	s0 =	sor.u32 s1, s0  }
0xbb: {  	s0 =	sadd.s32 $0x8F2B, s0  }
0xbc: {  	[sflag:s0] =	ssyncadd.remote.s32 $0x1  }
0xbd: {  	_ =	sfence.sel $0xFFFF  }
0xbe: {  	[dreg:$0x0] =	wrdreg $0xFFFFFFFF;
	(pc) =	sbr.abs _section_cstart, $3  }
0xbf: {  	[dreg:$0x1] =	wrdreg $0xFFFFFFFF  }
0xc0: {  	_ =	task.clear_ibuf [dreg:s6], $0x2FFFF;
	_ =	strace $0x9FFFFFFF  }
0xc1: {  	(tm) =	ssettm $0x7FFFFFFF  }
tec
execute0_lowered:
.L_overlay_start_1:
0x0: {  	(tag) =	ssettag $0x1  }
0x1: {  	s1 =	srdreg.scid;
	s0 =	stileid.u32  }
0x2: {  	s1 =	sand.u32 $0x1, s1;
	s2 =	sshll.u32 s0, $0x1  }
0x3: {  	s4 =	rddreg [dreg:$0x0];
	s3 =	sor.u32 s1, s2;
	s2 =	simm.s32 $0x0  }
0x4: {  	s13 =	simm.s32 $0x2200;
	[smem:$0x7FF] =	sst s2  }
0x5: {  	s14 =	simm.s32 $0x100;
	_ =	strace $0x80000050;
	[dreg:$0x4] =	wrdreg s13  }
0x6: {  	s15 =	simm.s32 $0x3A00;
	[dreg:$0x5] =	wrdreg s14  }
0x7: {  	s16 =	simm.s32 $0x180;
	[dreg:$0x6] =	wrdreg s15  }
0x8: {  	s17 =	simm.s32 $0x5200;
	[dreg:$0x7] =	wrdreg s16  }
0x9: {  	s18 =	simm.s32 $0x200;
	[dreg:$0x8] =	wrdreg s17  }
0xa: {  	s19 =	simm.s32 $0x6A00;
	[dreg:$0x9] =	wrdreg s18  }
0xb: {  	s20 =	simm.s32 $0x280;
	[dreg:$0xa] =	wrdreg s19  }
0xc: {  	s21 =	simm.s32 $0x8200;
	[dreg:$0xb] =	wrdreg s20  }
0xd: {  	s22 =	simm.s32 $0x300;
	[dreg:$0xc] =	wrdreg s21  }
0xe: {  	s23 =	simm.s32 $0x9A00;
	[dreg:$0xd] =	wrdreg s22  }
0xf: {  	s24 =	simm.s32 $0x380;
	[dreg:$0xe] =	wrdreg s23  }
0x10: {  	s25 =	simm.s32 $0xB200;
	s5 =	smul.u32 $0x140, s3;
	[dreg:$0xf] =	wrdreg s24  }
0x11: {  	s26 =	simm.s32 $0x400;
	s3 =	smul.u32 $0xA000, s3;
	[dreg:$0x10] =	wrdreg s25  }
0x12: {  	s6 =	simm.s32 $0xCA00;
	[dreg:$0x11] =	wrdreg s26;
	s5 =	sadd.s32 s5, s4  }
0x13: {  	[dreg:$0x12] =	wrdreg s6;
	s3 =	sadd.s32 s3, s4;
	s5 =	sadd.s32 $0x8A00, s5  }
0x14: {  	s3 =	sadd.s32 $0x57EC00, s3;
	[dreg:$0x2] =	wrdreg s5  }
0x15: {  	[dreg:$0x3] =	wrdreg s3  }
0x16: {  	s3 =	simm.s32 $0x2;
	s5 =	rddreg [dreg:$0x2]  }
0x17: {  	[tilespmem:s2], [sflag:$0x2] =	stream.linear.gather [hbm4b:s5+s2], $0xA00, $0x38;
	[tilespmem:$0x1EA00] =	vst v63  }
0x18: {  	_ =	swait.ge [sflag:s3], $0xA00  }
0x19: {  	s7 =	rddreg [dreg:$0x12]  }
0x1a: {  	s8 =	rddreg [dreg:$0x10]  }
0x1b: {  	s9 =	rddreg [dreg:$0xe]  }
0x1c: {  	s10 =	rddreg [dreg:$0xc]  }
0x1d: {  	s6 =	simm.s32 $0xA00;
	s11 =	rddreg [dreg:$0xa]  }
0x1e: {  	s5 =	sadd.s32 $0xB200, s4;
	s12 =	rddreg [dreg:$0x5];
	[sflag:s3] =	ssyncset.done $0x0  }
0x1f: {  	s4 =	simm.s32 $0x80;
	s13 =	rddreg [dreg:$0x4];
	[sflag:s3] =	ssyncadd.s32 $0xFFFFF600  }
0x20: {  	[tilespmem:s6], [sflag:$0x1] =	stream.indirect.gather [hbm4b:s5+s4], $0x30, s2, s4, $0xb8;
	[tilespmem:$0x1EA00] =	vst v63  }
0x21: {  	s14 =	rddreg [dreg:$0x6]  }
0x22: {  	[tilespmem:s13], [sflag:$0x1] =	stream.indirect.gather [hbm4b:s5+s4], $0x30, s4, s4, $0xb8;
	[tilespmem:$0x1EA00] =	vst v63  }
0x23: {  	s15 =	rddreg [dreg:$0x8]  }
0x24: {  	[tilespmem:s14], [sflag:$0x1] =	stream.indirect.gather [hbm4b:s5+s4], $0x30, s12, s4, $0xb8;
	[tilespmem:$0x1EA00] =	vst v63  }
0x25: {  	s0 =	rddreg [dreg:$0x7]  }
0x26: {  	[tilespmem:s15], [sflag:$0x1] =	stream.indirect.gather [hbm4b:s5+s4], $0x30, s0, s4, $0xb8;
	[tilespmem:$0x1EA00] =	vst v63  }
0x27: {  	s14 =	rddreg [dreg:$0x9]  }
0x28: {  	[tilespmem:s11], [sflag:$0x1] =	stream.indirect.gather [hbm4b:s5+s4], $0x30, s14, s4, $0xb8;
	[tilespmem:$0x1EA00] =	vst v63  }
0x29: {  	s15 =	rddreg [dreg:$0xb]  }
0x2a: {  	[tilespmem:s10], [sflag:$0x1] =	stream.indirect.gather [hbm4b:s5+s4], $0x30, s15, s4, $0xb8;
	[tilespmem:$0x1EA00] =	vst v63  }
0x2b: {  	s16 =	rddreg [dreg:$0xd]  }
0x2c: {  	[tilespmem:s9], [sflag:$0x1] =	stream.indirect.gather [hbm4b:s5+s4], $0x30, s16, s4, $0xb8;
	[tilespmem:$0x1EA00] =	vst v63  }
0x2d: {  	s17 =	rddreg [dreg:$0xf]  }
0x2e: {  	[tilespmem:s8], [sflag:$0x1] =	stream.indirect.gather [hbm4b:s5+s4], $0x30, s17, s4, $0xb8;
	[tilespmem:$0x1EA00] =	vst v63  }
0x2f: {  	s18 =	rddreg [dreg:$0x11]  }
0x30: {  	[tilespmem:s7], [sflag:$0x1] =	stream.indirect.gather [hbm4b:s5+s4], $0x30, s18, s4, $0xb8;
	[tilespmem:$0x1EA00] =	vst v63  }
0x31: {  	s19 =	simm.s32 $0x480;
	s20 =	simm.s32 $0xE200  }
0x32: {  	[tilespmem:s20], [sflag:$0x1] =	stream.indirect.gather [hbm4b:s5+s4], $0x30, s19, s4, $0xb8;
	[tilespmem:$0x1EA00] =	vst v63  }
0x33: {  	s21 =	simm.s32 $0x500;
	s22 =	simm.s32 $0xFA00  }
0x34: {  	[tilespmem:s22], [sflag:$0x1] =	stream.indirect.gather [hbm4b:s5+s4], $0x30, s21, s4, $0xb8;
	[tilespmem:$0x1EA00] =	vst v63  }
0x35: {  	s23 =	simm.s32 $0x580;
	s24 =	simm.s32 $0x11200  }
0x36: {  	[tilespmem:s24], [sflag:$0x1] =	stream.indirect.gather [hbm4b:s5+s4], $0x30, s23, s4, $0xb8;
	[tilespmem:$0x1EA00] =	vst v63  }
0x37: {  	s25 =	simm.s32 $0x600;
	s26 =	simm.s32 $0x12A00  }
0x38: {  	[tilespmem:s26], [sflag:$0x1] =	stream.indirect.gather [hbm4b:s5+s4], $0x30, s25, s4, $0xb8;
	[tilespmem:$0x1EA00] =	vst v63  }
0x39: {  	s15 =	simm.s32 $0x680;
	s16 =	simm.s32 $0x14200  }
0x3a: {  	[tilespmem:s16], [sflag:$0x1] =	stream.indirect.gather [hbm4b:s5+s4], $0x30, s15, s4, $0xb8;
	[tilespmem:$0x1EA00] =	vst v63  }
0x3b: {  	s17 =	simm.s32 $0x700;
	s18 =	simm.s32 $0x15A00  }
0x3c: {  	[tilespmem:s18], [sflag:$0x1] =	stream.indirect.gather [hbm4b:s5+s4], $0x30, s17, s4, $0xb8;
	[tilespmem:$0x1EA00] =	vst v63  }
0x3d: {  	s19 =	simm.s32 $0x780;
	s20 =	simm.s32 $0x17200  }
0x3e: {  	[tilespmem:s20], [sflag:$0x1] =	stream.indirect.gather [hbm4b:s5+s4], $0x30, s19, s4, $0xb8;
	[tilespmem:$0x1EA00] =	vst v63  }
0x3f: {  	s21 =	simm.s32 $0x800;
	s22 =	simm.s32 $0x18A00  }
0x40: {  	[tilespmem:s22], [sflag:$0x1] =	stream.indirect.gather [hbm4b:s5+s4], $0x30, s21, s4, $0xb8;
	[tilespmem:$0x1EA00] =	vst v63  }
0x41: {  	s23 =	simm.s32 $0x880;
	s24 =	simm.s32 $0x1A200  }
0x42: {  	[tilespmem:s24], [sflag:$0x1] =	stream.indirect.gather [hbm4b:s5+s4], $0x30, s23, s4, $0xb8;
	[tilespmem:$0x1EA00] =	vst v63  }
0x43: {  	s25 =	simm.s32 $0x900;
	s26 =	simm.s32 $0x1BA00  }
0x44: {  	[tilespmem:s26], [sflag:$0x1] =	stream.indirect.gather [hbm4b:s5+s4], $0x30, s25, s4, $0xb8;
	[tilespmem:$0x1EA00] =	vst v63  }
0x45: {  	s29 =	simm.s32 $0x980;
	s30 =	simm.s32 $0x1D200;
	s28 =	simm.s32 $0x1  }
0x46: {  	[tilespmem:s30], [sflag:$0x1] =	stream.indirect.gather [hbm4b:s5+s4], $0x30, s29, s4, $0xb8;
	[tilespmem:$0x1EA00] =	vst v63  }
0x47: {  	_ =	swait.ge [sflag:s28], $0x1800  }
0x48: {  	[sflag:s28] =	ssyncset.done $0x0  }
0x49: {  	[sflag:s28] =	ssyncadd.s32 $0xFFFFE800  }
0x4a: {  	_ =	swait.ge [sflag:s28], $0x1800  }
0x4b: {  	[sflag:s28] =	ssyncset.done $0x0  }
0x4c: {  	[sflag:s28] =	ssyncadd.s32 $0xFFFFE800  }
0x4d: {  	_ =	swait.ge [sflag:s28], $0x1800  }
0x4e: {  	[sflag:s28] =	ssyncset.done $0x0  }
0x4f: {  	[sflag:s28] =	ssyncadd.s32 $0xFFFFE800  }
0x50: {  	_ =	swait.ge [sflag:s28], $0x1800  }
0x51: {  	[sflag:s28] =	ssyncset.done $0x0  }
0x52: {  	[sflag:s28] =	ssyncadd.s32 $0xFFFFE800  }
0x53: {  	_ =	swait.ge [sflag:s28], $0x1800  }
0x54: {  	[sflag:s28] =	ssyncset.done $0x0  }
0x55: {  	[sflag:s28] =	ssyncadd.s32 $0xFFFFE800  }
0x56: {  	_ =	swait.ge [sflag:s28], $0x1800  }
0x57: {  	[sflag:s28] =	ssyncset.done $0x0  }
0x58: {  	[sflag:s28] =	ssyncadd.s32 $0xFFFFE800  }
0x59: {  	_ =	swait.ge [sflag:s28], $0x1800  }
0x5a: {  	[sflag:s28] =	ssyncset.done $0x0  }
0x5b: {  	[sflag:s28] =	ssyncadd.s32 $0xFFFFE800  }
0x5c: {  	_ =	swait.ge [sflag:s28], $0x1800  }
0x5d: {  	[sflag:s28] =	ssyncset.done $0x0  }
0x5e: {  	[sflag:s28] =	ssyncadd.s32 $0xFFFFE800  }
0x5f: {  	_ =	swait.ge [sflag:s28], $0x1800  }
0x60: {  	[sflag:s28] =	ssyncset.done $0x0  }
0x61: {  	[sflag:s28] =	ssyncadd.s32 $0xFFFFE800  }
0x62: {  	_ =	swait.ge [sflag:s28], $0x1800  }
0x63: {  	[sflag:s28] =	ssyncset.done $0x0  }
0x64: {  	[sflag:s28] =	ssyncadd.s32 $0xFFFFE800  }
0x65: {  	_ =	swait.ge [sflag:s28], $0x1800  }
0x66: {  	[sflag:s28] =	ssyncset.done $0x0  }
0x67: {  	[sflag:s28] =	ssyncadd.s32 $0xFFFFE800  }
0x68: {  	_ =	swait.ge [sflag:s28], $0x1800  }
0x69: {  	[sflag:s28] =	ssyncset.done $0x0  }
0x6a: {  	[sflag:s28] =	ssyncadd.s32 $0xFFFFE800  }
0x6b: {  	_ =	swait.ge [sflag:s28], $0x1800  }
0x6c: {  	[sflag:s28] =	ssyncset.done $0x0  }
0x6d: {  	[sflag:s28] =	ssyncadd.s32 $0xFFFFE800  }
0x6e: {  	_ =	swait.ge [sflag:s28], $0x1800  }
0x6f: {  	[sflag:s28] =	ssyncset.done $0x0  }
0x70: {  	[sflag:s28] =	ssyncadd.s32 $0xFFFFE800  }
0x71: {  	_ =	swait.ge [sflag:s28], $0x1800  }
0x72: {  	[sflag:s28] =	ssyncset.done $0x0  }
0x73: {  	[sflag:s28] =	ssyncadd.s32 $0xFFFFE800  }
0x74: {  	_ =	swait.ge [sflag:s28], $0x1800  }
0x75: {  	[sflag:s28] =	ssyncset.done $0x0  }
0x76: {  	[sflag:s28] =	ssyncadd.s32 $0xFFFFE800  }
0x77: {  	s1 =	ssub.s32 $0x2, s1;
	_ =	swait.ge [sflag:s28], $0x1800  }
0x78: {  	s31 =	sshrl.u32 s1, $0x1;
	[sflag:s28] =	ssyncset.done $0x0  }
0x79: {  	s1 =	ssub.s32 s1, s31;
	[sflag:s28] =	ssyncadd.s32 $0xFFFFE800  }
0x7a: {  	s1 =	smax.u32 s1, $0x1;
	_ =	swait.ge [sflag:s28], $0x1800  }
0x7b: {  	p0 =	sne.s32 s1, $0x1;
	[sflag:s28] =	ssyncset.done $0x0  }
.Ltmp0:
0x7c: {  	[sflag:s28] =	ssyncadd.s32 $0xFFFFE800;
	(pc) =	sbr.rel @!p0 .LBB2_2-.Ltmp0, $4  }
0x7d: {  	_ =	swait.ge [sflag:s28], $0x1800  }
0x7e: {  	[sflag:s28] =	ssyncset.done $0x0  }
0x7f: {  	[sflag:s28] =	ssyncadd.s32 $0xFFFFE800  }
0x80: {  	s31 =	simm.s32 $0x30;
	s1 =	sadd.s32 $0xFFFFFFFF, s1;
	_ =	swait.ge [sflag:s28], $0x1800  }
.LBB2_1:
0x81: {  	[sflag:s28] =	ssyncset.done $0x0  }
0x82: {  	s0 =	rddreg [dreg:$0x3];
	[sflag:s28] =	ssyncadd.s32 $0xFFFFE800  }
0x83: {  	[hbm4b:s0+s31] =	stream.strided.scatter [tilespmem:s6], [sflag:$0x2], $0x1E000, s4, s31, $0x38;
	[tilespmem:$0x1EA00] =	vst v63  }
0x84: {  	_ =	swait.ge [sflag:s3], $0x1E000  }
0x85: {  	[sflag:s3] =	ssyncset.done $0x0  }
0x86: {  	s12 =	rddreg [dreg:$0x2];
	[sflag:s3] =	ssyncadd.s32 $0xFFFE2000  }
0x87: {  	[tilespmem:s2], [sflag:$0x2] =	stream.linear.gather [hbm4b:s12+s2], $0xA00, $0x38;
	[tilespmem:$0x1EA00] =	vst v63  }
0x88: {  	_ =	swait.ge [sflag:s3], $0xA00  }
0x89: {  	s0 =	rddreg [dreg:$0x12]  }
0x8a: {  	s7 =	rddreg [dreg:$0x10]  }
0x8b: {  	s8 =	rddreg [dreg:$0xe]  }
0x8c: {  	s9 =	rddreg [dreg:$0xc]  }
0x8d: {  	s10 =	rddreg [dreg:$0xa]  }
0x8e: {  	[sflag:s3] =	ssyncset.done $0x0;
	s11 =	rddreg [dreg:$0x5]  }
0x8f: {  	s12 =	rddreg [dreg:$0x4];
	[sflag:s3] =	ssyncadd.s32 $0xFFFFF600  }
0x90: {  	[tilespmem:s6], [sflag:$0x1] =	stream.indirect.gather [hbm4b:s5+s4], $0x30, s2, s4, $0xb8;
	[tilespmem:$0x1EA00] =	vst v63  }
0x91: {  	s13 =	rddreg [dreg:$0x6]  }
0x92: {  	[tilespmem:s12], [sflag:$0x1] =	stream.indirect.gather [hbm4b:s5+s4], $0x30, s4, s4, $0xb8;
	[tilespmem:$0x1EA00] =	vst v63  }
0x93: {  	s14 =	rddreg [dreg:$0x8]  }
0x94: {  	[tilespmem:s13], [sflag:$0x1] =	stream.indirect.gather [hbm4b:s5+s4], $0x30, s11, s4, $0xb8;
	[tilespmem:$0x1EA00] =	vst v63  }
0x95: {  	s12 =	rddreg [dreg:$0x7]  }
0x96: {  	[tilespmem:s14], [sflag:$0x1] =	stream.indirect.gather [hbm4b:s5+s4], $0x30, s12, s4, $0xb8;
	[tilespmem:$0x1EA00] =	vst v63  }
0x97: {  	s13 =	rddreg [dreg:$0x9]  }
0x98: {  	[tilespmem:s10], [sflag:$0x1] =	stream.indirect.gather [hbm4b:s5+s4], $0x30, s13, s4, $0xb8;
	[tilespmem:$0x1EA00] =	vst v63  }
0x99: {  	s14 =	rddreg [dreg:$0xb]  }
0x9a: {  	[tilespmem:s9], [sflag:$0x1] =	stream.indirect.gather [hbm4b:s5+s4], $0x30, s14, s4, $0xb8;
	[tilespmem:$0x1EA00] =	vst v63  }
0x9b: {  	s11 =	rddreg [dreg:$0xd]  }
0x9c: {  	[tilespmem:s8], [sflag:$0x1] =	stream.indirect.gather [hbm4b:s5+s4], $0x30, s11, s4, $0xb8;
	[tilespmem:$0x1EA00] =	vst v63  }
0x9d: {  	s13 =	rddreg [dreg:$0xf]  }
0x9e: {  	[tilespmem:s7], [sflag:$0x1] =	stream.indirect.gather [hbm4b:s5+s4], $0x30, s13, s4, $0xb8;
	[tilespmem:$0x1EA00] =	vst v63  }
0x9f: {  	s14 =	rddreg [dreg:$0x11]  }
0xa0: {  	[tilespmem:s0], [sflag:$0x1] =	stream.indirect.gather [hbm4b:s5+s4], $0x30, s14, s4, $0xb8;
	[tilespmem:$0x1EA00] =	vst v63  }
0xa1: {  	s8 =	simm.s32 $0xE200;
	s7 =	simm.s32 $0x480  }
0xa2: {  	[tilespmem:s8], [sflag:$0x1] =	stream.indirect.gather [hbm4b:s5+s4], $0x30, s7, s4, $0xb8;
	[tilespmem:$0x1EA00] =	vst v63  }
0xa3: {  	s10 =	simm.s32 $0xFA00;
	s9 =	simm.s32 $0x500  }
0xa4: {  	[tilespmem:s10], [sflag:$0x1] =	stream.indirect.gather [hbm4b:s5+s4], $0x30, s9, s4, $0xb8;
	[tilespmem:$0x1EA00] =	vst v63  }
0xa5: {  	s12 =	simm.s32 $0x11200;
	s11 =	simm.s32 $0x580  }
0xa6: {  	[tilespmem:s12], [sflag:$0x1] =	stream.indirect.gather [hbm4b:s5+s4], $0x30, s11, s4, $0xb8;
	[tilespmem:$0x1EA00] =	vst v63  }
0xa7: {  	s13 =	simm.s32 $0x600;
	s14 =	simm.s32 $0x12A00  }
0xa8: {  	[tilespmem:s14], [sflag:$0x1] =	stream.indirect.gather [hbm4b:s5+s4], $0x30, s13, s4, $0xb8;
	[tilespmem:$0x1EA00] =	vst v63  }
0xa9: {  	_ = 	snop  }
0xaa: {  	[tilespmem:s16], [sflag:$0x1] =	stream.indirect.gather [hbm4b:s5+s4], $0x30, s15, s4, $0xb8;
	[tilespmem:$0x1EA00] =	vst v63  }
0xab: {  	_ = 	snop  }
0xac: {  	[tilespmem:s18], [sflag:$0x1] =	stream.indirect.gather [hbm4b:s5+s4], $0x30, s17, s4, $0xb8;
	[tilespmem:$0x1EA00] =	vst v63  }
0xad: {  	_ = 	snop  }
0xae: {  	[tilespmem:s20], [sflag:$0x1] =	stream.indirect.gather [hbm4b:s5+s4], $0x30, s19, s4, $0xb8;
	[tilespmem:$0x1EA00] =	vst v63  }
0xaf: {  	_ = 	snop  }
0xb0: {  	[tilespmem:s22], [sflag:$0x1] =	stream.indirect.gather [hbm4b:s5+s4], $0x30, s21, s4, $0xb8;
	[tilespmem:$0x1EA00] =	vst v63  }
0xb1: {  	_ = 	snop  }
0xb2: {  	[tilespmem:s24], [sflag:$0x1] =	stream.indirect.gather [hbm4b:s5+s4], $0x30, s23, s4, $0xb8;
	[tilespmem:$0x1EA00] =	vst v63  }
0xb3: {  	_ = 	snop  }
0xb4: {  	[tilespmem:s26], [sflag:$0x1] =	stream.indirect.gather [hbm4b:s5+s4], $0x30, s25, s4, $0xb8;
	[tilespmem:$0x1EA00] =	vst v63  }
0xb5: {  	_ = 	snop  }
0xb6: {  	[tilespmem:s30], [sflag:$0x1] =	stream.indirect.gather [hbm4b:s5+s4], $0x30, s29, s4, $0xb8;
	[tilespmem:$0x1EA00] =	vst v63  }
0xb7: {  	_ =	swait.ge [sflag:s28], $0x1800  }
0xb8: {  	[sflag:s28] =	ssyncset.done $0x0  }
0xb9: {  	[sflag:s28] =	ssyncadd.s32 $0xFFFFE800  }
0xba: {  	_ =	swait.ge [sflag:s28], $0x1800  }
0xbb: {  	[sflag:s28] =	ssyncset.done $0x0  }
0xbc: {  	[sflag:s28] =	ssyncadd.s32 $0xFFFFE800  }
0xbd: {  	_ =	swait.ge [sflag:s28], $0x1800  }
0xbe: {  	[sflag:s28] =	ssyncset.done $0x0  }
0xbf: {  	[sflag:s28] =	ssyncadd.s32 $0xFFFFE800  }
0xc0: {  	_ =	swait.ge [sflag:s28], $0x1800  }
0xc1: {  	[sflag:s28] =	ssyncset.done $0x0  }
0xc2: {  	[sflag:s28] =	ssyncadd.s32 $0xFFFFE800  }
0xc3: {  	_ =	swait.ge [sflag:s28], $0x1800  }
0xc4: {  	[sflag:s28] =	ssyncset.done $0x0  }
0xc5: {  	[sflag:s28] =	ssyncadd.s32 $0xFFFFE800  }
0xc6: {  	_ =	swait.ge [sflag:s28], $0x1800  }
0xc7: {  	[sflag:s28] =	ssyncset.done $0x0  }
0xc8: {  	[sflag:s28] =	ssyncadd.s32 $0xFFFFE800  }
0xc9: {  	_ =	swait.ge [sflag:s28], $0x1800  }
0xca: {  	[sflag:s28] =	ssyncset.done $0x0  }
0xcb: {  	[sflag:s28] =	ssyncadd.s32 $0xFFFFE800  }
0xcc: {  	_ =	swait.ge [sflag:s28], $0x1800  }
0xcd: {  	[sflag:s28] =	ssyncset.done $0x0  }
0xce: {  	[sflag:s28] =	ssyncadd.s32 $0xFFFFE800  }
0xcf: {  	_ =	swait.ge [sflag:s28], $0x1800  }
0xd0: {  	[sflag:s28] =	ssyncset.done $0x0  }
0xd1: {  	[sflag:s28] =	ssyncadd.s32 $0xFFFFE800  }
0xd2: {  	_ =	swait.ge [sflag:s28], $0x1800  }
0xd3: {  	[sflag:s28] =	ssyncset.done $0x0  }
0xd4: {  	[sflag:s28] =	ssyncadd.s32 $0xFFFFE800  }
0xd5: {  	_ =	swait.ge [sflag:s28], $0x1800  }
0xd6: {  	[sflag:s28] =	ssyncset.done $0x0  }
0xd7: {  	[sflag:s28] =	ssyncadd.s32 $0xFFFFE800  }
0xd8: {  	_ =	swait.ge [sflag:s28], $0x1800  }
0xd9: {  	[sflag:s28] =	ssyncset.done $0x0  }
0xda: {  	[sflag:s28] =	ssyncadd.s32 $0xFFFFE800  }
0xdb: {  	_ =	swait.ge [sflag:s28], $0x1800  }
0xdc: {  	[sflag:s28] =	ssyncset.done $0x0  }
0xdd: {  	[sflag:s28] =	ssyncadd.s32 $0xFFFFE800  }
0xde: {  	_ =	swait.ge [sflag:s28], $0x1800  }
0xdf: {  	[sflag:s28] =	ssyncset.done $0x0  }
0xe0: {  	[sflag:s28] =	ssyncadd.s32 $0xFFFFE800  }
0xe1: {  	_ =	swait.ge [sflag:s28], $0x1800  }
0xe2: {  	[sflag:s28] =	ssyncset.done $0x0  }
0xe3: {  	[sflag:s28] =	ssyncadd.s32 $0xFFFFE800  }
0xe4: {  	_ =	swait.ge [sflag:s28], $0x1800  }
0xe5: {  	[sflag:s28] =	ssyncset.done $0x0  }
0xe6: {  	[sflag:s28] =	ssyncadd.s32 $0xFFFFE800  }
0xe7: {  	_ =	swait.ge [sflag:s28], $0x1800  }
0xe8: {  	[sflag:s28] =	ssyncset.done $0x0  }
0xe9: {  	[sflag:s28] =	ssyncadd.s32 $0xFFFFE800  }
0xea: {  	_ =	swait.ge [sflag:s28], $0x1800  }
0xeb: {  	p0 =	sne.s32 s1, $0x1;
	[sflag:s28] =	ssyncset.done $0x0  }
.Ltmp1:
0xec: {  	[sflag:s28] =	ssyncadd.s32 $0xFFFFE800;
	(pc) =	sbr.rel @p0 .LBB2_1-.Ltmp1, $4  }
0xed: {  	_ =	swait.ge [sflag:s28], $0x1800  }
0xee: {  	[sflag:s28] =	ssyncset.done $0x0  }
0xef: {  	[sflag:s28] =	ssyncadd.s32 $0xFFFFE800  }
0xf0: {  	s1 =	sadd.s32 $0xFFFFFFFF, s1;
	_ =	swait.ge [sflag:s28], $0x1800  }
.LBB2_2:
0xf1: {  	[sflag:s28] =	ssyncset.done $0x0  }
0xf2: {  	s0 =	rddreg [dreg:$0x3];
	[sflag:s28] =	ssyncadd.s32 $0xFFFFE800  }
0xf3: {  	[hbm4b:s0+s31] =	stream.strided.scatter [tilespmem:s6], [sflag:$0x2], $0x1E000, s4, s31, $0x38;
	[tilespmem:$0x1EA00] =	vst v63  }
0xf4: {  	_ =	swait.ge [sflag:s3], $0x1E000  }
0xf5: {  	[sflag:s3] =	ssyncset.done $0x0  }
0xf6: {  	[sflag:s3] =	ssyncadd.s32 $0xFFFE2000  }
0xf7: {  	_ =	sfence.sel $0x180000  }
0xf8: {  	[bflag:$0x0] =	sbarrier.arrive $0xFFFF  }
0xf9: {  	_ =	strace $0x90000050  }
0xfa: {  	s31 =	stileid.u32;
	[bflag:$0x2] =	sbarrier.arrive $0xFFFF  }
0xfb: {  	p0 =	sne.s32 s31, $0x0;
	s0 =	rddreg [dreg:$0x1]  }
0xfc: {  	s0 =	sadd.s32 @!p0 $0x100000, s0  }
0xfd: {  	[sflag:s0] =	ssyncadd.tile.s32 @!p0 $0x1;
	_ =	shalt  }
.Lfunc_end2:
_tile_overlayer_lowered:
.L_overlay_start_2:
0xfe: {  	(tag) =	ssettag $0x2  }
0xff: {  	s0 =	rddreg [dreg:$0x0];
	s2 =	stileid.u32  }
0x100: {  	s1 =	rddreg [dreg:$0x1];
	p0 =	sne.s32 s2, $0x0  }
0x101: {  	s3 =	rddreg [dreg:$0x2];
	[bflag:$0x3] =	sbarrier.arrive $0xFFFF;
	s2 =	simm.s32 @!p0 $0x1C02  }
0x102: {  	[timem:s3], [sflag:s2] =	dma.local @!p0 [hbm:s0], s1  }
0x103: {  	s0 =	simm.s32 @!p0 $0x2  }
0x104: {  	_ =	swait.ge @!p0 [sflag:s0], s1  }
0x105: {  	s1 =	ssub.s32 @!p0 $0x0, s1;
	[sflag:s0] =	ssyncset.done @!p0 $0x0  }
0x106: {  	[sflag:s0] =	ssyncadd.s32 @!p0 s1  }
0x107: {  	[bflag:$0x3] =	sbarrier.arrive $0xFFFF  }
0x108: {  	_ =	shalt  }

// kernel: kernel.31.cloned.1.call-start
scs
__scs_entry_jumppad:
0x0: {  	(pc) =	sbr.rel $0x88, $3  }
0x1: {  	(tag) =	ssettag $0x0;
	lr =	simm.s32 $0x1  }
0x2: {  	[smem:$0x3F8F] =	sst lr;
	_ =	strace $0xD0000000  }
0x3: {  	_ = 	snop  }
0x4: {  	_ = 	snop  }
0x5: {  	_ = 	snop  }
0x6: {  	_ = 	snop  }
0x7: {  	_ = 	snop  }
__scs_overlays_trampoline_lowered:
0x8: {  	[smem:$0x3F9E] =	sst s0  }
0x9: {  	[smem:$0x3F9F] =	sst s1  }
0xa: {  	[smem:$0x3FA0] =	sst s2  }
0xb: {  	[smem:$0x3FA1] =	sst s3  }
0xc: {  	[smem:$0x3FA2] =	sst s4  }
0xd: {  	[smem:$0x3FA3] =	sst s5  }
0xe: {  	[smem:$0x3FA4] =	sst s6  }
0xf: {  	[smem:$0x3FA5] =	sst s7  }
0x10: {  	[smem:$0x3FA6] =	sst s8  }
0x11: {  	[smem:$0x3FA7] =	sst s9;
	s0 =	simm.s32 @!p0 $0x0  }
0x12: {  	s1 =	sld [smem:$0x3F8D];
	s0 =	simm.s32 @p0 $0x1  }
0x13: {  	[smem:$0x3FA8] =	sst s0;
	s0 =	simm.s32 @!p1 $0x0  }
0x14: {  	s2 =	sld [smem:$0x3F8C];
	s0 =	simm.s32 @p1 $0x1  }
0x15: {  	[smem:$0x3FA9] =	sst s0;
	s0 =	simm.s32 @!p2 $0x0  }
0x16: {  	s3 =	sld [smem:$0x3FDB];
	s0 =	simm.s32 @p2 $0x1  }
0x17: {  	s4 =	simm.s32 $0x1BF5;
	[smem:$0x3FAB] =	sst s0  }
0x18: {  	s0 =	sld [smem:$0x3F8E];
	_ =	swait.ge [sflag:s4], $0x0  }
0x19: {  	s7 =	sld [smem:$0x3F8F]  }
0x1a: {  	s8 =	sadd.s32 $0xFFFFE003, lr  }
0x1b: {  	s9 =	sadd.s32 $0xFFFFFEF7, lr;
	s5 =	simm.s32 $0xFFFFFFFF;
	p2 =	slt.u32 s8, $0xFFFFF086  }
0x1c: {  	p1 =	slt.u32 s9, $0xF7A;
	s5 =	simm.s32 @!p2 $0x0  }
0x1d: {  	s5 =	simm.s32 @p1 $0x1;
	p0 =	seq.s32 s7, s2  }
0x1e: {  	s7 =	smul.u32 @!p0 $0xF7A, s2;
	p2 =	seq.s32 @!p0 s5, $0x0  }
0x1f: {  	s9 =	smul.u32 $0xF7A, s1;
	s8 =	simm.s32 @!p0 $0x1BF5;
	p2 =	por !p2, p0  }
0x20: {  	[sflag:s8] =	ssyncset.s32 @!p0 $0xFFFFF086;
	s6 =	sadd.s32 @!p0 s3, s7;
	s7 =	simm.s32 @!p0 $0x108  }
0x21: {  	s3 =	sadd.s32 s3, s9;
	s6 =	sadd.s32 @!p0 $0x88, s6;
	s7 =	simm.s32 @p2 $0x1082  }
0x22: {  	[simem:s7], [sflag:s8] =	dma.local @!p0 [hbm:s6], $0xF7A  }
0x23: {  	s9 =	sor.u32 $0xD0000000, s2;
	s6 =	simm.s32 $0x108;
	_ =	swait.ge @!p0 [sflag:s8], $0x0  }
0x24: {  	s3 =	sadd.s32 $0x88, s3;
	s6 =	simm.s32 @!p1 $0x1082;
	[sflag:s4] =	ssyncset.s32 $0xFFFFF086  }
0x25: {  	[simem:s6], [sflag:s4] =	dma.local [hbm:s3], $0xF7A  }
0x26: {  	[smem:$0x3F8F] =	sst s1;
	(tag) =	ssettag s2;
	_ =	strace s9  }
0x27: {  	s1 =	sld [smem:$0x3F9F]  }
0x28: {  	s2 =	sld [smem:$0x3FA0]  }
0x29: {  	s4 =	sld [smem:$0x3FA2]  }
0x2a: {  	p0 =	seq.s32 s5, $0x0;
	s5 =	sld [smem:$0x3FA3]  }
0x2b: {  	s6 =	sld [smem:$0x3FA4]  }
0x2c: {  	s7 =	sld [smem:$0x3FA5]  }
0x2d: {  	s3 =	simm.s32 $0x108;
	s8 =	sld [smem:$0x3FA6]  }
0x2e: {  	s3 =	simm.s32 @!p0 $0x1082;
	s9 =	sld [smem:$0x3FA7]  }
0x2f: {  	lr =	sadd.s32 s0, s3;
	s0 =	sld [smem:$0x3F9E]  }
0x30: {  	s3 =	sld [smem:$0x3FA1]  }
0x31: {  	[smem:$0x3FAA] =	sst s10  }
0x32: {  	s10 =	sld [smem:$0x3FA8];
	_ =	sdelay $0x3  }
0x33: {  	p0 =	seq.s32 s10, $0x1;
	s10 =	sld [smem:$0x3FAA];
	_ =	sdelay $0x3  }
0x34: {  	[smem:$0x3FAA] =	sst s10  }
0x35: {  	s10 =	sld [smem:$0x3FA9];
	_ =	sdelay $0x3  }
0x36: {  	p1 =	seq.s32 s10, $0x1;
	s10 =	sld [smem:$0x3FAA];
	_ =	sdelay $0x3  }
0x37: {  	[smem:$0x3FAA] =	sst s10  }
0x38: {  	s10 =	sld [smem:$0x3FAB]  }
0x39: {  	_ = 	snop;
	(pc) =	sbr.ind lr, $3  }
0x3a: {  	_ = 	snop  }
0x3b: {  	_ = 	snop  }
0x3c: {  	p2 =	seq.s32 s10, $0x1;
	s10 =	sld [smem:$0x3FAA]  }
0x3d: {  	_ =	shalt  }
0x3e: {  	_ =	shalt  }
0x3f: {  	_ =	shalt  }
0x40: {  	_ =	shalt  }
0x41: {  	_ =	shalt  }
0x42: {  	_ =	shalt  }
0x43: {  	_ =	shalt  }
0x44: {  	_ =	shalt  }
0x45: {  	_ =	shalt  }
0x46: {  	_ =	shalt  }
0x47: {  	_ =	shalt  }
0x48: {  	_ =	shalt  }
0x49: {  	_ =	shalt  }
0x4a: {  	_ =	shalt  }
0x4b: {  	_ =	shalt  }
0x4c: {  	_ =	shalt  }
0x4d: {  	_ =	shalt  }
0x4e: {  	_ =	shalt  }
0x4f: {  	_ =	shalt  }
0x50: {  	_ =	shalt  }
0x51: {  	_ =	shalt  }
0x52: {  	_ =	shalt  }
0x53: {  	_ =	shalt  }
0x54: {  	_ =	shalt  }
0x55: {  	_ =	shalt  }
0x56: {  	_ =	shalt  }
0x57: {  	_ =	shalt  }
0x58: {  	_ =	shalt  }
0x59: {  	_ =	shalt  }
0x5a: {  	_ =	shalt  }
0x5b: {  	_ =	shalt  }
0x5c: {  	_ =	shalt  }
0x5d: {  	_ =	shalt  }
0x5e: {  	_ =	shalt  }
0x5f: {  	_ =	shalt  }
0x60: {  	_ =	shalt  }
0x61: {  	_ =	shalt  }
0x62: {  	_ =	shalt  }
0x63: {  	_ =	shalt  }
0x64: {  	_ =	shalt  }
0x65: {  	_ =	shalt  }
0x66: {  	_ =	shalt  }
0x67: {  	_ =	shalt  }
0x68: {  	_ =	shalt  }
0x69: {  	_ =	shalt  }
0x6a: {  	_ =	shalt  }
0x6b: {  	_ =	shalt  }
0x6c: {  	_ =	shalt  }
0x6d: {  	_ =	shalt  }
0x6e: {  	_ =	shalt  }
0x6f: {  	_ =	shalt  }
0x70: {  	_ =	shalt  }
0x71: {  	_ =	shalt  }
0x72: {  	_ =	shalt  }
0x73: {  	_ =	shalt  }
0x74: {  	_ =	shalt  }
0x75: {  	_ =	shalt  }
0x76: {  	_ =	shalt  }
0x77: {  	_ =	shalt  }
0x78: {  	_ =	shalt  }
0x79: {  	_ =	shalt  }
0x7a: {  	_ =	shalt  }
0x7b: {  	_ =	shalt  }
0x7c: {  	_ =	shalt  }
0x7d: {  	_ =	shalt  }
0x7e: {  	_ =	shalt  }
0x7f: {  	_ =	shalt  }
0x80: {  	_ =	shalt  }
0x81: {  	_ =	shalt  }
0x82: {  	_ =	shalt  }
0x83: {  	_ =	shalt  }
0x84: {  	_ =	shalt  }
0x85: {  	_ =	shalt  }
0x86: {  	_ =	shalt  }
0x87: {  	_ =	shalt  }
.Lfunc_end0:
.L_simem_size_0:
called_computation.4_lowered:
.L_overlay_start_0:
0x88: {  	s2 =	sld [smem:$0x3FD9]  }
0x89: {  	s3 =	sld [smem:$0x3FFE];
	_ =	sdelay $0x1  }
0x8a: {  	s1 =	srdreg.scid  }
0x8b: {  	s0 =	sand.u32 $0x1, s1  }
0x8c: {  	s17 =	sshll.u32 s0, $0xA;
	s2 =	sadd.s32 s3, s2  }
0x8d: {  	s2 =	sadd.s32 s2, s17  }
0x8e: {  	[smem:$0x3FB6] =	sst s2  }
0x8f: {  	_ = 	snop  }
0x90: {  	s2 =	sld [smem:$0x3FD0];
	(tm) =	ssettm $0x1  }
0x91: {  	s18 =	sld [smem:$0x3FFB];
	_ =	sdelay $0x3  }
0x92: {  	_ =	strace s18  }
0x93: {  	s3 =	sld [smem:$0x3FFC];
	_ =	sdelay $0x3  }
0x94: {  	_ =	strace s3  }
0x95: {  	s3 =	sld [smem:$0x3FFD];
	_ =	sdelay $0x3  }
0x96: {  	_ =	strace s3  }
0x97: {  	_ =	strace $0x8FFFFFFF  }
0x98: {  	s19 =	sld [smem:$0x3FDB];
	_ =	sdelay $0x1  }
0x99: {  	s4 =	simm.s32 $_scs_section_size  }
0x9a: {  	s5 =	simm.s32 $_size__tile_overlayer_lowered;
	s6 =	simm.s32 $_tile_overlayer_lowered  }
0x9b: {  	s22 =	simm.s32 $0x1BFF;
	s21 =	sshll.u32 s6, $0x1;
	s3 =	sadd.s32 s4, s19  }
0x9c: {  	s7 =	simm.s32 $0x0;
	s20 =	sshll.u32 s5, $0x1;
	s5 =	sadd.s32 s21, s3  }
0x9d: {  	[timem:s7], [sflag:s22] =	dma.local [hbm:s5], s20  }
0x9e: {  	_ =	swait.ge [sflag:s22], s20  }
0x9f: {  	s4 =	ssub.s32 $0x0, s20;
	[sflag:s22] =	ssyncset.done $0x0  }
0xa0: {  	[sflag:s22] =	ssyncadd.s32 s4;
	_ =	sdelay $0x1  }
0xa1: {  	s23 =	simm.s32 $0x1B8B  }
0xa2: {  	_ =	swait.ge [sflag:s23], $0x1  }
0xa3: {  	[sflag:s23] =	ssyncset.done $0x0  }
0xa4: {  	s25 =	simm.s32 $0x1B8E;
	s24 =	sld [smem:$0x3FFE];
	[sflag:s23] =	ssyncadd.s32 $0xFFFFFFFF  }
0xa5: {  	s26 =	simm.s32 $execute0_lowered;
	[smem:$0x3FD2] =	sst s25  }
0xa6: {  	s5 =	sshll.u32 s26, $0x1;
	_ =	strace $0x80000052;
	[dreg:$0x1] =	wrdreg $0xFFFFFFFF  }
0xa7: {  	s28 =	simm.s32 $_size_execute0_lowered;
	s3 =	sadd.s32 s3, s5;
	[dreg:$0x0] =	wrdreg $0x0  }
0xa8: {  	s5 =	sshll.u32 s28, $0x1;
	[dreg:$0x2] =	wrdreg s3  }
0xa9: {  	[dreg:$0x3] =	wrdreg s5  }
0xaa: {  	[dreg:$0x4] =	wrdreg $0xC0  }
0xab: {  	_ =	task [dreg:s7], $0x5FFFF  }
0xac: {  	[dreg:$0x1] =	wrdreg $0xFFFFFFFF  }
0xad: {  	[dreg:$0x0] =	wrdreg $0x60  }
0xae: {  	[dreg:$0x2] =	wrdreg s24  }
0xaf: {  	[dreg:$0x3] =	wrdreg s2  }
0xb0: {  	[dreg:$0x4] =	wrdreg $0xAA000  }
0xb1: {  	[dreg:$0x5] =	wrdreg $0x9  }
0xb2: {  	_ =	task.clear_ibuf [dreg:s7], $0x6FFFF;
	_ =	strace $0x90000052  }
0xb3: {  	s29 =	simm.s32 $0x9;
	_ =	strace $0x80000054  }
0xb4: {  	_ =	swait.ge [sflag:s29], $0x1  }
0xb5: {  	[sflag:s29] =	ssyncadd.s32 $0xFFFFFFFF  }
0xb6: {  	_ =	strace $0x90000054  }
0xb7: {  	_ =	sfence  }
0xb8: {  	s30 =	sld [smem:$0x0];
	_ =	sdelay $0x2  }
0xb9: {  	s31 =	sshll.u32 s1, $0xD;
	s1 =	sshrl.u32 s1, $0x2  }
0xba: {  	s3 =	sand.u32 $0x4000, s31;
	s1 =	sadd.s32 s1, s30  }
0xbb: {  	s0 =	sor.u32 s3, s0;
	s1 =	sshll.u32 s1, $0x11  }
0xbc: {  	s0 =	sor.u32 s1, s0  }
0xbd: {  	s0 =	sadd.s32 $0x8F2B, s0  }
0xbe: {  	[sflag:s0] =	ssyncadd.remote.s32 $0x1  }
0xbf: {  	_ =	sfence.sel $0xFFFF  }
0xc0: {  	[dreg:$0x0] =	wrdreg $0xFFFFFFFF;
	(pc) =	sbr.abs _section_cstart, $3  }
0xc1: {  	[dreg:$0x1] =	wrdreg $0xFFFFFFFF  }
0xc2: {  	_ =	task.clear_ibuf [dreg:s7], $0x2FFFF;
	_ =	strace $0x9FFFFFFF  }
0xc3: {  	(tm) =	ssettm $0x7FFFFFFF  }
tec
execute0_lowered:
.L_overlay_start_1:
0x0: {  	(tag) =	ssettag $0x1  }
0x1: {  	s1 =	rddreg [dreg:$0x0]  }
0x2: {  	s2 =	srdreg.scid;
	s0 =	stileid.u32  }
0x3: {  	s4 =	rddreg [dreg:$0x1];
	s24 =	sand.u32 $0x1, s2;
	s3 =	sshll.u32 s0, $0x1  }
0x4: {  	s2 =	rddreg [dreg:$0x2];
	s5 =	sor.u32 s24, s3;
	s3 =	simm.s32 $0x0  }
0x5: {  	s22 =	simm.s32 $0x10;
	[smem:$0x7FF] =	sst s3  }
0x6: {  	s23 =	simm.s32 $0x1200;
	_ =	strace $0x80000053;
	[dreg:$0x7] =	wrdreg s22  }
0x7: {  	s25 =	simm.s32 $0x100;
	[dreg:$0x8] =	wrdreg s23  }
0x8: {  	s8 =	simm.s32 $0x2200;
	[dreg:$0x9] =	wrdreg s25  }
0x9: {  	s9 =	simm.s32 $0x200;
	[dreg:$0xc] =	wrdreg s8  }
0xa: {  	s10 =	simm.s32 $0x2A00;
	[dreg:$0xd] =	wrdreg s9  }
0xb: {  	s11 =	simm.s32 $0x280;
	[dreg:$0xe] =	wrdreg s10  }
0xc: {  	s12 =	simm.s32 $0x3200;
	[dreg:$0xf] =	wrdreg s11  }
0xd: {  	s13 =	simm.s32 $0x300;
	[dreg:$0x10] =	wrdreg s12  }
0xe: {  	s14 =	simm.s32 $0x3A00;
	[dreg:$0x11] =	wrdreg s13  }
0xf: {  	s15 =	simm.s32 $0x380;
	s6 =	smul.u32 $0x2800, s0;
	[dreg:$0x12] =	wrdreg s14  }
0x10: {  	s16 =	simm.s32 $0x4200;
	s17 =	simm.s32 $0x400;
	[dreg:$0x13] =	wrdreg s15  }
0x11: {  	s7 =	smul.u32 $0x140, s5;
	s26 =	sshrl.u32 s6, $0x3;
	[dreg:$0x14] =	wrdreg s16  }
0x12: {  	s5 =	smul.u32 $0xA000, s5;
	s4 =	sadd.s32 s4, s26;
	[dreg:$0x15] =	wrdreg s17  }
0x13: {  	s8 =	simm.s32 $0x480;
	s7 =	sadd.s32 s7, s1;
	[dreg:$0x4] =	wrdreg s4  }
0x14: {  	s5 =	sadd.s32 s5, s1;
	[dreg:$0x17] =	wrdreg s8;
	s20 =	sadd.s32 $0x6200, s7  }
0x15: {  	s21 =	sadd.s32 $0x6BEC00, s5;
	[dreg:$0x5] =	wrdreg s20  }
0x16: {  	s5 =	simm.s32 $0x1A00;
	[dreg:$0x6] =	wrdreg s21  }
0x17: {  	s7 =	simm.s32 $0x180;
	[dreg:$0xa] =	wrdreg s5  }
0x18: {  	s19 =	sshll.u32 s0, $0x6;
	s18 =	sadd.s32 s6, s2;
	[dreg:$0xb] =	wrdreg s7  }
0x19: {  	s6 =	sshrl.u32 s18, $0x3;
	s20 =	simm.s32 $0x4A00;
	s21 =	rddreg [dreg:$0x4]  }
0x1a: {  	s4 =	sor.u32 $0x1C01, s19;
	s5 =	simm.s32 $0x1;
	[dreg:$0x16] =	wrdreg s20  }
0x1b: {  	[spmem:s6], [sflag:s4] =	dma.local [hbm:s21], $0x500  }
0x1c: {  	_ =	swait.ge [sflag:s5], $0x500  }
0x1d: {  	[sflag:s5] =	ssyncset.done $0x0  }
0x1e: {  	s22 =	rddreg [dreg:$0x5];
	[sflag:s5] =	ssyncadd.s32 $0xFFFFFB00  }
0x1f: {  	[tilespmem:s3], [sflag:$0x1] =	stream.linear.gather [hbm4b:s22+s3], $0xA00, $0x38;
	[tilespmem:$0xD200] =	vst v63  }
0x20: {  	_ =	swait.ge [sflag:s5], $0xA00  }
0x21: {  	s8 =	simm.s32 $0xA00;
	s9 =	rddreg [dreg:$0x6];
	[sflag:s5] =	ssyncset.done $0x0  }
0x22: {  	s7 =	simm.s32 $0x80;
	s10 =	rddreg [dreg:$0x7];
	[sflag:s5] =	ssyncadd.s32 $0xFFFFF600  }
0x23: {  	[tilespmem:s8], [sflag:$0x1] =	stream.strided.gather [hbm4b:s9+s10], $0xA000, s7, s10, $0x38;
	[tilespmem:$0xD200] =	vst v63  }
0x24: {  	_ =	swait.ge [sflag:s5], $0xA000  }
0x25: {  	[sflag:s5] =	ssyncset.done $0x0  }
0x26: {  	[sflag:s5] =	ssyncadd.s32 $0xFFFF6000  }
0x27: {  	[bflag:$0x0] =	sbarrier.arrive $0xFFFF  }
0x28: {  	[spmem:s2] =	stream.indirect.scatter.add.f32 [tilespmem:s8], [sflag:$0x1], $0x10, s3, s7, $0xb8;
	[tilespmem:$0xD200] =	vst v63  }
0x29: {  	_ =	swait.ge [sflag:s5], $0x800  }
0x2a: {  	[sflag:s5] =	ssyncset.done $0x0  }
0x2b: {  	s23 =	rddreg [dreg:$0x8];
	[sflag:s5] =	ssyncadd.s32 $0xFFFFF800  }
0x2c: {  	[spmem:s2] =	stream.indirect.scatter.add.f32 [tilespmem:s23], [sflag:$0x1], $0x10, s7, s7, $0xb8;
	[tilespmem:$0xD200] =	vst v63  }
0x2d: {  	_ =	swait.ge [sflag:s5], $0x800  }
0x2e: {  	s25 =	rddreg [dreg:$0x9];
	[sflag:s5] =	ssyncset.done $0x0  }
0x2f: {  	s0 =	rddreg [dreg:$0xa];
	[sflag:s5] =	ssyncadd.s32 $0xFFFFF800  }
0x30: {  	[spmem:s2] =	stream.indirect.scatter.add.f32 [tilespmem:s0], [sflag:$0x1], $0x10, s25, s7, $0xb8;
	[tilespmem:$0xD200] =	vst v63  }
0x31: {  	_ =	swait.ge [sflag:s5], $0x800  }
0x32: {  	s11 =	rddreg [dreg:$0xb];
	[sflag:s5] =	ssyncset.done $0x0  }
0x33: {  	s12 =	rddreg [dreg:$0xc];
	[sflag:s5] =	ssyncadd.s32 $0xFFFFF800  }
0x34: {  	[spmem:s2] =	stream.indirect.scatter.add.f32 [tilespmem:s12], [sflag:$0x1], $0x10, s11, s7, $0xb8;
	[tilespmem:$0xD200] =	vst v63  }
0x35: {  	_ =	swait.ge [sflag:s5], $0x800  }
0x36: {  	s13 =	rddreg [dreg:$0xd];
	[sflag:s5] =	ssyncset.done $0x0  }
0x37: {  	s14 =	rddreg [dreg:$0xe];
	[sflag:s5] =	ssyncadd.s32 $0xFFFFF800  }
0x38: {  	[spmem:s2] =	stream.indirect.scatter.add.f32 [tilespmem:s14], [sflag:$0x1], $0x10, s13, s7, $0xb8;
	[tilespmem:$0xD200] =	vst v63  }
0x39: {  	_ =	swait.ge [sflag:s5], $0x800  }
0x3a: {  	s15 =	rddreg [dreg:$0xf];
	[sflag:s5] =	ssyncset.done $0x0  }
0x3b: {  	s16 =	rddreg [dreg:$0x10];
	[sflag:s5] =	ssyncadd.s32 $0xFFFFF800  }
0x3c: {  	[spmem:s2] =	stream.indirect.scatter.add.f32 [tilespmem:s16], [sflag:$0x1], $0x10, s15, s7, $0xb8;
	[tilespmem:$0xD200] =	vst v63  }
0x3d: {  	_ =	swait.ge [sflag:s5], $0x800  }
0x3e: {  	s17 =	rddreg [dreg:$0x11];
	[sflag:s5] =	ssyncset.done $0x0  }
0x3f: {  	s18 =	rddreg [dreg:$0x12];
	[sflag:s5] =	ssyncadd.s32 $0xFFFFF800  }
0x40: {  	[spmem:s2] =	stream.indirect.scatter.add.f32 [tilespmem:s18], [sflag:$0x1], $0x10, s17, s7, $0xb8;
	[tilespmem:$0xD200] =	vst v63  }
0x41: {  	_ =	swait.ge [sflag:s5], $0x800  }
0x42: {  	s19 =	rddreg [dreg:$0x13];
	[sflag:s5] =	ssyncset.done $0x0  }
0x43: {  	s20 =	rddreg [dreg:$0x14];
	[sflag:s5] =	ssyncadd.s32 $0xFFFFF800  }
0x44: {  	[spmem:s2] =	stream.indirect.scatter.add.f32 [tilespmem:s20], [sflag:$0x1], $0x10, s19, s7, $0xb8;
	[tilespmem:$0xD200] =	vst v63  }
0x45: {  	_ =	swait.ge [sflag:s5], $0x800  }
0x46: {  	s21 =	rddreg [dreg:$0x15];
	[sflag:s5] =	ssyncset.done $0x0  }
0x47: {  	s22 =	rddreg [dreg:$0x16];
	[sflag:s5] =	ssyncadd.s32 $0xFFFFF800  }
0x48: {  	[spmem:s2] =	stream.indirect.scatter.add.f32 [tilespmem:s22], [sflag:$0x1], $0x10, s21, s7, $0xb8;
	[tilespmem:$0xD200] =	vst v63  }
0x49: {  	_ =	swait.ge [sflag:s5], $0x800  }
0x4a: {  	[sflag:s5] =	ssyncset.done $0x0  }
0x4b: {  	s25 =	simm.s32 $0x5200;
	s23 =	rddreg [dreg:$0x17];
	[sflag:s5] =	ssyncadd.s32 $0xFFFFF800  }
0x4c: {  	[spmem:s2] =	stream.indirect.scatter.add.f32 [tilespmem:s25], [sflag:$0x1], $0x10, s23, s7, $0xb8;
	[tilespmem:$0xD200] =	vst v63  }
0x4d: {  	_ =	swait.ge [sflag:s5], $0x800  }
0x4e: {  	[sflag:s5] =	ssyncset.done $0x0  }
0x4f: {  	s10 =	simm.s32 $0x500;
	s11 =	simm.s32 $0x5A00;
	[sflag:s5] =	ssyncadd.s32 $0xFFFFF800  }
0x50: {  	[spmem:s2] =	stream.indirect.scatter.add.f32 [tilespmem:s11], [sflag:$0x1], $0x10, s10, s7, $0xb8;
	[tilespmem:$0xD200] =	vst v63  }
0x51: {  	_ =	swait.ge [sflag:s5], $0x800  }
0x52: {  	[sflag:s5] =	ssyncset.done $0x0  }
0x53: {  	s12 =	simm.s32 $0x580;
	s13 =	simm.s32 $0x6200;
	[sflag:s5] =	ssyncadd.s32 $0xFFFFF800  }
0x54: {  	[spmem:s2] =	stream.indirect.scatter.add.f32 [tilespmem:s13], [sflag:$0x1], $0x10, s12, s7, $0xb8;
	[tilespmem:$0xD200] =	vst v63  }
0x55: {  	_ =	swait.ge [sflag:s5], $0x800  }
0x56: {  	[sflag:s5] =	ssyncset.done $0x0  }
0x57: {  	s14 =	simm.s32 $0x600;
	s15 =	simm.s32 $0x6A00;
	[sflag:s5] =	ssyncadd.s32 $0xFFFFF800  }
0x58: {  	[spmem:s2] =	stream.indirect.scatter.add.f32 [tilespmem:s15], [sflag:$0x1], $0x10, s14, s7, $0xb8;
	[tilespmem:$0xD200] =	vst v63  }
0x59: {  	_ =	swait.ge [sflag:s5], $0x800  }
0x5a: {  	[sflag:s5] =	ssyncset.done $0x0  }
0x5b: {  	s16 =	simm.s32 $0x680;
	s17 =	simm.s32 $0x7200;
	[sflag:s5] =	ssyncadd.s32 $0xFFFFF800  }
0x5c: {  	[spmem:s2] =	stream.indirect.scatter.add.f32 [tilespmem:s17], [sflag:$0x1], $0x10, s16, s7, $0xb8;
	[tilespmem:$0xD200] =	vst v63  }
0x5d: {  	_ =	swait.ge [sflag:s5], $0x800  }
0x5e: {  	[sflag:s5] =	ssyncset.done $0x0  }
0x5f: {  	s18 =	simm.s32 $0x700;
	s19 =	simm.s32 $0x7A00;
	[sflag:s5] =	ssyncadd.s32 $0xFFFFF800  }
0x60: {  	[spmem:s2] =	stream.indirect.scatter.add.f32 [tilespmem:s19], [sflag:$0x1], $0x10, s18, s7, $0xb8;
	[tilespmem:$0xD200] =	vst v63  }
0x61: {  	_ =	swait.ge [sflag:s5], $0x800  }
0x62: {  	[sflag:s5] =	ssyncset.done $0x0  }
0x63: {  	s20 =	simm.s32 $0x780;
	s21 =	simm.s32 $0x8200;
	[sflag:s5] =	ssyncadd.s32 $0xFFFFF800  }
0x64: {  	[spmem:s2] =	stream.indirect.scatter.add.f32 [tilespmem:s21], [sflag:$0x1], $0x10, s20, s7, $0xb8;
	[tilespmem:$0xD200] =	vst v63  }
0x65: {  	_ =	swait.ge [sflag:s5], $0x800  }
0x66: {  	s28 =	smul.u32 $0x5000, s24;
	[sflag:s5] =	ssyncset.done $0x0  }
0x67: {  	s22 =	simm.s32 $0x800;
	s23 =	simm.s32 $0x8A00;
	[sflag:s5] =	ssyncadd.s32 $0xFFFFF800  }
0x68: {  	[spmem:s2] =	stream.indirect.scatter.add.f32 [tilespmem:s23], [sflag:$0x1], $0x10, s22, s7, $0xb8;
	[tilespmem:$0xD200] =	vst v63  }
0x69: {  	s29 =	ssub.s32 $0x2, s24;
	s24 =	simm.s32 $0x880;
	_ =	swait.ge [sflag:s5], $0x800  }
0x6a: {  	s1 =	sadd.s32 s28, s1;
	s28 =	sshrl.u32 s29, $0x1;
	[sflag:s5] =	ssyncset.done $0x0  }
0x6b: {  	s30 =	ssub.s32 s29, s28;
	s25 =	simm.s32 $0x9200;
	[sflag:s5] =	ssyncadd.s32 $0xFFFFF800  }
0x6c: {  	[spmem:s2] =	stream.indirect.scatter.add.f32 [tilespmem:s25], [sflag:$0x1], $0x10, s24, s7, $0xb8;
	[tilespmem:$0xD200] =	vst v63  }
0x6d: {  	s9 =	smax.u32 s30, $0x1;
	_ =	swait.ge [sflag:s5], $0x800  }
0x6e: {  	s28 =	simm.s32 $0x900;
	p0 =	sne.s32 s9, $0x1;
	[sflag:s5] =	ssyncset.done $0x0  }
.Ltmp0:
0x6f: {  	s29 =	simm.s32 $0x9A00;
	[sflag:s5] =	ssyncadd.s32 $0xFFFFF800;
	(pc) =	sbr.rel @!p0 .LBB2_2-.Ltmp0, $4  }
0x70: {  	[spmem:s2] =	stream.indirect.scatter.add.f32 [tilespmem:s29], [sflag:$0x1], $0x10, s28, s7, $0xb8;
	[tilespmem:$0xD200] =	vst v63  }
0x71: {  	s1 =	sadd.s32 $0xB200, s1;
	_ =	swait.ge [sflag:s5], $0x800  }
0x72: {  	s31 =	simm.s32 $0x980;
	s26 =	sadd.s32 s26, s1;
	[sflag:s5] =	ssyncset.done $0x0  }
0x73: {  	s1 =	simm.s32 $0xA200;
	s30 =	sadd.s32 $0xFFFFFFFF, s9;
	[sflag:s5] =	ssyncadd.s32 $0xFFFFF800  }
.LBB2_1:
0x74: {  	[spmem:s2] =	stream.indirect.scatter.add.f32 [tilespmem:s1], [sflag:$0x1], $0x10, s31, s7, $0xb8;
	[tilespmem:$0xD200] =	vst v63  }
0x75: {  	_ =	swait.ge [sflag:s5], $0x800  }
0x76: {  	[sflag:s5] =	ssyncset.done $0x0  }
0x77: {  	[sflag:s5] =	ssyncadd.s32 $0xFFFFF800  }
0x78: {  	[bflag:$0x0] =	sbarrier.arrive $0xFFFF  }
0x79: {  	[hbm:s26], [sflag:s4] =	dma.local [spmem:s6], $0x500  }
0x7a: {  	_ =	swait.ge [sflag:s5], $0x500  }
0x7b: {  	[sflag:s5] =	ssyncset.done $0x0  }
0x7c: {  	s0 =	rddreg [dreg:$0x4];
	[sflag:s5] =	ssyncadd.s32 $0xFFFFFB00  }
0x7d: {  	[spmem:s6], [sflag:s4] =	dma.local [hbm:s0], $0x500  }
0x7e: {  	_ =	swait.ge [sflag:s5], $0x500  }
0x7f: {  	[sflag:s5] =	ssyncset.done $0x0  }
0x80: {  	s9 =	rddreg [dreg:$0x5];
	[sflag:s5] =	ssyncadd.s32 $0xFFFFFB00  }
0x81: {  	[tilespmem:s3], [sflag:$0x1] =	stream.linear.gather [hbm4b:s9+s3], $0xA00, $0x38;
	[tilespmem:$0xD200] =	vst v63  }
0x82: {  	_ =	swait.ge [sflag:s5], $0xA00  }
0x83: {  	s0 =	rddreg [dreg:$0x6];
	[sflag:s5] =	ssyncset.done $0x0  }
0x84: {  	s9 =	rddreg [dreg:$0x7];
	[sflag:s5] =	ssyncadd.s32 $0xFFFFF600  }
0x85: {  	[tilespmem:s8], [sflag:$0x1] =	stream.strided.gather [hbm4b:s0+s9], $0xA000, s7, s9, $0x38;
	[tilespmem:$0xD200] =	vst v63  }
0x86: {  	_ =	swait.ge [sflag:s5], $0xA000  }
0x87: {  	[sflag:s5] =	ssyncset.done $0x0  }
0x88: {  	[sflag:s5] =	ssyncadd.s32 $0xFFFF6000  }
0x89: {  	[bflag:$0x0] =	sbarrier.arrive $0xFFFF  }
0x8a: {  	[spmem:s2] =	stream.indirect.scatter.add.f32 [tilespmem:s8], [sflag:$0x1], $0x10, s3, s7, $0xb8;
	[tilespmem:$0xD200] =	vst v63  }
0x8b: {  	_ =	swait.ge [sflag:s5], $0x800  }
0x8c: {  	[sflag:s5] =	ssyncset.done $0x0  }
0x8d: {  	s9 =	rddreg [dreg:$0x8];
	[sflag:s5] =	ssyncadd.s32 $0xFFFFF800  }
0x8e: {  	[spmem:s2] =	stream.indirect.scatter.add.f32 [tilespmem:s9], [sflag:$0x1], $0x10, s7, s7, $0xb8;
	[tilespmem:$0xD200] =	vst v63  }
0x8f: {  	_ =	swait.ge [sflag:s5], $0x800  }
0x90: {  	[sflag:s5] =	ssyncset.done $0x0;
	s0 =	rddreg [dreg:$0x9]  }
0x91: {  	s9 =	rddreg [dreg:$0xa];
	[sflag:s5] =	ssyncadd.s32 $0xFFFFF800  }
0x92: {  	[spmem:s2] =	stream.indirect.scatter.add.f32 [tilespmem:s9], [sflag:$0x1], $0x10, s0, s7, $0xb8;
	[tilespmem:$0xD200] =	vst v63  }
0x93: {  	_ =	swait.ge [sflag:s5], $0x800  }
0x94: {  	[sflag:s5] =	ssyncset.done $0x0;
	s0 =	rddreg [dreg:$0xb]  }
0x95: {  	s9 =	rddreg [dreg:$0xc];
	[sflag:s5] =	ssyncadd.s32 $0xFFFFF800  }
0x96: {  	[spmem:s2] =	stream.indirect.scatter.add.f32 [tilespmem:s9], [sflag:$0x1], $0x10, s0, s7, $0xb8;
	[tilespmem:$0xD200] =	vst v63  }
0x97: {  	_ =	swait.ge [sflag:s5], $0x800  }
0x98: {  	[sflag:s5] =	ssyncset.done $0x0;
	s0 =	rddreg [dreg:$0xd]  }
0x99: {  	s9 =	rddreg [dreg:$0xe];
	[sflag:s5] =	ssyncadd.s32 $0xFFFFF800  }
0x9a: {  	[spmem:s2] =	stream.indirect.scatter.add.f32 [tilespmem:s9], [sflag:$0x1], $0x10, s0, s7, $0xb8;
	[tilespmem:$0xD200] =	vst v63  }
0x9b: {  	_ =	swait.ge [sflag:s5], $0x800  }
0x9c: {  	[sflag:s5] =	ssyncset.done $0x0;
	s0 =	rddreg [dreg:$0xf]  }
0x9d: {  	s9 =	rddreg [dreg:$0x10];
	[sflag:s5] =	ssyncadd.s32 $0xFFFFF800  }
0x9e: {  	[spmem:s2] =	stream.indirect.scatter.add.f32 [tilespmem:s9], [sflag:$0x1], $0x10, s0, s7, $0xb8;
	[tilespmem:$0xD200] =	vst v63  }
0x9f: {  	_ =	swait.ge [sflag:s5], $0x800  }
0xa0: {  	[sflag:s5] =	ssyncset.done $0x0;
	s0 =	rddreg [dreg:$0x11]  }
0xa1: {  	s9 =	rddreg [dreg:$0x12];
	[sflag:s5] =	ssyncadd.s32 $0xFFFFF800  }
0xa2: {  	[spmem:s2] =	stream.indirect.scatter.add.f32 [tilespmem:s9], [sflag:$0x1], $0x10, s0, s7, $0xb8;
	[tilespmem:$0xD200] =	vst v63  }
0xa3: {  	_ =	swait.ge [sflag:s5], $0x800  }
0xa4: {  	[sflag:s5] =	ssyncset.done $0x0;
	s0 =	rddreg [dreg:$0x13]  }
0xa5: {  	s9 =	rddreg [dreg:$0x14];
	[sflag:s5] =	ssyncadd.s32 $0xFFFFF800  }
0xa6: {  	[spmem:s2] =	stream.indirect.scatter.add.f32 [tilespmem:s9], [sflag:$0x1], $0x10, s0, s7, $0xb8;
	[tilespmem:$0xD200] =	vst v63  }
0xa7: {  	_ =	swait.ge [sflag:s5], $0x800  }
0xa8: {  	[sflag:s5] =	ssyncset.done $0x0;
	s0 =	rddreg [dreg:$0x15]  }
0xa9: {  	s9 =	rddreg [dreg:$0x16];
	[sflag:s5] =	ssyncadd.s32 $0xFFFFF800  }
0xaa: {  	[spmem:s2] =	stream.indirect.scatter.add.f32 [tilespmem:s9], [sflag:$0x1], $0x10, s0, s7, $0xb8;
	[tilespmem:$0xD200] =	vst v63  }
0xab: {  	_ =	swait.ge [sflag:s5], $0x800  }
0xac: {  	[sflag:s5] =	ssyncset.done $0x0  }
0xad: {  	s9 =	simm.s32 $0x5200;
	s0 =	rddreg [dreg:$0x17];
	[sflag:s5] =	ssyncadd.s32 $0xFFFFF800  }
0xae: {  	[spmem:s2] =	stream.indirect.scatter.add.f32 [tilespmem:s9], [sflag:$0x1], $0x10, s0, s7, $0xb8;
	[tilespmem:$0xD200] =	vst v63  }
0xaf: {  	_ =	swait.ge [sflag:s5], $0x800  }
0xb0: {  	[sflag:s5] =	ssyncset.done $0x0  }
0xb1: {  	[sflag:s5] =	ssyncadd.s32 $0xFFFFF800  }
0xb2: {  	[spmem:s2] =	stream.indirect.scatter.add.f32 [tilespmem:s11], [sflag:$0x1], $0x10, s10, s7, $0xb8;
	[tilespmem:$0xD200] =	vst v63  }
0xb3: {  	_ =	swait.ge [sflag:s5], $0x800  }
0xb4: {  	[sflag:s5] =	ssyncset.done $0x0  }
0xb5: {  	[sflag:s5] =	ssyncadd.s32 $0xFFFFF800  }
0xb6: {  	[spmem:s2] =	stream.indirect.scatter.add.f32 [tilespmem:s13], [sflag:$0x1], $0x10, s12, s7, $0xb8;
	[tilespmem:$0xD200] =	vst v63  }
0xb7: {  	_ =	swait.ge [sflag:s5], $0x800  }
0xb8: {  	[sflag:s5] =	ssyncset.done $0x0  }
0xb9: {  	[sflag:s5] =	ssyncadd.s32 $0xFFFFF800  }
0xba: {  	[spmem:s2] =	stream.indirect.scatter.add.f32 [tilespmem:s15], [sflag:$0x1], $0x10, s14, s7, $0xb8;
	[tilespmem:$0xD200] =	vst v63  }
0xbb: {  	_ =	swait.ge [sflag:s5], $0x800  }
0xbc: {  	[sflag:s5] =	ssyncset.done $0x0  }
0xbd: {  	[sflag:s5] =	ssyncadd.s32 $0xFFFFF800  }
0xbe: {  	[spmem:s2] =	stream.indirect.scatter.add.f32 [tilespmem:s17], [sflag:$0x1], $0x10, s16, s7, $0xb8;
	[tilespmem:$0xD200] =	vst v63  }
0xbf: {  	_ =	swait.ge [sflag:s5], $0x800  }
0xc0: {  	[sflag:s5] =	ssyncset.done $0x0  }
0xc1: {  	[sflag:s5] =	ssyncadd.s32 $0xFFFFF800  }
0xc2: {  	[spmem:s2] =	stream.indirect.scatter.add.f32 [tilespmem:s19], [sflag:$0x1], $0x10, s18, s7, $0xb8;
	[tilespmem:$0xD200] =	vst v63  }
0xc3: {  	_ =	swait.ge [sflag:s5], $0x800  }
0xc4: {  	[sflag:s5] =	ssyncset.done $0x0  }
0xc5: {  	[sflag:s5] =	ssyncadd.s32 $0xFFFFF800  }
0xc6: {  	[spmem:s2] =	stream.indirect.scatter.add.f32 [tilespmem:s21], [sflag:$0x1], $0x10, s20, s7, $0xb8;
	[tilespmem:$0xD200] =	vst v63  }
0xc7: {  	_ =	swait.ge [sflag:s5], $0x800  }
0xc8: {  	[sflag:s5] =	ssyncset.done $0x0  }
0xc9: {  	[sflag:s5] =	ssyncadd.s32 $0xFFFFF800  }
0xca: {  	[spmem:s2] =	stream.indirect.scatter.add.f32 [tilespmem:s23], [sflag:$0x1], $0x10, s22, s7, $0xb8;
	[tilespmem:$0xD200] =	vst v63  }
0xcb: {  	_ =	swait.ge [sflag:s5], $0x800  }
0xcc: {  	[sflag:s5] =	ssyncset.done $0x0  }
0xcd: {  	[sflag:s5] =	ssyncadd.s32 $0xFFFFF800  }
0xce: {  	[spmem:s2] =	stream.indirect.scatter.add.f32 [tilespmem:s25], [sflag:$0x1], $0x10, s24, s7, $0xb8;
	[tilespmem:$0xD200] =	vst v63  }
0xcf: {  	_ =	swait.ge [sflag:s5], $0x800  }
0xd0: {  	p0 =	sne.s32 s30, $0x1;
	[sflag:s5] =	ssyncset.done $0x0  }
.Ltmp1:
0xd1: {  	[sflag:s5] =	ssyncadd.s32 $0xFFFFF800;
	(pc) =	sbr.rel @p0 .LBB2_1-.Ltmp1, $4  }
0xd2: {  	[spmem:s2] =	stream.indirect.scatter.add.f32 [tilespmem:s29], [sflag:$0x1], $0x10, s28, s7, $0xb8;
	[tilespmem:$0xD200] =	vst v63  }
0xd3: {  	_ =	swait.ge [sflag:s5], $0x800  }
0xd4: {  	[sflag:s5] =	ssyncset.done $0x0  }
0xd5: {  	s30 =	sadd.s32 $0xFFFFFFFF, s30;
	[sflag:s5] =	ssyncadd.s32 $0xFFFFF800  }
.LBB2_2:
0xd6: {  	[spmem:s2] =	stream.indirect.scatter.add.f32 [tilespmem:s1], [sflag:$0x1], $0x10, s31, s7, $0xb8;
	[tilespmem:$0xD200] =	vst v63  }
0xd7: {  	_ =	swait.ge [sflag:s5], $0x800  }
0xd8: {  	[sflag:s5] =	ssyncset.done $0x0  }
0xd9: {  	[sflag:s5] =	ssyncadd.s32 $0xFFFFF800  }
0xda: {  	[bflag:$0x0] =	sbarrier.arrive $0xFFFF  }
0xdb: {  	[hbm:s26], [sflag:s4] =	dma.local [spmem:s6], $0x500  }
0xdc: {  	_ =	swait.ge [sflag:s5], $0x500  }
0xdd: {  	[sflag:s5] =	ssyncset.done $0x0  }
0xde: {  	[sflag:s5] =	ssyncadd.s32 $0xFFFFFB00  }
0xdf: {  	_ =	sfence.sel $0x180000  }
0xe0: {  	[bflag:$0x0] =	sbarrier.arrive $0xFFFF  }
0xe1: {  	_ =	strace $0x90000053  }
0xe2: {  	s0 =	stileid.u32;
	[bflag:$0x2] =	sbarrier.arrive $0xFFFF  }
0xe3: {  	p0 =	sne.s32 s0, $0x0;
	s0 =	rddreg [dreg:$0x3]  }
0xe4: {  	s0 =	sadd.s32 @!p0 $0x100000, s0  }
0xe5: {  	[sflag:s0] =	ssyncadd.tile.s32 @!p0 $0x1;
	_ =	shalt  }
.Lfunc_end2:
_tile_overlayer_lowered:
.L_overlay_start_2:
0xe6: {  	(tag) =	ssettag $0x2  }
0xe7: {  	s0 =	rddreg [dreg:$0x0];
	s2 =	stileid.u32  }
0xe8: {  	s1 =	rddreg [dreg:$0x1];
	p0 =	sne.s32 s2, $0x0  }
0xe9: {  	s3 =	rddreg [dreg:$0x2];
	[bflag:$0x3] =	sbarrier.arrive $0xFFFF;
	s2 =	simm.s32 @!p0 $0x1C01  }
0xea: {  	[timem:s3], [sflag:s2] =	dma.local @!p0 [hbm:s0], s1  }
0xeb: {  	s0 =	simm.s32 @!p0 $0x1  }
0xec: {  	_ =	swait.ge @!p0 [sflag:s0], s1  }
0xed: {  	s1 =	ssub.s32 @!p0 $0x0, s1;
	[sflag:s0] =	ssyncset.done @!p0 $0x0  }
0xee: {  	[sflag:s0] =	ssyncadd.s32 @!p0 s1  }
0xef: {  	[bflag:$0x3] =	sbarrier.arrive $0xFFFF  }
0xf0: {  	_ =	shalt  }

// kernel: kernel.34.cloned.1.call-start
scs
__scs_entry_jumppad:
0x0: {  	(pc) =	sbr.rel $0x88, $3  }
0x1: {  	(tag) =	ssettag $0x0;
	lr =	simm.s32 $0x1  }
0x2: {  	[smem:$0x3F8F] =	sst lr;
	_ =	strace $0xD0000000  }
0x3: {  	_ = 	snop  }
0x4: {  	_ = 	snop  }
0x5: {  	_ = 	snop  }
0x6: {  	_ = 	snop  }
0x7: {  	_ = 	snop  }
__scs_overlays_trampoline_lowered:
0x8: {  	[smem:$0x3F9E] =	sst s0  }
0x9: {  	[smem:$0x3F9F] =	sst s1  }
0xa: {  	[smem:$0x3FA0] =	sst s2  }
0xb: {  	[smem:$0x3FA1] =	sst s3  }
0xc: {  	[smem:$0x3FA2] =	sst s4  }
0xd: {  	[smem:$0x3FA3] =	sst s5  }
0xe: {  	[smem:$0x3FA4] =	sst s6  }
0xf: {  	[smem:$0x3FA5] =	sst s7  }
0x10: {  	[smem:$0x3FA6] =	sst s8  }
0x11: {  	[smem:$0x3FA7] =	sst s9;
	s0 =	simm.s32 @!p0 $0x0  }
0x12: {  	s1 =	sld [smem:$0x3F8D];
	s0 =	simm.s32 @p0 $0x1  }
0x13: {  	[smem:$0x3FA8] =	sst s0;
	s0 =	simm.s32 @!p1 $0x0  }
0x14: {  	s2 =	sld [smem:$0x3F8C];
	s0 =	simm.s32 @p1 $0x1  }
0x15: {  	[smem:$0x3FA9] =	sst s0;
	s0 =	simm.s32 @!p2 $0x0  }
0x16: {  	s3 =	sld [smem:$0x3FDB];
	s0 =	simm.s32 @p2 $0x1  }
0x17: {  	s4 =	simm.s32 $0x1BF5;
	[smem:$0x3FAB] =	sst s0  }
0x18: {  	s0 =	sld [smem:$0x3F8E];
	_ =	swait.ge [sflag:s4], $0x0  }
0x19: {  	s7 =	sld [smem:$0x3F8F]  }
0x1a: {  	s8 =	sadd.s32 $0xFFFFE003, lr  }
0x1b: {  	s9 =	sadd.s32 $0xFFFFFEF7, lr;
	s5 =	simm.s32 $0xFFFFFFFF;
	p2 =	slt.u32 s8, $0xFFFFF086  }
0x1c: {  	p1 =	slt.u32 s9, $0xF7A;
	s5 =	simm.s32 @!p2 $0x0  }
0x1d: {  	s5 =	simm.s32 @p1 $0x1;
	p0 =	seq.s32 s7, s2  }
0x1e: {  	s7 =	smul.u32 @!p0 $0xF7A, s2;
	p2 =	seq.s32 @!p0 s5, $0x0  }
0x1f: {  	s9 =	smul.u32 $0xF7A, s1;
	s8 =	simm.s32 @!p0 $0x1BF5;
	p2 =	por !p2, p0  }
0x20: {  	[sflag:s8] =	ssyncset.s32 @!p0 $0xFFFFF086;
	s6 =	sadd.s32 @!p0 s3, s7;
	s7 =	simm.s32 @!p0 $0x108  }
0x21: {  	s3 =	sadd.s32 s3, s9;
	s6 =	sadd.s32 @!p0 $0x88, s6;
	s7 =	simm.s32 @p2 $0x1082  }
0x22: {  	[simem:s7], [sflag:s8] =	dma.local @!p0 [hbm:s6], $0xF7A  }
0x23: {  	s9 =	sor.u32 $0xD0000000, s2;
	s6 =	simm.s32 $0x108;
	_ =	swait.ge @!p0 [sflag:s8], $0x0  }
0x24: {  	s3 =	sadd.s32 $0x88, s3;
	s6 =	simm.s32 @!p1 $0x1082;
	[sflag:s4] =	ssyncset.s32 $0xFFFFF086  }
0x25: {  	[simem:s6], [sflag:s4] =	dma.local [hbm:s3], $0xF7A  }
0x26: {  	[smem:$0x3F8F] =	sst s1;
	(tag) =	ssettag s2;
	_ =	strace s9  }
0x27: {  	s1 =	sld [smem:$0x3F9F]  }
0x28: {  	s2 =	sld [smem:$0x3FA0]  }
0x29: {  	s4 =	sld [smem:$0x3FA2]  }
0x2a: {  	p0 =	seq.s32 s5, $0x0;
	s5 =	sld [smem:$0x3FA3]  }
0x2b: {  	s6 =	sld [smem:$0x3FA4]  }
0x2c: {  	s7 =	sld [smem:$0x3FA5]  }
0x2d: {  	s3 =	simm.s32 $0x108;
	s8 =	sld [smem:$0x3FA6]  }
0x2e: {  	s3 =	simm.s32 @!p0 $0x1082;
	s9 =	sld [smem:$0x3FA7]  }
0x2f: {  	lr =	sadd.s32 s0, s3;
	s0 =	sld [smem:$0x3F9E]  }
0x30: {  	s3 =	sld [smem:$0x3FA1]  }
0x31: {  	[smem:$0x3FAA] =	sst s10  }
0x32: {  	s10 =	sld [smem:$0x3FA8];
	_ =	sdelay $0x3  }
0x33: {  	p0 =	seq.s32 s10, $0x1;
	s10 =	sld [smem:$0x3FAA];
	_ =	sdelay $0x3  }
0x34: {  	[smem:$0x3FAA] =	sst s10  }
0x35: {  	s10 =	sld [smem:$0x3FA9];
	_ =	sdelay $0x3  }
0x36: {  	p1 =	seq.s32 s10, $0x1;
	s10 =	sld [smem:$0x3FAA];
	_ =	sdelay $0x3  }
0x37: {  	[smem:$0x3FAA] =	sst s10  }
0x38: {  	s10 =	sld [smem:$0x3FAB]  }
0x39: {  	_ = 	snop;
	(pc) =	sbr.ind lr, $3  }
0x3a: {  	_ = 	snop  }
0x3b: {  	_ = 	snop  }
0x3c: {  	p2 =	seq.s32 s10, $0x1;
	s10 =	sld [smem:$0x3FAA]  }
0x3d: {  	_ =	shalt  }
0x3e: {  	_ =	shalt  }
0x3f: {  	_ =	shalt  }
0x40: {  	_ =	shalt  }
0x41: {  	_ =	shalt  }
0x42: {  	_ =	shalt  }
0x43: {  	_ =	shalt  }
0x44: {  	_ =	shalt  }
0x45: {  	_ =	shalt  }
0x46: {  	_ =	shalt  }
0x47: {  	_ =	shalt  }
0x48: {  	_ =	shalt  }
0x49: {  	_ =	shalt  }
0x4a: {  	_ =	shalt  }
0x4b: {  	_ =	shalt  }
0x4c: {  	_ =	shalt  }
0x4d: {  	_ =	shalt  }
0x4e: {  	_ =	shalt  }
0x4f: {  	_ =	shalt  }
0x50: {  	_ =	shalt  }
0x51: {  	_ =	shalt  }
0x52: {  	_ =	shalt  }
0x53: {  	_ =	shalt  }
0x54: {  	_ =	shalt  }
0x55: {  	_ =	shalt  }
0x56: {  	_ =	shalt  }
0x57: {  	_ =	shalt  }
0x58: {  	_ =	shalt  }
0x59: {  	_ =	shalt  }
0x5a: {  	_ =	shalt  }
0x5b: {  	_ =	shalt  }
0x5c: {  	_ =	shalt  }
0x5d: {  	_ =	shalt  }
0x5e: {  	_ =	shalt  }
0x5f: {  	_ =	shalt  }
0x60: {  	_ =	shalt  }
0x61: {  	_ =	shalt  }
0x62: {  	_ =	shalt  }
0x63: {  	_ =	shalt  }
0x64: {  	_ =	shalt  }
0x65: {  	_ =	shalt  }
0x66: {  	_ =	shalt  }
0x67: {  	_ =	shalt  }
0x68: {  	_ =	shalt  }
0x69: {  	_ =	shalt  }
0x6a: {  	_ =	shalt  }
0x6b: {  	_ =	shalt  }
0x6c: {  	_ =	shalt  }
0x6d: {  	_ =	shalt  }
0x6e: {  	_ =	shalt  }
0x6f: {  	_ =	shalt  }
0x70: {  	_ =	shalt  }
0x71: {  	_ =	shalt  }
0x72: {  	_ =	shalt  }
0x73: {  	_ =	shalt  }
0x74: {  	_ =	shalt  }
0x75: {  	_ =	shalt  }
0x76: {  	_ =	shalt  }
0x77: {  	_ =	shalt  }
0x78: {  	_ =	shalt  }
0x79: {  	_ =	shalt  }
0x7a: {  	_ =	shalt  }
0x7b: {  	_ =	shalt  }
0x7c: {  	_ =	shalt  }
0x7d: {  	_ =	shalt  }
0x7e: {  	_ =	shalt  }
0x7f: {  	_ =	shalt  }
0x80: {  	_ =	shalt  }
0x81: {  	_ =	shalt  }
0x82: {  	_ =	shalt  }
0x83: {  	_ =	shalt  }
0x84: {  	_ =	shalt  }
0x85: {  	_ =	shalt  }
0x86: {  	_ =	shalt  }
0x87: {  	_ =	shalt  }
.Lfunc_end0:
.L_simem_size_0:
called_computation.5_lowered:
.L_overlay_start_0:
0x88: {  	s2 =	sld [smem:$0x3FD9]  }
0x89: {  	s3 =	sld [smem:$0x3FFE];
	_ =	sdelay $0x1  }
0x8a: {  	s1 =	srdreg.scid  }
0x8b: {  	s0 =	sand.u32 $0x1, s1  }
0x8c: {  	s16 =	sshll.u32 s0, $0xA;
	s2 =	sadd.s32 s3, s2  }
0x8d: {  	s2 =	sadd.s32 s2, s16  }
0x8e: {  	[smem:$0x3FB6] =	sst s2  }
0x8f: {  	_ = 	snop  }
0x90: {  	(tm) =	ssettm $0x1  }
0x91: {  	s17 =	sld [smem:$0x3FFB];
	_ =	sdelay $0x3  }
0x92: {  	_ =	strace s17  }
0x93: {  	s2 =	sld [smem:$0x3FFC];
	_ =	sdelay $0x3  }
0x94: {  	_ =	strace s2  }
0x95: {  	s2 =	sld [smem:$0x3FFD];
	_ =	sdelay $0x3  }
0x96: {  	_ =	strace s2  }
0x97: {  	_ =	strace $0x8FFFFFFF  }
0x98: {  	s18 =	sld [smem:$0x3FDB];
	_ =	sdelay $0x1  }
0x99: {  	s19 =	simm.s32 $_scs_section_size  }
0x9a: {  	s4 =	simm.s32 $_size__tile_overlayer_lowered;
	s5 =	simm.s32 $_tile_overlayer_lowered  }
0x9b: {  	s22 =	simm.s32 $0x1BFF;
	s21 =	sshll.u32 s5, $0x1;
	s2 =	sadd.s32 s19, s18  }
0x9c: {  	s6 =	simm.s32 $0x0;
	s20 =	sshll.u32 s4, $0x1;
	s4 =	sadd.s32 s21, s2  }
0x9d: {  	[timem:s6], [sflag:s22] =	dma.local [hbm:s4], s20  }
0x9e: {  	_ =	swait.ge [sflag:s22], s20  }
0x9f: {  	s3 =	ssub.s32 $0x0, s20;
	[sflag:s22] =	ssyncset.done $0x0  }
0xa0: {  	[sflag:s22] =	ssyncadd.s32 s3;
	_ =	sdelay $0x1  }
0xa1: {  	s23 =	simm.s32 $0x1B8B  }
0xa2: {  	_ =	swait.ge [sflag:s23], $0x1  }
0xa3: {  	[sflag:s23] =	ssyncset.done $0x0  }
0xa4: {  	s25 =	simm.s32 $0x1B8E;
	s24 =	sld [smem:$0x3FFE];
	[sflag:s23] =	ssyncadd.s32 $0xFFFFFFFF  }
0xa5: {  	s26 =	simm.s32 $execute0_lowered;
	[smem:$0x3FD2] =	sst s25  }
0xa6: {  	s4 =	sshll.u32 s26, $0x1;
	_ =	strace $0x80000055;
	[dreg:$0x1] =	wrdreg $0xFFFFFFFF  }
0xa7: {  	s28 =	simm.s32 $_size_execute0_lowered;
	s2 =	sadd.s32 s2, s4;
	[dreg:$0x0] =	wrdreg $0x0  }
0xa8: {  	s4 =	sshll.u32 s28, $0x1;
	[dreg:$0x2] =	wrdreg s2  }
0xa9: {  	[dreg:$0x3] =	wrdreg s4  }
0xaa: {  	[dreg:$0x4] =	wrdreg $0xC0  }
0xab: {  	_ =	task [dreg:s6], $0x5FFFF  }
0xac: {  	[dreg:$0x1] =	wrdreg $0xFFFFFFFF  }
0xad: {  	[dreg:$0x0] =	wrdreg $0x60  }
0xae: {  	[dreg:$0x2] =	wrdreg s24  }
0xaf: {  	[dreg:$0x3] =	wrdreg $0x9  }
0xb0: {  	_ =	task.clear_ibuf [dreg:s6], $0x4FFFF;
	_ =	strace $0x90000055  }
0xb1: {  	s29 =	simm.s32 $0x9;
	_ =	strace $0x80000057  }
0xb2: {  	_ =	swait.ge [sflag:s29], $0x1  }
0xb3: {  	[sflag:s29] =	ssyncadd.s32 $0xFFFFFFFF  }
0xb4: {  	_ =	strace $0x90000057  }
0xb5: {  	_ =	sfence  }
0xb6: {  	s30 =	sld [smem:$0x0];
	_ =	sdelay $0x2  }
0xb7: {  	s31 =	sshll.u32 s1, $0xD;
	s1 =	sshrl.u32 s1, $0x2  }
0xb8: {  	s3 =	sand.u32 $0x4000, s31;
	s1 =	sadd.s32 s1, s30  }
0xb9: {  	s0 =	sor.u32 s3, s0;
	s1 =	sshll.u32 s1, $0x11  }
0xba: {  	s0 =	sor.u32 s1, s0  }
0xbb: {  	s0 =	sadd.s32 $0x8F2B, s0  }
0xbc: {  	[sflag:s0] =	ssyncadd.remote.s32 $0x1  }
0xbd: {  	_ =	sfence.sel $0xFFFF  }
0xbe: {  	[dreg:$0x0] =	wrdreg $0xFFFFFFFF;
	(pc) =	sbr.abs _section_cstart, $3  }
0xbf: {  	[dreg:$0x1] =	wrdreg $0xFFFFFFFF  }
0xc0: {  	_ =	task.clear_ibuf [dreg:s6], $0x2FFFF;
	_ =	strace $0x9FFFFFFF  }
0xc1: {  	(tm) =	ssettm $0x7FFFFFFF  }
tec
execute0_lowered:
.L_overlay_start_1:
0x0: {  	(tag) =	ssettag $0x1  }
0x1: {  	s1 =	srdreg.scid;
	s0 =	stileid.u32  }
0x2: {  	s1 =	sand.u32 $0x1, s1;
	s2 =	sshll.u32 s0, $0x1  }
0x3: {  	s4 =	rddreg [dreg:$0x0];
	s3 =	sor.u32 s1, s2;
	s2 =	simm.s32 $0x0  }
0x4: {  	s13 =	simm.s32 $0x2200;
	[smem:$0x7FF] =	sst s2  }
0x5: {  	s14 =	simm.s32 $0x100;
	_ =	strace $0x80000056;
	[dreg:$0x4] =	wrdreg s13  }
0x6: {  	s15 =	simm.s32 $0x3A00;
	[dreg:$0x5] =	wrdreg s14  }
0x7: {  	s16 =	simm.s32 $0x180;
	[dreg:$0x6] =	wrdreg s15  }
0x8: {  	s17 =	simm.s32 $0x5200;
	[dreg:$0x7] =	wrdreg s16  }
0x9: {  	s18 =	simm.s32 $0x200;
	[dreg:$0x8] =	wrdreg s17  }
0xa: {  	s19 =	simm.s32 $0x6A00;
	[dreg:$0x9] =	wrdreg s18  }
0xb: {  	s20 =	simm.s32 $0x280;
	[dreg:$0xa] =	wrdreg s19  }
0xc: {  	s21 =	simm.s32 $0x8200;
	[dreg:$0xb] =	wrdreg s20  }
0xd: {  	s22 =	simm.s32 $0x300;
	[dreg:$0xc] =	wrdreg s21  }
0xe: {  	s23 =	simm.s32 $0x9A00;
	[dreg:$0xd] =	wrdreg s22  }
0xf: {  	s24 =	simm.s32 $0x380;
	[dreg:$0xe] =	wrdreg s23  }
0x10: {  	s25 =	simm.s32 $0xB200;
	s5 =	smul.u32 $0x140, s3;
	[dreg:$0xf] =	wrdreg s24  }
0x11: {  	s26 =	simm.s32 $0x400;
	s3 =	smul.u32 $0xA000, s3;
	[dreg:$0x10] =	wrdreg s25  }
0x12: {  	s6 =	simm.s32 $0xCA00;
	[dreg:$0x11] =	wrdreg s26;
	s5 =	sadd.s32 s5, s4  }
0x13: {  	[dreg:$0x12] =	wrdreg s6;
	s3 =	sadd.s32 s3, s4;
	s5 =	sadd.s32 $0x8A00, s5  }
0x14: {  	s3 =	sadd.s32 $0x57EC00, s3;
	[dreg:$0x2] =	wrdreg s5  }
0x15: {  	[dreg:$0x3] =	wrdreg s3  }
0x16: {  	s3 =	simm.s32 $0x2;
	s5 =	rddreg [dreg:$0x2]  }
0x17: {  	[tilespmem:s2], [sflag:$0x2] =	stream.linear.gather [hbm4b:s5+s2], $0xA00, $0x38;
	[tilespmem:$0x1EA00] =	vst v63  }
0x18: {  	_ =	swait.ge [sflag:s3], $0xA00  }
0x19: {  	s7 =	rddreg [dreg:$0x12]  }
0x1a: {  	s8 =	rddreg [dreg:$0x10]  }
0x1b: {  	s9 =	rddreg [dreg:$0xe]  }
0x1c: {  	s10 =	rddreg [dreg:$0xc]  }
0x1d: {  	s6 =	simm.s32 $0xA00;
	s11 =	rddreg [dreg:$0xa]  }
0x1e: {  	s5 =	sadd.s32 $0xB200, s4;
	s12 =	rddreg [dreg:$0x5];
	[sflag:s3] =	ssyncset.done $0x0  }
0x1f: {  	s4 =	simm.s32 $0x80;
	s13 =	rddreg [dreg:$0x4];
	[sflag:s3] =	ssyncadd.s32 $0xFFFFF600  }
0x20: {  	[tilespmem:s6], [sflag:$0x1] =	stream.indirect.gather [hbm4b:s5+s4], $0x30, s2, s4, $0xb8;
	[tilespmem:$0x1EA00] =	vst v63  }
0x21: {  	s14 =	rddreg [dreg:$0x6]  }
0x22: {  	[tilespmem:s13], [sflag:$0x1] =	stream.indirect.gather [hbm4b:s5+s4], $0x30, s4, s4, $0xb8;
	[tilespmem:$0x1EA00] =	vst v63  }
0x23: {  	s15 =	rddreg [dreg:$0x8]  }
0x24: {  	[tilespmem:s14], [sflag:$0x1] =	stream.indirect.gather [hbm4b:s5+s4], $0x30, s12, s4, $0xb8;
	[tilespmem:$0x1EA00] =	vst v63  }
0x25: {  	s0 =	rddreg [dreg:$0x7]  }
0x26: {  	[tilespmem:s15], [sflag:$0x1] =	stream.indirect.gather [hbm4b:s5+s4], $0x30, s0, s4, $0xb8;
	[tilespmem:$0x1EA00] =	vst v63  }
0x27: {  	s14 =	rddreg [dreg:$0x9]  }
0x28: {  	[tilespmem:s11], [sflag:$0x1] =	stream.indirect.gather [hbm4b:s5+s4], $0x30, s14, s4, $0xb8;
	[tilespmem:$0x1EA00] =	vst v63  }
0x29: {  	s15 =	rddreg [dreg:$0xb]  }
0x2a: {  	[tilespmem:s10], [sflag:$0x1] =	stream.indirect.gather [hbm4b:s5+s4], $0x30, s15, s4, $0xb8;
	[tilespmem:$0x1EA00] =	vst v63  }
0x2b: {  	s16 =	rddreg [dreg:$0xd]  }
0x2c: {  	[tilespmem:s9], [sflag:$0x1] =	stream.indirect.gather [hbm4b:s5+s4], $0x30, s16, s4, $0xb8;
	[tilespmem:$0x1EA00] =	vst v63  }
0x2d: {  	s17 =	rddreg [dreg:$0xf]  }
0x2e: {  	[tilespmem:s8], [sflag:$0x1] =	stream.indirect.gather [hbm4b:s5+s4], $0x30, s17, s4, $0xb8;
	[tilespmem:$0x1EA00] =	vst v63  }
0x2f: {  	s18 =	rddreg [dreg:$0x11]  }
0x30: {  	[tilespmem:s7], [sflag:$0x1] =	stream.indirect.gather [hbm4b:s5+s4], $0x30, s18, s4, $0xb8;
	[tilespmem:$0x1EA00] =	vst v63  }
0x31: {  	s19 =	simm.s32 $0x480;
	s20 =	simm.s32 $0xE200  }
0x32: {  	[tilespmem:s20], [sflag:$0x1] =	stream.indirect.gather [hbm4b:s5+s4], $0x30, s19, s4, $0xb8;
	[tilespmem:$0x1EA00] =	vst v63  }
0x33: {  	s21 =	simm.s32 $0x500;
	s22 =	simm.s32 $0xFA00  }
0x34: {  	[tilespmem:s22], [sflag:$0x1] =	stream.indirect.gather [hbm4b:s5+s4], $0x30, s21, s4, $0xb8;
	[tilespmem:$0x1EA00] =	vst v63  }
0x35: {  	s23 =	simm.s32 $0x580;
	s24 =	simm.s32 $0x11200  }
0x36: {  	[tilespmem:s24], [sflag:$0x1] =	stream.indirect.gather [hbm4b:s5+s4], $0x30, s23, s4, $0xb8;
	[tilespmem:$0x1EA00] =	vst v63  }
0x37: {  	s25 =	simm.s32 $0x600;
	s26 =	simm.s32 $0x12A00  }
0x38: {  	[tilespmem:s26], [sflag:$0x1] =	stream.indirect.gather [hbm4b:s5+s4], $0x30, s25, s4, $0xb8;
	[tilespmem:$0x1EA00] =	vst v63  }
0x39: {  	s15 =	simm.s32 $0x680;
	s16 =	simm.s32 $0x14200  }
0x3a: {  	[tilespmem:s16], [sflag:$0x1] =	stream.indirect.gather [hbm4b:s5+s4], $0x30, s15, s4, $0xb8;
	[tilespmem:$0x1EA00] =	vst v63  }
0x3b: {  	s17 =	simm.s32 $0x700;
	s18 =	simm.s32 $0x15A00  }
0x3c: {  	[tilespmem:s18], [sflag:$0x1] =	stream.indirect.gather [hbm4b:s5+s4], $0x30, s17, s4, $0xb8;
	[tilespmem:$0x1EA00] =	vst v63  }
0x3d: {  	s19 =	simm.s32 $0x780;
	s20 =	simm.s32 $0x17200  }
0x3e: {  	[tilespmem:s20], [sflag:$0x1] =	stream.indirect.gather [hbm4b:s5+s4], $0x30, s19, s4, $0xb8;
	[tilespmem:$0x1EA00] =	vst v63  }
0x3f: {  	s21 =	simm.s32 $0x800;
	s22 =	simm.s32 $0x18A00  }
0x40: {  	[tilespmem:s22], [sflag:$0x1] =	stream.indirect.gather [hbm4b:s5+s4], $0x30, s21, s4, $0xb8;
	[tilespmem:$0x1EA00] =	vst v63  }
0x41: {  	s23 =	simm.s32 $0x880;
	s24 =	simm.s32 $0x1A200  }
0x42: {  	[tilespmem:s24], [sflag:$0x1] =	stream.indirect.gather [hbm4b:s5+s4], $0x30, s23, s4, $0xb8;
	[tilespmem:$0x1EA00] =	vst v63  }
0x43: {  	s25 =	simm.s32 $0x900;
	s26 =	simm.s32 $0x1BA00  }
0x44: {  	[tilespmem:s26], [sflag:$0x1] =	stream.indirect.gather [hbm4b:s5+s4], $0x30, s25, s4, $0xb8;
	[tilespmem:$0x1EA00] =	vst v63  }
0x45: {  	s29 =	simm.s32 $0x980;
	s30 =	simm.s32 $0x1D200;
	s28 =	simm.s32 $0x1  }
0x46: {  	[tilespmem:s30], [sflag:$0x1] =	stream.indirect.gather [hbm4b:s5+s4], $0x30, s29, s4, $0xb8;
	[tilespmem:$0x1EA00] =	vst v63  }
0x47: {  	_ =	swait.ge [sflag:s28], $0x1800  }
0x48: {  	[sflag:s28] =	ssyncset.done $0x0  }
0x49: {  	[sflag:s28] =	ssyncadd.s32 $0xFFFFE800  }
0x4a: {  	_ =	swait.ge [sflag:s28], $0x1800  }
0x4b: {  	[sflag:s28] =	ssyncset.done $0x0  }
0x4c: {  	[sflag:s28] =	ssyncadd.s32 $0xFFFFE800  }
0x4d: {  	_ =	swait.ge [sflag:s28], $0x1800  }
0x4e: {  	[sflag:s28] =	ssyncset.done $0x0  }
0x4f: {  	[sflag:s28] =	ssyncadd.s32 $0xFFFFE800  }
0x50: {  	_ =	swait.ge [sflag:s28], $0x1800  }
0x51: {  	[sflag:s28] =	ssyncset.done $0x0  }
0x52: {  	[sflag:s28] =	ssyncadd.s32 $0xFFFFE800  }
0x53: {  	_ =	swait.ge [sflag:s28], $0x1800  }
0x54: {  	[sflag:s28] =	ssyncset.done $0x0  }
0x55: {  	[sflag:s28] =	ssyncadd.s32 $0xFFFFE800  }
0x56: {  	_ =	swait.ge [sflag:s28], $0x1800  }
0x57: {  	[sflag:s28] =	ssyncset.done $0x0  }
0x58: {  	[sflag:s28] =	ssyncadd.s32 $0xFFFFE800  }
0x59: {  	_ =	swait.ge [sflag:s28], $0x1800  }
0x5a: {  	[sflag:s28] =	ssyncset.done $0x0  }
0x5b: {  	[sflag:s28] =	ssyncadd.s32 $0xFFFFE800  }
0x5c: {  	_ =	swait.ge [sflag:s28], $0x1800  }
0x5d: {  	[sflag:s28] =	ssyncset.done $0x0  }
0x5e: {  	[sflag:s28] =	ssyncadd.s32 $0xFFFFE800  }
0x5f: {  	_ =	swait.ge [sflag:s28], $0x1800  }
0x60: {  	[sflag:s28] =	ssyncset.done $0x0  }
0x61: {  	[sflag:s28] =	ssyncadd.s32 $0xFFFFE800  }
0x62: {  	_ =	swait.ge [sflag:s28], $0x1800  }
0x63: {  	[sflag:s28] =	ssyncset.done $0x0  }
0x64: {  	[sflag:s28] =	ssyncadd.s32 $0xFFFFE800  }
0x65: {  	_ =	swait.ge [sflag:s28], $0x1800  }
0x66: {  	[sflag:s28] =	ssyncset.done $0x0  }
0x67: {  	[sflag:s28] =	ssyncadd.s32 $0xFFFFE800  }
0x68: {  	_ =	swait.ge [sflag:s28], $0x1800  }
0x69: {  	[sflag:s28] =	ssyncset.done $0x0  }
0x6a: {  	[sflag:s28] =	ssyncadd.s32 $0xFFFFE800  }
0x6b: {  	_ =	swait.ge [sflag:s28], $0x1800  }
0x6c: {  	[sflag:s28] =	ssyncset.done $0x0  }
0x6d: {  	[sflag:s28] =	ssyncadd.s32 $0xFFFFE800  }
0x6e: {  	_ =	swait.ge [sflag:s28], $0x1800  }
0x6f: {  	[sflag:s28] =	ssyncset.done $0x0  }
0x70: {  	[sflag:s28] =	ssyncadd.s32 $0xFFFFE800  }
0x71: {  	_ =	swait.ge [sflag:s28], $0x1800  }
0x72: {  	[sflag:s28] =	ssyncset.done $0x0  }
0x73: {  	[sflag:s28] =	ssyncadd.s32 $0xFFFFE800  }
0x74: {  	_ =	swait.ge [sflag:s28], $0x1800  }
0x75: {  	[sflag:s28] =	ssyncset.done $0x0  }
0x76: {  	[sflag:s28] =	ssyncadd.s32 $0xFFFFE800  }
0x77: {  	s1 =	ssub.s32 $0x2, s1;
	_ =	swait.ge [sflag:s28], $0x1800  }
0x78: {  	s31 =	sshrl.u32 s1, $0x1;
	[sflag:s28] =	ssyncset.done $0x0  }
0x79: {  	s1 =	ssub.s32 s1, s31;
	[sflag:s28] =	ssyncadd.s32 $0xFFFFE800  }
0x7a: {  	s1 =	smax.u32 s1, $0x1;
	_ =	swait.ge [sflag:s28], $0x1800  }
0x7b: {  	p0 =	sne.s32 s1, $0x1;
	[sflag:s28] =	ssyncset.done $0x0  }
.Ltmp0:
0x7c: {  	[sflag:s28] =	ssyncadd.s32 $0xFFFFE800;
	(pc) =	sbr.rel @!p0 .LBB2_2-.Ltmp0, $4  }
0x7d: {  	_ =	swait.ge [sflag:s28], $0x1800  }
0x7e: {  	[sflag:s28] =	ssyncset.done $0x0  }
0x7f: {  	[sflag:s28] =	ssyncadd.s32 $0xFFFFE800  }
0x80: {  	s31 =	simm.s32 $0x30;
	s1 =	sadd.s32 $0xFFFFFFFF, s1;
	_ =	swait.ge [sflag:s28], $0x1800  }
.LBB2_1:
0x81: {  	[sflag:s28] =	ssyncset.done $0x0  }
0x82: {  	s0 =	rddreg [dreg:$0x3];
	[sflag:s28] =	ssyncadd.s32 $0xFFFFE800  }
0x83: {  	[hbm4b:s0+s31] =	stream.strided.scatter [tilespmem:s6], [sflag:$0x2], $0x1E000, s4, s31, $0x38;
	[tilespmem:$0x1EA00] =	vst v63  }
0x84: {  	_ =	swait.ge [sflag:s3], $0x1E000  }
0x85: {  	[sflag:s3] =	ssyncset.done $0x0  }
0x86: {  	s12 =	rddreg [dreg:$0x2];
	[sflag:s3] =	ssyncadd.s32 $0xFFFE2000  }
0x87: {  	[tilespmem:s2], [sflag:$0x2] =	stream.linear.gather [hbm4b:s12+s2], $0xA00, $0x38;
	[tilespmem:$0x1EA00] =	vst v63  }
0x88: {  	_ =	swait.ge [sflag:s3], $0xA00  }
0x89: {  	s0 =	rddreg [dreg:$0x12]  }
0x8a: {  	s7 =	rddreg [dreg:$0x10]  }
0x8b: {  	s8 =	rddreg [dreg:$0xe]  }
0x8c: {  	s9 =	rddreg [dreg:$0xc]  }
0x8d: {  	s10 =	rddreg [dreg:$0xa]  }
0x8e: {  	[sflag:s3] =	ssyncset.done $0x0;
	s11 =	rddreg [dreg:$0x5]  }
0x8f: {  	s12 =	rddreg [dreg:$0x4];
	[sflag:s3] =	ssyncadd.s32 $0xFFFFF600  }
0x90: {  	[tilespmem:s6], [sflag:$0x1] =	stream.indirect.gather [hbm4b:s5+s4], $0x30, s2, s4, $0xb8;
	[tilespmem:$0x1EA00] =	vst v63  }
0x91: {  	s13 =	rddreg [dreg:$0x6]  }
0x92: {  	[tilespmem:s12], [sflag:$0x1] =	stream.indirect.gather [hbm4b:s5+s4], $0x30, s4, s4, $0xb8;
	[tilespmem:$0x1EA00] =	vst v63  }
0x93: {  	s14 =	rddreg [dreg:$0x8]  }
0x94: {  	[tilespmem:s13], [sflag:$0x1] =	stream.indirect.gather [hbm4b:s5+s4], $0x30, s11, s4, $0xb8;
	[tilespmem:$0x1EA00] =	vst v63  }
0x95: {  	s12 =	rddreg [dreg:$0x7]  }
0x96: {  	[tilespmem:s14], [sflag:$0x1] =	stream.indirect.gather [hbm4b:s5+s4], $0x30, s12, s4, $0xb8;
	[tilespmem:$0x1EA00] =	vst v63  }
0x97: {  	s13 =	rddreg [dreg:$0x9]  }
0x98: {  	[tilespmem:s10], [sflag:$0x1] =	stream.indirect.gather [hbm4b:s5+s4], $0x30, s13, s4, $0xb8;
	[tilespmem:$0x1EA00] =	vst v63  }
0x99: {  	s14 =	rddreg [dreg:$0xb]  }
0x9a: {  	[tilespmem:s9], [sflag:$0x1] =	stream.indirect.gather [hbm4b:s5+s4], $0x30, s14, s4, $0xb8;
	[tilespmem:$0x1EA00] =	vst v63  }
0x9b: {  	s11 =	rddreg [dreg:$0xd]  }
0x9c: {  	[tilespmem:s8], [sflag:$0x1] =	stream.indirect.gather [hbm4b:s5+s4], $0x30, s11, s4, $0xb8;
	[tilespmem:$0x1EA00] =	vst v63  }
0x9d: {  	s13 =	rddreg [dreg:$0xf]  }
0x9e: {  	[tilespmem:s7], [sflag:$0x1] =	stream.indirect.gather [hbm4b:s5+s4], $0x30, s13, s4, $0xb8;
	[tilespmem:$0x1EA00] =	vst v63  }
0x9f: {  	s14 =	rddreg [dreg:$0x11]  }
0xa0: {  	[tilespmem:s0], [sflag:$0x1] =	stream.indirect.gather [hbm4b:s5+s4], $0x30, s14, s4, $0xb8;
	[tilespmem:$0x1EA00] =	vst v63  }
0xa1: {  	s8 =	simm.s32 $0xE200;
	s7 =	simm.s32 $0x480  }
0xa2: {  	[tilespmem:s8], [sflag:$0x1] =	stream.indirect.gather [hbm4b:s5+s4], $0x30, s7, s4, $0xb8;
	[tilespmem:$0x1EA00] =	vst v63  }
0xa3: {  	s10 =	simm.s32 $0xFA00;
	s9 =	simm.s32 $0x500  }
0xa4: {  	[tilespmem:s10], [sflag:$0x1] =	stream.indirect.gather [hbm4b:s5+s4], $0x30, s9, s4, $0xb8;
	[tilespmem:$0x1EA00] =	vst v63  }
0xa5: {  	s12 =	simm.s32 $0x11200;
	s11 =	simm.s32 $0x580  }
0xa6: {  	[tilespmem:s12], [sflag:$0x1] =	stream.indirect.gather [hbm4b:s5+s4], $0x30, s11, s4, $0xb8;
	[tilespmem:$0x1EA00] =	vst v63  }
0xa7: {  	s13 =	simm.s32 $0x600;
	s14 =	simm.s32 $0x12A00  }
0xa8: {  	[tilespmem:s14], [sflag:$0x1] =	stream.indirect.gather [hbm4b:s5+s4], $0x30, s13, s4, $0xb8;
	[tilespmem:$0x1EA00] =	vst v63  }
0xa9: {  	_ = 	snop  }
0xaa: {  	[tilespmem:s16], [sflag:$0x1] =	stream.indirect.gather [hbm4b:s5+s4], $0x30, s15, s4, $0xb8;
	[tilespmem:$0x1EA00] =	vst v63  }
0xab: {  	_ = 	snop  }
0xac: {  	[tilespmem:s18], [sflag:$0x1] =	stream.indirect.gather [hbm4b:s5+s4], $0x30, s17, s4, $0xb8;
	[tilespmem:$0x1EA00] =	vst v63  }
0xad: {  	_ = 	snop  }
0xae: {  	[tilespmem:s20], [sflag:$0x1] =	stream.indirect.gather [hbm4b:s5+s4], $0x30, s19, s4, $0xb8;
	[tilespmem:$0x1EA00] =	vst v63  }
0xaf: {  	_ = 	snop  }
0xb0: {  	[tilespmem:s22], [sflag:$0x1] =	stream.indirect.gather [hbm4b:s5+s4], $0x30, s21, s4, $0xb8;
	[tilespmem:$0x1EA00] =	vst v63  }
0xb1: {  	_ = 	snop  }
0xb2: {  	[tilespmem:s24], [sflag:$0x1] =	stream.indirect.gather [hbm4b:s5+s4], $0x30, s23, s4, $0xb8;
	[tilespmem:$0x1EA00] =	vst v63  }
0xb3: {  	_ = 	snop  }
0xb4: {  	[tilespmem:s26], [sflag:$0x1] =	stream.indirect.gather [hbm4b:s5+s4], $0x30, s25, s4, $0xb8;
	[tilespmem:$0x1EA00] =	vst v63  }
0xb5: {  	_ = 	snop  }
0xb6: {  	[tilespmem:s30], [sflag:$0x1] =	stream.indirect.gather [hbm4b:s5+s4], $0x30, s29, s4, $0xb8;
	[tilespmem:$0x1EA00] =	vst v63  }
0xb7: {  	_ =	swait.ge [sflag:s28], $0x1800  }
0xb8: {  	[sflag:s28] =	ssyncset.done $0x0  }
0xb9: {  	[sflag:s28] =	ssyncadd.s32 $0xFFFFE800  }
0xba: {  	_ =	swait.ge [sflag:s28], $0x1800  }
0xbb: {  	[sflag:s28] =	ssyncset.done $0x0  }
0xbc: {  	[sflag:s28] =	ssyncadd.s32 $0xFFFFE800  }
0xbd: {  	_ =	swait.ge [sflag:s28], $0x1800  }
0xbe: {  	[sflag:s28] =	ssyncset.done $0x0  }
0xbf: {  	[sflag:s28] =	ssyncadd.s32 $0xFFFFE800  }
0xc0: {  	_ =	swait.ge [sflag:s28], $0x1800  }
0xc1: {  	[sflag:s28] =	ssyncset.done $0x0  }
0xc2: {  	[sflag:s28] =	ssyncadd.s32 $0xFFFFE800  }
0xc3: {  	_ =	swait.ge [sflag:s28], $0x1800  }
0xc4: {  	[sflag:s28] =	ssyncset.done $0x0  }
0xc5: {  	[sflag:s28] =	ssyncadd.s32 $0xFFFFE800  }
0xc6: {  	_ =	swait.ge [sflag:s28], $0x1800  }
0xc7: {  	[sflag:s28] =	ssyncset.done $0x0  }
0xc8: {  	[sflag:s28] =	ssyncadd.s32 $0xFFFFE800  }
0xc9: {  	_ =	swait.ge [sflag:s28], $0x1800  }
0xca: {  	[sflag:s28] =	ssyncset.done $0x0  }
0xcb: {  	[sflag:s28] =	ssyncadd.s32 $0xFFFFE800  }
0xcc: {  	_ =	swait.ge [sflag:s28], $0x1800  }
0xcd: {  	[sflag:s28] =	ssyncset.done $0x0  }
0xce: {  	[sflag:s28] =	ssyncadd.s32 $0xFFFFE800  }
0xcf: {  	_ =	swait.ge [sflag:s28], $0x1800  }
0xd0: {  	[sflag:s28] =	ssyncset.done $0x0  }
0xd1: {  	[sflag:s28] =	ssyncadd.s32 $0xFFFFE800  }
0xd2: {  	_ =	swait.ge [sflag:s28], $0x1800  }
0xd3: {  	[sflag:s28] =	ssyncset.done $0x0  }
0xd4: {  	[sflag:s28] =	ssyncadd.s32 $0xFFFFE800  }
0xd5: {  	_ =	swait.ge [sflag:s28], $0x1800  }
0xd6: {  	[sflag:s28] =	ssyncset.done $0x0  }
0xd7: {  	[sflag:s28] =	ssyncadd.s32 $0xFFFFE800  }
0xd8: {  	_ =	swait.ge [sflag:s28], $0x1800  }
0xd9: {  	[sflag:s28] =	ssyncset.done $0x0  }
0xda: {  	[sflag:s28] =	ssyncadd.s32 $0xFFFFE800  }
0xdb: {  	_ =	swait.ge [sflag:s28], $0x1800  }
0xdc: {  	[sflag:s28] =	ssyncset.done $0x0  }
0xdd: {  	[sflag:s28] =	ssyncadd.s32 $0xFFFFE800  }
0xde: {  	_ =	swait.ge [sflag:s28], $0x1800  }
0xdf: {  	[sflag:s28] =	ssyncset.done $0x0  }
0xe0: {  	[sflag:s28] =	ssyncadd.s32 $0xFFFFE800  }
0xe1: {  	_ =	swait.ge [sflag:s28], $0x1800  }
0xe2: {  	[sflag:s28] =	ssyncset.done $0x0  }
0xe3: {  	[sflag:s28] =	ssyncadd.s32 $0xFFFFE800  }
0xe4: {  	_ =	swait.ge [sflag:s28], $0x1800  }
0xe5: {  	[sflag:s28] =	ssyncset.done $0x0  }
0xe6: {  	[sflag:s28] =	ssyncadd.s32 $0xFFFFE800  }
0xe7: {  	_ =	swait.ge [sflag:s28], $0x1800  }
0xe8: {  	[sflag:s28] =	ssyncset.done $0x0  }
0xe9: {  	[sflag:s28] =	ssyncadd.s32 $0xFFFFE800  }
0xea: {  	_ =	swait.ge [sflag:s28], $0x1800  }
0xeb: {  	p0 =	sne.s32 s1, $0x1;
	[sflag:s28] =	ssyncset.done $0x0  }
.Ltmp1:
0xec: {  	[sflag:s28] =	ssyncadd.s32 $0xFFFFE800;
	(pc) =	sbr.rel @p0 .LBB2_1-.Ltmp1, $4  }
0xed: {  	_ =	swait.ge [sflag:s28], $0x1800  }
0xee: {  	[sflag:s28] =	ssyncset.done $0x0  }
0xef: {  	[sflag:s28] =	ssyncadd.s32 $0xFFFFE800  }
0xf0: {  	s1 =	sadd.s32 $0xFFFFFFFF, s1;
	_ =	swait.ge [sflag:s28], $0x1800  }
.LBB2_2:
0xf1: {  	[sflag:s28] =	ssyncset.done $0x0  }
0xf2: {  	s0 =	rddreg [dreg:$0x3];
	[sflag:s28] =	ssyncadd.s32 $0xFFFFE800  }
0xf3: {  	[hbm4b:s0+s31] =	stream.strided.scatter [tilespmem:s6], [sflag:$0x2], $0x1E000, s4, s31, $0x38;
	[tilespmem:$0x1EA00] =	vst v63  }
0xf4: {  	_ =	swait.ge [sflag:s3], $0x1E000  }
0xf5: {  	[sflag:s3] =	ssyncset.done $0x0  }
0xf6: {  	[sflag:s3] =	ssyncadd.s32 $0xFFFE2000  }
0xf7: {  	_ =	sfence.sel $0x180000  }
0xf8: {  	[bflag:$0x0] =	sbarrier.arrive $0xFFFF  }
0xf9: {  	_ =	strace $0x90000056  }
0xfa: {  	s31 =	stileid.u32;
	[bflag:$0x2] =	sbarrier.arrive $0xFFFF  }
0xfb: {  	p0 =	sne.s32 s31, $0x0;
	s0 =	rddreg [dreg:$0x1]  }
0xfc: {  	s0 =	sadd.s32 @!p0 $0x100000, s0  }
0xfd: {  	[sflag:s0] =	ssyncadd.tile.s32 @!p0 $0x1;
	_ =	shalt  }
.Lfunc_end2:
_tile_overlayer_lowered:
.L_overlay_start_2:
0xfe: {  	(tag) =	ssettag $0x2  }
0xff: {  	s0 =	rddreg [dreg:$0x0];
	s2 =	stileid.u32  }
0x100: {  	s1 =	rddreg [dreg:$0x1];
	p0 =	sne.s32 s2, $0x0  }
0x101: {  	s3 =	rddreg [dreg:$0x2];
	[bflag:$0x3] =	sbarrier.arrive $0xFFFF;
	s2 =	simm.s32 @!p0 $0x1C02  }
0x102: {  	[timem:s3], [sflag:s2] =	dma.local @!p0 [hbm:s0], s1  }
0x103: {  	s0 =	simm.s32 @!p0 $0x2  }
0x104: {  	_ =	swait.ge @!p0 [sflag:s0], s1  }
0x105: {  	s1 =	ssub.s32 @!p0 $0x0, s1;
	[sflag:s0] =	ssyncset.done @!p0 $0x0  }
0x106: {  	[sflag:s0] =	ssyncadd.s32 @!p0 s1  }
0x107: {  	[bflag:$0x3] =	sbarrier.arrive $0xFFFF  }
0x108: {  	_ =	shalt  }

// kernel: kernel.37.cloned.1.call-start
scs
__scs_entry_jumppad:
0x0: {  	(pc) =	sbr.rel $0x88, $3  }
0x1: {  	(tag) =	ssettag $0x0;
	lr =	simm.s32 $0x1  }
0x2: {  	[smem:$0x3F8F] =	sst lr;
	_ =	strace $0xD0000000  }
0x3: {  	_ = 	snop  }
0x4: {  	_ = 	snop  }
0x5: {  	_ = 	snop  }
0x6: {  	_ = 	snop  }
0x7: {  	_ = 	snop  }
__scs_overlays_trampoline_lowered:
0x8: {  	[smem:$0x3F9E] =	sst s0  }
0x9: {  	[smem:$0x3F9F] =	sst s1  }
0xa: {  	[smem:$0x3FA0] =	sst s2  }
0xb: {  	[smem:$0x3FA1] =	sst s3  }
0xc: {  	[smem:$0x3FA2] =	sst s4  }
0xd: {  	[smem:$0x3FA3] =	sst s5  }
0xe: {  	[smem:$0x3FA4] =	sst s6  }
0xf: {  	[smem:$0x3FA5] =	sst s7  }
0x10: {  	[smem:$0x3FA6] =	sst s8  }
0x11: {  	[smem:$0x3FA7] =	sst s9;
	s0 =	simm.s32 @!p0 $0x0  }
0x12: {  	s1 =	sld [smem:$0x3F8D];
	s0 =	simm.s32 @p0 $0x1  }
0x13: {  	[smem:$0x3FA8] =	sst s0;
	s0 =	simm.s32 @!p1 $0x0  }
0x14: {  	s2 =	sld [smem:$0x3F8C];
	s0 =	simm.s32 @p1 $0x1  }
0x15: {  	[smem:$0x3FA9] =	sst s0;
	s0 =	simm.s32 @!p2 $0x0  }
0x16: {  	s3 =	sld [smem:$0x3FDB];
	s0 =	simm.s32 @p2 $0x1  }
0x17: {  	s4 =	simm.s32 $0x1BF5;
	[smem:$0x3FAB] =	sst s0  }
0x18: {  	s0 =	sld [smem:$0x3F8E];
	_ =	swait.ge [sflag:s4], $0x0  }
0x19: {  	s7 =	sld [smem:$0x3F8F]  }
0x1a: {  	s8 =	sadd.s32 $0xFFFFE003, lr  }
0x1b: {  	s9 =	sadd.s32 $0xFFFFFEF7, lr;
	s5 =	simm.s32 $0xFFFFFFFF;
	p2 =	slt.u32 s8, $0xFFFFF086  }
0x1c: {  	p1 =	slt.u32 s9, $0xF7A;
	s5 =	simm.s32 @!p2 $0x0  }
0x1d: {  	s5 =	simm.s32 @p1 $0x1;
	p0 =	seq.s32 s7, s2  }
0x1e: {  	s7 =	smul.u32 @!p0 $0xF7A, s2;
	p2 =	seq.s32 @!p0 s5, $0x0  }
0x1f: {  	s9 =	smul.u32 $0xF7A, s1;
	s8 =	simm.s32 @!p0 $0x1BF5;
	p2 =	por !p2, p0  }
0x20: {  	[sflag:s8] =	ssyncset.s32 @!p0 $0xFFFFF086;
	s6 =	sadd.s32 @!p0 s3, s7;
	s7 =	simm.s32 @!p0 $0x108  }
0x21: {  	s3 =	sadd.s32 s3, s9;
	s6 =	sadd.s32 @!p0 $0x88, s6;
	s7 =	simm.s32 @p2 $0x1082  }
0x22: {  	[simem:s7], [sflag:s8] =	dma.local @!p0 [hbm:s6], $0xF7A  }
0x23: {  	s9 =	sor.u32 $0xD0000000, s2;
	s6 =	simm.s32 $0x108;
	_ =	swait.ge @!p0 [sflag:s8], $0x0  }
0x24: {  	s3 =	sadd.s32 $0x88, s3;
	s6 =	simm.s32 @!p1 $0x1082;
	[sflag:s4] =	ssyncset.s32 $0xFFFFF086  }
0x25: {  	[simem:s6], [sflag:s4] =	dma.local [hbm:s3], $0xF7A  }
0x26: {  	[smem:$0x3F8F] =	sst s1;
	(tag) =	ssettag s2;
	_ =	strace s9  }
0x27: {  	s1 =	sld [smem:$0x3F9F]  }
0x28: {  	s2 =	sld [smem:$0x3FA0]  }
0x29: {  	s4 =	sld [smem:$0x3FA2]  }
0x2a: {  	p0 =	seq.s32 s5, $0x0;
	s5 =	sld [smem:$0x3FA3]  }
0x2b: {  	s6 =	sld [smem:$0x3FA4]  }
0x2c: {  	s7 =	sld [smem:$0x3FA5]  }
0x2d: {  	s3 =	simm.s32 $0x108;
	s8 =	sld [smem:$0x3FA6]  }
0x2e: {  	s3 =	simm.s32 @!p0 $0x1082;
	s9 =	sld [smem:$0x3FA7]  }
0x2f: {  	lr =	sadd.s32 s0, s3;
	s0 =	sld [smem:$0x3F9E]  }
0x30: {  	s3 =	sld [smem:$0x3FA1]  }
0x31: {  	[smem:$0x3FAA] =	sst s10  }
0x32: {  	s10 =	sld [smem:$0x3FA8];
	_ =	sdelay $0x3  }
0x33: {  	p0 =	seq.s32 s10, $0x1;
	s10 =	sld [smem:$0x3FAA];
	_ =	sdelay $0x3  }
0x34: {  	[smem:$0x3FAA] =	sst s10  }
0x35: {  	s10 =	sld [smem:$0x3FA9];
	_ =	sdelay $0x3  }
0x36: {  	p1 =	seq.s32 s10, $0x1;
	s10 =	sld [smem:$0x3FAA];
	_ =	sdelay $0x3  }
0x37: {  	[smem:$0x3FAA] =	sst s10  }
0x38: {  	s10 =	sld [smem:$0x3FAB]  }
0x39: {  	_ = 	snop;
	(pc) =	sbr.ind lr, $3  }
0x3a: {  	_ = 	snop  }
0x3b: {  	_ = 	snop  }
0x3c: {  	p2 =	seq.s32 s10, $0x1;
	s10 =	sld [smem:$0x3FAA]  }
0x3d: {  	_ =	shalt  }
0x3e: {  	_ =	shalt  }
0x3f: {  	_ =	shalt  }
0x40: {  	_ =	shalt  }
0x41: {  	_ =	shalt  }
0x42: {  	_ =	shalt  }
0x43: {  	_ =	shalt  }
0x44: {  	_ =	shalt  }
0x45: {  	_ =	shalt  }
0x46: {  	_ =	shalt  }
0x47: {  	_ =	shalt  }
0x48: {  	_ =	shalt  }
0x49: {  	_ =	shalt  }
0x4a: {  	_ =	shalt  }
0x4b: {  	_ =	shalt  }
0x4c: {  	_ =	shalt  }
0x4d: {  	_ =	shalt  }
0x4e: {  	_ =	shalt  }
0x4f: {  	_ =	shalt  }
0x50: {  	_ =	shalt  }
0x51: {  	_ =	shalt  }
0x52: {  	_ =	shalt  }
0x53: {  	_ =	shalt  }
0x54: {  	_ =	shalt  }
0x55: {  	_ =	shalt  }
0x56: {  	_ =	shalt  }
0x57: {  	_ =	shalt  }
0x58: {  	_ =	shalt  }
0x59: {  	_ =	shalt  }
0x5a: {  	_ =	shalt  }
0x5b: {  	_ =	shalt  }
0x5c: {  	_ =	shalt  }
0x5d: {  	_ =	shalt  }
0x5e: {  	_ =	shalt  }
0x5f: {  	_ =	shalt  }
0x60: {  	_ =	shalt  }
0x61: {  	_ =	shalt  }
0x62: {  	_ =	shalt  }
0x63: {  	_ =	shalt  }
0x64: {  	_ =	shalt  }
0x65: {  	_ =	shalt  }
0x66: {  	_ =	shalt  }
0x67: {  	_ =	shalt  }
0x68: {  	_ =	shalt  }
0x69: {  	_ =	shalt  }
0x6a: {  	_ =	shalt  }
0x6b: {  	_ =	shalt  }
0x6c: {  	_ =	shalt  }
0x6d: {  	_ =	shalt  }
0x6e: {  	_ =	shalt  }
0x6f: {  	_ =	shalt  }
0x70: {  	_ =	shalt  }
0x71: {  	_ =	shalt  }
0x72: {  	_ =	shalt  }
0x73: {  	_ =	shalt  }
0x74: {  	_ =	shalt  }
0x75: {  	_ =	shalt  }
0x76: {  	_ =	shalt  }
0x77: {  	_ =	shalt  }
0x78: {  	_ =	shalt  }
0x79: {  	_ =	shalt  }
0x7a: {  	_ =	shalt  }
0x7b: {  	_ =	shalt  }
0x7c: {  	_ =	shalt  }
0x7d: {  	_ =	shalt  }
0x7e: {  	_ =	shalt  }
0x7f: {  	_ =	shalt  }
0x80: {  	_ =	shalt  }
0x81: {  	_ =	shalt  }
0x82: {  	_ =	shalt  }
0x83: {  	_ =	shalt  }
0x84: {  	_ =	shalt  }
0x85: {  	_ =	shalt  }
0x86: {  	_ =	shalt  }
0x87: {  	_ =	shalt  }
.Lfunc_end0:
.L_simem_size_0:
called_computation.6_lowered:
.L_overlay_start_0:
0x88: {  	s2 =	sld [smem:$0x3FD9]  }
0x89: {  	s3 =	sld [smem:$0x3FFE];
	_ =	sdelay $0x1  }
0x8a: {  	s1 =	srdreg.scid  }
0x8b: {  	s0 =	sand.u32 $0x1, s1  }
0x8c: {  	s16 =	sshll.u32 s0, $0xA;
	s2 =	sadd.s32 s3, s2  }
0x8d: {  	s2 =	sadd.s32 s2, s16  }
0x8e: {  	[smem:$0x3FB6] =	sst s2  }
0x8f: {  	_ = 	snop  }
0x90: {  	(tm) =	ssettm $0x1  }
0x91: {  	s17 =	sld [smem:$0x3FFB];
	_ =	sdelay $0x3  }
0x92: {  	_ =	strace s17  }
0x93: {  	s2 =	sld [smem:$0x3FFC];
	_ =	sdelay $0x3  }
0x94: {  	_ =	strace s2  }
0x95: {  	s2 =	sld [smem:$0x3FFD];
	_ =	sdelay $0x3  }
0x96: {  	_ =	strace s2  }
0x97: {  	_ =	strace $0x8FFFFFFF  }
0x98: {  	s18 =	sld [smem:$0x3FDB];
	_ =	sdelay $0x1  }
0x99: {  	s19 =	simm.s32 $_scs_section_size  }
0x9a: {  	s4 =	simm.s32 $_size__tile_overlayer_lowered;
	s5 =	simm.s32 $_tile_overlayer_lowered  }
0x9b: {  	s22 =	simm.s32 $0x1BFF;
	s21 =	sshll.u32 s5, $0x1;
	s2 =	sadd.s32 s19, s18  }
0x9c: {  	s6 =	simm.s32 $0x0;
	s20 =	sshll.u32 s4, $0x1;
	s4 =	sadd.s32 s21, s2  }
0x9d: {  	[timem:s6], [sflag:s22] =	dma.local [hbm:s4], s20  }
0x9e: {  	_ =	swait.ge [sflag:s22], s20  }
0x9f: {  	s3 =	ssub.s32 $0x0, s20;
	[sflag:s22] =	ssyncset.done $0x0  }
0xa0: {  	[sflag:s22] =	ssyncadd.s32 s3;
	_ =	sdelay $0x1  }
0xa1: {  	s23 =	simm.s32 $0x1B8B  }
0xa2: {  	_ =	swait.ge [sflag:s23], $0x1  }
0xa3: {  	[sflag:s23] =	ssyncset.done $0x0  }
0xa4: {  	s25 =	simm.s32 $0x1B8E;
	s24 =	sld [smem:$0x3FFE];
	[sflag:s23] =	ssyncadd.s32 $0xFFFFFFFF  }
0xa5: {  	s26 =	simm.s32 $execute0_lowered;
	[smem:$0x3FD2] =	sst s25  }
0xa6: {  	s4 =	sshll.u32 s26, $0x1;
	_ =	strace $0x80000058;
	[dreg:$0x1] =	wrdreg $0xFFFFFFFF  }
0xa7: {  	s28 =	simm.s32 $_size_execute0_lowered;
	s2 =	sadd.s32 s2, s4;
	[dreg:$0x0] =	wrdreg $0x0  }
0xa8: {  	s4 =	sshll.u32 s28, $0x1;
	[dreg:$0x2] =	wrdreg s2  }
0xa9: {  	[dreg:$0x3] =	wrdreg s4  }
0xaa: {  	[dreg:$0x4] =	wrdreg $0xC0  }
0xab: {  	_ =	task [dreg:s6], $0x5FFFF  }
0xac: {  	[dreg:$0x1] =	wrdreg $0xFFFFFFFF  }
0xad: {  	[dreg:$0x0] =	wrdreg $0x60  }
0xae: {  	[dreg:$0x2] =	wrdreg s24  }
0xaf: {  	[dreg:$0x3] =	wrdreg $0x14A000  }
0xb0: {  	[dreg:$0x4] =	wrdreg $0x9  }
0xb1: {  	_ =	task.clear_ibuf [dreg:s6], $0x5FFFF;
	_ =	strace $0x90000058  }
0xb2: {  	s29 =	simm.s32 $0x9;
	_ =	strace $0x8000005A  }
0xb3: {  	_ =	swait.ge [sflag:s29], $0x1  }
0xb4: {  	[sflag:s29] =	ssyncadd.s32 $0xFFFFFFFF  }
0xb5: {  	_ =	strace $0x9000005A  }
0xb6: {  	_ =	sfence  }
0xb7: {  	s30 =	sld [smem:$0x0];
	_ =	sdelay $0x2  }
0xb8: {  	s31 =	sshll.u32 s1, $0xD;
	s1 =	sshrl.u32 s1, $0x2  }
0xb9: {  	s3 =	sand.u32 $0x4000, s31;
	s1 =	sadd.s32 s1, s30  }
0xba: {  	s0 =	sor.u32 s3, s0;
	s1 =	sshll.u32 s1, $0x11  }
0xbb: {  	s0 =	sor.u32 s1, s0  }
0xbc: {  	s0 =	sadd.s32 $0x8F2B, s0  }
0xbd: {  	[sflag:s0] =	ssyncadd.remote.s32 $0x1  }
0xbe: {  	_ =	sfence.sel $0xFFFF  }
0xbf: {  	[dreg:$0x0] =	wrdreg $0xFFFFFFFF;
	(pc) =	sbr.abs _section_cstart, $3  }
0xc0: {  	[dreg:$0x1] =	wrdreg $0xFFFFFFFF  }
0xc1: {  	_ =	task.clear_ibuf [dreg:s6], $0x2FFFF;
	_ =	strace $0x9FFFFFFF  }
0xc2: {  	(tm) =	ssettm $0x7FFFFFFF  }
0xc3: {  	_ =	shalt  }
tec
execute0_lowered:
.L_overlay_start_1:
0x0: {  	(tag) =	ssettag $0x1  }
0x1: {  	s1 =	rddreg [dreg:$0x0];
	s3 =	srdreg.scid  }
0x2: {  	s2 =	rddreg [dreg:$0x1];
	s24 =	sand.u32 $0x1, s3;
	s3 =	simm.s32 $0x0  }
0x3: {  	s23 =	simm.s32 $0x20;
	[smem:$0x7FF] =	sst s3  }
0x4: {  	s25 =	simm.s32 $0x1A00;
	_ =	strace $0x80000059;
	[dreg:$0x6] =	wrdreg s23  }
0x5: {  	s8 =	simm.s32 $0x180;
	[dreg:$0x7] =	wrdreg s25  }
0x6: {  	s9 =	simm.s32 $0x3A00;
	[dreg:$0xa] =	wrdreg s8  }
0x7: {  	s10 =	simm.s32 $0x200;
	[dreg:$0xb] =	wrdreg s9  }
0x8: {  	s11 =	simm.s32 $0x4A00;
	[dreg:$0xc] =	wrdreg s10  }
0x9: {  	s12 =	simm.s32 $0x280;
	[dreg:$0xd] =	wrdreg s11  }
0xa: {  	s0 =	stileid.u32;
	s13 =	simm.s32 $0x5A00;
	[dreg:$0xe] =	wrdreg s12  }
0xb: {  	s14 =	simm.s32 $0x300;
	s15 =	simm.s32 $0x6A00;
	[dreg:$0xf] =	wrdreg s13  }
0xc: {  	s16 =	simm.s32 $0x380;
	s17 =	simm.s32 $0x7A00;
	[dreg:$0x10] =	wrdreg s14  }
0xd: {  	s18 =	simm.s32 $0x400;
	s22 =	sshll.u32 s0, $0x1;
	[dreg:$0x11] =	wrdreg s15  }
0xe: {  	s4 =	smul.u32 $0x5000, s0;
	s5 =	sor.u32 s24, s22;
	[dreg:$0x12] =	wrdreg s16  }
0xf: {  	s21 =	simm.s32 $0x8A00;
	s6 =	smul.u32 $0x140, s5;
	[dreg:$0x13] =	wrdreg s17  }
0x10: {  	s26 =	sshrl.u32 s4, $0x3;
	s5 =	smul.u32 $0xA000, s5;
	[dreg:$0x14] =	wrdreg s18  }
0x11: {  	[dreg:$0x15] =	wrdreg s21;
	s8 =	simm.s32 $0x480;
	s7 =	sadd.s32 s26, s1  }
0x12: {  	[dreg:$0x16] =	wrdreg s8;
	s6 =	sadd.s32 s6, s1;
	s7 =	sadd.s32 $0x8A00, s7  }
0x13: {  	s5 =	sadd.s32 s5, s1;
	[dreg:$0x3] =	wrdreg s7;
	s6 =	sadd.s32 $0x6200, s6  }
0x14: {  	s5 =	sadd.s32 $0x6BEC00, s5;
	[dreg:$0x4] =	wrdreg s6  }
0x15: {  	s7 =	simm.s32 $0x2A00;
	[dreg:$0x5] =	wrdreg s5  }
0x16: {  	s20 =	sshll.u32 s0, $0x6;
	s19 =	sadd.s32 s4, s2;
	[dreg:$0x9] =	wrdreg s7  }
0x17: {  	s4 =	sor.u32 $0x1C01, s20;
	s6 =	simm.s32 $0x100;
	s7 =	rddreg [dreg:$0x3]  }
0x18: {  	s5 =	simm.s32 $0x1;
	[dreg:$0x8] =	wrdreg s6;
	s6 =	sshrl.u32 s19, $0x3  }
0x19: {  	[spmem:s6], [sflag:s4] =	dma.local [hbm:s7], $0xA00  }
0x1a: {  	_ =	swait.ge [sflag:s5], $0xA00  }
0x1b: {  	[sflag:s5] =	ssyncset.done $0x0  }
0x1c: {  	s22 =	rddreg [dreg:$0x4];
	[sflag:s5] =	ssyncadd.s32 $0xFFFFF600  }
0x1d: {  	[tilespmem:s3], [sflag:$0x1] =	stream.linear.gather [hbm4b:s22+s3], $0xA00, $0x38;
	[tilespmem:$0x19A00] =	vst v63  }
0x1e: {  	_ =	swait.ge [sflag:s5], $0xA00  }
0x1f: {  	s8 =	simm.s32 $0xA00;
	s9 =	rddreg [dreg:$0x5];
	[sflag:s5] =	ssyncset.done $0x0  }
0x20: {  	s7 =	simm.s32 $0x80;
	s10 =	rddreg [dreg:$0x6];
	[sflag:s5] =	ssyncadd.s32 $0xFFFFF600  }
0x21: {  	[tilespmem:s8], [sflag:$0x1] =	stream.strided.gather [hbm4b:s9+s10], $0x14000, s7, s10, $0x38;
	[tilespmem:$0x19A00] =	vst v63  }
0x22: {  	_ =	swait.ge [sflag:s5], $0x14000  }
0x23: {  	[sflag:s5] =	ssyncset.done $0x0  }
0x24: {  	[sflag:s5] =	ssyncadd.s32 $0xFFFEC000  }
0x25: {  	[bflag:$0x0] =	sbarrier.arrive $0xFFFF  }
0x26: {  	[spmem:s2] =	stream.indirect.scatter.add.f32 [tilespmem:s8], [sflag:$0x1], $0x20, s3, s7, $0xb8;
	[tilespmem:$0x19A00] =	vst v63  }
0x27: {  	_ =	swait.ge [sflag:s5], $0x1000  }
0x28: {  	[sflag:s5] =	ssyncset.done $0x0  }
0x29: {  	s23 =	rddreg [dreg:$0x7];
	[sflag:s5] =	ssyncadd.s32 $0xFFFFF000  }
0x2a: {  	[spmem:s2] =	stream.indirect.scatter.add.f32 [tilespmem:s23], [sflag:$0x1], $0x20, s7, s7, $0xb8;
	[tilespmem:$0x19A00] =	vst v63  }
0x2b: {  	_ =	swait.ge [sflag:s5], $0x1000  }
0x2c: {  	s25 =	rddreg [dreg:$0x8];
	[sflag:s5] =	ssyncset.done $0x0  }
0x2d: {  	s0 =	rddreg [dreg:$0x9];
	[sflag:s5] =	ssyncadd.s32 $0xFFFFF000  }
0x2e: {  	[spmem:s2] =	stream.indirect.scatter.add.f32 [tilespmem:s0], [sflag:$0x1], $0x20, s25, s7, $0xb8;
	[tilespmem:$0x19A00] =	vst v63  }
0x2f: {  	_ =	swait.ge [sflag:s5], $0x1000  }
0x30: {  	s11 =	rddreg [dreg:$0xa];
	[sflag:s5] =	ssyncset.done $0x0  }
0x31: {  	s12 =	rddreg [dreg:$0xb];
	[sflag:s5] =	ssyncadd.s32 $0xFFFFF000  }
0x32: {  	[spmem:s2] =	stream.indirect.scatter.add.f32 [tilespmem:s12], [sflag:$0x1], $0x20, s11, s7, $0xb8;
	[tilespmem:$0x19A00] =	vst v63  }
0x33: {  	_ =	swait.ge [sflag:s5], $0x1000  }
0x34: {  	s13 =	rddreg [dreg:$0xc];
	[sflag:s5] =	ssyncset.done $0x0  }
0x35: {  	s14 =	rddreg [dreg:$0xd];
	[sflag:s5] =	ssyncadd.s32 $0xFFFFF000  }
0x36: {  	[spmem:s2] =	stream.indirect.scatter.add.f32 [tilespmem:s14], [sflag:$0x1], $0x20, s13, s7, $0xb8;
	[tilespmem:$0x19A00] =	vst v63  }
0x37: {  	_ =	swait.ge [sflag:s5], $0x1000  }
0x38: {  	s15 =	rddreg [dreg:$0xe];
	[sflag:s5] =	ssyncset.done $0x0  }
0x39: {  	s16 =	rddreg [dreg:$0xf];
	[sflag:s5] =	ssyncadd.s32 $0xFFFFF000  }
0x3a: {  	[spmem:s2] =	stream.indirect.scatter.add.f32 [tilespmem:s16], [sflag:$0x1], $0x20, s15, s7, $0xb8;
	[tilespmem:$0x19A00] =	vst v63  }
0x3b: {  	_ =	swait.ge [sflag:s5], $0x1000  }
0x3c: {  	s17 =	rddreg [dreg:$0x10];
	[sflag:s5] =	ssyncset.done $0x0  }
0x3d: {  	s18 =	rddreg [dreg:$0x11];
	[sflag:s5] =	ssyncadd.s32 $0xFFFFF000  }
0x3e: {  	[spmem:s2] =	stream.indirect.scatter.add.f32 [tilespmem:s18], [sflag:$0x1], $0x20, s17, s7, $0xb8;
	[tilespmem:$0x19A00] =	vst v63  }
0x3f: {  	_ =	swait.ge [sflag:s5], $0x1000  }
0x40: {  	s19 =	rddreg [dreg:$0x12];
	[sflag:s5] =	ssyncset.done $0x0  }
0x41: {  	s20 =	rddreg [dreg:$0x13];
	[sflag:s5] =	ssyncadd.s32 $0xFFFFF000  }
0x42: {  	[spmem:s2] =	stream.indirect.scatter.add.f32 [tilespmem:s20], [sflag:$0x1], $0x20, s19, s7, $0xb8;
	[tilespmem:$0x19A00] =	vst v63  }
0x43: {  	_ =	swait.ge [sflag:s5], $0x1000  }
0x44: {  	s21 =	rddreg [dreg:$0x14];
	[sflag:s5] =	ssyncset.done $0x0  }
0x45: {  	s22 =	rddreg [dreg:$0x15];
	[sflag:s5] =	ssyncadd.s32 $0xFFFFF000  }
0x46: {  	[spmem:s2] =	stream.indirect.scatter.add.f32 [tilespmem:s22], [sflag:$0x1], $0x20, s21, s7, $0xb8;
	[tilespmem:$0x19A00] =	vst v63  }
0x47: {  	_ =	swait.ge [sflag:s5], $0x1000  }
0x48: {  	[sflag:s5] =	ssyncset.done $0x0  }
0x49: {  	s25 =	simm.s32 $0x9A00;
	s23 =	rddreg [dreg:$0x16];
	[sflag:s5] =	ssyncadd.s32 $0xFFFFF000  }
0x4a: {  	[spmem:s2] =	stream.indirect.scatter.add.f32 [tilespmem:s25], [sflag:$0x1], $0x20, s23, s7, $0xb8;
	[tilespmem:$0x19A00] =	vst v63  }
0x4b: {  	_ =	swait.ge [sflag:s5], $0x1000  }
0x4c: {  	[sflag:s5] =	ssyncset.done $0x0  }
0x4d: {  	s10 =	simm.s32 $0x500;
	s11 =	simm.s32 $0xAA00;
	[sflag:s5] =	ssyncadd.s32 $0xFFFFF000  }
0x4e: {  	[spmem:s2] =	stream.indirect.scatter.add.f32 [tilespmem:s11], [sflag:$0x1], $0x20, s10, s7, $0xb8;
	[tilespmem:$0x19A00] =	vst v63  }
0x4f: {  	_ =	swait.ge [sflag:s5], $0x1000  }
0x50: {  	[sflag:s5] =	ssyncset.done $0x0  }
0x51: {  	s12 =	simm.s32 $0x580;
	s13 =	simm.s32 $0xBA00;
	[sflag:s5] =	ssyncadd.s32 $0xFFFFF000  }
0x52: {  	[spmem:s2] =	stream.indirect.scatter.add.f32 [tilespmem:s13], [sflag:$0x1], $0x20, s12, s7, $0xb8;
	[tilespmem:$0x19A00] =	vst v63  }
0x53: {  	_ =	swait.ge [sflag:s5], $0x1000  }
0x54: {  	[sflag:s5] =	ssyncset.done $0x0  }
0x55: {  	s14 =	simm.s32 $0x600;
	s15 =	simm.s32 $0xCA00;
	[sflag:s5] =	ssyncadd.s32 $0xFFFFF000  }
0x56: {  	[spmem:s2] =	stream.indirect.scatter.add.f32 [tilespmem:s15], [sflag:$0x1], $0x20, s14, s7, $0xb8;
	[tilespmem:$0x19A00] =	vst v63  }
0x57: {  	_ =	swait.ge [sflag:s5], $0x1000  }
0x58: {  	[sflag:s5] =	ssyncset.done $0x0  }
0x59: {  	s16 =	simm.s32 $0x680;
	s17 =	simm.s32 $0xDA00;
	[sflag:s5] =	ssyncadd.s32 $0xFFFFF000  }
0x5a: {  	[spmem:s2] =	stream.indirect.scatter.add.f32 [tilespmem:s17], [sflag:$0x1], $0x20, s16, s7, $0xb8;
	[tilespmem:$0x19A00] =	vst v63  }
0x5b: {  	_ =	swait.ge [sflag:s5], $0x1000  }
0x5c: {  	[sflag:s5] =	ssyncset.done $0x0  }
0x5d: {  	s18 =	simm.s32 $0x700;
	s19 =	simm.s32 $0xEA00;
	[sflag:s5] =	ssyncadd.s32 $0xFFFFF000  }
0x5e: {  	[spmem:s2] =	stream.indirect.scatter.add.f32 [tilespmem:s19], [sflag:$0x1], $0x20, s18, s7, $0xb8;
	[tilespmem:$0x19A00] =	vst v63  }
0x5f: {  	_ =	swait.ge [sflag:s5], $0x1000  }
0x60: {  	[sflag:s5] =	ssyncset.done $0x0  }
0x61: {  	s20 =	simm.s32 $0x780;
	s21 =	simm.s32 $0xFA00;
	[sflag:s5] =	ssyncadd.s32 $0xFFFFF000  }
0x62: {  	[spmem:s2] =	stream.indirect.scatter.add.f32 [tilespmem:s21], [sflag:$0x1], $0x20, s20, s7, $0xb8;
	[tilespmem:$0x19A00] =	vst v63  }
0x63: {  	_ =	swait.ge [sflag:s5], $0x1000  }
0x64: {  	s28 =	smul.u32 $0xA000, s24;
	[sflag:s5] =	ssyncset.done $0x0  }
0x65: {  	s22 =	simm.s32 $0x800;
	s23 =	simm.s32 $0x10A00;
	[sflag:s5] =	ssyncadd.s32 $0xFFFFF000  }
0x66: {  	[spmem:s2] =	stream.indirect.scatter.add.f32 [tilespmem:s23], [sflag:$0x1], $0x20, s22, s7, $0xb8;
	[tilespmem:$0x19A00] =	vst v63  }
0x67: {  	s29 =	ssub.s32 $0x2, s24;
	s24 =	simm.s32 $0x880;
	_ =	swait.ge [sflag:s5], $0x1000  }
0x68: {  	s1 =	sadd.s32 s28, s1;
	s28 =	sshrl.u32 s29, $0x1;
	[sflag:s5] =	ssyncset.done $0x0  }
0x69: {  	s30 =	ssub.s32 s29, s28;
	s25 =	simm.s32 $0x11A00;
	[sflag:s5] =	ssyncadd.s32 $0xFFFFF000  }
0x6a: {  	[spmem:s2] =	stream.indirect.scatter.add.f32 [tilespmem:s25], [sflag:$0x1], $0x20, s24, s7, $0xb8;
	[tilespmem:$0x19A00] =	vst v63  }
0x6b: {  	s9 =	smax.u32 s30, $0x1;
	_ =	swait.ge [sflag:s5], $0x1000  }
0x6c: {  	s28 =	simm.s32 $0x900;
	p0 =	sne.s32 s9, $0x1;
	[sflag:s5] =	ssyncset.done $0x0  }
.Ltmp0:
0x6d: {  	s29 =	simm.s32 $0x12A00;
	[sflag:s5] =	ssyncadd.s32 $0xFFFFF000;
	(pc) =	sbr.rel @!p0 .LBB2_2-.Ltmp0, $4  }
0x6e: {  	[spmem:s2] =	stream.indirect.scatter.add.f32 [tilespmem:s29], [sflag:$0x1], $0x20, s28, s7, $0xb8;
	[tilespmem:$0x19A00] =	vst v63  }
0x6f: {  	s1 =	sadd.s32 $0x42400, s1;
	_ =	swait.ge [sflag:s5], $0x1000  }
0x70: {  	s31 =	simm.s32 $0x980;
	s26 =	sadd.s32 s26, s1;
	[sflag:s5] =	ssyncset.done $0x0  }
0x71: {  	s1 =	simm.s32 $0x13A00;
	s30 =	sadd.s32 $0xFFFFFFFF, s9;
	[sflag:s5] =	ssyncadd.s32 $0xFFFFF000  }
.LBB2_1:
0x72: {  	[spmem:s2] =	stream.indirect.scatter.add.f32 [tilespmem:s1], [sflag:$0x1], $0x20, s31, s7, $0xb8;
	[tilespmem:$0x19A00] =	vst v63  }
0x73: {  	_ =	swait.ge [sflag:s5], $0x1000  }
0x74: {  	[sflag:s5] =	ssyncset.done $0x0  }
0x75: {  	[sflag:s5] =	ssyncadd.s32 $0xFFFFF000  }
0x76: {  	[bflag:$0x0] =	sbarrier.arrive $0xFFFF  }
0x77: {  	[hbm:s26], [sflag:s4] =	dma.local [spmem:s6], $0xA00  }
0x78: {  	_ =	swait.ge [sflag:s5], $0xA00  }
0x79: {  	[sflag:s5] =	ssyncset.done $0x0  }
0x7a: {  	s0 =	rddreg [dreg:$0x3];
	[sflag:s5] =	ssyncadd.s32 $0xFFFFF600  }
0x7b: {  	[spmem:s6], [sflag:s4] =	dma.local [hbm:s0], $0xA00  }
0x7c: {  	_ =	swait.ge [sflag:s5], $0xA00  }
0x7d: {  	[sflag:s5] =	ssyncset.done $0x0  }
0x7e: {  	s9 =	rddreg [dreg:$0x4];
	[sflag:s5] =	ssyncadd.s32 $0xFFFFF600  }
0x7f: {  	[tilespmem:s3], [sflag:$0x1] =	stream.linear.gather [hbm4b:s9+s3], $0xA00, $0x38;
	[tilespmem:$0x19A00] =	vst v63  }
0x80: {  	_ =	swait.ge [sflag:s5], $0xA00  }
0x81: {  	s0 =	rddreg [dreg:$0x5];
	[sflag:s5] =	ssyncset.done $0x0  }
0x82: {  	s9 =	rddreg [dreg:$0x6];
	[sflag:s5] =	ssyncadd.s32 $0xFFFFF600  }
0x83: {  	[tilespmem:s8], [sflag:$0x1] =	stream.strided.gather [hbm4b:s0+s9], $0x14000, s7, s9, $0x38;
	[tilespmem:$0x19A00] =	vst v63  }
0x84: {  	_ =	swait.ge [sflag:s5], $0x14000  }
0x85: {  	[sflag:s5] =	ssyncset.done $0x0  }
0x86: {  	[sflag:s5] =	ssyncadd.s32 $0xFFFEC000  }
0x87: {  	[bflag:$0x0] =	sbarrier.arrive $0xFFFF  }
0x88: {  	[spmem:s2] =	stream.indirect.scatter.add.f32 [tilespmem:s8], [sflag:$0x1], $0x20, s3, s7, $0xb8;
	[tilespmem:$0x19A00] =	vst v63  }
0x89: {  	_ =	swait.ge [sflag:s5], $0x1000  }
0x8a: {  	[sflag:s5] =	ssyncset.done $0x0  }
0x8b: {  	s9 =	rddreg [dreg:$0x7];
	[sflag:s5] =	ssyncadd.s32 $0xFFFFF000  }
0x8c: {  	[spmem:s2] =	stream.indirect.scatter.add.f32 [tilespmem:s9], [sflag:$0x1], $0x20, s7, s7, $0xb8;
	[tilespmem:$0x19A00] =	vst v63  }
0x8d: {  	_ =	swait.ge [sflag:s5], $0x1000  }
0x8e: {  	[sflag:s5] =	ssyncset.done $0x0;
	s0 =	rddreg [dreg:$0x8]  }
0x8f: {  	s9 =	rddreg [dreg:$0x9];
	[sflag:s5] =	ssyncadd.s32 $0xFFFFF000  }
0x90: {  	[spmem:s2] =	stream.indirect.scatter.add.f32 [tilespmem:s9], [sflag:$0x1], $0x20, s0, s7, $0xb8;
	[tilespmem:$0x19A00] =	vst v63  }
0x91: {  	_ =	swait.ge [sflag:s5], $0x1000  }
0x92: {  	[sflag:s5] =	ssyncset.done $0x0;
	s0 =	rddreg [dreg:$0xa]  }
0x93: {  	s9 =	rddreg [dreg:$0xb];
	[sflag:s5] =	ssyncadd.s32 $0xFFFFF000  }
0x94: {  	[spmem:s2] =	stream.indirect.scatter.add.f32 [tilespmem:s9], [sflag:$0x1], $0x20, s0, s7, $0xb8;
	[tilespmem:$0x19A00] =	vst v63  }
0x95: {  	_ =	swait.ge [sflag:s5], $0x1000  }
0x96: {  	[sflag:s5] =	ssyncset.done $0x0;
	s0 =	rddreg [dreg:$0xc]  }
0x97: {  	s9 =	rddreg [dreg:$0xd];
	[sflag:s5] =	ssyncadd.s32 $0xFFFFF000  }
0x98: {  	[spmem:s2] =	stream.indirect.scatter.add.f32 [tilespmem:s9], [sflag:$0x1], $0x20, s0, s7, $0xb8;
	[tilespmem:$0x19A00] =	vst v63  }
0x99: {  	_ =	swait.ge [sflag:s5], $0x1000  }
0x9a: {  	[sflag:s5] =	ssyncset.done $0x0;
	s0 =	rddreg [dreg:$0xe]  }
0x9b: {  	s9 =	rddreg [dreg:$0xf];
	[sflag:s5] =	ssyncadd.s32 $0xFFFFF000  }
0x9c: {  	[spmem:s2] =	stream.indirect.scatter.add.f32 [tilespmem:s9], [sflag:$0x1], $0x20, s0, s7, $0xb8;
	[tilespmem:$0x19A00] =	vst v63  }
0x9d: {  	_ =	swait.ge [sflag:s5], $0x1000  }
0x9e: {  	[sflag:s5] =	ssyncset.done $0x0;
	s0 =	rddreg [dreg:$0x10]  }
0x9f: {  	s9 =	rddreg [dreg:$0x11];
	[sflag:s5] =	ssyncadd.s32 $0xFFFFF000  }
0xa0: {  	[spmem:s2] =	stream.indirect.scatter.add.f32 [tilespmem:s9], [sflag:$0x1], $0x20, s0, s7, $0xb8;
	[tilespmem:$0x19A00] =	vst v63  }
0xa1: {  	_ =	swait.ge [sflag:s5], $0x1000  }
0xa2: {  	[sflag:s5] =	ssyncset.done $0x0;
	s0 =	rddreg [dreg:$0x12]  }
0xa3: {  	s9 =	rddreg [dreg:$0x13];
	[sflag:s5] =	ssyncadd.s32 $0xFFFFF000  }
0xa4: {  	[spmem:s2] =	stream.indirect.scatter.add.f32 [tilespmem:s9], [sflag:$0x1], $0x20, s0, s7, $0xb8;
	[tilespmem:$0x19A00] =	vst v63  }
0xa5: {  	_ =	swait.ge [sflag:s5], $0x1000  }
0xa6: {  	[sflag:s5] =	ssyncset.done $0x0;
	s0 =	rddreg [dreg:$0x14]  }
0xa7: {  	s9 =	rddreg [dreg:$0x15];
	[sflag:s5] =	ssyncadd.s32 $0xFFFFF000  }
0xa8: {  	[spmem:s2] =	stream.indirect.scatter.add.f32 [tilespmem:s9], [sflag:$0x1], $0x20, s0, s7, $0xb8;
	[tilespmem:$0x19A00] =	vst v63  }
0xa9: {  	_ =	swait.ge [sflag:s5], $0x1000  }
0xaa: {  	[sflag:s5] =	ssyncset.done $0x0  }
0xab: {  	s9 =	simm.s32 $0x9A00;
	s0 =	rddreg [dreg:$0x16];
	[sflag:s5] =	ssyncadd.s32 $0xFFFFF000  }
0xac: {  	[spmem:s2] =	stream.indirect.scatter.add.f32 [tilespmem:s9], [sflag:$0x1], $0x20, s0, s7, $0xb8;
	[tilespmem:$0x19A00] =	vst v63  }
0xad: {  	_ =	swait.ge [sflag:s5], $0x1000  }
0xae: {  	[sflag:s5] =	ssyncset.done $0x0  }
0xaf: {  	[sflag:s5] =	ssyncadd.s32 $0xFFFFF000  }
0xb0: {  	[spmem:s2] =	stream.indirect.scatter.add.f32 [tilespmem:s11], [sflag:$0x1], $0x20, s10, s7, $0xb8;
	[tilespmem:$0x19A00] =	vst v63  }
0xb1: {  	_ =	swait.ge [sflag:s5], $0x1000  }
0xb2: {  	[sflag:s5] =	ssyncset.done $0x0  }
0xb3: {  	[sflag:s5] =	ssyncadd.s32 $0xFFFFF000  }
0xb4: {  	[spmem:s2] =	stream.indirect.scatter.add.f32 [tilespmem:s13], [sflag:$0x1], $0x20, s12, s7, $0xb8;
	[tilespmem:$0x19A00] =	vst v63  }
0xb5: {  	_ =	swait.ge [sflag:s5], $0x1000  }
0xb6: {  	[sflag:s5] =	ssyncset.done $0x0  }
0xb7: {  	[sflag:s5] =	ssyncadd.s32 $0xFFFFF000  }
0xb8: {  	[spmem:s2] =	stream.indirect.scatter.add.f32 [tilespmem:s15], [sflag:$0x1], $0x20, s14, s7, $0xb8;
	[tilespmem:$0x19A00] =	vst v63  }
0xb9: {  	_ =	swait.ge [sflag:s5], $0x1000  }
0xba: {  	[sflag:s5] =	ssyncset.done $0x0  }
0xbb: {  	[sflag:s5] =	ssyncadd.s32 $0xFFFFF000  }
0xbc: {  	[spmem:s2] =	stream.indirect.scatter.add.f32 [tilespmem:s17], [sflag:$0x1], $0x20, s16, s7, $0xb8;
	[tilespmem:$0x19A00] =	vst v63  }
0xbd: {  	_ =	swait.ge [sflag:s5], $0x1000  }
0xbe: {  	[sflag:s5] =	ssyncset.done $0x0  }
0xbf: {  	[sflag:s5] =	ssyncadd.s32 $0xFFFFF000  }
0xc0: {  	[spmem:s2] =	stream.indirect.scatter.add.f32 [tilespmem:s19], [sflag:$0x1], $0x20, s18, s7, $0xb8;
	[tilespmem:$0x19A00] =	vst v63  }
0xc1: {  	_ =	swait.ge [sflag:s5], $0x1000  }
0xc2: {  	[sflag:s5] =	ssyncset.done $0x0  }
0xc3: {  	[sflag:s5] =	ssyncadd.s32 $0xFFFFF000  }
0xc4: {  	[spmem:s2] =	stream.indirect.scatter.add.f32 [tilespmem:s21], [sflag:$0x1], $0x20, s20, s7, $0xb8;
	[tilespmem:$0x19A00] =	vst v63  }
0xc5: {  	_ =	swait.ge [sflag:s5], $0x1000  }
0xc6: {  	[sflag:s5] =	ssyncset.done $0x0  }
0xc7: {  	[sflag:s5] =	ssyncadd.s32 $0xFFFFF000  }
0xc8: {  	[spmem:s2] =	stream.indirect.scatter.add.f32 [tilespmem:s23], [sflag:$0x1], $0x20, s22, s7, $0xb8;
	[tilespmem:$0x19A00] =	vst v63  }
0xc9: {  	_ =	swait.ge [sflag:s5], $0x1000  }
0xca: {  	[sflag:s5] =	ssyncset.done $0x0  }
0xcb: {  	[sflag:s5] =	ssyncadd.s32 $0xFFFFF000  }
0xcc: {  	[spmem:s2] =	stream.indirect.scatter.add.f32 [tilespmem:s25], [sflag:$0x1], $0x20, s24, s7, $0xb8;
	[tilespmem:$0x19A00] =	vst v63  }
0xcd: {  	_ =	swait.ge [sflag:s5], $0x1000  }
0xce: {  	p0 =	sne.s32 s30, $0x1;
	[sflag:s5] =	ssyncset.done $0x0  }
.Ltmp1:
0xcf: {  	[sflag:s5] =	ssyncadd.s32 $0xFFFFF000;
	(pc) =	sbr.rel @p0 .LBB2_1-.Ltmp1, $4  }
0xd0: {  	[spmem:s2] =	stream.indirect.scatter.add.f32 [tilespmem:s29], [sflag:$0x1], $0x20, s28, s7, $0xb8;
	[tilespmem:$0x19A00] =	vst v63  }
0xd1: {  	_ =	swait.ge [sflag:s5], $0x1000  }
0xd2: {  	[sflag:s5] =	ssyncset.done $0x0  }
0xd3: {  	s30 =	sadd.s32 $0xFFFFFFFF, s30;
	[sflag:s5] =	ssyncadd.s32 $0xFFFFF000  }
.LBB2_2:
0xd4: {  	[spmem:s2] =	stream.indirect.scatter.add.f32 [tilespmem:s1], [sflag:$0x1], $0x20, s31, s7, $0xb8;
	[tilespmem:$0x19A00] =	vst v63  }
0xd5: {  	_ =	swait.ge [sflag:s5], $0x1000  }
0xd6: {  	[sflag:s5] =	ssyncset.done $0x0  }
0xd7: {  	[sflag:s5] =	ssyncadd.s32 $0xFFFFF000  }
0xd8: {  	[bflag:$0x0] =	sbarrier.arrive $0xFFFF  }
0xd9: {  	[hbm:s26], [sflag:s4] =	dma.local [spmem:s6], $0xA00  }
0xda: {  	_ =	swait.ge [sflag:s5], $0xA00  }
0xdb: {  	[sflag:s5] =	ssyncset.done $0x0  }
0xdc: {  	[sflag:s5] =	ssyncadd.s32 $0xFFFFF600  }
0xdd: {  	_ =	sfence.sel $0x180000  }
0xde: {  	[bflag:$0x0] =	sbarrier.arrive $0xFFFF  }
0xdf: {  	_ =	strace $0x90000059  }
0xe0: {  	s0 =	stileid.u32;
	[bflag:$0x2] =	sbarrier.arrive $0xFFFF  }
0xe1: {  	p0 =	sne.s32 s0, $0x0;
	s0 =	rddreg [dreg:$0x2]  }
0xe2: {  	s0 =	sadd.s32 @!p0 $0x100000, s0  }
0xe3: {  	[sflag:s0] =	ssyncadd.tile.s32 @!p0 $0x1;
	_ =	shalt  }
.Lfunc_end2:
_tile_overlayer_lowered:
.L_overlay_start_2:
0xe4: {  	(tag) =	ssettag $0x2  }
0xe5: {  	s0 =	rddreg [dreg:$0x0];
	s2 =	stileid.u32  }
0xe6: {  	s1 =	rddreg [dreg:$0x1];
	p0 =	sne.s32 s2, $0x0  }
0xe7: {  	s3 =	rddreg [dreg:$0x2];
	[bflag:$0x3] =	sbarrier.arrive $0xFFFF;
	s2 =	simm.s32 @!p0 $0x1C01  }
0xe8: {  	[timem:s3], [sflag:s2] =	dma.local @!p0 [hbm:s0], s1  }
0xe9: {  	s0 =	simm.s32 @!p0 $0x1  }
0xea: {  	_ =	swait.ge @!p0 [sflag:s0], s1  }
0xeb: {  	s1 =	ssub.s32 @!p0 $0x0, s1;
	[sflag:s0] =	ssyncset.done @!p0 $0x0  }
0xec: {  	[sflag:s0] =	ssyncadd.s32 @!p0 s1  }
0xed: {  	[bflag:$0x3] =	sbarrier.arrive $0xFFFF  }
0xee: {  	_ =	shalt  }

</sc_bundles>
